<compile_context>
chip_gen: v7x
topology: tpu7x:2x2x1
jax: 0.10.2.dev20260603
libtpu: 0.0.44.dev20260713+nightly
codegen_flags: <defaults>
</compile_context>

<pallas_src>
import functools

import jax
import jax.numpy as jnp
from jax import lax
from jax.experimental import pallas as pl
from jax.experimental.pallas import tpu as pltpu
from jax.experimental.pallas import tpu_sc as plsc

NC = 2
NS = 16
LANES = 128
CH_ROWS = 32
RB = 2000


_LANE = None


def _shift_up(v, seg_iota, k):
    idx = jnp.maximum(seg_iota - k, 0)
    return lax.gather(
        v, idx[:, None],
        lax.GatherDimensionNumbers(
            offset_dims=(), collapsed_slice_dims=(0,), start_index_map=(0,)),
        slice_sizes=(1,),
        mode=lax.GatherScatterMode.PROMISE_IN_BOUNDS)


def _shift_down(v, seg_iota, k):
    idx = jnp.minimum(seg_iota + k, 15)
    return lax.gather(
        v, idx[:, None],
        lax.GatherDimensionNumbers(
            offset_dims=(), collapsed_slice_dims=(0,), start_index_map=(0,)),
        slice_sizes=(1,),
        mode=lax.GatherScatterMode.PROMISE_IN_BOUNDS)


def _sc_segment_sums(x2, g2, i2, d):
    rows = x2.shape[0]
    n_full = rows // CH_ROWS
    tail = rows - n_full * CH_ROWS
    nw = NC * NS
    outer = (n_full + nw - 1) // nw
    n_rb = d // RB

    mesh = plsc.VectorSubcoreMesh(
        core_axis_name="c", subcore_axis_name="s", num_cores=NC, num_subcores=NS
    )

    @functools.partial(
        pl.kernel,
        out_type=(
            jax.ShapeDtypeStruct((NC * d,), jnp.float32),
            jax.ShapeDtypeStruct((NC * d,), jnp.float32),
            jax.ShapeDtypeStruct((NC * d,), jnp.float32),
            jax.ShapeDtypeStruct((NC * NS * d,), jnp.float32),
        ),
        mesh=mesh,
        compiler_params=pltpu.CompilerParams(needs_layout_passes=False),
        scratch_types=[
            pltpu.VMEM((CH_ROWS, LANES), jnp.float32),
            pltpu.VMEM((CH_ROWS, LANES), jnp.float32),
            pltpu.VMEM((CH_ROWS, LANES), jnp.int32),
            pltpu.VMEM((CH_ROWS, LANES), jnp.float32),
            pltpu.VMEM((CH_ROWS, LANES), jnp.float32),
            pltpu.VMEM((RB,), jnp.float32),
            pltpu.VMEM((d,), jnp.float32),
            pltpu.VMEM_SHARED((d,), jnp.float32),
            pltpu.VMEM_SHARED((d,), jnp.float32),
            pltpu.VMEM_SHARED((d,), jnp.float32),
        ],
    )
    def k(x_hbm, g_hbm, i_hbm, f_out, w_out, g_out, m_out,
          x_b, g_b, i_b, e_b, p_b, tmp, m_loc, f_sh, w_sh, gs_sh):
        cid = lax.axis_index("c")
        sid = lax.axis_index("s")
        wid = sid * NC + cid
        lane = lax.iota(jnp.int32, 16)
        ninf = jnp.full((16,), -jnp.inf, jnp.float32)

        def mrow(i, _):
            m_loc[pl.ds(i * 16, 16)] = ninf
            return 0
        lax.fori_loop(0, d // 16, mrow, 0)

        @pl.when(sid == 0)
        def _init():
            def zrow(i, _):
                tmp[pl.ds(i * 16, 16)] = jnp.zeros((16,), jnp.float32)
                return 0
            lax.fori_loop(0, RB // 16, zrow, 0)

            def zchunk(c, _):
                pltpu.sync_copy(tmp, f_sh.at[pl.ds(c * RB, RB)])
                pltpu.sync_copy(tmp, w_sh.at[pl.ds(c * RB, RB)])
                pltpu.sync_copy(tmp, gs_sh.at[pl.ds(c * RB, RB)])
                return 0
            lax.fori_loop(0, n_rb, zchunk, 0)

        plsc.subcore_barrier()

        def rows_block(n_rows):
            def row(r, __):
                for kk in range(LANES // 16):
                    sl = pl.ds(kk * 16, 16)
                    xv = x_b[r, sl]
                    gv = g_b[r, sl]
                    e_b[r, sl] = jnp.exp(xv)
                    p_b[r, sl] = xv * gv
                    segv = i_b[r, sl]
                    mv = xv
                    for st in (1, 2, 4, 8):
                        mk = _shift_up(mv, lane, st)
                        sk = _shift_up(segv, lane, st)
                        ok = (lane >= st) & (segv == sk)
                        mv = jnp.where(ok, jnp.maximum(mv, mk), mv)
                    seg_next = _shift_down(segv, lane, 1)
                    is_last = (lane == 15) | (segv != seg_next)
                    cur = plsc.load_gather(m_loc, [segv])
                    plsc.store_scatter(m_loc, [segv], jnp.maximum(cur, mv),
                                       mask=is_last)
                pltpu.sync_copy(e_b.at[r], f_sh.at[i_b.at[r]], add=True)
                pltpu.sync_copy(p_b.at[r], w_sh.at[i_b.at[r]], add=True)
                pltpu.sync_copy(g_b.at[r], gs_sh.at[i_b.at[r]], add=True)
                return 0

            lax.fori_loop(0, n_rows, row, 0)

        def do_chunk(t, _):
            c = wid + t * nw

            @pl.when(c < n_full)
            def _():
                base = c * CH_ROWS
                pltpu.sync_copy(x_hbm.at[pl.ds(base, CH_ROWS)], x_b)
                pltpu.sync_copy(g_hbm.at[pl.ds(base, CH_ROWS)], g_b)
                pltpu.sync_copy(i_hbm.at[pl.ds(base, CH_ROWS)], i_b)
                rows_block(CH_ROWS)

            return 0

        lax.fori_loop(0, outer, do_chunk, 0)

        if tail:
            @pl.when(wid == nw - 1)
            def _tail():
                base = n_full * CH_ROWS
                pltpu.sync_copy(x_hbm.at[pl.ds(base, tail)], x_b.at[pl.ds(0, tail)])
                pltpu.sync_copy(g_hbm.at[pl.ds(base, tail)], g_b.at[pl.ds(0, tail)])
                pltpu.sync_copy(i_hbm.at[pl.ds(base, tail)], i_b.at[pl.ds(0, tail)])
                rows_block(tail)

        pltpu.sync_copy(m_loc, m_out.at[pl.ds(wid * d, d)])

        plsc.subcore_barrier()

        for rep in range((n_rb + NS - 1) // NS):
            c = sid + rep * NS

            @pl.when(c < n_rb)
            def _rb():
                off = c * RB
                pltpu.sync_copy(f_sh.at[pl.ds(off, RB)], tmp)
                pltpu.sync_copy(tmp, f_out.at[pl.ds(cid * d + off, RB)])
                pltpu.sync_copy(w_sh.at[pl.ds(off, RB)], tmp)
                pltpu.sync_copy(tmp, w_out.at[pl.ds(cid * d + off, RB)])
                pltpu.sync_copy(gs_sh.at[pl.ds(off, RB)], tmp)
                pltpu.sync_copy(tmp, g_out.at[pl.ds(cid * d + off, RB)])

    return k(x2, g2, i2)


def _tc_finish_body(f0, f1, w0, w1, g0, g1, m_in, sel, o_ref):
    nw = NC * NS
    fsum = f0[...] + f1[...]
    wsum = w0[...] + w1[...]
    gsum = g0[...] + g1[...]
    rows = f0.shape[0]
    m = m_in[...].reshape(nw, rows, LANES).max(axis=0)
    m = jnp.where(jnp.isneginf(m), 0.0, m)
    s = sel[...]
    loss = jnp.where(s > 0.0, jnp.log(fsum) - wsum + m * (gsum - 1.0), 0.0)
    o_ref[0, 0] = jnp.sum(loss) / jnp.sum(s)


def kernel(logit, gt_target, idcs, dim_size, mask):
    n = logit.shape[0]
    d = mask.shape[0]
    rows = n // LANES

    x2 = logit.reshape(rows, LANES)
    g2 = gt_target.reshape(rows, LANES)
    i2 = idcs.reshape(rows, LANES)

    f_flat, w_flat, g_flat, m_flat = _sc_segment_sums(x2, g2, i2, d)
    f_acc = f_flat.reshape(NC, d)
    w_acc = w_flat.reshape(NC, d)
    g_acc = g_flat.reshape(NC, d)
    m_all = m_flat.reshape(NC * NS, d)

    sel = (mask & (jnp.arange(d) < dim_size)).astype(jnp.float32)

    dp = ((d + LANES - 1) // LANES) * LANES
    pad = dp - d
    rows_d = dp // LANES

    def fold(a):
        return jnp.pad(a, (0, pad)).reshape(rows_d, LANES)

    f0, f1 = fold(f_acc[0]), fold(f_acc[1])
    w0, w1 = fold(w_acc[0]), fold(w_acc[1])
    g0, g1 = fold(g_acc[0]), fold(g_acc[1])
    m2 = jnp.pad(m_all, ((0, 0), (0, pad)),
                 constant_values=-jnp.inf).reshape(NC * NS * rows_d, LANES)
    selp = fold(sel)

    out = pl.pallas_call(
        _tc_finish_body,
        out_shape=jax.ShapeDtypeStruct((1, 1), jnp.float32),
        out_specs=pl.BlockSpec(memory_space=pltpu.SMEM),
    )(f0, f1, w0, w1, g0, g1, m2, selp)
    return out[0, 0]

# --- scband reference (transcript-rebuilt; emitter-appended) ---
"""Pipeline reference for scband-graph-cross-entropy-loss-54296976556434 (READ-ONLY COPY).

The authoritative reference and input builder live on the scoring server;
editing this copy changes nothing except your own understanding.
"""

import jax, jax.numpy as jnp
import numpy as np

N = 1600000
D = 50000

def setup_inputs(seed: int = 0) -> dict:
    key = jax.random.key(seed)
    k1, k2, k3 = jax.random.split(key, 3)
    logit = jax.random.normal(k1, (N,), dtype=jnp.float32)
    gt_target = jax.random.uniform(k2, (N,), dtype=jnp.float32)
    idcs = jnp.sort(jax.random.randint(k3, (N,), 0, D, dtype=jnp.int32))
    mask = jnp.ones((D,), dtype=bool)
    return {"logit": logit, "gt_target": gt_target, "idcs": idcs, "dim_size": D, "mask": mask}

def reference(logit, gt_target, idcs, dim_size, mask):
    num_segments = mask.shape[0]
    # scatter_max over segments (dim=0), dim_size segments
    maxl = jax.ops.segment_max(logit, idcs, num_segments=num_segments)
    # guard empty segments (torch_scatter leaves them at init value; avoid -inf propagation)
    maxl = jnp.where(jnp.isneginf(maxl), 0.0, maxl)
    maxl_g = maxl[idcs]
    logit = logit - maxl_g
    exp_logit = jnp.exp(logit)
    reduced_exp_logit = jax.ops.segment_sum(exp_logit, idcs, num_segments=num_segments)
    loss_logit = jax.ops.segment_sum(-logit * gt_target, idcs, num_segments=num_segments)
    loss = loss_logit + jnp.log(reduced_exp_logit)
    sel = mask & (jnp.arange(num_segments) < dim_size)
    return jnp.sum(jnp.where(sel, loss, 0.0)) / jnp.sum(sel)

if __name__ == "__main__":
    import jax
    _d = setup_inputs()
    print(jax.jit(kernel)(*tuple(_d.values())))

</pallas_src>

<mosaic_0001>
#map = affine_map<(d0, d1) -> (0, 0)>
#map1 = affine_map<(d0, d1) -> (0)>
module attributes {stable_mosaic.version = 14 : i64} {
  func.func @k(%arg0: i32, %arg1: i32, %arg2: memref<12500x128xf32, #tpu.memory_space<hbm>>, %arg3: memref<12500x128xf32, #tpu.memory_space<hbm>>, %arg4: memref<12500x128xi32, #tpu.memory_space<hbm>>, %arg5: memref<100000xf32, #tpu.memory_space<hbm>>, %arg6: memref<100000xf32, #tpu.memory_space<hbm>>, %arg7: memref<100000xf32, #tpu.memory_space<hbm>>, %arg8: memref<1600000xf32, #tpu.memory_space<hbm>>, %arg9: memref<32x128xf32, #tpu.memory_space<vmem>>, %arg10: memref<32x128xf32, #tpu.memory_space<vmem>>, %arg11: memref<32x128xi32, #tpu.memory_space<vmem>>, %arg12: memref<32x128xf32, #tpu.memory_space<vmem>>, %arg13: memref<32x128xf32, #tpu.memory_space<vmem>>, %arg14: memref<2000xf32, #tpu.memory_space<vmem>>, %arg15: memref<50000xf32, #tpu.memory_space<vmem>>, %arg16: memref<50000xf32, #tpu.memory_space<vmem_shared>>, %arg17: memref<50000xf32, #tpu.memory_space<vmem_shared>>, %arg18: memref<50000xf32, #tpu.memory_space<vmem_shared>>) attributes {dimension_semantics = [#tpu.dimension_semantics<core_parallel>, #tpu.dimension_semantics<subcore_parallel>], iteration_bounds = array<i64: 2, 16>, scalar_prefetch = 0 : i64, scratch_operands = 10 : i64, tpu.core_type = #tpu.core_type<sc_vector_subcore>, window_params = [{transform_indices = #map}, {transform_indices = #map}, {transform_indices = #map}, {transform_indices = #map1}, {transform_indices = #map1}, {transform_indices = #map1}, {transform_indices = #map1}]} {
    %mul3A = arith.constant 2 : i32
    %mul3A_0 = arith.muli %arg1, %mul3A : i32
    %add3A = arith.addi %mul3A_0, %arg0 : i32
    %iota3A = tpu.iota {dimensions = array<i32: 0>} : vector<16xi32>
    %broadcast_in_dim3A = arith.constant 0xFF800000 : f32
    %broadcast_in_dim3A_1 = vector.broadcast %broadcast_in_dim3A : f32 to vector<16xf32>
    %scan3A = arith.constant 0 : i32
    %scan3A_2 = arith.constant 0 : i32
    %scan3A_3 = arith.constant 3125 : i32
    %scan3A_4 = arith.addi %scan3A_2, %scan3A_3 : i32
    %scan3A_5 = arith.constant 1 : i32
    %scan3A_6 = scf.for %scan3A_38 = %scan3A_2 to %scan3A_4 step %scan3A_5 iter_args(%scan3A_39 = %scan3A) -> (i32)  : i32 {
      %mul3A_40 = arith.constant 16 : i32
      %mul3A_41 = arith.muli %scan3A_38, %mul3A_40 : i32
      %swap3A = arith.index_cast %mul3A_41 : i32 to index
      %swap3A_42 = tpu.vector_load %arg15[%swap3A] {strides = array<i32>} : memref<50000xf32, #tpu.memory_space<vmem>>, vector<16xf32>,
      tpu.vector_store %arg15[%swap3A], %broadcast_in_dim3A_1 {strides = array<i32>} : memref<50000xf32, #tpu.memory_space<vmem>>, vector<16xf32>,
      %scan3A_43 = arith.constant 0 : i32
      scf.yield %scan3A_43 : i32
    }
    %scan3A_7 = arith.constant 3125 : i32
    %eq3A = arith.constant 0 : i32
    %eq3A_8 = arith.cmpi eq, %arg1, %eq3A : i32
    %convert_element_type3A = arith.extui %eq3A_8 : i1 to i32
    %cond3A = arith.constant 0 : i32
    %cond3A_9 = arith.cmpi ne, %convert_element_type3A, %cond3A : i32
    scf.if %cond3A_9 {
      %scan3A_38 = arith.constant 0 : i32
      %scan3A_39 = arith.constant 0 : i32
      %scan3A_40 = arith.constant 125 : i32
      %scan3A_41 = arith.addi %scan3A_39, %scan3A_40 : i32
      %scan3A_42 = arith.constant 1 : i32
      %scan3A_43 = scf.for %scan3A_52 = %scan3A_39 to %scan3A_41 step %scan3A_42 iter_args(%scan3A_53 = %scan3A_38) -> (i32)  : i32 {
        %broadcast_in_dim3A_54 = arith.constant 0.000000e+00 : f32
        %broadcast_in_dim3A_55 = vector.broadcast %broadcast_in_dim3A_54 : f32 to vector<16xf32>
        %mul3A_56 = arith.constant 16 : i32
        %mul3A_57 = arith.muli %scan3A_52, %mul3A_56 : i32
        %swap3A = arith.index_cast %mul3A_57 : i32 to index
        %swap3A_58 = tpu.vector_load %arg14[%swap3A] {strides = array<i32>} : memref<2000xf32, #tpu.memory_space<vmem>>, vector<16xf32>,
        tpu.vector_store %arg14[%swap3A], %broadcast_in_dim3A_55 {strides = array<i32>} : memref<2000xf32, #tpu.memory_space<vmem>>, vector<16xf32>,
        %scan3A_59 = arith.constant 0 : i32
        scf.yield %scan3A_59 : i32
      }
      %scan3A_44 = arith.constant 125 : i32
      %scan3A_45 = arith.constant 0 : i32
      %scan3A_46 = arith.constant 0 : i32
      %scan3A_47 = arith.constant 25 : i32
      %scan3A_48 = arith.addi %scan3A_46, %scan3A_47 : i32
      %scan3A_49 = arith.constant 1 : i32
      %scan3A_50 = scf.for %scan3A_52 = %scan3A_46 to %scan3A_48 step %scan3A_49 iter_args(%scan3A_53 = %scan3A_45) -> (i32)  : i32 {
        %mul3A_54 = arith.constant 2000 : i32
        %mul3A_55 = arith.muli %scan3A_52, %mul3A_54 : i32
        "tpu.region"() ({
          %run_scoped3A = tpu.sem_alloc : memref<!tpu.dma_semaphore, #tpu.memory_space<semaphore_mem>>
          %dma_start3A = tpu.memref_slice %arg16[%mul3A_55] : memref<50000xf32, #tpu.memory_space<vmem_shared>> -> memref<2000xf32, #tpu.memory_space<vmem_shared>>
          %dma_start3A_61 = tpu.memref_slice %arg16[%mul3A_55] : memref<50000xf32, #tpu.memory_space<vmem_shared>> -> memref<2000xf32, #tpu.memory_space<vmem_shared>>
          tpu.enqueue_dma source(%arg14 : memref<2000xf32, #tpu.memory_space<vmem>>) target(%dma_start3A_61 : memref<2000xf32, #tpu.memory_space<vmem_shared>>) target_semaphore(%run_scoped3A : memref<!tpu.dma_semaphore, #tpu.memory_space<semaphore_mem>>)
          %dma_wait3A = tpu.memref_slice %arg16[%mul3A_55] : memref<50000xf32, #tpu.memory_space<vmem_shared>> -> memref<2000xf32, #tpu.memory_space<vmem_shared>>
          %dma_wait3A_62 = tpu.memref_slice %arg16[%mul3A_55] : memref<50000xf32, #tpu.memory_space<vmem_shared>> -> memref<2000xf32, #tpu.memory_space<vmem_shared>>
          tpu.wait_dma2 semaphore(%run_scoped3A : memref<!tpu.dma_semaphore, #tpu.memory_space<semaphore_mem>>) src(%arg14 : memref<2000xf32, #tpu.memory_space<vmem>>) dst(%dma_wait3A_62 : memref<2000xf32, #tpu.memory_space<vmem_shared>>)
          tpu.yield
        }) : () -> ()
        %mul3A_56 = arith.constant 2000 : i32
        %mul3A_57 = arith.muli %scan3A_52, %mul3A_56 : i32
        "tpu.region"() ({
          %run_scoped3A = tpu.sem_alloc : memref<!tpu.dma_semaphore, #tpu.memory_space<semaphore_mem>>
          %dma_start3A = tpu.memref_slice %arg17[%mul3A_57] : memref<50000xf32, #tpu.memory_space<vmem_shared>> -> memref<2000xf32, #tpu.memory_space<vmem_shared>>
          %dma_start3A_61 = tpu.memref_slice %arg17[%mul3A_57] : memref<50000xf32, #tpu.memory_space<vmem_shared>> -> memref<2000xf32, #tpu.memory_space<vmem_shared>>
          tpu.enqueue_dma source(%arg14 : memref<2000xf32, #tpu.memory_space<vmem>>) target(%dma_start3A_61 : memref<2000xf32, #tpu.memory_space<vmem_shared>>) target_semaphore(%run_scoped3A : memref<!tpu.dma_semaphore, #tpu.memory_space<semaphore_mem>>)
          %dma_wait3A = tpu.memref_slice %arg17[%mul3A_57] : memref<50000xf32, #tpu.memory_space<vmem_shared>> -> memref<2000xf32, #tpu.memory_space<vmem_shared>>
          %dma_wait3A_62 = tpu.memref_slice %arg17[%mul3A_57] : memref<50000xf32, #tpu.memory_space<vmem_shared>> -> memref<2000xf32, #tpu.memory_space<vmem_shared>>
          tpu.wait_dma2 semaphore(%run_scoped3A : memref<!tpu.dma_semaphore, #tpu.memory_space<semaphore_mem>>) src(%arg14 : memref<2000xf32, #tpu.memory_space<vmem>>) dst(%dma_wait3A_62 : memref<2000xf32, #tpu.memory_space<vmem_shared>>)
          tpu.yield
        }) : () -> ()
        %mul3A_58 = arith.constant 2000 : i32
        %mul3A_59 = arith.muli %scan3A_52, %mul3A_58 : i32
        "tpu.region"() ({
          %run_scoped3A = tpu.sem_alloc : memref<!tpu.dma_semaphore, #tpu.memory_space<semaphore_mem>>
          %dma_start3A = tpu.memref_slice %arg18[%mul3A_59] : memref<50000xf32, #tpu.memory_space<vmem_shared>> -> memref<2000xf32, #tpu.memory_space<vmem_shared>>
          %dma_start3A_61 = tpu.memref_slice %arg18[%mul3A_59] : memref<50000xf32, #tpu.memory_space<vmem_shared>> -> memref<2000xf32, #tpu.memory_space<vmem_shared>>
          tpu.enqueue_dma source(%arg14 : memref<2000xf32, #tpu.memory_space<vmem>>) target(%dma_start3A_61 : memref<2000xf32, #tpu.memory_space<vmem_shared>>) target_semaphore(%run_scoped3A : memref<!tpu.dma_semaphore, #tpu.memory_space<semaphore_mem>>)
          %dma_wait3A = tpu.memref_slice %arg18[%mul3A_59] : memref<50000xf32, #tpu.memory_space<vmem_shared>> -> memref<2000xf32, #tpu.memory_space<vmem_shared>>
          %dma_wait3A_62 = tpu.memref_slice %arg18[%mul3A_59] : memref<50000xf32, #tpu.memory_space<vmem_shared>> -> memref<2000xf32, #tpu.memory_space<vmem_shared>>
          tpu.wait_dma2 semaphore(%run_scoped3A : memref<!tpu.dma_semaphore, #tpu.memory_space<semaphore_mem>>) src(%arg14 : memref<2000xf32, #tpu.memory_space<vmem>>) dst(%dma_wait3A_62 : memref<2000xf32, #tpu.memory_space<vmem_shared>>)
          tpu.yield
        }) : () -> ()
        %scan3A_60 = arith.constant 0 : i32
        scf.yield %scan3A_60 : i32
      }
      %scan3A_51 = arith.constant 25 : i32
    } else {
    }
    %barrier3A = arith.constant 0 : index
    tpu.barrier barrier_id(%barrier3A)
    %scan3A_10 = arith.constant 0 : i32
    %scan3A_11 = arith.constant 0 : i32
    %scan3A_12 = arith.constant 13 : i32
    %scan3A_13 = arith.addi %scan3A_11, %scan3A_12 : i32
    %scan3A_14 = arith.constant 1 : i32
    %scan3A_15 = scf.for %scan3A_38 = %scan3A_11 to %scan3A_13 step %scan3A_14 iter_args(%scan3A_39 = %scan3A_10) -> (i32)  : i32 {
      %mul3A_40 = arith.constant 32 : i32
      %mul3A_41 = arith.muli %scan3A_38, %mul3A_40 : i32
      %add3A_42 = arith.addi %add3A, %mul3A_41 : i32
      %lt3A_43 = arith.constant 390 : i32
      %lt3A_44 = arith.cmpi slt, %add3A_42, %lt3A_43 : i32
      %convert_element_type3A_45 = arith.extui %lt3A_44 : i1 to i32
      %cond3A_46 = arith.constant 0 : i32
      %cond3A_47 = arith.cmpi ne, %convert_element_type3A_45, %cond3A_46 : i32
      scf.if %cond3A_47 {
        %mul3A_49 = arith.constant 32 : i32
        %mul3A_50 = arith.muli %add3A_42, %mul3A_49 : i32
        "tpu.region"() ({
          %run_scoped3A = tpu.sem_alloc : memref<!tpu.dma_semaphore, #tpu.memory_space<semaphore_mem>>
          %dma_start3A = arith.constant 0 : i32
          %dma_start3A_58 = tpu.memref_slice %arg2[%mul3A_50, %dma_start3A] : memref<12500x128xf32, #tpu.memory_space<hbm>> -> memref<32x128xf32, #tpu.memory_space<hbm>>
          %dma_start3A_59 = arith.constant 0 : i32
          %dma_start3A_60 = tpu.memref_slice %arg2[%mul3A_50, %dma_start3A_59] : memref<12500x128xf32, #tpu.memory_space<hbm>> -> memref<32x128xf32, #tpu.memory_space<hbm>>
          tpu.enqueue_dma source(%dma_start3A_60 : memref<32x128xf32, #tpu.memory_space<hbm>>) target(%arg9 : memref<32x128xf32, #tpu.memory_space<vmem>>) target_semaphore(%run_scoped3A : memref<!tpu.dma_semaphore, #tpu.memory_space<semaphore_mem>>)
          %dma_wait3A = arith.constant 0 : i32
          %dma_wait3A_61 = tpu.memref_slice %arg2[%mul3A_50, %dma_wait3A] : memref<12500x128xf32, #tpu.memory_space<hbm>> -> memref<32x128xf32, #tpu.memory_space<hbm>>
          %dma_wait3A_62 = arith.constant 0 : i32
          %dma_wait3A_63 = tpu.memref_slice %arg2[%mul3A_50, %dma_wait3A_62] : memref<12500x128xf32, #tpu.memory_space<hbm>> -> memref<32x128xf32, #tpu.memory_space<hbm>>
          tpu.wait_dma2 semaphore(%run_scoped3A : memref<!tpu.dma_semaphore, #tpu.memory_space<semaphore_mem>>) src(%dma_wait3A_63 : memref<32x128xf32, #tpu.memory_space<hbm>>) dst(%arg9 : memref<32x128xf32, #tpu.memory_space<vmem>>)
          tpu.yield
        }) : () -> ()
        "tpu.region"() ({
          %run_scoped3A = tpu.sem_alloc : memref<!tpu.dma_semaphore, #tpu.memory_space<semaphore_mem>>
          %dma_start3A = arith.constant 0 : i32
          %dma_start3A_58 = tpu.memref_slice %arg3[%mul3A_50, %dma_start3A] : memref<12500x128xf32, #tpu.memory_space<hbm>> -> memref<32x128xf32, #tpu.memory_space<hbm>>
          %dma_start3A_59 = arith.constant 0 : i32
          %dma_start3A_60 = tpu.memref_slice %arg3[%mul3A_50, %dma_start3A_59] : memref<12500x128xf32, #tpu.memory_space<hbm>> -> memref<32x128xf32, #tpu.memory_space<hbm>>
          tpu.enqueue_dma source(%dma_start3A_60 : memref<32x128xf32, #tpu.memory_space<hbm>>) target(%arg10 : memref<32x128xf32, #tpu.memory_space<vmem>>) target_semaphore(%run_scoped3A : memref<!tpu.dma_semaphore, #tpu.memory_space<semaphore_mem>>)
          %dma_wait3A = arith.constant 0 : i32
          %dma_wait3A_61 = tpu.memref_slice %arg3[%mul3A_50, %dma_wait3A] : memref<12500x128xf32, #tpu.memory_space<hbm>> -> memref<32x128xf32, #tpu.memory_space<hbm>>
          %dma_wait3A_62 = arith.constant 0 : i32
          %dma_wait3A_63 = tpu.memref_slice %arg3[%mul3A_50, %dma_wait3A_62] : memref<12500x128xf32, #tpu.memory_space<hbm>> -> memref<32x128xf32, #tpu.memory_space<hbm>>
          tpu.wait_dma2 semaphore(%run_scoped3A : memref<!tpu.dma_semaphore, #tpu.memory_space<semaphore_mem>>) src(%dma_wait3A_63 : memref<32x128xf32, #tpu.memory_space<hbm>>) dst(%arg10 : memref<32x128xf32, #tpu.memory_space<vmem>>)
          tpu.yield
        }) : () -> ()
        "tpu.region"() ({
          %run_scoped3A = tpu.sem_alloc : memref<!tpu.dma_semaphore, #tpu.memory_space<semaphore_mem>>
          %dma_start3A = arith.constant 0 : i32
          %dma_start3A_58 = tpu.memref_slice %arg4[%mul3A_50, %dma_start3A] : memref<12500x128xi32, #tpu.memory_space<hbm>> -> memref<32x128xi32, #tpu.memory_space<hbm>>
          %dma_start3A_59 = arith.constant 0 : i32
          %dma_start3A_60 = tpu.memref_slice %arg4[%mul3A_50, %dma_start3A_59] : memref<12500x128xi32, #tpu.memory_space<hbm>> -> memref<32x128xi32, #tpu.memory_space<hbm>>
          tpu.enqueue_dma source(%dma_start3A_60 : memref<32x128xi32, #tpu.memory_space<hbm>>) target(%arg11 : memref<32x128xi32, #tpu.memory_space<vmem>>) target_semaphore(%run_scoped3A : memref<!tpu.dma_semaphore, #tpu.memory_space<semaphore_mem>>)
          %dma_wait3A = arith.constant 0 : i32
          %dma_wait3A_61 = tpu.memref_slice %arg4[%mul3A_50, %dma_wait3A] : memref<12500x128xi32, #tpu.memory_space<hbm>> -> memref<32x128xi32, #tpu.memory_space<hbm>>
          %dma_wait3A_62 = arith.constant 0 : i32
          %dma_wait3A_63 = tpu.memref_slice %arg4[%mul3A_50, %dma_wait3A_62] : memref<12500x128xi32, #tpu.memory_space<hbm>> -> memref<32x128xi32, #tpu.memory_space<hbm>>
          tpu.wait_dma2 semaphore(%run_scoped3A : memref<!tpu.dma_semaphore, #tpu.memory_space<semaphore_mem>>) src(%dma_wait3A_63 : memref<32x128xi32, #tpu.memory_space<hbm>>) dst(%arg11 : memref<32x128xi32, #tpu.memory_space<vmem>>)
          tpu.yield
        }) : () -> ()
        %scan3A_51 = arith.constant 0 : i32
        %scan3A_52 = arith.constant 0 : i32
        %scan3A_53 = arith.constant 32 : i32
        %scan3A_54 = arith.addi %scan3A_52, %scan3A_53 : i32
        %scan3A_55 = arith.constant 1 : i32
        %scan3A_56 = scf.for %scan3A_58 = %scan3A_52 to %scan3A_54 step %scan3A_55 iter_args(%scan3A_59 = %scan3A_51) -> (i32)  : i32 {
          %get3A = arith.index_cast %scan3A_58 : i32 to index
          %get3A_60 = arith.constant 0 : index
          %get3A_61 = tpu.vector_load %arg9[%get3A, %get3A_60] {strides = array<i32>} : memref<32x128xf32, #tpu.memory_space<vmem>>, vector<16xf32>,
          %get3A_62 = arith.index_cast %scan3A_58 : i32 to index
          %get3A_63 = arith.constant 0 : index
          %get3A_64 = tpu.vector_load %arg10[%get3A_62, %get3A_63] {strides = array<i32>} : memref<32x128xf32, #tpu.memory_space<vmem>>, vector<16xf32>,
          %exp3A = math.exp %get3A_61 : vector<16xf32>
          %swap3A = arith.index_cast %scan3A_58 : i32 to index
          %swap3A_65 = arith.constant 0 : index
          %swap3A_66 = tpu.vector_load %arg12[%swap3A, %swap3A_65] {strides = array<i32>} : memref<32x128xf32, #tpu.memory_space<vmem>>, vector<16xf32>,
          tpu.vector_store %arg12[%swap3A, %swap3A_65], %exp3A {strides = array<i32>} : memref<32x128xf32, #tpu.memory_space<vmem>>, vector<16xf32>,
          %mul3A_67 = arith.mulf %get3A_61, %get3A_64 : vector<16xf32>
          %swap3A_68 = arith.index_cast %scan3A_58 : i32 to index
          %swap3A_69 = arith.constant 0 : index
          %swap3A_70 = tpu.vector_load %arg13[%swap3A_68, %swap3A_69] {strides = array<i32>} : memref<32x128xf32, #tpu.memory_space<vmem>>, vector<16xf32>,
          tpu.vector_store %arg13[%swap3A_68, %swap3A_69], %mul3A_67 {strides = array<i32>} : memref<32x128xf32, #tpu.memory_space<vmem>>, vector<16xf32>,
          %get3A_71 = arith.index_cast %scan3A_58 : i32 to index
          %get3A_72 = arith.constant 0 : index
          %get3A_73 = tpu.vector_load %arg11[%get3A_71, %get3A_72] {strides = array<i32>} : memref<32x128xi32, #tpu.memory_space<vmem>>, vector<16xi32>,
          %sub3A = arith.constant 1 : i32
          %sub3A_74 = vector.broadcast %sub3A : i32 to vector<16xi32>
          %sub3A_75 = arith.subi %iota3A, %sub3A_74 : vector<16xi32>
          %max3A = arith.constant 0 : i32
          %max3A_76 = vector.broadcast %max3A : i32 to vector<16xi32>
          %max3A_77 = arith.maxsi %sub3A_75, %max3A_76 : vector<16xi32>
          %broadcast_in_dim3A_78 = vector.shape_cast %max3A_77 : vector<16xi32> to vector<16x1xi32>
          %gather3A = vector.shape_cast %broadcast_in_dim3A_78 : vector<16x1xi32> to vector<16xi32>
          %gather3A_79 = tpu.dynamic_gather %get3A_61[%gather3A] in [0] : vector<16xf32>, vector<16xi32> -> vector<16xf32>
          %sub3A_80 = arith.constant 1 : i32
          %sub3A_81 = vector.broadcast %sub3A_80 : i32 to vector<16xi32>
          %sub3A_82 = arith.subi %iota3A, %sub3A_81 : vector<16xi32>
          %max3A_83 = arith.constant 0 : i32
          %max3A_84 = vector.broadcast %max3A_83 : i32 to vector<16xi32>
          %max3A_85 = arith.maxsi %sub3A_82, %max3A_84 : vector<16xi32>
          %broadcast_in_dim3A_86 = vector.shape_cast %max3A_85 : vector<16xi32> to vector<16x1xi32>
          %gather3A_87 = vector.shape_cast %broadcast_in_dim3A_86 : vector<16x1xi32> to vector<16xi32>
          %gather3A_88 = tpu.dynamic_gather %get3A_73[%gather3A_87] in [0] : vector<16xi32>, vector<16xi32> -> vector<16xi32>
          %ge3A = arith.constant 1 : i32
          %ge3A_89 = vector.broadcast %ge3A : i32 to vector<16xi32>
          %ge3A_90 = arith.cmpi sge, %iota3A, %ge3A_89 : vector<16xi32>
          %eq3A_91 = arith.cmpi eq, %get3A_73, %gather3A_88 : vector<16xi32>
          %and3A = arith.andi %ge3A_90, %eq3A_91 : vector<16xi1>
          %max3A_92 = arith.maximumf %get3A_61, %gather3A_79 : vector<16xf32>
          %select_n3A = arith.select %and3A, %max3A_92, %get3A_61 : vector<16xi1>, vector<16xf32>
          %sub3A_93 = arith.constant 2 : i32
          %sub3A_94 = vector.broadcast %sub3A_93 : i32 to vector<16xi32>
          %sub3A_95 = arith.subi %iota3A, %sub3A_94 : vector<16xi32>
          %max3A_96 = arith.constant 0 : i32
          %max3A_97 = vector.broadcast %max3A_96 : i32 to vector<16xi32>
          %max3A_98 = arith.maxsi %sub3A_95, %max3A_97 : vector<16xi32>
          %broadcast_in_dim3A_99 = vector.shape_cast %max3A_98 : vector<16xi32> to vector<16x1xi32>
          %gather3A_100 = vector.shape_cast %broadcast_in_dim3A_99 : vector<16x1xi32> to vector<16xi32>
          %gather3A_101 = tpu.dynamic_gather %select_n3A[%gather3A_100] in [0] : vector<16xf32>, vector<16xi32> -> vector<16xf32>
          %sub3A_102 = arith.constant 2 : i32
          %sub3A_103 = vector.broadcast %sub3A_102 : i32 to vector<16xi32>
          %sub3A_104 = arith.subi %iota3A, %sub3A_103 : vector<16xi32>
          %max3A_105 = arith.constant 0 : i32
          %max3A_106 = vector.broadcast %max3A_105 : i32 to vector<16xi32>
          %max3A_107 = arith.maxsi %sub3A_104, %max3A_106 : vector<16xi32>
          %broadcast_in_dim3A_108 = vector.shape_cast %max3A_107 : vector<16xi32> to vector<16x1xi32>
          %gather3A_109 = vector.shape_cast %broadcast_in_dim3A_108 : vector<16x1xi32> to vector<16xi32>
          %gather3A_110 = tpu.dynamic_gather %get3A_73[%gather3A_109] in [0] : vector<16xi32>, vector<16xi32> -> vector<16xi32>
          %ge3A_111 = arith.constant 2 : i32
          %ge3A_112 = vector.broadcast %ge3A_111 : i32 to vector<16xi32>
          %ge3A_113 = arith.cmpi sge, %iota3A, %ge3A_112 : vector<16xi32>
          %eq3A_114 = arith.cmpi eq, %get3A_73, %gather3A_110 : vector<16xi32>
          %and3A_115 = arith.andi %ge3A_113, %eq3A_114 : vector<16xi1>
          %max3A_116 = arith.maximumf %select_n3A, %gather3A_101 : vector<16xf32>
          %select_n3A_117 = arith.select %and3A_115, %max3A_116, %select_n3A : vector<16xi1>, vector<16xf32>
          %sub3A_118 = arith.constant 4 : i32
          %sub3A_119 = vector.broadcast %sub3A_118 : i32 to vector<16xi32>
          %sub3A_120 = arith.subi %iota3A, %sub3A_119 : vector<16xi32>
          %max3A_121 = arith.constant 0 : i32
          %max3A_122 = vector.broadcast %max3A_121 : i32 to vector<16xi32>
          %max3A_123 = arith.maxsi %sub3A_120, %max3A_122 : vector<16xi32>
          %broadcast_in_dim3A_124 = vector.shape_cast %max3A_123 : vector<16xi32> to vector<16x1xi32>
          %gather3A_125 = vector.shape_cast %broadcast_in_dim3A_124 : vector<16x1xi32> to vector<16xi32>
          %gather3A_126 = tpu.dynamic_gather %select_n3A_117[%gather3A_125] in [0] : vector<16xf32>, vector<16xi32> -> vector<16xf32>
          %sub3A_127 = arith.constant 4 : i32
          %sub3A_128 = vector.broadcast %sub3A_127 : i32 to vector<16xi32>
          %sub3A_129 = arith.subi %iota3A, %sub3A_128 : vector<16xi32>
          %max3A_130 = arith.constant 0 : i32
          %max3A_131 = vector.broadcast %max3A_130 : i32 to vector<16xi32>
          %max3A_132 = arith.maxsi %sub3A_129, %max3A_131 : vector<16xi32>
          %broadcast_in_dim3A_133 = vector.shape_cast %max3A_132 : vector<16xi32> to vector<16x1xi32>
          %gather3A_134 = vector.shape_cast %broadcast_in_dim3A_133 : vector<16x1xi32> to vector<16xi32>
          %gather3A_135 = tpu.dynamic_gather %get3A_73[%gather3A_134] in [0] : vector<16xi32>, vector<16xi32> -> vector<16xi32>
          %ge3A_136 = arith.constant 4 : i32
          %ge3A_137 = vector.broadcast %ge3A_136 : i32 to vector<16xi32>
          %ge3A_138 = arith.cmpi sge, %iota3A, %ge3A_137 : vector<16xi32>
          %eq3A_139 = arith.cmpi eq, %get3A_73, %gather3A_135 : vector<16xi32>
          %and3A_140 = arith.andi %ge3A_138, %eq3A_139 : vector<16xi1>
          %max3A_141 = arith.maximumf %select_n3A_117, %gather3A_126 : vector<16xf32>
          %select_n3A_142 = arith.select %and3A_140, %max3A_141, %select_n3A_117 : vector<16xi1>, vector<16xf32>
          %sub3A_143 = arith.constant 8 : i32
          %sub3A_144 = vector.broadcast %sub3A_143 : i32 to vector<16xi32>
          %sub3A_145 = arith.subi %iota3A, %sub3A_144 : vector<16xi32>
          %max3A_146 = arith.constant 0 : i32
          %max3A_147 = vector.broadcast %max3A_146 : i32 to vector<16xi32>
          %max3A_148 = arith.maxsi %sub3A_145, %max3A_147 : vector<16xi32>
          %broadcast_in_dim3A_149 = vector.shape_cast %max3A_148 : vector<16xi32> to vector<16x1xi32>
          %gather3A_150 = vector.shape_cast %broadcast_in_dim3A_149 : vector<16x1xi32> to vector<16xi32>
          %gather3A_151 = tpu.dynamic_gather %select_n3A_142[%gather3A_150] in [0] : vector<16xf32>, vector<16xi32> -> vector<16xf32>
          %sub3A_152 = arith.constant 8 : i32
          %sub3A_153 = vector.broadcast %sub3A_152 : i32 to vector<16xi32>
          %sub3A_154 = arith.subi %iota3A, %sub3A_153 : vector<16xi32>
          %max3A_155 = arith.constant 0 : i32
          %max3A_156 = vector.broadcast %max3A_155 : i32 to vector<16xi32>
          %max3A_157 = arith.maxsi %sub3A_154, %max3A_156 : vector<16xi32>
          %broadcast_in_dim3A_158 = vector.shape_cast %max3A_157 : vector<16xi32> to vector<16x1xi32>
          %gather3A_159 = vector.shape_cast %broadcast_in_dim3A_158 : vector<16x1xi32> to vector<16xi32>
          %gather3A_160 = tpu.dynamic_gather %get3A_73[%gather3A_159] in [0] : vector<16xi32>, vector<16xi32> -> vector<16xi32>
          %ge3A_161 = arith.constant 8 : i32
          %ge3A_162 = vector.broadcast %ge3A_161 : i32 to vector<16xi32>
          %ge3A_163 = arith.cmpi sge, %iota3A, %ge3A_162 : vector<16xi32>
          %eq3A_164 = arith.cmpi eq, %get3A_73, %gather3A_160 : vector<16xi32>
          %and3A_165 = arith.andi %ge3A_163, %eq3A_164 : vector<16xi1>
          %max3A_166 = arith.maximumf %select_n3A_142, %gather3A_151 : vector<16xf32>
          %select_n3A_167 = arith.select %and3A_165, %max3A_166, %select_n3A_142 : vector<16xi1>, vector<16xf32>
          %add3A_168 = arith.constant 1 : i32
          %add3A_169 = vector.broadcast %add3A_168 : i32 to vector<16xi32>
          %add3A_170 = arith.addi %iota3A, %add3A_169 : vector<16xi32>
          %min3A = arith.constant 15 : i32
          %min3A_171 = vector.broadcast %min3A : i32 to vector<16xi32>
          %min3A_172 = arith.minsi %add3A_170, %min3A_171 : vector<16xi32>
          %broadcast_in_dim3A_173 = vector.shape_cast %min3A_172 : vector<16xi32> to vector<16x1xi32>
          %gather3A_174 = vector.shape_cast %broadcast_in_dim3A_173 : vector<16x1xi32> to vector<16xi32>
          %gather3A_175 = tpu.dynamic_gather %get3A_73[%gather3A_174] in [0] : vector<16xi32>, vector<16xi32> -> vector<16xi32>
          %eq3A_176 = arith.constant 15 : i32
          %eq3A_177 = vector.broadcast %eq3A_176 : i32 to vector<16xi32>
          %eq3A_178 = arith.cmpi eq, %iota3A, %eq3A_177 : vector<16xi32>
          %ne3A = arith.cmpi ne, %get3A_73, %gather3A_175 : vector<16xi32>
          %or3A = arith.ori %eq3A_178, %ne3A : vector<16xi1>
          %gather3A_179 = tpu.vector_load_idx %arg15[%get3A_73] : memref<50000xf32, #tpu.memory_space<vmem>>[vector<16xi32>], vector<16xf32>,
          %max3A_180 = arith.maximumf %gather3A_179, %select_n3A_167 : vector<16xf32>
          tpu.vector_store_idx %arg15[%get3A_73], %max3A_180 masked %or3A : memref<50000xf32, #tpu.memory_space<vmem>>[vector<16xi32>], vector<16xf32>, vector<16xi1>
          %get3A_181 = arith.index_cast %scan3A_58 : i32 to index
          %get3A_182 = arith.constant 16 : index
          %get3A_183 = tpu.vector_load %arg9[%get3A_181, %get3A_182] {strides = array<i32>} : memref<32x128xf32, #tpu.memory_space<vmem>>, vector<16xf32>,
          %get3A_184 = arith.index_cast %scan3A_58 : i32 to index
          %get3A_185 = arith.constant 16 : index
          %get3A_186 = tpu.vector_load %arg10[%get3A_184, %get3A_185] {strides = array<i32>} : memref<32x128xf32, #tpu.memory_space<vmem>>, vector<16xf32>,
          %exp3A_187 = math.exp %get3A_183 : vector<16xf32>
          %swap3A_188 = arith.index_cast %scan3A_58 : i32 to index
          %swap3A_189 = arith.constant 16 : index
          %swap3A_190 = tpu.vector_load %arg12[%swap3A_188, %swap3A_189] {strides = array<i32>} : memref<32x128xf32, #tpu.memory_space<vmem>>, vector<16xf32>,
          tpu.vector_store %arg12[%swap3A_188, %swap3A_189], %exp3A_187 {strides = array<i32>} : memref<32x128xf32, #tpu.memory_space<vmem>>, vector<16xf32>,
          %mul3A_191 = arith.mulf %get3A_183, %get3A_186 : vector<16xf32>
          %swap3A_192 = arith.index_cast %scan3A_58 : i32 to index
          %swap3A_193 = arith.constant 16 : index
          %swap3A_194 = tpu.vector_load %arg13[%swap3A_192, %swap3A_193] {strides = array<i32>} : memref<32x128xf32, #tpu.memory_space<vmem>>, vector<16xf32>,
          tpu.vector_store %arg13[%swap3A_192, %swap3A_193], %mul3A_191 {strides = array<i32>} : memref<32x128xf32, #tpu.memory_space<vmem>>, vector<16xf32>,
          %get3A_195 = arith.index_cast %scan3A_58 : i32 to index
          %get3A_196 = arith.constant 16 : index
          %get3A_197 = tpu.vector_load %arg11[%get3A_195, %get3A_196] {strides = array<i32>} : memref<32x128xi32, #tpu.memory_space<vmem>>, vector<16xi32>,
          %sub3A_198 = arith.constant 1 : i32
          %sub3A_199 = vector.broadcast %sub3A_198 : i32 to vector<16xi32>
          %sub3A_200 = arith.subi %iota3A, %sub3A_199 : vector<16xi32>
          %max3A_201 = arith.constant 0 : i32
          %max3A_202 = vector.broadcast %max3A_201 : i32 to vector<16xi32>
          %max3A_203 = arith.maxsi %sub3A_200, %max3A_202 : vector<16xi32>
          %broadcast_in_dim3A_204 = vector.shape_cast %max3A_203 : vector<16xi32> to vector<16x1xi32>
          %gather3A_205 = vector.shape_cast %broadcast_in_dim3A_204 : vector<16x1xi32> to vector<16xi32>
          %gather3A_206 = tpu.dynamic_gather %get3A_183[%gather3A_205] in [0] : vector<16xf32>, vector<16xi32> -> vector<16xf32>
          %sub3A_207 = arith.constant 1 : i32
          %sub3A_208 = vector.broadcast %sub3A_207 : i32 to vector<16xi32>
          %sub3A_209 = arith.subi %iota3A, %sub3A_208 : vector<16xi32>
          %max3A_210 = arith.constant 0 : i32
          %max3A_211 = vector.broadcast %max3A_210 : i32 to vector<16xi32>
          %max3A_212 = arith.maxsi %sub3A_209, %max3A_211 : vector<16xi32>
          %broadcast_in_dim3A_213 = vector.shape_cast %max3A_212 : vector<16xi32> to vector<16x1xi32>
          %gather3A_214 = vector.shape_cast %broadcast_in_dim3A_213 : vector<16x1xi32> to vector<16xi32>
          %gather3A_215 = tpu.dynamic_gather %get3A_197[%gather3A_214] in [0] : vector<16xi32>, vector<16xi32> -> vector<16xi32>
          %ge3A_216 = arith.constant 1 : i32
          %ge3A_217 = vector.broadcast %ge3A_216 : i32 to vector<16xi32>
          %ge3A_218 = arith.cmpi sge, %iota3A, %ge3A_217 : vector<16xi32>
          %eq3A_219 = arith.cmpi eq, %get3A_197, %gather3A_215 : vector<16xi32>
          %and3A_220 = arith.andi %ge3A_218, %eq3A_219 : vector<16xi1>
          %max3A_221 = arith.maximumf %get3A_183, %gather3A_206 : vector<16xf32>
          %select_n3A_222 = arith.select %and3A_220, %max3A_221, %get3A_183 : vector<16xi1>, vector<16xf32>
          %sub3A_223 = arith.constant 2 : i32
          %sub3A_224 = vector.broadcast %sub3A_223 : i32 to vector<16xi32>
          %sub3A_225 = arith.subi %iota3A, %sub3A_224 : vector<16xi32>
          %max3A_226 = arith.constant 0 : i32
          %max3A_227 = vector.broadcast %max3A_226 : i32 to vector<16xi32>
          %max3A_228 = arith.maxsi %sub3A_225, %max3A_227 : vector<16xi32>
          %broadcast_in_dim3A_229 = vector.shape_cast %max3A_228 : vector<16xi32> to vector<16x1xi32>
          %gather3A_230 = vector.shape_cast %broadcast_in_dim3A_229 : vector<16x1xi32> to vector<16xi32>
          %gather3A_231 = tpu.dynamic_gather %select_n3A_222[%gather3A_230] in [0] : vector<16xf32>, vector<16xi32> -> vector<16xf32>
          %sub3A_232 = arith.constant 2 : i32
          %sub3A_233 = vector.broadcast %sub3A_232 : i32 to vector<16xi32>
          %sub3A_234 = arith.subi %iota3A, %sub3A_233 : vector<16xi32>
          %max3A_235 = arith.constant 0 : i32
          %max3A_236 = vector.broadcast %max3A_235 : i32 to vector<16xi32>
          %max3A_237 = arith.maxsi %sub3A_234, %max3A_236 : vector<16xi32>
          %broadcast_in_dim3A_238 = vector.shape_cast %max3A_237 : vector<16xi32> to vector<16x1xi32>
          %gather3A_239 = vector.shape_cast %broadcast_in_dim3A_238 : vector<16x1xi32> to vector<16xi32>
          %gather3A_240 = tpu.dynamic_gather %get3A_197[%gather3A_239] in [0] : vector<16xi32>, vector<16xi32> -> vector<16xi32>
          %ge3A_241 = arith.constant 2 : i32
          %ge3A_242 = vector.broadcast %ge3A_241 : i32 to vector<16xi32>
          %ge3A_243 = arith.cmpi sge, %iota3A, %ge3A_242 : vector<16xi32>
          %eq3A_244 = arith.cmpi eq, %get3A_197, %gather3A_240 : vector<16xi32>
          %and3A_245 = arith.andi %ge3A_243, %eq3A_244 : vector<16xi1>
          %max3A_246 = arith.maximumf %select_n3A_222, %gather3A_231 : vector<16xf32>
          %select_n3A_247 = arith.select %and3A_245, %max3A_246, %select_n3A_222 : vector<16xi1>, vector<16xf32>
          %sub3A_248 = arith.constant 4 : i32
          %sub3A_249 = vector.broadcast %sub3A_248 : i32 to vector<16xi32>
          %sub3A_250 = arith.subi %iota3A, %sub3A_249 : vector<16xi32>
          %max3A_251 = arith.constant 0 : i32
          %max3A_252 = vector.broadcast %max3A_251 : i32 to vector<16xi32>
          %max3A_253 = arith.maxsi %sub3A_250, %max3A_252 : vector<16xi32>
          %broadcast_in_dim3A_254 = vector.shape_cast %max3A_253 : vector<16xi32> to vector<16x1xi32>
          %gather3A_255 = vector.shape_cast %broadcast_in_dim3A_254 : vector<16x1xi32> to vector<16xi32>
          %gather3A_256 = tpu.dynamic_gather %select_n3A_247[%gather3A_255] in [0] : vector<16xf32>, vector<16xi32> -> vector<16xf32>
          %sub3A_257 = arith.constant 4 : i32
          %sub3A_258 = vector.broadcast %sub3A_257 : i32 to vector<16xi32>
          %sub3A_259 = arith.subi %iota3A, %sub3A_258 : vector<16xi32>
          %max3A_260 = arith.constant 0 : i32
          %max3A_261 = vector.broadcast %max3A_260 : i32 to vector<16xi32>
          %max3A_262 = arith.maxsi %sub3A_259, %max3A_261 : vector<16xi32>
          %broadcast_in_dim3A_263 = vector.shape_cast %max3A_262 : vector<16xi32> to vector<16x1xi32>
          %gather3A_264 = vector.shape_cast %broadcast_in_dim3A_263 : vector<16x1xi32> to vector<16xi32>
          %gather3A_265 = tpu.dynamic_gather %get3A_197[%gather3A_264] in [0] : vector<16xi32>, vector<16xi32> -> vector<16xi32>
          %ge3A_266 = arith.constant 4 : i32
          %ge3A_267 = vector.broadcast %ge3A_266 : i32 to vector<16xi32>
          %ge3A_268 = arith.cmpi sge, %iota3A, %ge3A_267 : vector<16xi32>
          %eq3A_269 = arith.cmpi eq, %get3A_197, %gather3A_265 : vector<16xi32>
          %and3A_270 = arith.andi %ge3A_268, %eq3A_269 : vector<16xi1>
          %max3A_271 = arith.maximumf %select_n3A_247, %gather3A_256 : vector<16xf32>
          %select_n3A_272 = arith.select %and3A_270, %max3A_271, %select_n3A_247 : vector<16xi1>, vector<16xf32>
          %sub3A_273 = arith.constant 8 : i32
          %sub3A_274 = vector.broadcast %sub3A_273 : i32 to vector<16xi32>
          %sub3A_275 = arith.subi %iota3A, %sub3A_274 : vector<16xi32>
          %max3A_276 = arith.constant 0 : i32
          %max3A_277 = vector.broadcast %max3A_276 : i32 to vector<16xi32>
          %max3A_278 = arith.maxsi %sub3A_275, %max3A_277 : vector<16xi32>
          %broadcast_in_dim3A_279 = vector.shape_cast %max3A_278 : vector<16xi32> to vector<16x1xi32>
          %gather3A_280 = vector.shape_cast %broadcast_in_dim3A_279 : vector<16x1xi32> to vector<16xi32>
          %gather3A_281 = tpu.dynamic_gather %select_n3A_272[%gather3A_280] in [0] : vector<16xf32>, vector<16xi32> -> vector<16xf32>
          %sub3A_282 = arith.constant 8 : i32
          %sub3A_283 = vector.broadcast %sub3A_282 : i32 to vector<16xi32>
          %sub3A_284 = arith.subi %iota3A, %sub3A_283 : vector<16xi32>
          %max3A_285 = arith.constant 0 : i32
          %max3A_286 = vector.broadcast %max3A_285 : i32 to vector<16xi32>
          %max3A_287 = arith.maxsi %sub3A_284, %max3A_286 : vector<16xi32>
          %broadcast_in_dim3A_288 = vector.shape_cast %max3A_287 : vector<16xi32> to vector<16x1xi32>
          %gather3A_289 = vector.shape_cast %broadcast_in_dim3A_288 : vector<16x1xi32> to vector<16xi32>
          %gather3A_290 = tpu.dynamic_gather %get3A_197[%gather3A_289] in [0] : vector<16xi32>, vector<16xi32> -> vector<16xi32>
          %ge3A_291 = arith.constant 8 : i32
          %ge3A_292 = vector.broadcast %ge3A_291 : i32 to vector<16xi32>
          %ge3A_293 = arith.cmpi sge, %iota3A, %ge3A_292 : vector<16xi32>
          %eq3A_294 = arith.cmpi eq, %get3A_197, %gather3A_290 : vector<16xi32>
          %and3A_295 = arith.andi %ge3A_293, %eq3A_294 : vector<16xi1>
          %max3A_296 = arith.maximumf %select_n3A_272, %gather3A_281 : vector<16xf32>
          %select_n3A_297 = arith.select %and3A_295, %max3A_296, %select_n3A_272 : vector<16xi1>, vector<16xf32>
          %add3A_298 = arith.constant 1 : i32
          %add3A_299 = vector.broadcast %add3A_298 : i32 to vector<16xi32>
          %add3A_300 = arith.addi %iota3A, %add3A_299 : vector<16xi32>
          %min3A_301 = arith.constant 15 : i32
          %min3A_302 = vector.broadcast %min3A_301 : i32 to vector<16xi32>
          %min3A_303 = arith.minsi %add3A_300, %min3A_302 : vector<16xi32>
          %broadcast_in_dim3A_304 = vector.shape_cast %min3A_303 : vector<16xi32> to vector<16x1xi32>
          %gather3A_305 = vector.shape_cast %broadcast_in_dim3A_304 : vector<16x1xi32> to vector<16xi32>
          %gather3A_306 = tpu.dynamic_gather %get3A_197[%gather3A_305] in [0] : vector<16xi32>, vector<16xi32> -> vector<16xi32>
          %eq3A_307 = arith.constant 15 : i32
          %eq3A_308 = vector.broadcast %eq3A_307 : i32 to vector<16xi32>
          %eq3A_309 = arith.cmpi eq, %iota3A, %eq3A_308 : vector<16xi32>
          %ne3A_310 = arith.cmpi ne, %get3A_197, %gather3A_306 : vector<16xi32>
          %or3A_311 = arith.ori %eq3A_309, %ne3A_310 : vector<16xi1>
          %gather3A_312 = tpu.vector_load_idx %arg15[%get3A_197] : memref<50000xf32, #tpu.memory_space<vmem>>[vector<16xi32>], vector<16xf32>,
          %max3A_313 = arith.maximumf %gather3A_312, %select_n3A_297 : vector<16xf32>
          tpu.vector_store_idx %arg15[%get3A_197], %max3A_313 masked %or3A_311 : memref<50000xf32, #tpu.memory_space<vmem>>[vector<16xi32>], vector<16xf32>, vector<16xi1>
          %get3A_314 = arith.index_cast %scan3A_58 : i32 to index
          %get3A_315 = arith.constant 32 : index
          %get3A_316 = tpu.vector_load %arg9[%get3A_314, %get3A_315] {strides = array<i32>} : memref<32x128xf32, #tpu.memory_space<vmem>>, vector<16xf32>,
          %get3A_317 = arith.index_cast %scan3A_58 : i32 to index
          %get3A_318 = arith.constant 32 : index
          %get3A_319 = tpu.vector_load %arg10[%get3A_317, %get3A_318] {strides = array<i32>} : memref<32x128xf32, #tpu.memory_space<vmem>>, vector<16xf32>,
          %exp3A_320 = math.exp %get3A_316 : vector<16xf32>
          %swap3A_321 = arith.index_cast %scan3A_58 : i32 to index
          %swap3A_322 = arith.constant 32 : index
          %swap3A_323 = tpu.vector_load %arg12[%swap3A_321, %swap3A_322] {strides = array<i32>} : memref<32x128xf32, #tpu.memory_space<vmem>>, vector<16xf32>,
          tpu.vector_store %arg12[%swap3A_321, %swap3A_322], %exp3A_320 {strides = array<i32>} : memref<32x128xf32, #tpu.memory_space<vmem>>, vector<16xf32>,
          %mul3A_324 = arith.mulf %get3A_316, %get3A_319 : vector<16xf32>
          %swap3A_325 = arith.index_cast %scan3A_58 : i32 to index
          %swap3A_326 = arith.constant 32 : index
          %swap3A_327 = tpu.vector_load %arg13[%swap3A_325, %swap3A_326] {strides = array<i32>} : memref<32x128xf32, #tpu.memory_space<vmem>>, vector<16xf32>,
          tpu.vector_store %arg13[%swap3A_325, %swap3A_326], %mul3A_324 {strides = array<i32>} : memref<32x128xf32, #tpu.memory_space<vmem>>, vector<16xf32>,
          %get3A_328 = arith.index_cast %scan3A_58 : i32 to index
          %get3A_329 = arith.constant 32 : index
          %get3A_330 = tpu.vector_load %arg11[%get3A_328, %get3A_329] {strides = array<i32>} : memref<32x128xi32, #tpu.memory_space<vmem>>, vector<16xi32>,
          %sub3A_331 = arith.constant 1 : i32
          %sub3A_332 = vector.broadcast %sub3A_331 : i32 to vector<16xi32>
          %sub3A_333 = arith.subi %iota3A, %sub3A_332 : vector<16xi32>
          %max3A_334 = arith.constant 0 : i32
          %max3A_335 = vector.broadcast %max3A_334 : i32 to vector<16xi32>
          %max3A_336 = arith.maxsi %sub3A_333, %max3A_335 : vector<16xi32>
          %broadcast_in_dim3A_337 = vector.shape_cast %max3A_336 : vector<16xi32> to vector<16x1xi32>
          %gather3A_338 = vector.shape_cast %broadcast_in_dim3A_337 : vector<16x1xi32> to vector<16xi32>
          %gather3A_339 = tpu.dynamic_gather %get3A_316[%gather3A_338] in [0] : vector<16xf32>, vector<16xi32> -> vector<16xf32>
          %sub3A_340 = arith.constant 1 : i32
          %sub3A_341 = vector.broadcast %sub3A_340 : i32 to vector<16xi32>
          %sub3A_342 = arith.subi %iota3A, %sub3A_341 : vector<16xi32>
          %max3A_343 = arith.constant 0 : i32
          %max3A_344 = vector.broadcast %max3A_343 : i32 to vector<16xi32>
          %max3A_345 = arith.maxsi %sub3A_342, %max3A_344 : vector<16xi32>
          %broadcast_in_dim3A_346 = vector.shape_cast %max3A_345 : vector<16xi32> to vector<16x1xi32>
          %gather3A_347 = vector.shape_cast %broadcast_in_dim3A_346 : vector<16x1xi32> to vector<16xi32>
          %gather3A_348 = tpu.dynamic_gather %get3A_330[%gather3A_347] in [0] : vector<16xi32>, vector<16xi32> -> vector<16xi32>
          %ge3A_349 = arith.constant 1 : i32
          %ge3A_350 = vector.broadcast %ge3A_349 : i32 to vector<16xi32>
          %ge3A_351 = arith.cmpi sge, %iota3A, %ge3A_350 : vector<16xi32>
          %eq3A_352 = arith.cmpi eq, %get3A_330, %gather3A_348 : vector<16xi32>
          %and3A_353 = arith.andi %ge3A_351, %eq3A_352 : vector<16xi1>
          %max3A_354 = arith.maximumf %get3A_316, %gather3A_339 : vector<16xf32>
          %select_n3A_355 = arith.select %and3A_353, %max3A_354, %get3A_316 : vector<16xi1>, vector<16xf32>
          %sub3A_356 = arith.constant 2 : i32
          %sub3A_357 = vector.broadcast %sub3A_356 : i32 to vector<16xi32>
          %sub3A_358 = arith.subi %iota3A, %sub3A_357 : vector<16xi32>
          %max3A_359 = arith.constant 0 : i32
          %max3A_360 = vector.broadcast %max3A_359 : i32 to vector<16xi32>
          %max3A_361 = arith.maxsi %sub3A_358, %max3A_360 : vector<16xi32>
          %broadcast_in_dim3A_362 = vector.shape_cast %max3A_361 : vector<16xi32> to vector<16x1xi32>
          %gather3A_363 = vector.shape_cast %broadcast_in_dim3A_362 : vector<16x1xi32> to vector<16xi32>
          %gather3A_364 = tpu.dynamic_gather %select_n3A_355[%gather3A_363] in [0] : vector<16xf32>, vector<16xi32> -> vector<16xf32>
          %sub3A_365 = arith.constant 2 : i32
          %sub3A_366 = vector.broadcast %sub3A_365 : i32 to vector<16xi32>
          %sub3A_367 = arith.subi %iota3A, %sub3A_366 : vector<16xi32>
          %max3A_368 = arith.constant 0 : i32
          %max3A_369 = vector.broadcast %max3A_368 : i32 to vector<16xi32>
          %max3A_370 = arith.maxsi %sub3A_367, %max3A_369 : vector<16xi32>
          %broadcast_in_dim3A_371 = vector.shape_cast %max3A_370 : vector<16xi32> to vector<16x1xi32>
          %gather3A_372 = vector.shape_cast %broadcast_in_dim3A_371 : vector<16x1xi32> to vector<16xi32>
          %gather3A_373 = tpu.dynamic_gather %get3A_330[%gather3A_372] in [0] : vector<16xi32>, vector<16xi32> -> vector<16xi32>
          %ge3A_374 = arith.constant 2 : i32
          %ge3A_375 = vector.broadcast %ge3A_374 : i32 to vector<16xi32>
          %ge3A_376 = arith.cmpi sge, %iota3A, %ge3A_375 : vector<16xi32>
          %eq3A_377 = arith.cmpi eq, %get3A_330, %gather3A_373 : vector<16xi32>
          %and3A_378 = arith.andi %ge3A_376, %eq3A_377 : vector<16xi1>
          %max3A_379 = arith.maximumf %select_n3A_355, %gather3A_364 : vector<16xf32>
          %select_n3A_380 = arith.select %and3A_378, %max3A_379, %select_n3A_355 : vector<16xi1>, vector<16xf32>
          %sub3A_381 = arith.constant 4 : i32
          %sub3A_382 = vector.broadcast %sub3A_381 : i32 to vector<16xi32>
          %sub3A_383 = arith.subi %iota3A, %sub3A_382 : vector<16xi32>
          %max3A_384 = arith.constant 0 : i32
          %max3A_385 = vector.broadcast %max3A_384 : i32 to vector<16xi32>
          %max3A_386 = arith.maxsi %sub3A_383, %max3A_385 : vector<16xi32>
          %broadcast_in_dim3A_387 = vector.shape_cast %max3A_386 : vector<16xi32> to vector<16x1xi32>
          %gather3A_388 = vector.shape_cast %broadcast_in_dim3A_387 : vector<16x1xi32> to vector<16xi32>
          %gather3A_389 = tpu.dynamic_gather %select_n3A_380[%gather3A_388] in [0] : vector<16xf32>, vector<16xi32> -> vector<16xf32>
          %sub3A_390 = arith.constant 4 : i32
          %sub3A_391 = vector.broadcast %sub3A_390 : i32 to vector<16xi32>
          %sub3A_392 = arith.subi %iota3A, %sub3A_391 : vector<16xi32>
          %max3A_393 = arith.constant 0 : i32
          %max3A_394 = vector.broadcast %max3A_393 : i32 to vector<16xi32>
          %max3A_395 = arith.maxsi %sub3A_392, %max3A_394 : vector<16xi32>
          %broadcast_in_dim3A_396 = vector.shape_cast %max3A_395 : vector<16xi32> to vector<16x1xi32>
          %gather3A_397 = vector.shape_cast %broadcast_in_dim3A_396 : vector<16x1xi32> to vector<16xi32>
          %gather3A_398 = tpu.dynamic_gather %get3A_330[%gather3A_397] in [0] : vector<16xi32>, vector<16xi32> -> vector<16xi32>
          %ge3A_399 = arith.constant 4 : i32
          %ge3A_400 = vector.broadcast %ge3A_399 : i32 to vector<16xi32>
          %ge3A_401 = arith.cmpi sge, %iota3A, %ge3A_400 : vector<16xi32>
          %eq3A_402 = arith.cmpi eq, %get3A_330, %gather3A_398 : vector<16xi32>
          %and3A_403 = arith.andi %ge3A_401, %eq3A_402 : vector<16xi1>
          %max3A_404 = arith.maximumf %select_n3A_380, %gather3A_389 : vector<16xf32>
          %select_n3A_405 = arith.select %and3A_403, %max3A_404, %select_n3A_380 : vector<16xi1>, vector<16xf32>
          %sub3A_406 = arith.constant 8 : i32
          %sub3A_407 = vector.broadcast %sub3A_406 : i32 to vector<16xi32>
          %sub3A_408 = arith.subi %iota3A, %sub3A_407 : vector<16xi32>
          %max3A_409 = arith.constant 0 : i32
          %max3A_410 = vector.broadcast %max3A_409 : i32 to vector<16xi32>
          %max3A_411 = arith.maxsi %sub3A_408, %max3A_410 : vector<16xi32>
          %broadcast_in_dim3A_412 = vector.shape_cast %max3A_411 : vector<16xi32> to vector<16x1xi32>
          %gather3A_413 = vector.shape_cast %broadcast_in_dim3A_412 : vector<16x1xi32> to vector<16xi32>
          %gather3A_414 = tpu.dynamic_gather %select_n3A_405[%gather3A_413] in [0] : vector<16xf32>, vector<16xi32> -> vector<16xf32>
          %sub3A_415 = arith.constant 8 : i32
          %sub3A_416 = vector.broadcast %sub3A_415 : i32 to vector<16xi32>
          %sub3A_417 = arith.subi %iota3A, %sub3A_416 : vector<16xi32>
          %max3A_418 = arith.constant 0 : i32
          %max3A_419 = vector.broadcast %max3A_418 : i32 to vector<16xi32>
          %max3A_420 = arith.maxsi %sub3A_417, %max3A_419 : vector<16xi32>
          %broadcast_in_dim3A_421 = vector.shape_cast %max3A_420 : vector<16xi32> to vector<16x1xi32>
          %gather3A_422 = vector.shape_cast %broadcast_in_dim3A_421 : vector<16x1xi32> to vector<16xi32>
          %gather3A_423 = tpu.dynamic_gather %get3A_330[%gather3A_422] in [0] : vector<16xi32>, vector<16xi32> -> vector<16xi32>
          %ge3A_424 = arith.constant 8 : i32
          %ge3A_425 = vector.broadcast %ge3A_424 : i32 to vector<16xi32>
          %ge3A_426 = arith.cmpi sge, %iota3A, %ge3A_425 : vector<16xi32>
          %eq3A_427 = arith.cmpi eq, %get3A_330, %gather3A_423 : vector<16xi32>
          %and3A_428 = arith.andi %ge3A_426, %eq3A_427 : vector<16xi1>
          %max3A_429 = arith.maximumf %select_n3A_405, %gather3A_414 : vector<16xf32>
          %select_n3A_430 = arith.select %and3A_428, %max3A_429, %select_n3A_405 : vector<16xi1>, vector<16xf32>
          %add3A_431 = arith.constant 1 : i32
          %add3A_432 = vector.broadcast %add3A_431 : i32 to vector<16xi32>
          %add3A_433 = arith.addi %iota3A, %add3A_432 : vector<16xi32>
          %min3A_434 = arith.constant 15 : i32
          %min3A_435 = vector.broadcast %min3A_434 : i32 to vector<16xi32>
          %min3A_436 = arith.minsi %add3A_433, %min3A_435 : vector<16xi32>
          %broadcast_in_dim3A_437 = vector.shape_cast %min3A_436 : vector<16xi32> to vector<16x1xi32>
          %gather3A_438 = vector.shape_cast %broadcast_in_dim3A_437 : vector<16x1xi32> to vector<16xi32>
          %gather3A_439 = tpu.dynamic_gather %get3A_330[%gather3A_438] in [0] : vector<16xi32>, vector<16xi32> -> vector<16xi32>
          %eq3A_440 = arith.constant 15 : i32
          %eq3A_441 = vector.broadcast %eq3A_440 : i32 to vector<16xi32>
          %eq3A_442 = arith.cmpi eq, %iota3A, %eq3A_441 : vector<16xi32>
          %ne3A_443 = arith.cmpi ne, %get3A_330, %gather3A_439 : vector<16xi32>
          %or3A_444 = arith.ori %eq3A_442, %ne3A_443 : vector<16xi1>
          %gather3A_445 = tpu.vector_load_idx %arg15[%get3A_330] : memref<50000xf32, #tpu.memory_space<vmem>>[vector<16xi32>], vector<16xf32>,
          %max3A_446 = arith.maximumf %gather3A_445, %select_n3A_430 : vector<16xf32>
          tpu.vector_store_idx %arg15[%get3A_330], %max3A_446 masked %or3A_444 : memref<50000xf32, #tpu.memory_space<vmem>>[vector<16xi32>], vector<16xf32>, vector<16xi1>
          %get3A_447 = arith.index_cast %scan3A_58 : i32 to index
          %get3A_448 = arith.constant 48 : index
          %get3A_449 = tpu.vector_load %arg9[%get3A_447, %get3A_448] {strides = array<i32>} : memref<32x128xf32, #tpu.memory_space<vmem>>, vector<16xf32>,
          %get3A_450 = arith.index_cast %scan3A_58 : i32 to index
          %get3A_451 = arith.constant 48 : index
          %get3A_452 = tpu.vector_load %arg10[%get3A_450, %get3A_451] {strides = array<i32>} : memref<32x128xf32, #tpu.memory_space<vmem>>, vector<16xf32>,
          %exp3A_453 = math.exp %get3A_449 : vector<16xf32>
          %swap3A_454 = arith.index_cast %scan3A_58 : i32 to index
          %swap3A_455 = arith.constant 48 : index
          %swap3A_456 = tpu.vector_load %arg12[%swap3A_454, %swap3A_455] {strides = array<i32>} : memref<32x128xf32, #tpu.memory_space<vmem>>, vector<16xf32>,
          tpu.vector_store %arg12[%swap3A_454, %swap3A_455], %exp3A_453 {strides = array<i32>} : memref<32x128xf32, #tpu.memory_space<vmem>>, vector<16xf32>,
          %mul3A_457 = arith.mulf %get3A_449, %get3A_452 : vector<16xf32>
          %swap3A_458 = arith.index_cast %scan3A_58 : i32 to index
          %swap3A_459 = arith.constant 48 : index
          %swap3A_460 = tpu.vector_load %arg13[%swap3A_458, %swap3A_459] {strides = array<i32>} : memref<32x128xf32, #tpu.memory_space<vmem>>, vector<16xf32>,
          tpu.vector_store %arg13[%swap3A_458, %swap3A_459], %mul3A_457 {strides = array<i32>} : memref<32x128xf32, #tpu.memory_space<vmem>>, vector<16xf32>,
          %get3A_461 = arith.index_cast %scan3A_58 : i32 to index
          %get3A_462 = arith.constant 48 : index
          %get3A_463 = tpu.vector_load %arg11[%get3A_461, %get3A_462] {strides = array<i32>} : memref<32x128xi32, #tpu.memory_space<vmem>>, vector<16xi32>,
          %sub3A_464 = arith.constant 1 : i32
          %sub3A_465 = vector.broadcast %sub3A_464 : i32 to vector<16xi32>
          %sub3A_466 = arith.subi %iota3A, %sub3A_465 : vector<16xi32>
          %max3A_467 = arith.constant 0 : i32
          %max3A_468 = vector.broadcast %max3A_467 : i32 to vector<16xi32>
          %max3A_469 = arith.maxsi %sub3A_466, %max3A_468 : vector<16xi32>
          %broadcast_in_dim3A_470 = vector.shape_cast %max3A_469 : vector<16xi32> to vector<16x1xi32>
          %gather3A_471 = vector.shape_cast %broadcast_in_dim3A_470 : vector<16x1xi32> to vector<16xi32>
          %gather3A_472 = tpu.dynamic_gather %get3A_449[%gather3A_471] in [0] : vector<16xf32>, vector<16xi32> -> vector<16xf32>
          %sub3A_473 = arith.constant 1 : i32
          %sub3A_474 = vector.broadcast %sub3A_473 : i32 to vector<16xi32>
          %sub3A_475 = arith.subi %iota3A, %sub3A_474 : vector<16xi32>
          %max3A_476 = arith.constant 0 : i32
          %max3A_477 = vector.broadcast %max3A_476 : i32 to vector<16xi32>
          %max3A_478 = arith.maxsi %sub3A_475, %max3A_477 : vector<16xi32>
          %broadcast_in_dim3A_479 = vector.shape_cast %max3A_478 : vector<16xi32> to vector<16x1xi32>
          %gather3A_480 = vector.shape_cast %broadcast_in_dim3A_479 : vector<16x1xi32> to vector<16xi32>
          %gather3A_481 = tpu.dynamic_gather %get3A_463[%gather3A_480] in [0] : vector<16xi32>, vector<16xi32> -> vector<16xi32>
          %ge3A_482 = arith.constant 1 : i32
          %ge3A_483 = vector.broadcast %ge3A_482 : i32 to vector<16xi32>
          %ge3A_484 = arith.cmpi sge, %iota3A, %ge3A_483 : vector<16xi32>
          %eq3A_485 = arith.cmpi eq, %get3A_463, %gather3A_481 : vector<16xi32>
          %and3A_486 = arith.andi %ge3A_484, %eq3A_485 : vector<16xi1>
          %max3A_487 = arith.maximumf %get3A_449, %gather3A_472 : vector<16xf32>
          %select_n3A_488 = arith.select %and3A_486, %max3A_487, %get3A_449 : vector<16xi1>, vector<16xf32>
          %sub3A_489 = arith.constant 2 : i32
          %sub3A_490 = vector.broadcast %sub3A_489 : i32 to vector<16xi32>
          %sub3A_491 = arith.subi %iota3A, %sub3A_490 : vector<16xi32>
          %max3A_492 = arith.constant 0 : i32
          %max3A_493 = vector.broadcast %max3A_492 : i32 to vector<16xi32>
          %max3A_494 = arith.maxsi %sub3A_491, %max3A_493 : vector<16xi32>
          %broadcast_in_dim3A_495 = vector.shape_cast %max3A_494 : vector<16xi32> to vector<16x1xi32>
          %gather3A_496 = vector.shape_cast %broadcast_in_dim3A_495 : vector<16x1xi32> to vector<16xi32>
          %gather3A_497 = tpu.dynamic_gather %select_n3A_488[%gather3A_496] in [0] : vector<16xf32>, vector<16xi32> -> vector<16xf32>
          %sub3A_498 = arith.constant 2 : i32
          %sub3A_499 = vector.broadcast %sub3A_498 : i32 to vector<16xi32>
          %sub3A_500 = arith.subi %iota3A, %sub3A_499 : vector<16xi32>
          %max3A_501 = arith.constant 0 : i32
          %max3A_502 = vector.broadcast %max3A_501 : i32 to vector<16xi32>
          %max3A_503 = arith.maxsi %sub3A_500, %max3A_502 : vector<16xi32>
          %broadcast_in_dim3A_504 = vector.shape_cast %max3A_503 : vector<16xi32> to vector<16x1xi32>
          %gather3A_505 = vector.shape_cast %broadcast_in_dim3A_504 : vector<16x1xi32> to vector<16xi32>
          %gather3A_506 = tpu.dynamic_gather %get3A_463[%gather3A_505] in [0] : vector<16xi32>, vector<16xi32> -> vector<16xi32>
          %ge3A_507 = arith.constant 2 : i32
          %ge3A_508 = vector.broadcast %ge3A_507 : i32 to vector<16xi32>
          %ge3A_509 = arith.cmpi sge, %iota3A, %ge3A_508 : vector<16xi32>
          %eq3A_510 = arith.cmpi eq, %get3A_463, %gather3A_506 : vector<16xi32>
          %and3A_511 = arith.andi %ge3A_509, %eq3A_510 : vector<16xi1>
          %max3A_512 = arith.maximumf %select_n3A_488, %gather3A_497 : vector<16xf32>
          %select_n3A_513 = arith.select %and3A_511, %max3A_512, %select_n3A_488 : vector<16xi1>, vector<16xf32>
          %sub3A_514 = arith.constant 4 : i32
          %sub3A_515 = vector.broadcast %sub3A_514 : i32 to vector<16xi32>
          %sub3A_516 = arith.subi %iota3A, %sub3A_515 : vector<16xi32>
          %max3A_517 = arith.constant 0 : i32
          %max3A_518 = vector.broadcast %max3A_517 : i32 to vector<16xi32>
          %max3A_519 = arith.maxsi %sub3A_516, %max3A_518 : vector<16xi32>
          %broadcast_in_dim3A_520 = vector.shape_cast %max3A_519 : vector<16xi32> to vector<16x1xi32>
          %gather3A_521 = vector.shape_cast %broadcast_in_dim3A_520 : vector<16x1xi32> to vector<16xi32>
          %gather3A_522 = tpu.dynamic_gather %select_n3A_513[%gather3A_521] in [0] : vector<16xf32>, vector<16xi32> -> vector<16xf32>
          %sub3A_523 = arith.constant 4 : i32
          %sub3A_524 = vector.broadcast %sub3A_523 : i32 to vector<16xi32>
          %sub3A_525 = arith.subi %iota3A, %sub3A_524 : vector<16xi32>
          %max3A_526 = arith.constant 0 : i32
          %max3A_527 = vector.broadcast %max3A_526 : i32 to vector<16xi32>
          %max3A_528 = arith.maxsi %sub3A_525, %max3A_527 : vector<16xi32>
          %broadcast_in_dim3A_529 = vector.shape_cast %max3A_528 : vector<16xi32> to vector<16x1xi32>
          %gather3A_530 = vector.shape_cast %broadcast_in_dim3A_529 : vector<16x1xi32> to vector<16xi32>
          %gather3A_531 = tpu.dynamic_gather %get3A_463[%gather3A_530] in [0] : vector<16xi32>, vector<16xi32> -> vector<16xi32>
          %ge3A_532 = arith.constant 4 : i32
          %ge3A_533 = vector.broadcast %ge3A_532 : i32 to vector<16xi32>
          %ge3A_534 = arith.cmpi sge, %iota3A, %ge3A_533 : vector<16xi32>
          %eq3A_535 = arith.cmpi eq, %get3A_463, %gather3A_531 : vector<16xi32>
          %and3A_536 = arith.andi %ge3A_534, %eq3A_535 : vector<16xi1>
          %max3A_537 = arith.maximumf %select_n3A_513, %gather3A_522 : vector<16xf32>
          %select_n3A_538 = arith.select %and3A_536, %max3A_537, %select_n3A_513 : vector<16xi1>, vector<16xf32>
          %sub3A_539 = arith.constant 8 : i32
          %sub3A_540 = vector.broadcast %sub3A_539 : i32 to vector<16xi32>
          %sub3A_541 = arith.subi %iota3A, %sub3A_540 : vector<16xi32>
          %max3A_542 = arith.constant 0 : i32
          %max3A_543 = vector.broadcast %max3A_542 : i32 to vector<16xi32>
          %max3A_544 = arith.maxsi %sub3A_541, %max3A_543 : vector<16xi32>
          %broadcast_in_dim3A_545 = vector.shape_cast %max3A_544 : vector<16xi32> to vector<16x1xi32>
          %gather3A_546 = vector.shape_cast %broadcast_in_dim3A_545 : vector<16x1xi32> to vector<16xi32>
          %gather3A_547 = tpu.dynamic_gather %select_n3A_538[%gather3A_546] in [0] : vector<16xf32>, vector<16xi32> -> vector<16xf32>
          %sub3A_548 = arith.constant 8 : i32
          %sub3A_549 = vector.broadcast %sub3A_548 : i32 to vector<16xi32>
          %sub3A_550 = arith.subi %iota3A, %sub3A_549 : vector<16xi32>
          %max3A_551 = arith.constant 0 : i32
          %max3A_552 = vector.broadcast %max3A_551 : i32 to vector<16xi32>
          %max3A_553 = arith.maxsi %sub3A_550, %max3A_552 : vector<16xi32>
          %broadcast_in_dim3A_554 = vector.shape_cast %max3A_553 : vector<16xi32> to vector<16x1xi32>
          %gather3A_555 = vector.shape_cast %broadcast_in_dim3A_554 : vector<16x1xi32> to vector<16xi32>
          %gather3A_556 = tpu.dynamic_gather %get3A_463[%gather3A_555] in [0] : vector<16xi32>, vector<16xi32> -> vector<16xi32>
          %ge3A_557 = arith.constant 8 : i32
          %ge3A_558 = vector.broadcast %ge3A_557 : i32 to vector<16xi32>
          %ge3A_559 = arith.cmpi sge, %iota3A, %ge3A_558 : vector<16xi32>
          %eq3A_560 = arith.cmpi eq, %get3A_463, %gather3A_556 : vector<16xi32>
          %and3A_561 = arith.andi %ge3A_559, %eq3A_560 : vector<16xi1>
          %max3A_562 = arith.maximumf %select_n3A_538, %gather3A_547 : vector<16xf32>
          %select_n3A_563 = arith.select %and3A_561, %max3A_562, %select_n3A_538 : vector<16xi1>, vector<16xf32>
          %add3A_564 = arith.constant 1 : i32
          %add3A_565 = vector.broadcast %add3A_564 : i32 to vector<16xi32>
          %add3A_566 = arith.addi %iota3A, %add3A_565 : vector<16xi32>
          %min3A_567 = arith.constant 15 : i32
          %min3A_568 = vector.broadcast %min3A_567 : i32 to vector<16xi32>
          %min3A_569 = arith.minsi %add3A_566, %min3A_568 : vector<16xi32>
          %broadcast_in_dim3A_570 = vector.shape_cast %min3A_569 : vector<16xi32> to vector<16x1xi32>
          %gather3A_571 = vector.shape_cast %broadcast_in_dim3A_570 : vector<16x1xi32> to vector<16xi32>
          %gather3A_572 = tpu.dynamic_gather %get3A_463[%gather3A_571] in [0] : vector<16xi32>, vector<16xi32> -> vector<16xi32>
          %eq3A_573 = arith.constant 15 : i32
          %eq3A_574 = vector.broadcast %eq3A_573 : i32 to vector<16xi32>
          %eq3A_575 = arith.cmpi eq, %iota3A, %eq3A_574 : vector<16xi32>
          %ne3A_576 = arith.cmpi ne, %get3A_463, %gather3A_572 : vector<16xi32>
          %or3A_577 = arith.ori %eq3A_575, %ne3A_576 : vector<16xi1>
          %gather3A_578 = tpu.vector_load_idx %arg15[%get3A_463] : memref<50000xf32, #tpu.memory_space<vmem>>[vector<16xi32>], vector<16xf32>,
          %max3A_579 = arith.maximumf %gather3A_578, %select_n3A_563 : vector<16xf32>
          tpu.vector_store_idx %arg15[%get3A_463], %max3A_579 masked %or3A_577 : memref<50000xf32, #tpu.memory_space<vmem>>[vector<16xi32>], vector<16xf32>, vector<16xi1>
          %get3A_580 = arith.index_cast %scan3A_58 : i32 to index
          %get3A_581 = arith.constant 64 : index
          %get3A_582 = tpu.vector_load %arg9[%get3A_580, %get3A_581] {strides = array<i32>} : memref<32x128xf32, #tpu.memory_space<vmem>>, vector<16xf32>,
          %get3A_583 = arith.index_cast %scan3A_58 : i32 to index
          %get3A_584 = arith.constant 64 : index
          %get3A_585 = tpu.vector_load %arg10[%get3A_583, %get3A_584] {strides = array<i32>} : memref<32x128xf32, #tpu.memory_space<vmem>>, vector<16xf32>,
          %exp3A_586 = math.exp %get3A_582 : vector<16xf32>
          %swap3A_587 = arith.index_cast %scan3A_58 : i32 to index
          %swap3A_588 = arith.constant 64 : index
          %swap3A_589 = tpu.vector_load %arg12[%swap3A_587, %swap3A_588] {strides = array<i32>} : memref<32x128xf32, #tpu.memory_space<vmem>>, vector<16xf32>,
          tpu.vector_store %arg12[%swap3A_587, %swap3A_588], %exp3A_586 {strides = array<i32>} : memref<32x128xf32, #tpu.memory_space<vmem>>, vector<16xf32>,
          %mul3A_590 = arith.mulf %get3A_582, %get3A_585 : vector<16xf32>
          %swap3A_591 = arith.index_cast %scan3A_58 : i32 to index
          %swap3A_592 = arith.constant 64 : index
          %swap3A_593 = tpu.vector_load %arg13[%swap3A_591, %swap3A_592] {strides = array<i32>} : memref<32x128xf32, #tpu.memory_space<vmem>>, vector<16xf32>,
          tpu.vector_store %arg13[%swap3A_591, %swap3A_592], %mul3A_590 {strides = array<i32>} : memref<32x128xf32, #tpu.memory_space<vmem>>, vector<16xf32>,
          %get3A_594 = arith.index_cast %scan3A_58 : i32 to index
          %get3A_595 = arith.constant 64 : index
          %get3A_596 = tpu.vector_load %arg11[%get3A_594, %get3A_595] {strides = array<i32>} : memref<32x128xi32, #tpu.memory_space<vmem>>, vector<16xi32>,
          %sub3A_597 = arith.constant 1 : i32
          %sub3A_598 = vector.broadcast %sub3A_597 : i32 to vector<16xi32>
          %sub3A_599 = arith.subi %iota3A, %sub3A_598 : vector<16xi32>
          %max3A_600 = arith.constant 0 : i32
          %max3A_601 = vector.broadcast %max3A_600 : i32 to vector<16xi32>
          %max3A_602 = arith.maxsi %sub3A_599, %max3A_601 : vector<16xi32>
          %broadcast_in_dim3A_603 = vector.shape_cast %max3A_602 : vector<16xi32> to vector<16x1xi32>
          %gather3A_604 = vector.shape_cast %broadcast_in_dim3A_603 : vector<16x1xi32> to vector<16xi32>
          %gather3A_605 = tpu.dynamic_gather %get3A_582[%gather3A_604] in [0] : vector<16xf32>, vector<16xi32> -> vector<16xf32>
          %sub3A_606 = arith.constant 1 : i32
          %sub3A_607 = vector.broadcast %sub3A_606 : i32 to vector<16xi32>
          %sub3A_608 = arith.subi %iota3A, %sub3A_607 : vector<16xi32>
          %max3A_609 = arith.constant 0 : i32
          %max3A_610 = vector.broadcast %max3A_609 : i32 to vector<16xi32>
          %max3A_611 = arith.maxsi %sub3A_608, %max3A_610 : vector<16xi32>
          %broadcast_in_dim3A_612 = vector.shape_cast %max3A_611 : vector<16xi32> to vector<16x1xi32>
          %gather3A_613 = vector.shape_cast %broadcast_in_dim3A_612 : vector<16x1xi32> to vector<16xi32>
          %gather3A_614 = tpu.dynamic_gather %get3A_596[%gather3A_613] in [0] : vector<16xi32>, vector<16xi32> -> vector<16xi32>
          %ge3A_615 = arith.constant 1 : i32
          %ge3A_616 = vector.broadcast %ge3A_615 : i32 to vector<16xi32>
          %ge3A_617 = arith.cmpi sge, %iota3A, %ge3A_616 : vector<16xi32>
          %eq3A_618 = arith.cmpi eq, %get3A_596, %gather3A_614 : vector<16xi32>
          %and3A_619 = arith.andi %ge3A_617, %eq3A_618 : vector<16xi1>
          %max3A_620 = arith.maximumf %get3A_582, %gather3A_605 : vector<16xf32>
          %select_n3A_621 = arith.select %and3A_619, %max3A_620, %get3A_582 : vector<16xi1>, vector<16xf32>
          %sub3A_622 = arith.constant 2 : i32
          %sub3A_623 = vector.broadcast %sub3A_622 : i32 to vector<16xi32>
          %sub3A_624 = arith.subi %iota3A, %sub3A_623 : vector<16xi32>
          %max3A_625 = arith.constant 0 : i32
          %max3A_626 = vector.broadcast %max3A_625 : i32 to vector<16xi32>
          %max3A_627 = arith.maxsi %sub3A_624, %max3A_626 : vector<16xi32>
          %broadcast_in_dim3A_628 = vector.shape_cast %max3A_627 : vector<16xi32> to vector<16x1xi32>
          %gather3A_629 = vector.shape_cast %broadcast_in_dim3A_628 : vector<16x1xi32> to vector<16xi32>
          %gather3A_630 = tpu.dynamic_gather %select_n3A_621[%gather3A_629] in [0] : vector<16xf32>, vector<16xi32> -> vector<16xf32>
          %sub3A_631 = arith.constant 2 : i32
          %sub3A_632 = vector.broadcast %sub3A_631 : i32 to vector<16xi32>
          %sub3A_633 = arith.subi %iota3A, %sub3A_632 : vector<16xi32>
          %max3A_634 = arith.constant 0 : i32
          %max3A_635 = vector.broadcast %max3A_634 : i32 to vector<16xi32>
          %max3A_636 = arith.maxsi %sub3A_633, %max3A_635 : vector<16xi32>
          %broadcast_in_dim3A_637 = vector.shape_cast %max3A_636 : vector<16xi32> to vector<16x1xi32>
          %gather3A_638 = vector.shape_cast %broadcast_in_dim3A_637 : vector<16x1xi32> to vector<16xi32>
          %gather3A_639 = tpu.dynamic_gather %get3A_596[%gather3A_638] in [0] : vector<16xi32>, vector<16xi32> -> vector<16xi32>
          %ge3A_640 = arith.constant 2 : i32
          %ge3A_641 = vector.broadcast %ge3A_640 : i32 to vector<16xi32>
          %ge3A_642 = arith.cmpi sge, %iota3A, %ge3A_641 : vector<16xi32>
          %eq3A_643 = arith.cmpi eq, %get3A_596, %gather3A_639 : vector<16xi32>
          %and3A_644 = arith.andi %ge3A_642, %eq3A_643 : vector<16xi1>
          %max3A_645 = arith.maximumf %select_n3A_621, %gather3A_630 : vector<16xf32>
          %select_n3A_646 = arith.select %and3A_644, %max3A_645, %select_n3A_621 : vector<16xi1>, vector<16xf32>
          %sub3A_647 = arith.constant 4 : i32
          %sub3A_648 = vector.broadcast %sub3A_647 : i32 to vector<16xi32>
          %sub3A_649 = arith.subi %iota3A, %sub3A_648 : vector<16xi32>
          %max3A_650 = arith.constant 0 : i32
          %max3A_651 = vector.broadcast %max3A_650 : i32 to vector<16xi32>
          %max3A_652 = arith.maxsi %sub3A_649, %max3A_651 : vector<16xi32>
          %broadcast_in_dim3A_653 = vector.shape_cast %max3A_652 : vector<16xi32> to vector<16x1xi32>
          %gather3A_654 = vector.shape_cast %broadcast_in_dim3A_653 : vector<16x1xi32> to vector<16xi32>
          %gather3A_655 = tpu.dynamic_gather %select_n3A_646[%gather3A_654] in [0] : vector<16xf32>, vector<16xi32> -> vector<16xf32>
          %sub3A_656 = arith.constant 4 : i32
          %sub3A_657 = vector.broadcast %sub3A_656 : i32 to vector<16xi32>
          %sub3A_658 = arith.subi %iota3A, %sub3A_657 : vector<16xi32>
          %max3A_659 = arith.constant 0 : i32
          %max3A_660 = vector.broadcast %max3A_659 : i32 to vector<16xi32>
          %max3A_661 = arith.maxsi %sub3A_658, %max3A_660 : vector<16xi32>
          %broadcast_in_dim3A_662 = vector.shape_cast %max3A_661 : vector<16xi32> to vector<16x1xi32>
          %gather3A_663 = vector.shape_cast %broadcast_in_dim3A_662 : vector<16x1xi32> to vector<16xi32>
          %gather3A_664 = tpu.dynamic_gather %get3A_596[%gather3A_663] in [0] : vector<16xi32>, vector<16xi32> -> vector<16xi32>
          %ge3A_665 = arith.constant 4 : i32
          %ge3A_666 = vector.broadcast %ge3A_665 : i32 to vector<16xi32>
          %ge3A_667 = arith.cmpi sge, %iota3A, %ge3A_666 : vector<16xi32>
          %eq3A_668 = arith.cmpi eq, %get3A_596, %gather3A_664 : vector<16xi32>
          %and3A_669 = arith.andi %ge3A_667, %eq3A_668 : vector<16xi1>
          %max3A_670 = arith.maximumf %select_n3A_646, %gather3A_655 : vector<16xf32>
          %select_n3A_671 = arith.select %and3A_669, %max3A_670, %select_n3A_646 : vector<16xi1>, vector<16xf32>
          %sub3A_672 = arith.constant 8 : i32
          %sub3A_673 = vector.broadcast %sub3A_672 : i32 to vector<16xi32>
          %sub3A_674 = arith.subi %iota3A, %sub3A_673 : vector<16xi32>
          %max3A_675 = arith.constant 0 : i32
          %max3A_676 = vector.broadcast %max3A_675 : i32 to vector<16xi32>
          %max3A_677 = arith.maxsi %sub3A_674, %max3A_676 : vector<16xi32>
          %broadcast_in_dim3A_678 = vector.shape_cast %max3A_677 : vector<16xi32> to vector<16x1xi32>
          %gather3A_679 = vector.shape_cast %broadcast_in_dim3A_678 : vector<16x1xi32> to vector<16xi32>
          %gather3A_680 = tpu.dynamic_gather %select_n3A_671[%gather3A_679] in [0] : vector<16xf32>, vector<16xi32> -> vector<16xf32>
          %sub3A_681 = arith.constant 8 : i32
          %sub3A_682 = vector.broadcast %sub3A_681 : i32 to vector<16xi32>
          %sub3A_683 = arith.subi %iota3A, %sub3A_682 : vector<16xi32>
          %max3A_684 = arith.constant 0 : i32
          %max3A_685 = vector.broadcast %max3A_684 : i32 to vector<16xi32>
          %max3A_686 = arith.maxsi %sub3A_683, %max3A_685 : vector<16xi32>
          %broadcast_in_dim3A_687 = vector.shape_cast %max3A_686 : vector<16xi32> to vector<16x1xi32>
          %gather3A_688 = vector.shape_cast %broadcast_in_dim3A_687 : vector<16x1xi32> to vector<16xi32>
          %gather3A_689 = tpu.dynamic_gather %get3A_596[%gather3A_688] in [0] : vector<16xi32>, vector<16xi32> -> vector<16xi32>
          %ge3A_690 = arith.constant 8 : i32
          %ge3A_691 = vector.broadcast %ge3A_690 : i32 to vector<16xi32>
          %ge3A_692 = arith.cmpi sge, %iota3A, %ge3A_691 : vector<16xi32>
          %eq3A_693 = arith.cmpi eq, %get3A_596, %gather3A_689 : vector<16xi32>
          %and3A_694 = arith.andi %ge3A_692, %eq3A_693 : vector<16xi1>
          %max3A_695 = arith.maximumf %select_n3A_671, %gather3A_680 : vector<16xf32>
          %select_n3A_696 = arith.select %and3A_694, %max3A_695, %select_n3A_671 : vector<16xi1>, vector<16xf32>
          %add3A_697 = arith.constant 1 : i32
          %add3A_698 = vector.broadcast %add3A_697 : i32 to vector<16xi32>
          %add3A_699 = arith.addi %iota3A, %add3A_698 : vector<16xi32>
          %min3A_700 = arith.constant 15 : i32
          %min3A_701 = vector.broadcast %min3A_700 : i32 to vector<16xi32>
          %min3A_702 = arith.minsi %add3A_699, %min3A_701 : vector<16xi32>
          %broadcast_in_dim3A_703 = vector.shape_cast %min3A_702 : vector<16xi32> to vector<16x1xi32>
          %gather3A_704 = vector.shape_cast %broadcast_in_dim3A_703 : vector<16x1xi32> to vector<16xi32>
          %gather3A_705 = tpu.dynamic_gather %get3A_596[%gather3A_704] in [0] : vector<16xi32>, vector<16xi32> -> vector<16xi32>
          %eq3A_706 = arith.constant 15 : i32
          %eq3A_707 = vector.broadcast %eq3A_706 : i32 to vector<16xi32>
          %eq3A_708 = arith.cmpi eq, %iota3A, %eq3A_707 : vector<16xi32>
          %ne3A_709 = arith.cmpi ne, %get3A_596, %gather3A_705 : vector<16xi32>
          %or3A_710 = arith.ori %eq3A_708, %ne3A_709 : vector<16xi1>
          %gather3A_711 = tpu.vector_load_idx %arg15[%get3A_596] : memref<50000xf32, #tpu.memory_space<vmem>>[vector<16xi32>], vector<16xf32>,
          %max3A_712 = arith.maximumf %gather3A_711, %select_n3A_696 : vector<16xf32>
          tpu.vector_store_idx %arg15[%get3A_596], %max3A_712 masked %or3A_710 : memref<50000xf32, #tpu.memory_space<vmem>>[vector<16xi32>], vector<16xf32>, vector<16xi1>
          %get3A_713 = arith.index_cast %scan3A_58 : i32 to index
          %get3A_714 = arith.constant 80 : index
          %get3A_715 = tpu.vector_load %arg9[%get3A_713, %get3A_714] {strides = array<i32>} : memref<32x128xf32, #tpu.memory_space<vmem>>, vector<16xf32>,
          %get3A_716 = arith.index_cast %scan3A_58 : i32 to index
          %get3A_717 = arith.constant 80 : index
          %get3A_718 = tpu.vector_load %arg10[%get3A_716, %get3A_717] {strides = array<i32>} : memref<32x128xf32, #tpu.memory_space<vmem>>, vector<16xf32>,
          %exp3A_719 = math.exp %get3A_715 : vector<16xf32>
          %swap3A_720 = arith.index_cast %scan3A_58 : i32 to index
          %swap3A_721 = arith.constant 80 : index
          %swap3A_722 = tpu.vector_load %arg12[%swap3A_720, %swap3A_721] {strides = array<i32>} : memref<32x128xf32, #tpu.memory_space<vmem>>, vector<16xf32>,
          tpu.vector_store %arg12[%swap3A_720, %swap3A_721], %exp3A_719 {strides = array<i32>} : memref<32x128xf32, #tpu.memory_space<vmem>>, vector<16xf32>,
          %mul3A_723 = arith.mulf %get3A_715, %get3A_718 : vector<16xf32>
          %swap3A_724 = arith.index_cast %scan3A_58 : i32 to index
          %swap3A_725 = arith.constant 80 : index
          %swap3A_726 = tpu.vector_load %arg13[%swap3A_724, %swap3A_725] {strides = array<i32>} : memref<32x128xf32, #tpu.memory_space<vmem>>, vector<16xf32>,
          tpu.vector_store %arg13[%swap3A_724, %swap3A_725], %mul3A_723 {strides = array<i32>} : memref<32x128xf32, #tpu.memory_space<vmem>>, vector<16xf32>,
          %get3A_727 = arith.index_cast %scan3A_58 : i32 to index
          %get3A_728 = arith.constant 80 : index
          %get3A_729 = tpu.vector_load %arg11[%get3A_727, %get3A_728] {strides = array<i32>} : memref<32x128xi32, #tpu.memory_space<vmem>>, vector<16xi32>,
          %sub3A_730 = arith.constant 1 : i32
          %sub3A_731 = vector.broadcast %sub3A_730 : i32 to vector<16xi32>
          %sub3A_732 = arith.subi %iota3A, %sub3A_731 : vector<16xi32>
          %max3A_733 = arith.constant 0 : i32
          %max3A_734 = vector.broadcast %max3A_733 : i32 to vector<16xi32>
          %max3A_735 = arith.maxsi %sub3A_732, %max3A_734 : vector<16xi32>
          %broadcast_in_dim3A_736 = vector.shape_cast %max3A_735 : vector<16xi32> to vector<16x1xi32>
          %gather3A_737 = vector.shape_cast %broadcast_in_dim3A_736 : vector<16x1xi32> to vector<16xi32>
          %gather3A_738 = tpu.dynamic_gather %get3A_715[%gather3A_737] in [0] : vector<16xf32>, vector<16xi32> -> vector<16xf32>
          %sub3A_739 = arith.constant 1 : i32
          %sub3A_740 = vector.broadcast %sub3A_739 : i32 to vector<16xi32>
          %sub3A_741 = arith.subi %iota3A, %sub3A_740 : vector<16xi32>
          %max3A_742 = arith.constant 0 : i32
          %max3A_743 = vector.broadcast %max3A_742 : i32 to vector<16xi32>
          %max3A_744 = arith.maxsi %sub3A_741, %max3A_743 : vector<16xi32>
          %broadcast_in_dim3A_745 = vector.shape_cast %max3A_744 : vector<16xi32> to vector<16x1xi32>
          %gather3A_746 = vector.shape_cast %broadcast_in_dim3A_745 : vector<16x1xi32> to vector<16xi32>
          %gather3A_747 = tpu.dynamic_gather %get3A_729[%gather3A_746] in [0] : vector<16xi32>, vector<16xi32> -> vector<16xi32>
          %ge3A_748 = arith.constant 1 : i32
          %ge3A_749 = vector.broadcast %ge3A_748 : i32 to vector<16xi32>
          %ge3A_750 = arith.cmpi sge, %iota3A, %ge3A_749 : vector<16xi32>
          %eq3A_751 = arith.cmpi eq, %get3A_729, %gather3A_747 : vector<16xi32>
          %and3A_752 = arith.andi %ge3A_750, %eq3A_751 : vector<16xi1>
          %max3A_753 = arith.maximumf %get3A_715, %gather3A_738 : vector<16xf32>
          %select_n3A_754 = arith.select %and3A_752, %max3A_753, %get3A_715 : vector<16xi1>, vector<16xf32>
          %sub3A_755 = arith.constant 2 : i32
          %sub3A_756 = vector.broadcast %sub3A_755 : i32 to vector<16xi32>
          %sub3A_757 = arith.subi %iota3A, %sub3A_756 : vector<16xi32>
          %max3A_758 = arith.constant 0 : i32
          %max3A_759 = vector.broadcast %max3A_758 : i32 to vector<16xi32>
          %max3A_760 = arith.maxsi %sub3A_757, %max3A_759 : vector<16xi32>
          %broadcast_in_dim3A_761 = vector.shape_cast %max3A_760 : vector<16xi32> to vector<16x1xi32>
          %gather3A_762 = vector.shape_cast %broadcast_in_dim3A_761 : vector<16x1xi32> to vector<16xi32>
          %gather3A_763 = tpu.dynamic_gather %select_n3A_754[%gather3A_762] in [0] : vector<16xf32>, vector<16xi32> -> vector<16xf32>
          %sub3A_764 = arith.constant 2 : i32
          %sub3A_765 = vector.broadcast %sub3A_764 : i32 to vector<16xi32>
          %sub3A_766 = arith.subi %iota3A, %sub3A_765 : vector<16xi32>
          %max3A_767 = arith.constant 0 : i32
          %max3A_768 = vector.broadcast %max3A_767 : i32 to vector<16xi32>
          %max3A_769 = arith.maxsi %sub3A_766, %max3A_768 : vector<16xi32>
          %broadcast_in_dim3A_770 = vector.shape_cast %max3A_769 : vector<16xi32> to vector<16x1xi32>
          %gather3A_771 = vector.shape_cast %broadcast_in_dim3A_770 : vector<16x1xi32> to vector<16xi32>
          %gather3A_772 = tpu.dynamic_gather %get3A_729[%gather3A_771] in [0] : vector<16xi32>, vector<16xi32> -> vector<16xi32>
          %ge3A_773 = arith.constant 2 : i32
          %ge3A_774 = vector.broadcast %ge3A_773 : i32 to vector<16xi32>
          %ge3A_775 = arith.cmpi sge, %iota3A, %ge3A_774 : vector<16xi32>
          %eq3A_776 = arith.cmpi eq, %get3A_729, %gather3A_772 : vector<16xi32>
          %and3A_777 = arith.andi %ge3A_775, %eq3A_776 : vector<16xi1>
          %max3A_778 = arith.maximumf %select_n3A_754, %gather3A_763 : vector<16xf32>
          %select_n3A_779 = arith.select %and3A_777, %max3A_778, %select_n3A_754 : vector<16xi1>, vector<16xf32>
          %sub3A_780 = arith.constant 4 : i32
          %sub3A_781 = vector.broadcast %sub3A_780 : i32 to vector<16xi32>
          %sub3A_782 = arith.subi %iota3A, %sub3A_781 : vector<16xi32>
          %max3A_783 = arith.constant 0 : i32
          %max3A_784 = vector.broadcast %max3A_783 : i32 to vector<16xi32>
          %max3A_785 = arith.maxsi %sub3A_782, %max3A_784 : vector<16xi32>
          %broadcast_in_dim3A_786 = vector.shape_cast %max3A_785 : vector<16xi32> to vector<16x1xi32>
          %gather3A_787 = vector.shape_cast %broadcast_in_dim3A_786 : vector<16x1xi32> to vector<16xi32>
          %gather3A_788 = tpu.dynamic_gather %select_n3A_779[%gather3A_787] in [0] : vector<16xf32>, vector<16xi32> -> vector<16xf32>
          %sub3A_789 = arith.constant 4 : i32
          %sub3A_790 = vector.broadcast %sub3A_789 : i32 to vector<16xi32>
          %sub3A_791 = arith.subi %iota3A, %sub3A_790 : vector<16xi32>
          %max3A_792 = arith.constant 0 : i32
          %max3A_793 = vector.broadcast %max3A_792 : i32 to vector<16xi32>
          %max3A_794 = arith.maxsi %sub3A_791, %max3A_793 : vector<16xi32>
          %broadcast_in_dim3A_795 = vector.shape_cast %max3A_794 : vector<16xi32> to vector<16x1xi32>
          %gather3A_796 = vector.shape_cast %broadcast_in_dim3A_795 : vector<16x1xi32> to vector<16xi32>
          %gather3A_797 = tpu.dynamic_gather %get3A_729[%gather3A_796] in [0] : vector<16xi32>, vector<16xi32> -> vector<16xi32>
          %ge3A_798 = arith.constant 4 : i32
          %ge3A_799 = vector.broadcast %ge3A_798 : i32 to vector<16xi32>
          %ge3A_800 = arith.cmpi sge, %iota3A, %ge3A_799 : vector<16xi32>
          %eq3A_801 = arith.cmpi eq, %get3A_729, %gather3A_797 : vector<16xi32>
          %and3A_802 = arith.andi %ge3A_800, %eq3A_801 : vector<16xi1>
          %max3A_803 = arith.maximumf %select_n3A_779, %gather3A_788 : vector<16xf32>
          %select_n3A_804 = arith.select %and3A_802, %max3A_803, %select_n3A_779 : vector<16xi1>, vector<16xf32>
          %sub3A_805 = arith.constant 8 : i32
          %sub3A_806 = vector.broadcast %sub3A_805 : i32 to vector<16xi32>
          %sub3A_807 = arith.subi %iota3A, %sub3A_806 : vector<16xi32>
          %max3A_808 = arith.constant 0 : i32
          %max3A_809 = vector.broadcast %max3A_808 : i32 to vector<16xi32>
          %max3A_810 = arith.maxsi %sub3A_807, %max3A_809 : vector<16xi32>
          %broadcast_in_dim3A_811 = vector.shape_cast %max3A_810 : vector<16xi32> to vector<16x1xi32>
          %gather3A_812 = vector.shape_cast %broadcast_in_dim3A_811 : vector<16x1xi32> to vector<16xi32>
          %gather3A_813 = tpu.dynamic_gather %select_n3A_804[%gather3A_812] in [0] : vector<16xf32>, vector<16xi32> -> vector<16xf32>
          %sub3A_814 = arith.constant 8 : i32
          %sub3A_815 = vector.broadcast %sub3A_814 : i32 to vector<16xi32>
          %sub3A_816 = arith.subi %iota3A, %sub3A_815 : vector<16xi32>
          %max3A_817 = arith.constant 0 : i32
          %max3A_818 = vector.broadcast %max3A_817 : i32 to vector<16xi32>
          %max3A_819 = arith.maxsi %sub3A_816, %max3A_818 : vector<16xi32>
          %broadcast_in_dim3A_820 = vector.shape_cast %max3A_819 : vector<16xi32> to vector<16x1xi32>
          %gather3A_821 = vector.shape_cast %broadcast_in_dim3A_820 : vector<16x1xi32> to vector<16xi32>
          %gather3A_822 = tpu.dynamic_gather %get3A_729[%gather3A_821] in [0] : vector<16xi32>, vector<16xi32> -> vector<16xi32>
          %ge3A_823 = arith.constant 8 : i32
          %ge3A_824 = vector.broadcast %ge3A_823 : i32 to vector<16xi32>
          %ge3A_825 = arith.cmpi sge, %iota3A, %ge3A_824 : vector<16xi32>
          %eq3A_826 = arith.cmpi eq, %get3A_729, %gather3A_822 : vector<16xi32>
          %and3A_827 = arith.andi %ge3A_825, %eq3A_826 : vector<16xi1>
          %max3A_828 = arith.maximumf %select_n3A_804, %gather3A_813 : vector<16xf32>
          %select_n3A_829 = arith.select %and3A_827, %max3A_828, %select_n3A_804 : vector<16xi1>, vector<16xf32>
          %add3A_830 = arith.constant 1 : i32
          %add3A_831 = vector.broadcast %add3A_830 : i32 to vector<16xi32>
          %add3A_832 = arith.addi %iota3A, %add3A_831 : vector<16xi32>
          %min3A_833 = arith.constant 15 : i32
          %min3A_834 = vector.broadcast %min3A_833 : i32 to vector<16xi32>
          %min3A_835 = arith.minsi %add3A_832, %min3A_834 : vector<16xi32>
          %broadcast_in_dim3A_836 = vector.shape_cast %min3A_835 : vector<16xi32> to vector<16x1xi32>
          %gather3A_837 = vector.shape_cast %broadcast_in_dim3A_836 : vector<16x1xi32> to vector<16xi32>
          %gather3A_838 = tpu.dynamic_gather %get3A_729[%gather3A_837] in [0] : vector<16xi32>, vector<16xi32> -> vector<16xi32>
          %eq3A_839 = arith.constant 15 : i32
          %eq3A_840 = vector.broadcast %eq3A_839 : i32 to vector<16xi32>
          %eq3A_841 = arith.cmpi eq, %iota3A, %eq3A_840 : vector<16xi32>
          %ne3A_842 = arith.cmpi ne, %get3A_729, %gather3A_838 : vector<16xi32>
          %or3A_843 = arith.ori %eq3A_841, %ne3A_842 : vector<16xi1>
          %gather3A_844 = tpu.vector_load_idx %arg15[%get3A_729] : memref<50000xf32, #tpu.memory_space<vmem>>[vector<16xi32>], vector<16xf32>,
          %max3A_845 = arith.maximumf %gather3A_844, %select_n3A_829 : vector<16xf32>
          tpu.vector_store_idx %arg15[%get3A_729], %max3A_845 masked %or3A_843 : memref<50000xf32, #tpu.memory_space<vmem>>[vector<16xi32>], vector<16xf32>, vector<16xi1>
          %get3A_846 = arith.index_cast %scan3A_58 : i32 to index
          %get3A_847 = arith.constant 96 : index
          %get3A_848 = tpu.vector_load %arg9[%get3A_846, %get3A_847] {strides = array<i32>} : memref<32x128xf32, #tpu.memory_space<vmem>>, vector<16xf32>,
          %get3A_849 = arith.index_cast %scan3A_58 : i32 to index
          %get3A_850 = arith.constant 96 : index
          %get3A_851 = tpu.vector_load %arg10[%get3A_849, %get3A_850] {strides = array<i32>} : memref<32x128xf32, #tpu.memory_space<vmem>>, vector<16xf32>,
          %exp3A_852 = math.exp %get3A_848 : vector<16xf32>
          %swap3A_853 = arith.index_cast %scan3A_58 : i32 to index
          %swap3A_854 = arith.constant 96 : index
          %swap3A_855 = tpu.vector_load %arg12[%swap3A_853, %swap3A_854] {strides = array<i32>} : memref<32x128xf32, #tpu.memory_space<vmem>>, vector<16xf32>,
          tpu.vector_store %arg12[%swap3A_853, %swap3A_854], %exp3A_852 {strides = array<i32>} : memref<32x128xf32, #tpu.memory_space<vmem>>, vector<16xf32>,
          %mul3A_856 = arith.mulf %get3A_848, %get3A_851 : vector<16xf32>
          %swap3A_857 = arith.index_cast %scan3A_58 : i32 to index
          %swap3A_858 = arith.constant 96 : index
          %swap3A_859 = tpu.vector_load %arg13[%swap3A_857, %swap3A_858] {strides = array<i32>} : memref<32x128xf32, #tpu.memory_space<vmem>>, vector<16xf32>,
          tpu.vector_store %arg13[%swap3A_857, %swap3A_858], %mul3A_856 {strides = array<i32>} : memref<32x128xf32, #tpu.memory_space<vmem>>, vector<16xf32>,
          %get3A_860 = arith.index_cast %scan3A_58 : i32 to index
          %get3A_861 = arith.constant 96 : index
          %get3A_862 = tpu.vector_load %arg11[%get3A_860, %get3A_861] {strides = array<i32>} : memref<32x128xi32, #tpu.memory_space<vmem>>, vector<16xi32>,
          %sub3A_863 = arith.constant 1 : i32
          %sub3A_864 = vector.broadcast %sub3A_863 : i32 to vector<16xi32>
          %sub3A_865 = arith.subi %iota3A, %sub3A_864 : vector<16xi32>
          %max3A_866 = arith.constant 0 : i32
          %max3A_867 = vector.broadcast %max3A_866 : i32 to vector<16xi32>
          %max3A_868 = arith.maxsi %sub3A_865, %max3A_867 : vector<16xi32>
          %broadcast_in_dim3A_869 = vector.shape_cast %max3A_868 : vector<16xi32> to vector<16x1xi32>
          %gather3A_870 = vector.shape_cast %broadcast_in_dim3A_869 : vector<16x1xi32> to vector<16xi32>
          %gather3A_871 = tpu.dynamic_gather %get3A_848[%gather3A_870] in [0] : vector<16xf32>, vector<16xi32> -> vector<16xf32>
          %sub3A_872 = arith.constant 1 : i32
          %sub3A_873 = vector.broadcast %sub3A_872 : i32 to vector<16xi32>
          %sub3A_874 = arith.subi %iota3A, %sub3A_873 : vector<16xi32>
          %max3A_875 = arith.constant 0 : i32
          %max3A_876 = vector.broadcast %max3A_875 : i32 to vector<16xi32>
          %max3A_877 = arith.maxsi %sub3A_874, %max3A_876 : vector<16xi32>
          %broadcast_in_dim3A_878 = vector.shape_cast %max3A_877 : vector<16xi32> to vector<16x1xi32>
          %gather3A_879 = vector.shape_cast %broadcast_in_dim3A_878 : vector<16x1xi32> to vector<16xi32>
          %gather3A_880 = tpu.dynamic_gather %get3A_862[%gather3A_879] in [0] : vector<16xi32>, vector<16xi32> -> vector<16xi32>
          %ge3A_881 = arith.constant 1 : i32
          %ge3A_882 = vector.broadcast %ge3A_881 : i32 to vector<16xi32>
          %ge3A_883 = arith.cmpi sge, %iota3A, %ge3A_882 : vector<16xi32>
          %eq3A_884 = arith.cmpi eq, %get3A_862, %gather3A_880 : vector<16xi32>
          %and3A_885 = arith.andi %ge3A_883, %eq3A_884 : vector<16xi1>
          %max3A_886 = arith.maximumf %get3A_848, %gather3A_871 : vector<16xf32>
          %select_n3A_887 = arith.select %and3A_885, %max3A_886, %get3A_848 : vector<16xi1>, vector<16xf32>
          %sub3A_888 = arith.constant 2 : i32
          %sub3A_889 = vector.broadcast %sub3A_888 : i32 to vector<16xi32>
          %sub3A_890 = arith.subi %iota3A, %sub3A_889 : vector<16xi32>
          %max3A_891 = arith.constant 0 : i32
          %max3A_892 = vector.broadcast %max3A_891 : i32 to vector<16xi32>
          %max3A_893 = arith.maxsi %sub3A_890, %max3A_892 : vector<16xi32>
          %broadcast_in_dim3A_894 = vector.shape_cast %max3A_893 : vector<16xi32> to vector<16x1xi32>
          %gather3A_895 = vector.shape_cast %broadcast_in_dim3A_894 : vector<16x1xi32> to vector<16xi32>
          %gather3A_896 = tpu.dynamic_gather %select_n3A_887[%gather3A_895] in [0] : vector<16xf32>, vector<16xi32> -> vector<16xf32>
          %sub3A_897 = arith.constant 2 : i32
          %sub3A_898 = vector.broadcast %sub3A_897 : i32 to vector<16xi32>
          %sub3A_899 = arith.subi %iota3A, %sub3A_898 : vector<16xi32>
          %max3A_900 = arith.constant 0 : i32
          %max3A_901 = vector.broadcast %max3A_900 : i32 to vector<16xi32>
          %max3A_902 = arith.maxsi %sub3A_899, %max3A_901 : vector<16xi32>
          %broadcast_in_dim3A_903 = vector.shape_cast %max3A_902 : vector<16xi32> to vector<16x1xi32>
          %gather3A_904 = vector.shape_cast %broadcast_in_dim3A_903 : vector<16x1xi32> to vector<16xi32>
          %gather3A_905 = tpu.dynamic_gather %get3A_862[%gather3A_904] in [0] : vector<16xi32>, vector<16xi32> -> vector<16xi32>
          %ge3A_906 = arith.constant 2 : i32
          %ge3A_907 = vector.broadcast %ge3A_906 : i32 to vector<16xi32>
          %ge3A_908 = arith.cmpi sge, %iota3A, %ge3A_907 : vector<16xi32>
          %eq3A_909 = arith.cmpi eq, %get3A_862, %gather3A_905 : vector<16xi32>
          %and3A_910 = arith.andi %ge3A_908, %eq3A_909 : vector<16xi1>
          %max3A_911 = arith.maximumf %select_n3A_887, %gather3A_896 : vector<16xf32>
          %select_n3A_912 = arith.select %and3A_910, %max3A_911, %select_n3A_887 : vector<16xi1>, vector<16xf32>
          %sub3A_913 = arith.constant 4 : i32
          %sub3A_914 = vector.broadcast %sub3A_913 : i32 to vector<16xi32>
          %sub3A_915 = arith.subi %iota3A, %sub3A_914 : vector<16xi32>
          %max3A_916 = arith.constant 0 : i32
          %max3A_917 = vector.broadcast %max3A_916 : i32 to vector<16xi32>
          %max3A_918 = arith.maxsi %sub3A_915, %max3A_917 : vector<16xi32>
          %broadcast_in_dim3A_919 = vector.shape_cast %max3A_918 : vector<16xi32> to vector<16x1xi32>
          %gather3A_920 = vector.shape_cast %broadcast_in_dim3A_919 : vector<16x1xi32> to vector<16xi32>
          %gather3A_921 = tpu.dynamic_gather %select_n3A_912[%gather3A_920] in [0] : vector<16xf32>, vector<16xi32> -> vector<16xf32>
          %sub3A_922 = arith.constant 4 : i32
          %sub3A_923 = vector.broadcast %sub3A_922 : i32 to vector<16xi32>
          %sub3A_924 = arith.subi %iota3A, %sub3A_923 : vector<16xi32>
          %max3A_925 = arith.constant 0 : i32
          %max3A_926 = vector.broadcast %max3A_925 : i32 to vector<16xi32>
          %max3A_927 = arith.maxsi %sub3A_924, %max3A_926 : vector<16xi32>
          %broadcast_in_dim3A_928 = vector.shape_cast %max3A_927 : vector<16xi32> to vector<16x1xi32>
          %gather3A_929 = vector.shape_cast %broadcast_in_dim3A_928 : vector<16x1xi32> to vector<16xi32>
          %gather3A_930 = tpu.dynamic_gather %get3A_862[%gather3A_929] in [0] : vector<16xi32>, vector<16xi32> -> vector<16xi32>
          %ge3A_931 = arith.constant 4 : i32
          %ge3A_932 = vector.broadcast %ge3A_931 : i32 to vector<16xi32>
          %ge3A_933 = arith.cmpi sge, %iota3A, %ge3A_932 : vector<16xi32>
          %eq3A_934 = arith.cmpi eq, %get3A_862, %gather3A_930 : vector<16xi32>
          %and3A_935 = arith.andi %ge3A_933, %eq3A_934 : vector<16xi1>
          %max3A_936 = arith.maximumf %select_n3A_912, %gather3A_921 : vector<16xf32>
          %select_n3A_937 = arith.select %and3A_935, %max3A_936, %select_n3A_912 : vector<16xi1>, vector<16xf32>
          %sub3A_938 = arith.constant 8 : i32
          %sub3A_939 = vector.broadcast %sub3A_938 : i32 to vector<16xi32>
          %sub3A_940 = arith.subi %iota3A, %sub3A_939 : vector<16xi32>
          %max3A_941 = arith.constant 0 : i32
          %max3A_942 = vector.broadcast %max3A_941 : i32 to vector<16xi32>
          %max3A_943 = arith.maxsi %sub3A_940, %max3A_942 : vector<16xi32>
          %broadcast_in_dim3A_944 = vector.shape_cast %max3A_943 : vector<16xi32> to vector<16x1xi32>
          %gather3A_945 = vector.shape_cast %broadcast_in_dim3A_944 : vector<16x1xi32> to vector<16xi32>
          %gather3A_946 = tpu.dynamic_gather %select_n3A_937[%gather3A_945] in [0] : vector<16xf32>, vector<16xi32> -> vector<16xf32>
          %sub3A_947 = arith.constant 8 : i32
          %sub3A_948 = vector.broadcast %sub3A_947 : i32 to vector<16xi32>
          %sub3A_949 = arith.subi %iota3A, %sub3A_948 : vector<16xi32>
          %max3A_950 = arith.constant 0 : i32
          %max3A_951 = vector.broadcast %max3A_950 : i32 to vector<16xi32>
          %max3A_952 = arith.maxsi %sub3A_949, %max3A_951 : vector<16xi32>
          %broadcast_in_dim3A_953 = vector.shape_cast %max3A_952 : vector<16xi32> to vector<16x1xi32>
          %gather3A_954 = vector.shape_cast %broadcast_in_dim3A_953 : vector<16x1xi32> to vector<16xi32>
          %gather3A_955 = tpu.dynamic_gather %get3A_862[%gather3A_954] in [0] : vector<16xi32>, vector<16xi32> -> vector<16xi32>
          %ge3A_956 = arith.constant 8 : i32
          %ge3A_957 = vector.broadcast %ge3A_956 : i32 to vector<16xi32>
          %ge3A_958 = arith.cmpi sge, %iota3A, %ge3A_957 : vector<16xi32>
          %eq3A_959 = arith.cmpi eq, %get3A_862, %gather3A_955 : vector<16xi32>
          %and3A_960 = arith.andi %ge3A_958, %eq3A_959 : vector<16xi1>
          %max3A_961 = arith.maximumf %select_n3A_937, %gather3A_946 : vector<16xf32>
          %select_n3A_962 = arith.select %and3A_960, %max3A_961, %select_n3A_937 : vector<16xi1>, vector<16xf32>
          %add3A_963 = arith.constant 1 : i32
          %add3A_964 = vector.broadcast %add3A_963 : i32 to vector<16xi32>
          %add3A_965 = arith.addi %iota3A, %add3A_964 : vector<16xi32>
          %min3A_966 = arith.constant 15 : i32
          %min3A_967 = vector.broadcast %min3A_966 : i32 to vector<16xi32>
          %min3A_968 = arith.minsi %add3A_965, %min3A_967 : vector<16xi32>
          %broadcast_in_dim3A_969 = vector.shape_cast %min3A_968 : vector<16xi32> to vector<16x1xi32>
          %gather3A_970 = vector.shape_cast %broadcast_in_dim3A_969 : vector<16x1xi32> to vector<16xi32>
          %gather3A_971 = tpu.dynamic_gather %get3A_862[%gather3A_970] in [0] : vector<16xi32>, vector<16xi32> -> vector<16xi32>
          %eq3A_972 = arith.constant 15 : i32
          %eq3A_973 = vector.broadcast %eq3A_972 : i32 to vector<16xi32>
          %eq3A_974 = arith.cmpi eq, %iota3A, %eq3A_973 : vector<16xi32>
          %ne3A_975 = arith.cmpi ne, %get3A_862, %gather3A_971 : vector<16xi32>
          %or3A_976 = arith.ori %eq3A_974, %ne3A_975 : vector<16xi1>
          %gather3A_977 = tpu.vector_load_idx %arg15[%get3A_862] : memref<50000xf32, #tpu.memory_space<vmem>>[vector<16xi32>], vector<16xf32>,
          %max3A_978 = arith.maximumf %gather3A_977, %select_n3A_962 : vector<16xf32>
          tpu.vector_store_idx %arg15[%get3A_862], %max3A_978 masked %or3A_976 : memref<50000xf32, #tpu.memory_space<vmem>>[vector<16xi32>], vector<16xf32>, vector<16xi1>
          %get3A_979 = arith.index_cast %scan3A_58 : i32 to index
          %get3A_980 = arith.constant 112 : index
          %get3A_981 = tpu.vector_load %arg9[%get3A_979, %get3A_980] {strides = array<i32>} : memref<32x128xf32, #tpu.memory_space<vmem>>, vector<16xf32>,
          %get3A_982 = arith.index_cast %scan3A_58 : i32 to index
          %get3A_983 = arith.constant 112 : index
          %get3A_984 = tpu.vector_load %arg10[%get3A_982, %get3A_983] {strides = array<i32>} : memref<32x128xf32, #tpu.memory_space<vmem>>, vector<16xf32>,
          %exp3A_985 = math.exp %get3A_981 : vector<16xf32>
          %swap3A_986 = arith.index_cast %scan3A_58 : i32 to index
          %swap3A_987 = arith.constant 112 : index
          %swap3A_988 = tpu.vector_load %arg12[%swap3A_986, %swap3A_987] {strides = array<i32>} : memref<32x128xf32, #tpu.memory_space<vmem>>, vector<16xf32>,
          tpu.vector_store %arg12[%swap3A_986, %swap3A_987], %exp3A_985 {strides = array<i32>} : memref<32x128xf32, #tpu.memory_space<vmem>>, vector<16xf32>,
          %mul3A_989 = arith.mulf %get3A_981, %get3A_984 : vector<16xf32>
          %swap3A_990 = arith.index_cast %scan3A_58 : i32 to index
          %swap3A_991 = arith.constant 112 : index
          %swap3A_992 = tpu.vector_load %arg13[%swap3A_990, %swap3A_991] {strides = array<i32>} : memref<32x128xf32, #tpu.memory_space<vmem>>, vector<16xf32>,
          tpu.vector_store %arg13[%swap3A_990, %swap3A_991], %mul3A_989 {strides = array<i32>} : memref<32x128xf32, #tpu.memory_space<vmem>>, vector<16xf32>,
          %get3A_993 = arith.index_cast %scan3A_58 : i32 to index
          %get3A_994 = arith.constant 112 : index
          %get3A_995 = tpu.vector_load %arg11[%get3A_993, %get3A_994] {strides = array<i32>} : memref<32x128xi32, #tpu.memory_space<vmem>>, vector<16xi32>,
          %sub3A_996 = arith.constant 1 : i32
          %sub3A_997 = vector.broadcast %sub3A_996 : i32 to vector<16xi32>
          %sub3A_998 = arith.subi %iota3A, %sub3A_997 : vector<16xi32>
          %max3A_999 = arith.constant 0 : i32
          %max3A_1000 = vector.broadcast %max3A_999 : i32 to vector<16xi32>
          %max3A_1001 = arith.maxsi %sub3A_998, %max3A_1000 : vector<16xi32>
          %broadcast_in_dim3A_1002 = vector.shape_cast %max3A_1001 : vector<16xi32> to vector<16x1xi32>
          %gather3A_1003 = vector.shape_cast %broadcast_in_dim3A_1002 : vector<16x1xi32> to vector<16xi32>
          %gather3A_1004 = tpu.dynamic_gather %get3A_981[%gather3A_1003] in [0] : vector<16xf32>, vector<16xi32> -> vector<16xf32>
          %sub3A_1005 = arith.constant 1 : i32
          %sub3A_1006 = vector.broadcast %sub3A_1005 : i32 to vector<16xi32>
          %sub3A_1007 = arith.subi %iota3A, %sub3A_1006 : vector<16xi32>
          %max3A_1008 = arith.constant 0 : i32
          %max3A_1009 = vector.broadcast %max3A_1008 : i32 to vector<16xi32>
          %max3A_1010 = arith.maxsi %sub3A_1007, %max3A_1009 : vector<16xi32>
          %broadcast_in_dim3A_1011 = vector.shape_cast %max3A_1010 : vector<16xi32> to vector<16x1xi32>
          %gather3A_1012 = vector.shape_cast %broadcast_in_dim3A_1011 : vector<16x1xi32> to vector<16xi32>
          %gather3A_1013 = tpu.dynamic_gather %get3A_995[%gather3A_1012] in [0] : vector<16xi32>, vector<16xi32> -> vector<16xi32>
          %ge3A_1014 = arith.constant 1 : i32
          %ge3A_1015 = vector.broadcast %ge3A_1014 : i32 to vector<16xi32>
          %ge3A_1016 = arith.cmpi sge, %iota3A, %ge3A_1015 : vector<16xi32>
          %eq3A_1017 = arith.cmpi eq, %get3A_995, %gather3A_1013 : vector<16xi32>
          %and3A_1018 = arith.andi %ge3A_1016, %eq3A_1017 : vector<16xi1>
          %max3A_1019 = arith.maximumf %get3A_981, %gather3A_1004 : vector<16xf32>
          %select_n3A_1020 = arith.select %and3A_1018, %max3A_1019, %get3A_981 : vector<16xi1>, vector<16xf32>
          %sub3A_1021 = arith.constant 2 : i32
          %sub3A_1022 = vector.broadcast %sub3A_1021 : i32 to vector<16xi32>
          %sub3A_1023 = arith.subi %iota3A, %sub3A_1022 : vector<16xi32>
          %max3A_1024 = arith.constant 0 : i32
          %max3A_1025 = vector.broadcast %max3A_1024 : i32 to vector<16xi32>
          %max3A_1026 = arith.maxsi %sub3A_1023, %max3A_1025 : vector<16xi32>
          %broadcast_in_dim3A_1027 = vector.shape_cast %max3A_1026 : vector<16xi32> to vector<16x1xi32>
          %gather3A_1028 = vector.shape_cast %broadcast_in_dim3A_1027 : vector<16x1xi32> to vector<16xi32>
          %gather3A_1029 = tpu.dynamic_gather %select_n3A_1020[%gather3A_1028] in [0] : vector<16xf32>, vector<16xi32> -> vector<16xf32>
          %sub3A_1030 = arith.constant 2 : i32
          %sub3A_1031 = vector.broadcast %sub3A_1030 : i32 to vector<16xi32>
          %sub3A_1032 = arith.subi %iota3A, %sub3A_1031 : vector<16xi32>
          %max3A_1033 = arith.constant 0 : i32
          %max3A_1034 = vector.broadcast %max3A_1033 : i32 to vector<16xi32>
          %max3A_1035 = arith.maxsi %sub3A_1032, %max3A_1034 : vector<16xi32>
          %broadcast_in_dim3A_1036 = vector.shape_cast %max3A_1035 : vector<16xi32> to vector<16x1xi32>
          %gather3A_1037 = vector.shape_cast %broadcast_in_dim3A_1036 : vector<16x1xi32> to vector<16xi32>
          %gather3A_1038 = tpu.dynamic_gather %get3A_995[%gather3A_1037] in [0] : vector<16xi32>, vector<16xi32> -> vector<16xi32>
          %ge3A_1039 = arith.constant 2 : i32
          %ge3A_1040 = vector.broadcast %ge3A_1039 : i32 to vector<16xi32>
          %ge3A_1041 = arith.cmpi sge, %iota3A, %ge3A_1040 : vector<16xi32>
          %eq3A_1042 = arith.cmpi eq, %get3A_995, %gather3A_1038 : vector<16xi32>
          %and3A_1043 = arith.andi %ge3A_1041, %eq3A_1042 : vector<16xi1>
          %max3A_1044 = arith.maximumf %select_n3A_1020, %gather3A_1029 : vector<16xf32>
          %select_n3A_1045 = arith.select %and3A_1043, %max3A_1044, %select_n3A_1020 : vector<16xi1>, vector<16xf32>
          %sub3A_1046 = arith.constant 4 : i32
          %sub3A_1047 = vector.broadcast %sub3A_1046 : i32 to vector<16xi32>
          %sub3A_1048 = arith.subi %iota3A, %sub3A_1047 : vector<16xi32>
          %max3A_1049 = arith.constant 0 : i32
          %max3A_1050 = vector.broadcast %max3A_1049 : i32 to vector<16xi32>
          %max3A_1051 = arith.maxsi %sub3A_1048, %max3A_1050 : vector<16xi32>
          %broadcast_in_dim3A_1052 = vector.shape_cast %max3A_1051 : vector<16xi32> to vector<16x1xi32>
          %gather3A_1053 = vector.shape_cast %broadcast_in_dim3A_1052 : vector<16x1xi32> to vector<16xi32>
          %gather3A_1054 = tpu.dynamic_gather %select_n3A_1045[%gather3A_1053] in [0] : vector<16xf32>, vector<16xi32> -> vector<16xf32>
          %sub3A_1055 = arith.constant 4 : i32
          %sub3A_1056 = vector.broadcast %sub3A_1055 : i32 to vector<16xi32>
          %sub3A_1057 = arith.subi %iota3A, %sub3A_1056 : vector<16xi32>
          %max3A_1058 = arith.constant 0 : i32
          %max3A_1059 = vector.broadcast %max3A_1058 : i32 to vector<16xi32>
          %max3A_1060 = arith.maxsi %sub3A_1057, %max3A_1059 : vector<16xi32>
          %broadcast_in_dim3A_1061 = vector.shape_cast %max3A_1060 : vector<16xi32> to vector<16x1xi32>
          %gather3A_1062 = vector.shape_cast %broadcast_in_dim3A_1061 : vector<16x1xi32> to vector<16xi32>
          %gather3A_1063 = tpu.dynamic_gather %get3A_995[%gather3A_1062] in [0] : vector<16xi32>, vector<16xi32> -> vector<16xi32>
          %ge3A_1064 = arith.constant 4 : i32
          %ge3A_1065 = vector.broadcast %ge3A_1064 : i32 to vector<16xi32>
          %ge3A_1066 = arith.cmpi sge, %iota3A, %ge3A_1065 : vector<16xi32>
          %eq3A_1067 = arith.cmpi eq, %get3A_995, %gather3A_1063 : vector<16xi32>
          %and3A_1068 = arith.andi %ge3A_1066, %eq3A_1067 : vector<16xi1>
          %max3A_1069 = arith.maximumf %select_n3A_1045, %gather3A_1054 : vector<16xf32>
          %select_n3A_1070 = arith.select %and3A_1068, %max3A_1069, %select_n3A_1045 : vector<16xi1>, vector<16xf32>
          %sub3A_1071 = arith.constant 8 : i32
          %sub3A_1072 = vector.broadcast %sub3A_1071 : i32 to vector<16xi32>
          %sub3A_1073 = arith.subi %iota3A, %sub3A_1072 : vector<16xi32>
          %max3A_1074 = arith.constant 0 : i32
          %max3A_1075 = vector.broadcast %max3A_1074 : i32 to vector<16xi32>
          %max3A_1076 = arith.maxsi %sub3A_1073, %max3A_1075 : vector<16xi32>
          %broadcast_in_dim3A_1077 = vector.shape_cast %max3A_1076 : vector<16xi32> to vector<16x1xi32>
          %gather3A_1078 = vector.shape_cast %broadcast_in_dim3A_1077 : vector<16x1xi32> to vector<16xi32>
          %gather3A_1079 = tpu.dynamic_gather %select_n3A_1070[%gather3A_1078] in [0] : vector<16xf32>, vector<16xi32> -> vector<16xf32>
          %sub3A_1080 = arith.constant 8 : i32
          %sub3A_1081 = vector.broadcast %sub3A_1080 : i32 to vector<16xi32>
          %sub3A_1082 = arith.subi %iota3A, %sub3A_1081 : vector<16xi32>
          %max3A_1083 = arith.constant 0 : i32
          %max3A_1084 = vector.broadcast %max3A_1083 : i32 to vector<16xi32>
          %max3A_1085 = arith.maxsi %sub3A_1082, %max3A_1084 : vector<16xi32>
          %broadcast_in_dim3A_1086 = vector.shape_cast %max3A_1085 : vector<16xi32> to vector<16x1xi32>
          %gather3A_1087 = vector.shape_cast %broadcast_in_dim3A_1086 : vector<16x1xi32> to vector<16xi32>
          %gather3A_1088 = tpu.dynamic_gather %get3A_995[%gather3A_1087] in [0] : vector<16xi32>, vector<16xi32> -> vector<16xi32>
          %ge3A_1089 = arith.constant 8 : i32
          %ge3A_1090 = vector.broadcast %ge3A_1089 : i32 to vector<16xi32>
          %ge3A_1091 = arith.cmpi sge, %iota3A, %ge3A_1090 : vector<16xi32>
          %eq3A_1092 = arith.cmpi eq, %get3A_995, %gather3A_1088 : vector<16xi32>
          %and3A_1093 = arith.andi %ge3A_1091, %eq3A_1092 : vector<16xi1>
          %max3A_1094 = arith.maximumf %select_n3A_1070, %gather3A_1079 : vector<16xf32>
          %select_n3A_1095 = arith.select %and3A_1093, %max3A_1094, %select_n3A_1070 : vector<16xi1>, vector<16xf32>
          %add3A_1096 = arith.constant 1 : i32
          %add3A_1097 = vector.broadcast %add3A_1096 : i32 to vector<16xi32>
          %add3A_1098 = arith.addi %iota3A, %add3A_1097 : vector<16xi32>
          %min3A_1099 = arith.constant 15 : i32
          %min3A_1100 = vector.broadcast %min3A_1099 : i32 to vector<16xi32>
          %min3A_1101 = arith.minsi %add3A_1098, %min3A_1100 : vector<16xi32>
          %broadcast_in_dim3A_1102 = vector.shape_cast %min3A_1101 : vector<16xi32> to vector<16x1xi32>
          %gather3A_1103 = vector.shape_cast %broadcast_in_dim3A_1102 : vector<16x1xi32> to vector<16xi32>
          %gather3A_1104 = tpu.dynamic_gather %get3A_995[%gather3A_1103] in [0] : vector<16xi32>, vector<16xi32> -> vector<16xi32>
          %eq3A_1105 = arith.constant 15 : i32
          %eq3A_1106 = vector.broadcast %eq3A_1105 : i32 to vector<16xi32>
          %eq3A_1107 = arith.cmpi eq, %iota3A, %eq3A_1106 : vector<16xi32>
          %ne3A_1108 = arith.cmpi ne, %get3A_995, %gather3A_1104 : vector<16xi32>
          %or3A_1109 = arith.ori %eq3A_1107, %ne3A_1108 : vector<16xi1>
          %gather3A_1110 = tpu.vector_load_idx %arg15[%get3A_995] : memref<50000xf32, #tpu.memory_space<vmem>>[vector<16xi32>], vector<16xf32>,
          %max3A_1111 = arith.maximumf %gather3A_1110, %select_n3A_1095 : vector<16xf32>
          tpu.vector_store_idx %arg15[%get3A_995], %max3A_1111 masked %or3A_1109 : memref<50000xf32, #tpu.memory_space<vmem>>[vector<16xi32>], vector<16xf32>, vector<16xi1>
          "tpu.region"() ({
            %run_scoped3A = tpu.sem_alloc : memref<!tpu.dma_semaphore, #tpu.memory_space<semaphore_mem>>
            %dma_start3A = arith.constant 0 : i32
            %dma_start3A_1113 = tpu.memref_slice %arg12[%scan3A_58, %dma_start3A] : memref<32x128xf32, #tpu.memory_space<vmem>> -> memref<1x128xf32, #tpu.memory_space<vmem>>
            %dma_start3A_1114 = tpu.memref_squeeze %dma_start3A_1113 : memref<1x128xf32, #tpu.memory_space<vmem>> -> memref<128xf32, #tpu.memory_space<vmem>>
            %dma_start3A_1115 = arith.constant 0 : i32
            %dma_start3A_1116 = tpu.memref_slice %arg11[%scan3A_58, %dma_start3A_1115] : memref<32x128xi32, #tpu.memory_space<vmem>> -> memref<1x128xi32, #tpu.memory_space<vmem>>
            %dma_start3A_1117 = tpu.memref_squeeze %dma_start3A_1116 : memref<1x128xi32, #tpu.memory_space<vmem>> -> memref<128xi32, #tpu.memory_space<vmem>>
            %dma_start3A_1118 = arith.constant 0 : i32
            %dma_start3A_1119 = tpu.memref_slice %arg16[%dma_start3A_1118] : memref<50000xf32, #tpu.memory_space<vmem_shared>> -> memref<50000xf32, #tpu.memory_space<vmem_shared>>
            tpu.enqueue_indirect_dma source(%dma_start3A_1114 : memref<128xf32, #tpu.memory_space<vmem>>) target(%dma_start3A_1119 : memref<50000xf32, #tpu.memory_space<vmem_shared>>) offsets(%dma_start3A_1117 : memref<128xi32, #tpu.memory_space<vmem>>) semaphore(%run_scoped3A : memref<!tpu.dma_semaphore, #tpu.memory_space<semaphore_mem>>) {add = true}
            %dma_wait3A = arith.constant 0 : i32
            %dma_wait3A_1120 = tpu.memref_slice %arg12[%scan3A_58, %dma_wait3A] : memref<32x128xf32, #tpu.memory_space<vmem>> -> memref<1x128xf32, #tpu.memory_space<vmem>>
            %dma_wait3A_1121 = tpu.memref_squeeze %dma_wait3A_1120 : memref<1x128xf32, #tpu.memory_space<vmem>> -> memref<128xf32, #tpu.memory_space<vmem>>
            %dma_wait3A_1122 = arith.constant 0 : i32
            %dma_wait3A_1123 = tpu.memref_slice %arg11[%scan3A_58, %dma_wait3A_1122] : memref<32x128xi32, #tpu.memory_space<vmem>> -> memref<1x128xi32, #tpu.memory_space<vmem>>
            %dma_wait3A_1124 = tpu.memref_squeeze %dma_wait3A_1123 : memref<1x128xi32, #tpu.memory_space<vmem>> -> memref<128xi32, #tpu.memory_space<vmem>>
            %dma_wait3A_1125 = arith.constant 0 : i32
            %dma_wait3A_1126 = tpu.memref_slice %arg16[%dma_wait3A_1125] : memref<50000xf32, #tpu.memory_space<vmem_shared>> -> memref<50000xf32, #tpu.memory_space<vmem_shared>>
            tpu.wait_indirect_dma semaphore(%run_scoped3A : memref<!tpu.dma_semaphore, #tpu.memory_space<semaphore_mem>>) src(%dma_wait3A_1121 : memref<128xf32, #tpu.memory_space<vmem>>) dst(%dma_wait3A_1126 : memref<50000xf32, #tpu.memory_space<vmem_shared>>)
            tpu.yield
          }) : () -> ()
          "tpu.region"() ({
            %run_scoped3A = tpu.sem_alloc : memref<!tpu.dma_semaphore, #tpu.memory_space<semaphore_mem>>
            %dma_start3A = arith.constant 0 : i32
            %dma_start3A_1113 = tpu.memref_slice %arg13[%scan3A_58, %dma_start3A] : memref<32x128xf32, #tpu.memory_space<vmem>> -> memref<1x128xf32, #tpu.memory_space<vmem>>
            %dma_start3A_1114 = tpu.memref_squeeze %dma_start3A_1113 : memref<1x128xf32, #tpu.memory_space<vmem>> -> memref<128xf32, #tpu.memory_space<vmem>>
            %dma_start3A_1115 = arith.constant 0 : i32
            %dma_start3A_1116 = tpu.memref_slice %arg11[%scan3A_58, %dma_start3A_1115] : memref<32x128xi32, #tpu.memory_space<vmem>> -> memref<1x128xi32, #tpu.memory_space<vmem>>
            %dma_start3A_1117 = tpu.memref_squeeze %dma_start3A_1116 : memref<1x128xi32, #tpu.memory_space<vmem>> -> memref<128xi32, #tpu.memory_space<vmem>>
            %dma_start3A_1118 = arith.constant 0 : i32
            %dma_start3A_1119 = tpu.memref_slice %arg17[%dma_start3A_1118] : memref<50000xf32, #tpu.memory_space<vmem_shared>> -> memref<50000xf32, #tpu.memory_space<vmem_shared>>
            tpu.enqueue_indirect_dma source(%dma_start3A_1114 : memref<128xf32, #tpu.memory_space<vmem>>) target(%dma_start3A_1119 : memref<50000xf32, #tpu.memory_space<vmem_shared>>) offsets(%dma_start3A_1117 : memref<128xi32, #tpu.memory_space<vmem>>) semaphore(%run_scoped3A : memref<!tpu.dma_semaphore, #tpu.memory_space<semaphore_mem>>) {add = true}
            %dma_wait3A = arith.constant 0 : i32
            %dma_wait3A_1120 = tpu.memref_slice %arg13[%scan3A_58, %dma_wait3A] : memref<32x128xf32, #tpu.memory_space<vmem>> -> memref<1x128xf32, #tpu.memory_space<vmem>>
            %dma_wait3A_1121 = tpu.memref_squeeze %dma_wait3A_1120 : memref<1x128xf32, #tpu.memory_space<vmem>> -> memref<128xf32, #tpu.memory_space<vmem>>
            %dma_wait3A_1122 = arith.constant 0 : i32
            %dma_wait3A_1123 = tpu.memref_slice %arg11[%scan3A_58, %dma_wait3A_1122] : memref<32x128xi32, #tpu.memory_space<vmem>> -> memref<1x128xi32, #tpu.memory_space<vmem>>
            %dma_wait3A_1124 = tpu.memref_squeeze %dma_wait3A_1123 : memref<1x128xi32, #tpu.memory_space<vmem>> -> memref<128xi32, #tpu.memory_space<vmem>>
            %dma_wait3A_1125 = arith.constant 0 : i32
            %dma_wait3A_1126 = tpu.memref_slice %arg17[%dma_wait3A_1125] : memref<50000xf32, #tpu.memory_space<vmem_shared>> -> memref<50000xf32, #tpu.memory_space<vmem_shared>>
            tpu.wait_indirect_dma semaphore(%run_scoped3A : memref<!tpu.dma_semaphore, #tpu.memory_space<semaphore_mem>>) src(%dma_wait3A_1121 : memref<128xf32, #tpu.memory_space<vmem>>) dst(%dma_wait3A_1126 : memref<50000xf32, #tpu.memory_space<vmem_shared>>)
            tpu.yield
          }) : () -> ()
          "tpu.region"() ({
            %run_scoped3A = tpu.sem_alloc : memref<!tpu.dma_semaphore, #tpu.memory_space<semaphore_mem>>
            %dma_start3A = arith.constant 0 : i32
            %dma_start3A_1113 = tpu.memref_slice %arg10[%scan3A_58, %dma_start3A] : memref<32x128xf32, #tpu.memory_space<vmem>> -> memref<1x128xf32, #tpu.memory_space<vmem>>
            %dma_start3A_1114 = tpu.memref_squeeze %dma_start3A_1113 : memref<1x128xf32, #tpu.memory_space<vmem>> -> memref<128xf32, #tpu.memory_space<vmem>>
            %dma_start3A_1115 = arith.constant 0 : i32
            %dma_start3A_1116 = tpu.memref_slice %arg11[%scan3A_58, %dma_start3A_1115] : memref<32x128xi32, #tpu.memory_space<vmem>> -> memref<1x128xi32, #tpu.memory_space<vmem>>
            %dma_start3A_1117 = tpu.memref_squeeze %dma_start3A_1116 : memref<1x128xi32, #tpu.memory_space<vmem>> -> memref<128xi32, #tpu.memory_space<vmem>>
            %dma_start3A_1118 = arith.constant 0 : i32
            %dma_start3A_1119 = tpu.memref_slice %arg18[%dma_start3A_1118] : memref<50000xf32, #tpu.memory_space<vmem_shared>> -> memref<50000xf32, #tpu.memory_space<vmem_shared>>
            tpu.enqueue_indirect_dma source(%dma_start3A_1114 : memref<128xf32, #tpu.memory_space<vmem>>) target(%dma_start3A_1119 : memref<50000xf32, #tpu.memory_space<vmem_shared>>) offsets(%dma_start3A_1117 : memref<128xi32, #tpu.memory_space<vmem>>) semaphore(%run_scoped3A : memref<!tpu.dma_semaphore, #tpu.memory_space<semaphore_mem>>) {add = true}
            %dma_wait3A = arith.constant 0 : i32
            %dma_wait3A_1120 = tpu.memref_slice %arg10[%scan3A_58, %dma_wait3A] : memref<32x128xf32, #tpu.memory_space<vmem>> -> memref<1x128xf32, #tpu.memory_space<vmem>>
            %dma_wait3A_1121 = tpu.memref_squeeze %dma_wait3A_1120 : memref<1x128xf32, #tpu.memory_space<vmem>> -> memref<128xf32, #tpu.memory_space<vmem>>
            %dma_wait3A_1122 = arith.constant 0 : i32
            %dma_wait3A_1123 = tpu.memref_slice %arg11[%scan3A_58, %dma_wait3A_1122] : memref<32x128xi32, #tpu.memory_space<vmem>> -> memref<1x128xi32, #tpu.memory_space<vmem>>
            %dma_wait3A_1124 = tpu.memref_squeeze %dma_wait3A_1123 : memref<1x128xi32, #tpu.memory_space<vmem>> -> memref<128xi32, #tpu.memory_space<vmem>>
            %dma_wait3A_1125 = arith.constant 0 : i32
            %dma_wait3A_1126 = tpu.memref_slice %arg18[%dma_wait3A_1125] : memref<50000xf32, #tpu.memory_space<vmem_shared>> -> memref<50000xf32, #tpu.memory_space<vmem_shared>>
            tpu.wait_indirect_dma semaphore(%run_scoped3A : memref<!tpu.dma_semaphore, #tpu.memory_space<semaphore_mem>>) src(%dma_wait3A_1121 : memref<128xf32, #tpu.memory_space<vmem>>) dst(%dma_wait3A_1126 : memref<50000xf32, #tpu.memory_space<vmem_shared>>)
            tpu.yield
          }) : () -> ()
          %scan3A_1112 = arith.constant 0 : i32
          scf.yield %scan3A_1112 : i32
        }
        %scan3A_57 = arith.constant 32 : i32
      } else {
      }
      %scan3A_48 = arith.constant 0 : i32
      scf.yield %scan3A_48 : i32
    }
    %scan3A_16 = arith.constant 13 : i32
    %eq3A_17 = arith.constant 31 : i32
    %eq3A_18 = arith.cmpi eq, %add3A, %eq3A_17 : i32
    %convert_element_type3A_19 = arith.extui %eq3A_18 : i1 to i32
    %cond3A_20 = arith.constant 0 : i32
    %cond3A_21 = arith.cmpi ne, %convert_element_type3A_19, %cond3A_20 : i32
    scf.if %cond3A_21 {
      "tpu.region"() ({
        %run_scoped3A = tpu.sem_alloc : memref<!tpu.dma_semaphore, #tpu.memory_space<semaphore_mem>>
        %dma_start3A = arith.constant 0 : i32
        %dma_start3A_45 = arith.constant 0 : i32
        %dma_start3A_46 = tpu.memref_slice %arg9[%dma_start3A, %dma_start3A_45] : memref<32x128xf32, #tpu.memory_space<vmem>> -> memref<20x128xf32, #tpu.memory_space<vmem>>
        %dma_start3A_47 = arith.constant 12480 : i32
        %dma_start3A_48 = arith.constant 0 : i32
        %dma_start3A_49 = tpu.memref_slice %arg2[%dma_start3A_47, %dma_start3A_48] : memref<12500x128xf32, #tpu.memory_space<hbm>> -> memref<20x128xf32, #tpu.memory_space<hbm>>
        %dma_start3A_50 = arith.constant 0 : i32
        %dma_start3A_51 = arith.constant 0 : i32
        %dma_start3A_52 = tpu.memref_slice %arg9[%dma_start3A_50, %dma_start3A_51] : memref<32x128xf32, #tpu.memory_space<vmem>> -> memref<20x128xf32, #tpu.memory_space<vmem>>
        %dma_start3A_53 = arith.constant 12480 : i32
        %dma_start3A_54 = arith.constant 0 : i32
        %dma_start3A_55 = tpu.memref_slice %arg2[%dma_start3A_53, %dma_start3A_54] : memref<12500x128xf32, #tpu.memory_space<hbm>> -> memref<20x128xf32, #tpu.memory_space<hbm>>
        tpu.enqueue_dma source(%dma_start3A_55 : memref<20x128xf32, #tpu.memory_space<hbm>>) target(%dma_start3A_52 : memref<20x128xf32, #tpu.memory_space<vmem>>) target_semaphore(%run_scoped3A : memref<!tpu.dma_semaphore, #tpu.memory_space<semaphore_mem>>)
        %dma_wait3A = arith.constant 0 : i32
        %dma_wait3A_56 = arith.constant 0 : i32
        %dma_wait3A_57 = tpu.memref_slice %arg9[%dma_wait3A, %dma_wait3A_56] : memref<32x128xf32, #tpu.memory_space<vmem>> -> memref<20x128xf32, #tpu.memory_space<vmem>>
        %dma_wait3A_58 = arith.constant 12480 : i32
        %dma_wait3A_59 = arith.constant 0 : i32
        %dma_wait3A_60 = tpu.memref_slice %arg2[%dma_wait3A_58, %dma_wait3A_59] : memref<12500x128xf32, #tpu.memory_space<hbm>> -> memref<20x128xf32, #tpu.memory_space<hbm>>
        %dma_wait3A_61 = arith.constant 0 : i32
        %dma_wait3A_62 = arith.constant 0 : i32
        %dma_wait3A_63 = tpu.memref_slice %arg9[%dma_wait3A_61, %dma_wait3A_62] : memref<32x128xf32, #tpu.memory_space<vmem>> -> memref<20x128xf32, #tpu.memory_space<vmem>>
        %dma_wait3A_64 = arith.constant 12480 : i32
        %dma_wait3A_65 = arith.constant 0 : i32
        %dma_wait3A_66 = tpu.memref_slice %arg2[%dma_wait3A_64, %dma_wait3A_65] : memref<12500x128xf32, #tpu.memory_space<hbm>> -> memref<20x128xf32, #tpu.memory_space<hbm>>
        tpu.wait_dma2 semaphore(%run_scoped3A : memref<!tpu.dma_semaphore, #tpu.memory_space<semaphore_mem>>) src(%dma_wait3A_66 : memref<20x128xf32, #tpu.memory_space<hbm>>) dst(%dma_wait3A_63 : memref<20x128xf32, #tpu.memory_space<vmem>>)
        tpu.yield
      }) : () -> ()
      "tpu.region"() ({
        %run_scoped3A = tpu.sem_alloc : memref<!tpu.dma_semaphore, #tpu.memory_space<semaphore_mem>>
        %dma_start3A = arith.constant 0 : i32
        %dma_start3A_45 = arith.constant 0 : i32
        %dma_start3A_46 = tpu.memref_slice %arg10[%dma_start3A, %dma_start3A_45] : memref<32x128xf32, #tpu.memory_space<vmem>> -> memref<20x128xf32, #tpu.memory_space<vmem>>
        %dma_start3A_47 = arith.constant 12480 : i32
        %dma_start3A_48 = arith.constant 0 : i32
        %dma_start3A_49 = tpu.memref_slice %arg3[%dma_start3A_47, %dma_start3A_48] : memref<12500x128xf32, #tpu.memory_space<hbm>> -> memref<20x128xf32, #tpu.memory_space<hbm>>
        %dma_start3A_50 = arith.constant 0 : i32
        %dma_start3A_51 = arith.constant 0 : i32
        %dma_start3A_52 = tpu.memref_slice %arg10[%dma_start3A_50, %dma_start3A_51] : memref<32x128xf32, #tpu.memory_space<vmem>> -> memref<20x128xf32, #tpu.memory_space<vmem>>
        %dma_start3A_53 = arith.constant 12480 : i32
        %dma_start3A_54 = arith.constant 0 : i32
        %dma_start3A_55 = tpu.memref_slice %arg3[%dma_start3A_53, %dma_start3A_54] : memref<12500x128xf32, #tpu.memory_space<hbm>> -> memref<20x128xf32, #tpu.memory_space<hbm>>
        tpu.enqueue_dma source(%dma_start3A_55 : memref<20x128xf32, #tpu.memory_space<hbm>>) target(%dma_start3A_52 : memref<20x128xf32, #tpu.memory_space<vmem>>) target_semaphore(%run_scoped3A : memref<!tpu.dma_semaphore, #tpu.memory_space<semaphore_mem>>)
        %dma_wait3A = arith.constant 0 : i32
        %dma_wait3A_56 = arith.constant 0 : i32
        %dma_wait3A_57 = tpu.memref_slice %arg10[%dma_wait3A, %dma_wait3A_56] : memref<32x128xf32, #tpu.memory_space<vmem>> -> memref<20x128xf32, #tpu.memory_space<vmem>>
        %dma_wait3A_58 = arith.constant 12480 : i32
        %dma_wait3A_59 = arith.constant 0 : i32
        %dma_wait3A_60 = tpu.memref_slice %arg3[%dma_wait3A_58, %dma_wait3A_59] : memref<12500x128xf32, #tpu.memory_space<hbm>> -> memref<20x128xf32, #tpu.memory_space<hbm>>
        %dma_wait3A_61 = arith.constant 0 : i32
        %dma_wait3A_62 = arith.constant 0 : i32
        %dma_wait3A_63 = tpu.memref_slice %arg10[%dma_wait3A_61, %dma_wait3A_62] : memref<32x128xf32, #tpu.memory_space<vmem>> -> memref<20x128xf32, #tpu.memory_space<vmem>>
        %dma_wait3A_64 = arith.constant 12480 : i32
        %dma_wait3A_65 = arith.constant 0 : i32
        %dma_wait3A_66 = tpu.memref_slice %arg3[%dma_wait3A_64, %dma_wait3A_65] : memref<12500x128xf32, #tpu.memory_space<hbm>> -> memref<20x128xf32, #tpu.memory_space<hbm>>
        tpu.wait_dma2 semaphore(%run_scoped3A : memref<!tpu.dma_semaphore, #tpu.memory_space<semaphore_mem>>) src(%dma_wait3A_66 : memref<20x128xf32, #tpu.memory_space<hbm>>) dst(%dma_wait3A_63 : memref<20x128xf32, #tpu.memory_space<vmem>>)
        tpu.yield
      }) : () -> ()
      "tpu.region"() ({
        %run_scoped3A = tpu.sem_alloc : memref<!tpu.dma_semaphore, #tpu.memory_space<semaphore_mem>>
        %dma_start3A = arith.constant 0 : i32
        %dma_start3A_45 = arith.constant 0 : i32
        %dma_start3A_46 = tpu.memref_slice %arg11[%dma_start3A, %dma_start3A_45] : memref<32x128xi32, #tpu.memory_space<vmem>> -> memref<20x128xi32, #tpu.memory_space<vmem>>
        %dma_start3A_47 = arith.constant 12480 : i32
        %dma_start3A_48 = arith.constant 0 : i32
        %dma_start3A_49 = tpu.memref_slice %arg4[%dma_start3A_47, %dma_start3A_48] : memref<12500x128xi32, #tpu.memory_space<hbm>> -> memref<20x128xi32, #tpu.memory_space<hbm>>
        %dma_start3A_50 = arith.constant 0 : i32
        %dma_start3A_51 = arith.constant 0 : i32
        %dma_start3A_52 = tpu.memref_slice %arg11[%dma_start3A_50, %dma_start3A_51] : memref<32x128xi32, #tpu.memory_space<vmem>> -> memref<20x128xi32, #tpu.memory_space<vmem>>
        %dma_start3A_53 = arith.constant 12480 : i32
        %dma_start3A_54 = arith.constant 0 : i32
        %dma_start3A_55 = tpu.memref_slice %arg4[%dma_start3A_53, %dma_start3A_54] : memref<12500x128xi32, #tpu.memory_space<hbm>> -> memref<20x128xi32, #tpu.memory_space<hbm>>
        tpu.enqueue_dma source(%dma_start3A_55 : memref<20x128xi32, #tpu.memory_space<hbm>>) target(%dma_start3A_52 : memref<20x128xi32, #tpu.memory_space<vmem>>) target_semaphore(%run_scoped3A : memref<!tpu.dma_semaphore, #tpu.memory_space<semaphore_mem>>)
        %dma_wait3A = arith.constant 0 : i32
        %dma_wait3A_56 = arith.constant 0 : i32
        %dma_wait3A_57 = tpu.memref_slice %arg11[%dma_wait3A, %dma_wait3A_56] : memref<32x128xi32, #tpu.memory_space<vmem>> -> memref<20x128xi32, #tpu.memory_space<vmem>>
        %dma_wait3A_58 = arith.constant 12480 : i32
        %dma_wait3A_59 = arith.constant 0 : i32
        %dma_wait3A_60 = tpu.memref_slice %arg4[%dma_wait3A_58, %dma_wait3A_59] : memref<12500x128xi32, #tpu.memory_space<hbm>> -> memref<20x128xi32, #tpu.memory_space<hbm>>
        %dma_wait3A_61 = arith.constant 0 : i32
        %dma_wait3A_62 = arith.constant 0 : i32
        %dma_wait3A_63 = tpu.memref_slice %arg11[%dma_wait3A_61, %dma_wait3A_62] : memref<32x128xi32, #tpu.memory_space<vmem>> -> memref<20x128xi32, #tpu.memory_space<vmem>>
        %dma_wait3A_64 = arith.constant 12480 : i32
        %dma_wait3A_65 = arith.constant 0 : i32
        %dma_wait3A_66 = tpu.memref_slice %arg4[%dma_wait3A_64, %dma_wait3A_65] : memref<12500x128xi32, #tpu.memory_space<hbm>> -> memref<20x128xi32, #tpu.memory_space<hbm>>
        tpu.wait_dma2 semaphore(%run_scoped3A : memref<!tpu.dma_semaphore, #tpu.memory_space<semaphore_mem>>) src(%dma_wait3A_66 : memref<20x128xi32, #tpu.memory_space<hbm>>) dst(%dma_wait3A_63 : memref<20x128xi32, #tpu.memory_space<vmem>>)
        tpu.yield
      }) : () -> ()
      %scan3A_38 = arith.constant 0 : i32
      %scan3A_39 = arith.constant 0 : i32
      %scan3A_40 = arith.constant 20 : i32
      %scan3A_41 = arith.addi %scan3A_39, %scan3A_40 : i32
      %scan3A_42 = arith.constant 1 : i32
      %scan3A_43 = scf.for %scan3A_45 = %scan3A_39 to %scan3A_41 step %scan3A_42 iter_args(%scan3A_46 = %scan3A_38) -> (i32)  : i32 {
        %get3A = arith.index_cast %scan3A_45 : i32 to index
        %get3A_47 = arith.constant 0 : index
        %get3A_48 = tpu.vector_load %arg9[%get3A, %get3A_47] {strides = array<i32>} : memref<32x128xf32, #tpu.memory_space<vmem>>, vector<16xf32>,
        %get3A_49 = arith.index_cast %scan3A_45 : i32 to index
        %get3A_50 = arith.constant 0 : index
        %get3A_51 = tpu.vector_load %arg10[%get3A_49, %get3A_50] {strides = array<i32>} : memref<32x128xf32, #tpu.memory_space<vmem>>, vector<16xf32>,
        %exp3A = math.exp %get3A_48 : vector<16xf32>
        %swap3A = arith.index_cast %scan3A_45 : i32 to index
        %swap3A_52 = arith.constant 0 : index
        %swap3A_53 = tpu.vector_load %arg12[%swap3A, %swap3A_52] {strides = array<i32>} : memref<32x128xf32, #tpu.memory_space<vmem>>, vector<16xf32>,
        tpu.vector_store %arg12[%swap3A, %swap3A_52], %exp3A {strides = array<i32>} : memref<32x128xf32, #tpu.memory_space<vmem>>, vector<16xf32>,
        %mul3A_54 = arith.mulf %get3A_48, %get3A_51 : vector<16xf32>
        %swap3A_55 = arith.index_cast %scan3A_45 : i32 to index
        %swap3A_56 = arith.constant 0 : index
        %swap3A_57 = tpu.vector_load %arg13[%swap3A_55, %swap3A_56] {strides = array<i32>} : memref<32x128xf32, #tpu.memory_space<vmem>>, vector<16xf32>,
        tpu.vector_store %arg13[%swap3A_55, %swap3A_56], %mul3A_54 {strides = array<i32>} : memref<32x128xf32, #tpu.memory_space<vmem>>, vector<16xf32>,
        %get3A_58 = arith.index_cast %scan3A_45 : i32 to index
        %get3A_59 = arith.constant 0 : index
        %get3A_60 = tpu.vector_load %arg11[%get3A_58, %get3A_59] {strides = array<i32>} : memref<32x128xi32, #tpu.memory_space<vmem>>, vector<16xi32>,
        %sub3A = arith.constant 1 : i32
        %sub3A_61 = vector.broadcast %sub3A : i32 to vector<16xi32>
        %sub3A_62 = arith.subi %iota3A, %sub3A_61 : vector<16xi32>
        %max3A = arith.constant 0 : i32
        %max3A_63 = vector.broadcast %max3A : i32 to vector<16xi32>
        %max3A_64 = arith.maxsi %sub3A_62, %max3A_63 : vector<16xi32>
        %broadcast_in_dim3A_65 = vector.shape_cast %max3A_64 : vector<16xi32> to vector<16x1xi32>
        %gather3A = vector.shape_cast %broadcast_in_dim3A_65 : vector<16x1xi32> to vector<16xi32>
        %gather3A_66 = tpu.dynamic_gather %get3A_48[%gather3A] in [0] : vector<16xf32>, vector<16xi32> -> vector<16xf32>
        %sub3A_67 = arith.constant 1 : i32
        %sub3A_68 = vector.broadcast %sub3A_67 : i32 to vector<16xi32>
        %sub3A_69 = arith.subi %iota3A, %sub3A_68 : vector<16xi32>
        %max3A_70 = arith.constant 0 : i32
        %max3A_71 = vector.broadcast %max3A_70 : i32 to vector<16xi32>
        %max3A_72 = arith.maxsi %sub3A_69, %max3A_71 : vector<16xi32>
        %broadcast_in_dim3A_73 = vector.shape_cast %max3A_72 : vector<16xi32> to vector<16x1xi32>
        %gather3A_74 = vector.shape_cast %broadcast_in_dim3A_73 : vector<16x1xi32> to vector<16xi32>
        %gather3A_75 = tpu.dynamic_gather %get3A_60[%gather3A_74] in [0] : vector<16xi32>, vector<16xi32> -> vector<16xi32>
        %ge3A = arith.constant 1 : i32
        %ge3A_76 = vector.broadcast %ge3A : i32 to vector<16xi32>
        %ge3A_77 = arith.cmpi sge, %iota3A, %ge3A_76 : vector<16xi32>
        %eq3A_78 = arith.cmpi eq, %get3A_60, %gather3A_75 : vector<16xi32>
        %and3A = arith.andi %ge3A_77, %eq3A_78 : vector<16xi1>
        %max3A_79 = arith.maximumf %get3A_48, %gather3A_66 : vector<16xf32>
        %select_n3A = arith.select %and3A, %max3A_79, %get3A_48 : vector<16xi1>, vector<16xf32>
        %sub3A_80 = arith.constant 2 : i32
        %sub3A_81 = vector.broadcast %sub3A_80 : i32 to vector<16xi32>
        %sub3A_82 = arith.subi %iota3A, %sub3A_81 : vector<16xi32>
        %max3A_83 = arith.constant 0 : i32
        %max3A_84 = vector.broadcast %max3A_83 : i32 to vector<16xi32>
        %max3A_85 = arith.maxsi %sub3A_82, %max3A_84 : vector<16xi32>
        %broadcast_in_dim3A_86 = vector.shape_cast %max3A_85 : vector<16xi32> to vector<16x1xi32>
        %gather3A_87 = vector.shape_cast %broadcast_in_dim3A_86 : vector<16x1xi32> to vector<16xi32>
        %gather3A_88 = tpu.dynamic_gather %select_n3A[%gather3A_87] in [0] : vector<16xf32>, vector<16xi32> -> vector<16xf32>
        %sub3A_89 = arith.constant 2 : i32
        %sub3A_90 = vector.broadcast %sub3A_89 : i32 to vector<16xi32>
        %sub3A_91 = arith.subi %iota3A, %sub3A_90 : vector<16xi32>
        %max3A_92 = arith.constant 0 : i32
        %max3A_93 = vector.broadcast %max3A_92 : i32 to vector<16xi32>
        %max3A_94 = arith.maxsi %sub3A_91, %max3A_93 : vector<16xi32>
        %broadcast_in_dim3A_95 = vector.shape_cast %max3A_94 : vector<16xi32> to vector<16x1xi32>
        %gather3A_96 = vector.shape_cast %broadcast_in_dim3A_95 : vector<16x1xi32> to vector<16xi32>
        %gather3A_97 = tpu.dynamic_gather %get3A_60[%gather3A_96] in [0] : vector<16xi32>, vector<16xi32> -> vector<16xi32>
        %ge3A_98 = arith.constant 2 : i32
        %ge3A_99 = vector.broadcast %ge3A_98 : i32 to vector<16xi32>
        %ge3A_100 = arith.cmpi sge, %iota3A, %ge3A_99 : vector<16xi32>
        %eq3A_101 = arith.cmpi eq, %get3A_60, %gather3A_97 : vector<16xi32>
        %and3A_102 = arith.andi %ge3A_100, %eq3A_101 : vector<16xi1>
        %max3A_103 = arith.maximumf %select_n3A, %gather3A_88 : vector<16xf32>
        %select_n3A_104 = arith.select %and3A_102, %max3A_103, %select_n3A : vector<16xi1>, vector<16xf32>
        %sub3A_105 = arith.constant 4 : i32
        %sub3A_106 = vector.broadcast %sub3A_105 : i32 to vector<16xi32>
        %sub3A_107 = arith.subi %iota3A, %sub3A_106 : vector<16xi32>
        %max3A_108 = arith.constant 0 : i32
        %max3A_109 = vector.broadcast %max3A_108 : i32 to vector<16xi32>
        %max3A_110 = arith.maxsi %sub3A_107, %max3A_109 : vector<16xi32>
        %broadcast_in_dim3A_111 = vector.shape_cast %max3A_110 : vector<16xi32> to vector<16x1xi32>
        %gather3A_112 = vector.shape_cast %broadcast_in_dim3A_111 : vector<16x1xi32> to vector<16xi32>
        %gather3A_113 = tpu.dynamic_gather %select_n3A_104[%gather3A_112] in [0] : vector<16xf32>, vector<16xi32> -> vector<16xf32>
        %sub3A_114 = arith.constant 4 : i32
        %sub3A_115 = vector.broadcast %sub3A_114 : i32 to vector<16xi32>
        %sub3A_116 = arith.subi %iota3A, %sub3A_115 : vector<16xi32>
        %max3A_117 = arith.constant 0 : i32
        %max3A_118 = vector.broadcast %max3A_117 : i32 to vector<16xi32>
        %max3A_119 = arith.maxsi %sub3A_116, %max3A_118 : vector<16xi32>
        %broadcast_in_dim3A_120 = vector.shape_cast %max3A_119 : vector<16xi32> to vector<16x1xi32>
        %gather3A_121 = vector.shape_cast %broadcast_in_dim3A_120 : vector<16x1xi32> to vector<16xi32>
        %gather3A_122 = tpu.dynamic_gather %get3A_60[%gather3A_121] in [0] : vector<16xi32>, vector<16xi32> -> vector<16xi32>
        %ge3A_123 = arith.constant 4 : i32
        %ge3A_124 = vector.broadcast %ge3A_123 : i32 to vector<16xi32>
        %ge3A_125 = arith.cmpi sge, %iota3A, %ge3A_124 : vector<16xi32>
        %eq3A_126 = arith.cmpi eq, %get3A_60, %gather3A_122 : vector<16xi32>
        %and3A_127 = arith.andi %ge3A_125, %eq3A_126 : vector<16xi1>
        %max3A_128 = arith.maximumf %select_n3A_104, %gather3A_113 : vector<16xf32>
        %select_n3A_129 = arith.select %and3A_127, %max3A_128, %select_n3A_104 : vector<16xi1>, vector<16xf32>
        %sub3A_130 = arith.constant 8 : i32
        %sub3A_131 = vector.broadcast %sub3A_130 : i32 to vector<16xi32>
        %sub3A_132 = arith.subi %iota3A, %sub3A_131 : vector<16xi32>
        %max3A_133 = arith.constant 0 : i32
        %max3A_134 = vector.broadcast %max3A_133 : i32 to vector<16xi32>
        %max3A_135 = arith.maxsi %sub3A_132, %max3A_134 : vector<16xi32>
        %broadcast_in_dim3A_136 = vector.shape_cast %max3A_135 : vector<16xi32> to vector<16x1xi32>
        %gather3A_137 = vector.shape_cast %broadcast_in_dim3A_136 : vector<16x1xi32> to vector<16xi32>
        %gather3A_138 = tpu.dynamic_gather %select_n3A_129[%gather3A_137] in [0] : vector<16xf32>, vector<16xi32> -> vector<16xf32>
        %sub3A_139 = arith.constant 8 : i32
        %sub3A_140 = vector.broadcast %sub3A_139 : i32 to vector<16xi32>
        %sub3A_141 = arith.subi %iota3A, %sub3A_140 : vector<16xi32>
        %max3A_142 = arith.constant 0 : i32
        %max3A_143 = vector.broadcast %max3A_142 : i32 to vector<16xi32>
        %max3A_144 = arith.maxsi %sub3A_141, %max3A_143 : vector<16xi32>
        %broadcast_in_dim3A_145 = vector.shape_cast %max3A_144 : vector<16xi32> to vector<16x1xi32>
        %gather3A_146 = vector.shape_cast %broadcast_in_dim3A_145 : vector<16x1xi32> to vector<16xi32>
        %gather3A_147 = tpu.dynamic_gather %get3A_60[%gather3A_146] in [0] : vector<16xi32>, vector<16xi32> -> vector<16xi32>
        %ge3A_148 = arith.constant 8 : i32
        %ge3A_149 = vector.broadcast %ge3A_148 : i32 to vector<16xi32>
        %ge3A_150 = arith.cmpi sge, %iota3A, %ge3A_149 : vector<16xi32>
        %eq3A_151 = arith.cmpi eq, %get3A_60, %gather3A_147 : vector<16xi32>
        %and3A_152 = arith.andi %ge3A_150, %eq3A_151 : vector<16xi1>
        %max3A_153 = arith.maximumf %select_n3A_129, %gather3A_138 : vector<16xf32>
        %select_n3A_154 = arith.select %and3A_152, %max3A_153, %select_n3A_129 : vector<16xi1>, vector<16xf32>
        %add3A_155 = arith.constant 1 : i32
        %add3A_156 = vector.broadcast %add3A_155 : i32 to vector<16xi32>
        %add3A_157 = arith.addi %iota3A, %add3A_156 : vector<16xi32>
        %min3A = arith.constant 15 : i32
        %min3A_158 = vector.broadcast %min3A : i32 to vector<16xi32>
        %min3A_159 = arith.minsi %add3A_157, %min3A_158 : vector<16xi32>
        %broadcast_in_dim3A_160 = vector.shape_cast %min3A_159 : vector<16xi32> to vector<16x1xi32>
        %gather3A_161 = vector.shape_cast %broadcast_in_dim3A_160 : vector<16x1xi32> to vector<16xi32>
        %gather3A_162 = tpu.dynamic_gather %get3A_60[%gather3A_161] in [0] : vector<16xi32>, vector<16xi32> -> vector<16xi32>
        %eq3A_163 = arith.constant 15 : i32
        %eq3A_164 = vector.broadcast %eq3A_163 : i32 to vector<16xi32>
        %eq3A_165 = arith.cmpi eq, %iota3A, %eq3A_164 : vector<16xi32>
        %ne3A = arith.cmpi ne, %get3A_60, %gather3A_162 : vector<16xi32>
        %or3A = arith.ori %eq3A_165, %ne3A : vector<16xi1>
        %gather3A_166 = tpu.vector_load_idx %arg15[%get3A_60] : memref<50000xf32, #tpu.memory_space<vmem>>[vector<16xi32>], vector<16xf32>,
        %max3A_167 = arith.maximumf %gather3A_166, %select_n3A_154 : vector<16xf32>
        tpu.vector_store_idx %arg15[%get3A_60], %max3A_167 masked %or3A : memref<50000xf32, #tpu.memory_space<vmem>>[vector<16xi32>], vector<16xf32>, vector<16xi1>
        %get3A_168 = arith.index_cast %scan3A_45 : i32 to index
        %get3A_169 = arith.constant 16 : index
        %get3A_170 = tpu.vector_load %arg9[%get3A_168, %get3A_169] {strides = array<i32>} : memref<32x128xf32, #tpu.memory_space<vmem>>, vector<16xf32>,
        %get3A_171 = arith.index_cast %scan3A_45 : i32 to index
        %get3A_172 = arith.constant 16 : index
        %get3A_173 = tpu.vector_load %arg10[%get3A_171, %get3A_172] {strides = array<i32>} : memref<32x128xf32, #tpu.memory_space<vmem>>, vector<16xf32>,
        %exp3A_174 = math.exp %get3A_170 : vector<16xf32>
        %swap3A_175 = arith.index_cast %scan3A_45 : i32 to index
        %swap3A_176 = arith.constant 16 : index
        %swap3A_177 = tpu.vector_load %arg12[%swap3A_175, %swap3A_176] {strides = array<i32>} : memref<32x128xf32, #tpu.memory_space<vmem>>, vector<16xf32>,
        tpu.vector_store %arg12[%swap3A_175, %swap3A_176], %exp3A_174 {strides = array<i32>} : memref<32x128xf32, #tpu.memory_space<vmem>>, vector<16xf32>,
        %mul3A_178 = arith.mulf %get3A_170, %get3A_173 : vector<16xf32>
        %swap3A_179 = arith.index_cast %scan3A_45 : i32 to index
        %swap3A_180 = arith.constant 16 : index
        %swap3A_181 = tpu.vector_load %arg13[%swap3A_179, %swap3A_180] {strides = array<i32>} : memref<32x128xf32, #tpu.memory_space<vmem>>, vector<16xf32>,
        tpu.vector_store %arg13[%swap3A_179, %swap3A_180], %mul3A_178 {strides = array<i32>} : memref<32x128xf32, #tpu.memory_space<vmem>>, vector<16xf32>,
        %get3A_182 = arith.index_cast %scan3A_45 : i32 to index
        %get3A_183 = arith.constant 16 : index
        %get3A_184 = tpu.vector_load %arg11[%get3A_182, %get3A_183] {strides = array<i32>} : memref<32x128xi32, #tpu.memory_space<vmem>>, vector<16xi32>,
        %sub3A_185 = arith.constant 1 : i32
        %sub3A_186 = vector.broadcast %sub3A_185 : i32 to vector<16xi32>
        %sub3A_187 = arith.subi %iota3A, %sub3A_186 : vector<16xi32>
        %max3A_188 = arith.constant 0 : i32
        %max3A_189 = vector.broadcast %max3A_188 : i32 to vector<16xi32>
        %max3A_190 = arith.maxsi %sub3A_187, %max3A_189 : vector<16xi32>
        %broadcast_in_dim3A_191 = vector.shape_cast %max3A_190 : vector<16xi32> to vector<16x1xi32>
        %gather3A_192 = vector.shape_cast %broadcast_in_dim3A_191 : vector<16x1xi32> to vector<16xi32>
        %gather3A_193 = tpu.dynamic_gather %get3A_170[%gather3A_192] in [0] : vector<16xf32>, vector<16xi32> -> vector<16xf32>
        %sub3A_194 = arith.constant 1 : i32
        %sub3A_195 = vector.broadcast %sub3A_194 : i32 to vector<16xi32>
        %sub3A_196 = arith.subi %iota3A, %sub3A_195 : vector<16xi32>
        %max3A_197 = arith.constant 0 : i32
        %max3A_198 = vector.broadcast %max3A_197 : i32 to vector<16xi32>
        %max3A_199 = arith.maxsi %sub3A_196, %max3A_198 : vector<16xi32>
        %broadcast_in_dim3A_200 = vector.shape_cast %max3A_199 : vector<16xi32> to vector<16x1xi32>
        %gather3A_201 = vector.shape_cast %broadcast_in_dim3A_200 : vector<16x1xi32> to vector<16xi32>
        %gather3A_202 = tpu.dynamic_gather %get3A_184[%gather3A_201] in [0] : vector<16xi32>, vector<16xi32> -> vector<16xi32>
        %ge3A_203 = arith.constant 1 : i32
        %ge3A_204 = vector.broadcast %ge3A_203 : i32 to vector<16xi32>
        %ge3A_205 = arith.cmpi sge, %iota3A, %ge3A_204 : vector<16xi32>
        %eq3A_206 = arith.cmpi eq, %get3A_184, %gather3A_202 : vector<16xi32>
        %and3A_207 = arith.andi %ge3A_205, %eq3A_206 : vector<16xi1>
        %max3A_208 = arith.maximumf %get3A_170, %gather3A_193 : vector<16xf32>
        %select_n3A_209 = arith.select %and3A_207, %max3A_208, %get3A_170 : vector<16xi1>, vector<16xf32>
        %sub3A_210 = arith.constant 2 : i32
        %sub3A_211 = vector.broadcast %sub3A_210 : i32 to vector<16xi32>
        %sub3A_212 = arith.subi %iota3A, %sub3A_211 : vector<16xi32>
        %max3A_213 = arith.constant 0 : i32
        %max3A_214 = vector.broadcast %max3A_213 : i32 to vector<16xi32>
        %max3A_215 = arith.maxsi %sub3A_212, %max3A_214 : vector<16xi32>
        %broadcast_in_dim3A_216 = vector.shape_cast %max3A_215 : vector<16xi32> to vector<16x1xi32>
        %gather3A_217 = vector.shape_cast %broadcast_in_dim3A_216 : vector<16x1xi32> to vector<16xi32>
        %gather3A_218 = tpu.dynamic_gather %select_n3A_209[%gather3A_217] in [0] : vector<16xf32>, vector<16xi32> -> vector<16xf32>
        %sub3A_219 = arith.constant 2 : i32
        %sub3A_220 = vector.broadcast %sub3A_219 : i32 to vector<16xi32>
        %sub3A_221 = arith.subi %iota3A, %sub3A_220 : vector<16xi32>
        %max3A_222 = arith.constant 0 : i32
        %max3A_223 = vector.broadcast %max3A_222 : i32 to vector<16xi32>
        %max3A_224 = arith.maxsi %sub3A_221, %max3A_223 : vector<16xi32>
        %broadcast_in_dim3A_225 = vector.shape_cast %max3A_224 : vector<16xi32> to vector<16x1xi32>
        %gather3A_226 = vector.shape_cast %broadcast_in_dim3A_225 : vector<16x1xi32> to vector<16xi32>
        %gather3A_227 = tpu.dynamic_gather %get3A_184[%gather3A_226] in [0] : vector<16xi32>, vector<16xi32> -> vector<16xi32>
        %ge3A_228 = arith.constant 2 : i32
        %ge3A_229 = vector.broadcast %ge3A_228 : i32 to vector<16xi32>
        %ge3A_230 = arith.cmpi sge, %iota3A, %ge3A_229 : vector<16xi32>
        %eq3A_231 = arith.cmpi eq, %get3A_184, %gather3A_227 : vector<16xi32>
        %and3A_232 = arith.andi %ge3A_230, %eq3A_231 : vector<16xi1>
        %max3A_233 = arith.maximumf %select_n3A_209, %gather3A_218 : vector<16xf32>
        %select_n3A_234 = arith.select %and3A_232, %max3A_233, %select_n3A_209 : vector<16xi1>, vector<16xf32>
        %sub3A_235 = arith.constant 4 : i32
        %sub3A_236 = vector.broadcast %sub3A_235 : i32 to vector<16xi32>
        %sub3A_237 = arith.subi %iota3A, %sub3A_236 : vector<16xi32>
        %max3A_238 = arith.constant 0 : i32
        %max3A_239 = vector.broadcast %max3A_238 : i32 to vector<16xi32>
        %max3A_240 = arith.maxsi %sub3A_237, %max3A_239 : vector<16xi32>
        %broadcast_in_dim3A_241 = vector.shape_cast %max3A_240 : vector<16xi32> to vector<16x1xi32>
        %gather3A_242 = vector.shape_cast %broadcast_in_dim3A_241 : vector<16x1xi32> to vector<16xi32>
        %gather3A_243 = tpu.dynamic_gather %select_n3A_234[%gather3A_242] in [0] : vector<16xf32>, vector<16xi32> -> vector<16xf32>
        %sub3A_244 = arith.constant 4 : i32
        %sub3A_245 = vector.broadcast %sub3A_244 : i32 to vector<16xi32>
        %sub3A_246 = arith.subi %iota3A, %sub3A_245 : vector<16xi32>
        %max3A_247 = arith.constant 0 : i32
        %max3A_248 = vector.broadcast %max3A_247 : i32 to vector<16xi32>
        %max3A_249 = arith.maxsi %sub3A_246, %max3A_248 : vector<16xi32>
        %broadcast_in_dim3A_250 = vector.shape_cast %max3A_249 : vector<16xi32> to vector<16x1xi32>
        %gather3A_251 = vector.shape_cast %broadcast_in_dim3A_250 : vector<16x1xi32> to vector<16xi32>
        %gather3A_252 = tpu.dynamic_gather %get3A_184[%gather3A_251] in [0] : vector<16xi32>, vector<16xi32> -> vector<16xi32>
        %ge3A_253 = arith.constant 4 : i32
        %ge3A_254 = vector.broadcast %ge3A_253 : i32 to vector<16xi32>
        %ge3A_255 = arith.cmpi sge, %iota3A, %ge3A_254 : vector<16xi32>
        %eq3A_256 = arith.cmpi eq, %get3A_184, %gather3A_252 : vector<16xi32>
        %and3A_257 = arith.andi %ge3A_255, %eq3A_256 : vector<16xi1>
        %max3A_258 = arith.maximumf %select_n3A_234, %gather3A_243 : vector<16xf32>
        %select_n3A_259 = arith.select %and3A_257, %max3A_258, %select_n3A_234 : vector<16xi1>, vector<16xf32>
        %sub3A_260 = arith.constant 8 : i32
        %sub3A_261 = vector.broadcast %sub3A_260 : i32 to vector<16xi32>
        %sub3A_262 = arith.subi %iota3A, %sub3A_261 : vector<16xi32>
        %max3A_263 = arith.constant 0 : i32
        %max3A_264 = vector.broadcast %max3A_263 : i32 to vector<16xi32>
        %max3A_265 = arith.maxsi %sub3A_262, %max3A_264 : vector<16xi32>
        %broadcast_in_dim3A_266 = vector.shape_cast %max3A_265 : vector<16xi32> to vector<16x1xi32>
        %gather3A_267 = vector.shape_cast %broadcast_in_dim3A_266 : vector<16x1xi32> to vector<16xi32>
        %gather3A_268 = tpu.dynamic_gather %select_n3A_259[%gather3A_267] in [0] : vector<16xf32>, vector<16xi32> -> vector<16xf32>
        %sub3A_269 = arith.constant 8 : i32
        %sub3A_270 = vector.broadcast %sub3A_269 : i32 to vector<16xi32>
        %sub3A_271 = arith.subi %iota3A, %sub3A_270 : vector<16xi32>
        %max3A_272 = arith.constant 0 : i32
        %max3A_273 = vector.broadcast %max3A_272 : i32 to vector<16xi32>
        %max3A_274 = arith.maxsi %sub3A_271, %max3A_273 : vector<16xi32>
        %broadcast_in_dim3A_275 = vector.shape_cast %max3A_274 : vector<16xi32> to vector<16x1xi32>
        %gather3A_276 = vector.shape_cast %broadcast_in_dim3A_275 : vector<16x1xi32> to vector<16xi32>
        %gather3A_277 = tpu.dynamic_gather %get3A_184[%gather3A_276] in [0] : vector<16xi32>, vector<16xi32> -> vector<16xi32>
        %ge3A_278 = arith.constant 8 : i32
        %ge3A_279 = vector.broadcast %ge3A_278 : i32 to vector<16xi32>
        %ge3A_280 = arith.cmpi sge, %iota3A, %ge3A_279 : vector<16xi32>
        %eq3A_281 = arith.cmpi eq, %get3A_184, %gather3A_277 : vector<16xi32>
        %and3A_282 = arith.andi %ge3A_280, %eq3A_281 : vector<16xi1>
        %max3A_283 = arith.maximumf %select_n3A_259, %gather3A_268 : vector<16xf32>
        %select_n3A_284 = arith.select %and3A_282, %max3A_283, %select_n3A_259 : vector<16xi1>, vector<16xf32>
        %add3A_285 = arith.constant 1 : i32
        %add3A_286 = vector.broadcast %add3A_285 : i32 to vector<16xi32>
        %add3A_287 = arith.addi %iota3A, %add3A_286 : vector<16xi32>
        %min3A_288 = arith.constant 15 : i32
        %min3A_289 = vector.broadcast %min3A_288 : i32 to vector<16xi32>
        %min3A_290 = arith.minsi %add3A_287, %min3A_289 : vector<16xi32>
        %broadcast_in_dim3A_291 = vector.shape_cast %min3A_290 : vector<16xi32> to vector<16x1xi32>
        %gather3A_292 = vector.shape_cast %broadcast_in_dim3A_291 : vector<16x1xi32> to vector<16xi32>
        %gather3A_293 = tpu.dynamic_gather %get3A_184[%gather3A_292] in [0] : vector<16xi32>, vector<16xi32> -> vector<16xi32>
        %eq3A_294 = arith.constant 15 : i32
        %eq3A_295 = vector.broadcast %eq3A_294 : i32 to vector<16xi32>
        %eq3A_296 = arith.cmpi eq, %iota3A, %eq3A_295 : vector<16xi32>
        %ne3A_297 = arith.cmpi ne, %get3A_184, %gather3A_293 : vector<16xi32>
        %or3A_298 = arith.ori %eq3A_296, %ne3A_297 : vector<16xi1>
        %gather3A_299 = tpu.vector_load_idx %arg15[%get3A_184] : memref<50000xf32, #tpu.memory_space<vmem>>[vector<16xi32>], vector<16xf32>,
        %max3A_300 = arith.maximumf %gather3A_299, %select_n3A_284 : vector<16xf32>
        tpu.vector_store_idx %arg15[%get3A_184], %max3A_300 masked %or3A_298 : memref<50000xf32, #tpu.memory_space<vmem>>[vector<16xi32>], vector<16xf32>, vector<16xi1>
        %get3A_301 = arith.index_cast %scan3A_45 : i32 to index
        %get3A_302 = arith.constant 32 : index
        %get3A_303 = tpu.vector_load %arg9[%get3A_301, %get3A_302] {strides = array<i32>} : memref<32x128xf32, #tpu.memory_space<vmem>>, vector<16xf32>,
        %get3A_304 = arith.index_cast %scan3A_45 : i32 to index
        %get3A_305 = arith.constant 32 : index
        %get3A_306 = tpu.vector_load %arg10[%get3A_304, %get3A_305] {strides = array<i32>} : memref<32x128xf32, #tpu.memory_space<vmem>>, vector<16xf32>,
        %exp3A_307 = math.exp %get3A_303 : vector<16xf32>
        %swap3A_308 = arith.index_cast %scan3A_45 : i32 to index
        %swap3A_309 = arith.constant 32 : index
        %swap3A_310 = tpu.vector_load %arg12[%swap3A_308, %swap3A_309] {strides = array<i32>} : memref<32x128xf32, #tpu.memory_space<vmem>>, vector<16xf32>,
        tpu.vector_store %arg12[%swap3A_308, %swap3A_309], %exp3A_307 {strides = array<i32>} : memref<32x128xf32, #tpu.memory_space<vmem>>, vector<16xf32>,
        %mul3A_311 = arith.mulf %get3A_303, %get3A_306 : vector<16xf32>
        %swap3A_312 = arith.index_cast %scan3A_45 : i32 to index
        %swap3A_313 = arith.constant 32 : index
        %swap3A_314 = tpu.vector_load %arg13[%swap3A_312, %swap3A_313] {strides = array<i32>} : memref<32x128xf32, #tpu.memory_space<vmem>>, vector<16xf32>,
        tpu.vector_store %arg13[%swap3A_312, %swap3A_313], %mul3A_311 {strides = array<i32>} : memref<32x128xf32, #tpu.memory_space<vmem>>, vector<16xf32>,
        %get3A_315 = arith.index_cast %scan3A_45 : i32 to index
        %get3A_316 = arith.constant 32 : index
        %get3A_317 = tpu.vector_load %arg11[%get3A_315, %get3A_316] {strides = array<i32>} : memref<32x128xi32, #tpu.memory_space<vmem>>, vector<16xi32>,
        %sub3A_318 = arith.constant 1 : i32
        %sub3A_319 = vector.broadcast %sub3A_318 : i32 to vector<16xi32>
        %sub3A_320 = arith.subi %iota3A, %sub3A_319 : vector<16xi32>
        %max3A_321 = arith.constant 0 : i32
        %max3A_322 = vector.broadcast %max3A_321 : i32 to vector<16xi32>
        %max3A_323 = arith.maxsi %sub3A_320, %max3A_322 : vector<16xi32>
        %broadcast_in_dim3A_324 = vector.shape_cast %max3A_323 : vector<16xi32> to vector<16x1xi32>
        %gather3A_325 = vector.shape_cast %broadcast_in_dim3A_324 : vector<16x1xi32> to vector<16xi32>
        %gather3A_326 = tpu.dynamic_gather %get3A_303[%gather3A_325] in [0] : vector<16xf32>, vector<16xi32> -> vector<16xf32>
        %sub3A_327 = arith.constant 1 : i32
        %sub3A_328 = vector.broadcast %sub3A_327 : i32 to vector<16xi32>
        %sub3A_329 = arith.subi %iota3A, %sub3A_328 : vector<16xi32>
        %max3A_330 = arith.constant 0 : i32
        %max3A_331 = vector.broadcast %max3A_330 : i32 to vector<16xi32>
        %max3A_332 = arith.maxsi %sub3A_329, %max3A_331 : vector<16xi32>
        %broadcast_in_dim3A_333 = vector.shape_cast %max3A_332 : vector<16xi32> to vector<16x1xi32>
        %gather3A_334 = vector.shape_cast %broadcast_in_dim3A_333 : vector<16x1xi32> to vector<16xi32>
        %gather3A_335 = tpu.dynamic_gather %get3A_317[%gather3A_334] in [0] : vector<16xi32>, vector<16xi32> -> vector<16xi32>
        %ge3A_336 = arith.constant 1 : i32
        %ge3A_337 = vector.broadcast %ge3A_336 : i32 to vector<16xi32>
        %ge3A_338 = arith.cmpi sge, %iota3A, %ge3A_337 : vector<16xi32>
        %eq3A_339 = arith.cmpi eq, %get3A_317, %gather3A_335 : vector<16xi32>
        %and3A_340 = arith.andi %ge3A_338, %eq3A_339 : vector<16xi1>
        %max3A_341 = arith.maximumf %get3A_303, %gather3A_326 : vector<16xf32>
        %select_n3A_342 = arith.select %and3A_340, %max3A_341, %get3A_303 : vector<16xi1>, vector<16xf32>
        %sub3A_343 = arith.constant 2 : i32
        %sub3A_344 = vector.broadcast %sub3A_343 : i32 to vector<16xi32>
        %sub3A_345 = arith.subi %iota3A, %sub3A_344 : vector<16xi32>
        %max3A_346 = arith.constant 0 : i32
        %max3A_347 = vector.broadcast %max3A_346 : i32 to vector<16xi32>
        %max3A_348 = arith.maxsi %sub3A_345, %max3A_347 : vector<16xi32>
        %broadcast_in_dim3A_349 = vector.shape_cast %max3A_348 : vector<16xi32> to vector<16x1xi32>
        %gather3A_350 = vector.shape_cast %broadcast_in_dim3A_349 : vector<16x1xi32> to vector<16xi32>
        %gather3A_351 = tpu.dynamic_gather %select_n3A_342[%gather3A_350] in [0] : vector<16xf32>, vector<16xi32> -> vector<16xf32>
        %sub3A_352 = arith.constant 2 : i32
        %sub3A_353 = vector.broadcast %sub3A_352 : i32 to vector<16xi32>
        %sub3A_354 = arith.subi %iota3A, %sub3A_353 : vector<16xi32>
        %max3A_355 = arith.constant 0 : i32
        %max3A_356 = vector.broadcast %max3A_355 : i32 to vector<16xi32>
        %max3A_357 = arith.maxsi %sub3A_354, %max3A_356 : vector<16xi32>
        %broadcast_in_dim3A_358 = vector.shape_cast %max3A_357 : vector<16xi32> to vector<16x1xi32>
        %gather3A_359 = vector.shape_cast %broadcast_in_dim3A_358 : vector<16x1xi32> to vector<16xi32>
        %gather3A_360 = tpu.dynamic_gather %get3A_317[%gather3A_359] in [0] : vector<16xi32>, vector<16xi32> -> vector<16xi32>
        %ge3A_361 = arith.constant 2 : i32
        %ge3A_362 = vector.broadcast %ge3A_361 : i32 to vector<16xi32>
        %ge3A_363 = arith.cmpi sge, %iota3A, %ge3A_362 : vector<16xi32>
        %eq3A_364 = arith.cmpi eq, %get3A_317, %gather3A_360 : vector<16xi32>
        %and3A_365 = arith.andi %ge3A_363, %eq3A_364 : vector<16xi1>
        %max3A_366 = arith.maximumf %select_n3A_342, %gather3A_351 : vector<16xf32>
        %select_n3A_367 = arith.select %and3A_365, %max3A_366, %select_n3A_342 : vector<16xi1>, vector<16xf32>
        %sub3A_368 = arith.constant 4 : i32
        %sub3A_369 = vector.broadcast %sub3A_368 : i32 to vector<16xi32>
        %sub3A_370 = arith.subi %iota3A, %sub3A_369 : vector<16xi32>
        %max3A_371 = arith.constant 0 : i32
        %max3A_372 = vector.broadcast %max3A_371 : i32 to vector<16xi32>
        %max3A_373 = arith.maxsi %sub3A_370, %max3A_372 : vector<16xi32>
        %broadcast_in_dim3A_374 = vector.shape_cast %max3A_373 : vector<16xi32> to vector<16x1xi32>
        %gather3A_375 = vector.shape_cast %broadcast_in_dim3A_374 : vector<16x1xi32> to vector<16xi32>
        %gather3A_376 = tpu.dynamic_gather %select_n3A_367[%gather3A_375] in [0] : vector<16xf32>, vector<16xi32> -> vector<16xf32>
        %sub3A_377 = arith.constant 4 : i32
        %sub3A_378 = vector.broadcast %sub3A_377 : i32 to vector<16xi32>
        %sub3A_379 = arith.subi %iota3A, %sub3A_378 : vector<16xi32>
        %max3A_380 = arith.constant 0 : i32
        %max3A_381 = vector.broadcast %max3A_380 : i32 to vector<16xi32>
        %max3A_382 = arith.maxsi %sub3A_379, %max3A_381 : vector<16xi32>
        %broadcast_in_dim3A_383 = vector.shape_cast %max3A_382 : vector<16xi32> to vector<16x1xi32>
        %gather3A_384 = vector.shape_cast %broadcast_in_dim3A_383 : vector<16x1xi32> to vector<16xi32>
        %gather3A_385 = tpu.dynamic_gather %get3A_317[%gather3A_384] in [0] : vector<16xi32>, vector<16xi32> -> vector<16xi32>
        %ge3A_386 = arith.constant 4 : i32
        %ge3A_387 = vector.broadcast %ge3A_386 : i32 to vector<16xi32>
        %ge3A_388 = arith.cmpi sge, %iota3A, %ge3A_387 : vector<16xi32>
        %eq3A_389 = arith.cmpi eq, %get3A_317, %gather3A_385 : vector<16xi32>
        %and3A_390 = arith.andi %ge3A_388, %eq3A_389 : vector<16xi1>
        %max3A_391 = arith.maximumf %select_n3A_367, %gather3A_376 : vector<16xf32>
        %select_n3A_392 = arith.select %and3A_390, %max3A_391, %select_n3A_367 : vector<16xi1>, vector<16xf32>
        %sub3A_393 = arith.constant 8 : i32
        %sub3A_394 = vector.broadcast %sub3A_393 : i32 to vector<16xi32>
        %sub3A_395 = arith.subi %iota3A, %sub3A_394 : vector<16xi32>
        %max3A_396 = arith.constant 0 : i32
        %max3A_397 = vector.broadcast %max3A_396 : i32 to vector<16xi32>
        %max3A_398 = arith.maxsi %sub3A_395, %max3A_397 : vector<16xi32>
        %broadcast_in_dim3A_399 = vector.shape_cast %max3A_398 : vector<16xi32> to vector<16x1xi32>
        %gather3A_400 = vector.shape_cast %broadcast_in_dim3A_399 : vector<16x1xi32> to vector<16xi32>
        %gather3A_401 = tpu.dynamic_gather %select_n3A_392[%gather3A_400] in [0] : vector<16xf32>, vector<16xi32> -> vector<16xf32>
        %sub3A_402 = arith.constant 8 : i32
        %sub3A_403 = vector.broadcast %sub3A_402 : i32 to vector<16xi32>
        %sub3A_404 = arith.subi %iota3A, %sub3A_403 : vector<16xi32>
        %max3A_405 = arith.constant 0 : i32
        %max3A_406 = vector.broadcast %max3A_405 : i32 to vector<16xi32>
        %max3A_407 = arith.maxsi %sub3A_404, %max3A_406 : vector<16xi32>
        %broadcast_in_dim3A_408 = vector.shape_cast %max3A_407 : vector<16xi32> to vector<16x1xi32>
        %gather3A_409 = vector.shape_cast %broadcast_in_dim3A_408 : vector<16x1xi32> to vector<16xi32>
        %gather3A_410 = tpu.dynamic_gather %get3A_317[%gather3A_409] in [0] : vector<16xi32>, vector<16xi32> -> vector<16xi32>
        %ge3A_411 = arith.constant 8 : i32
        %ge3A_412 = vector.broadcast %ge3A_411 : i32 to vector<16xi32>
        %ge3A_413 = arith.cmpi sge, %iota3A, %ge3A_412 : vector<16xi32>
        %eq3A_414 = arith.cmpi eq, %get3A_317, %gather3A_410 : vector<16xi32>
        %and3A_415 = arith.andi %ge3A_413, %eq3A_414 : vector<16xi1>
        %max3A_416 = arith.maximumf %select_n3A_392, %gather3A_401 : vector<16xf32>
        %select_n3A_417 = arith.select %and3A_415, %max3A_416, %select_n3A_392 : vector<16xi1>, vector<16xf32>
        %add3A_418 = arith.constant 1 : i32
        %add3A_419 = vector.broadcast %add3A_418 : i32 to vector<16xi32>
        %add3A_420 = arith.addi %iota3A, %add3A_419 : vector<16xi32>
        %min3A_421 = arith.constant 15 : i32
        %min3A_422 = vector.broadcast %min3A_421 : i32 to vector<16xi32>
        %min3A_423 = arith.minsi %add3A_420, %min3A_422 : vector<16xi32>
        %broadcast_in_dim3A_424 = vector.shape_cast %min3A_423 : vector<16xi32> to vector<16x1xi32>
        %gather3A_425 = vector.shape_cast %broadcast_in_dim3A_424 : vector<16x1xi32> to vector<16xi32>
        %gather3A_426 = tpu.dynamic_gather %get3A_317[%gather3A_425] in [0] : vector<16xi32>, vector<16xi32> -> vector<16xi32>
        %eq3A_427 = arith.constant 15 : i32
        %eq3A_428 = vector.broadcast %eq3A_427 : i32 to vector<16xi32>
        %eq3A_429 = arith.cmpi eq, %iota3A, %eq3A_428 : vector<16xi32>
        %ne3A_430 = arith.cmpi ne, %get3A_317, %gather3A_426 : vector<16xi32>
        %or3A_431 = arith.ori %eq3A_429, %ne3A_430 : vector<16xi1>
        %gather3A_432 = tpu.vector_load_idx %arg15[%get3A_317] : memref<50000xf32, #tpu.memory_space<vmem>>[vector<16xi32>], vector<16xf32>,
        %max3A_433 = arith.maximumf %gather3A_432, %select_n3A_417 : vector<16xf32>
        tpu.vector_store_idx %arg15[%get3A_317], %max3A_433 masked %or3A_431 : memref<50000xf32, #tpu.memory_space<vmem>>[vector<16xi32>], vector<16xf32>, vector<16xi1>
        %get3A_434 = arith.index_cast %scan3A_45 : i32 to index
        %get3A_435 = arith.constant 48 : index
        %get3A_436 = tpu.vector_load %arg9[%get3A_434, %get3A_435] {strides = array<i32>} : memref<32x128xf32, #tpu.memory_space<vmem>>, vector<16xf32>,
        %get3A_437 = arith.index_cast %scan3A_45 : i32 to index
        %get3A_438 = arith.constant 48 : index
        %get3A_439 = tpu.vector_load %arg10[%get3A_437, %get3A_438] {strides = array<i32>} : memref<32x128xf32, #tpu.memory_space<vmem>>, vector<16xf32>,
        %exp3A_440 = math.exp %get3A_436 : vector<16xf32>
        %swap3A_441 = arith.index_cast %scan3A_45 : i32 to index
        %swap3A_442 = arith.constant 48 : index
        %swap3A_443 = tpu.vector_load %arg12[%swap3A_441, %swap3A_442] {strides = array<i32>} : memref<32x128xf32, #tpu.memory_space<vmem>>, vector<16xf32>,
        tpu.vector_store %arg12[%swap3A_441, %swap3A_442], %exp3A_440 {strides = array<i32>} : memref<32x128xf32, #tpu.memory_space<vmem>>, vector<16xf32>,
        %mul3A_444 = arith.mulf %get3A_436, %get3A_439 : vector<16xf32>
        %swap3A_445 = arith.index_cast %scan3A_45 : i32 to index
        %swap3A_446 = arith.constant 48 : index
        %swap3A_447 = tpu.vector_load %arg13[%swap3A_445, %swap3A_446] {strides = array<i32>} : memref<32x128xf32, #tpu.memory_space<vmem>>, vector<16xf32>,
        tpu.vector_store %arg13[%swap3A_445, %swap3A_446], %mul3A_444 {strides = array<i32>} : memref<32x128xf32, #tpu.memory_space<vmem>>, vector<16xf32>,
        %get3A_448 = arith.index_cast %scan3A_45 : i32 to index
        %get3A_449 = arith.constant 48 : index
        %get3A_450 = tpu.vector_load %arg11[%get3A_448, %get3A_449] {strides = array<i32>} : memref<32x128xi32, #tpu.memory_space<vmem>>, vector<16xi32>,
        %sub3A_451 = arith.constant 1 : i32
        %sub3A_452 = vector.broadcast %sub3A_451 : i32 to vector<16xi32>
        %sub3A_453 = arith.subi %iota3A, %sub3A_452 : vector<16xi32>
        %max3A_454 = arith.constant 0 : i32
        %max3A_455 = vector.broadcast %max3A_454 : i32 to vector<16xi32>
        %max3A_456 = arith.maxsi %sub3A_453, %max3A_455 : vector<16xi32>
        %broadcast_in_dim3A_457 = vector.shape_cast %max3A_456 : vector<16xi32> to vector<16x1xi32>
        %gather3A_458 = vector.shape_cast %broadcast_in_dim3A_457 : vector<16x1xi32> to vector<16xi32>
        %gather3A_459 = tpu.dynamic_gather %get3A_436[%gather3A_458] in [0] : vector<16xf32>, vector<16xi32> -> vector<16xf32>
        %sub3A_460 = arith.constant 1 : i32
        %sub3A_461 = vector.broadcast %sub3A_460 : i32 to vector<16xi32>
        %sub3A_462 = arith.subi %iota3A, %sub3A_461 : vector<16xi32>
        %max3A_463 = arith.constant 0 : i32
        %max3A_464 = vector.broadcast %max3A_463 : i32 to vector<16xi32>
        %max3A_465 = arith.maxsi %sub3A_462, %max3A_464 : vector<16xi32>
        %broadcast_in_dim3A_466 = vector.shape_cast %max3A_465 : vector<16xi32> to vector<16x1xi32>
        %gather3A_467 = vector.shape_cast %broadcast_in_dim3A_466 : vector<16x1xi32> to vector<16xi32>
        %gather3A_468 = tpu.dynamic_gather %get3A_450[%gather3A_467] in [0] : vector<16xi32>, vector<16xi32> -> vector<16xi32>
        %ge3A_469 = arith.constant 1 : i32
        %ge3A_470 = vector.broadcast %ge3A_469 : i32 to vector<16xi32>
        %ge3A_471 = arith.cmpi sge, %iota3A, %ge3A_470 : vector<16xi32>
        %eq3A_472 = arith.cmpi eq, %get3A_450, %gather3A_468 : vector<16xi32>
        %and3A_473 = arith.andi %ge3A_471, %eq3A_472 : vector<16xi1>
        %max3A_474 = arith.maximumf %get3A_436, %gather3A_459 : vector<16xf32>
        %select_n3A_475 = arith.select %and3A_473, %max3A_474, %get3A_436 : vector<16xi1>, vector<16xf32>
        %sub3A_476 = arith.constant 2 : i32
        %sub3A_477 = vector.broadcast %sub3A_476 : i32 to vector<16xi32>
        %sub3A_478 = arith.subi %iota3A, %sub3A_477 : vector<16xi32>
        %max3A_479 = arith.constant 0 : i32
        %max3A_480 = vector.broadcast %max3A_479 : i32 to vector<16xi32>
        %max3A_481 = arith.maxsi %sub3A_478, %max3A_480 : vector<16xi32>
        %broadcast_in_dim3A_482 = vector.shape_cast %max3A_481 : vector<16xi32> to vector<16x1xi32>
        %gather3A_483 = vector.shape_cast %broadcast_in_dim3A_482 : vector<16x1xi32> to vector<16xi32>
        %gather3A_484 = tpu.dynamic_gather %select_n3A_475[%gather3A_483] in [0] : vector<16xf32>, vector<16xi32> -> vector<16xf32>
        %sub3A_485 = arith.constant 2 : i32
        %sub3A_486 = vector.broadcast %sub3A_485 : i32 to vector<16xi32>
        %sub3A_487 = arith.subi %iota3A, %sub3A_486 : vector<16xi32>
        %max3A_488 = arith.constant 0 : i32
        %max3A_489 = vector.broadcast %max3A_488 : i32 to vector<16xi32>
        %max3A_490 = arith.maxsi %sub3A_487, %max3A_489 : vector<16xi32>
        %broadcast_in_dim3A_491 = vector.shape_cast %max3A_490 : vector<16xi32> to vector<16x1xi32>
        %gather3A_492 = vector.shape_cast %broadcast_in_dim3A_491 : vector<16x1xi32> to vector<16xi32>
        %gather3A_493 = tpu.dynamic_gather %get3A_450[%gather3A_492] in [0] : vector<16xi32>, vector<16xi32> -> vector<16xi32>
        %ge3A_494 = arith.constant 2 : i32
        %ge3A_495 = vector.broadcast %ge3A_494 : i32 to vector<16xi32>
        %ge3A_496 = arith.cmpi sge, %iota3A, %ge3A_495 : vector<16xi32>
        %eq3A_497 = arith.cmpi eq, %get3A_450, %gather3A_493 : vector<16xi32>
        %and3A_498 = arith.andi %ge3A_496, %eq3A_497 : vector<16xi1>
        %max3A_499 = arith.maximumf %select_n3A_475, %gather3A_484 : vector<16xf32>
        %select_n3A_500 = arith.select %and3A_498, %max3A_499, %select_n3A_475 : vector<16xi1>, vector<16xf32>
        %sub3A_501 = arith.constant 4 : i32
        %sub3A_502 = vector.broadcast %sub3A_501 : i32 to vector<16xi32>
        %sub3A_503 = arith.subi %iota3A, %sub3A_502 : vector<16xi32>
        %max3A_504 = arith.constant 0 : i32
        %max3A_505 = vector.broadcast %max3A_504 : i32 to vector<16xi32>
        %max3A_506 = arith.maxsi %sub3A_503, %max3A_505 : vector<16xi32>
        %broadcast_in_dim3A_507 = vector.shape_cast %max3A_506 : vector<16xi32> to vector<16x1xi32>
        %gather3A_508 = vector.shape_cast %broadcast_in_dim3A_507 : vector<16x1xi32> to vector<16xi32>
        %gather3A_509 = tpu.dynamic_gather %select_n3A_500[%gather3A_508] in [0] : vector<16xf32>, vector<16xi32> -> vector<16xf32>
        %sub3A_510 = arith.constant 4 : i32
        %sub3A_511 = vector.broadcast %sub3A_510 : i32 to vector<16xi32>
        %sub3A_512 = arith.subi %iota3A, %sub3A_511 : vector<16xi32>
        %max3A_513 = arith.constant 0 : i32
        %max3A_514 = vector.broadcast %max3A_513 : i32 to vector<16xi32>
        %max3A_515 = arith.maxsi %sub3A_512, %max3A_514 : vector<16xi32>
        %broadcast_in_dim3A_516 = vector.shape_cast %max3A_515 : vector<16xi32> to vector<16x1xi32>
        %gather3A_517 = vector.shape_cast %broadcast_in_dim3A_516 : vector<16x1xi32> to vector<16xi32>
        %gather3A_518 = tpu.dynamic_gather %get3A_450[%gather3A_517] in [0] : vector<16xi32>, vector<16xi32> -> vector<16xi32>
        %ge3A_519 = arith.constant 4 : i32
        %ge3A_520 = vector.broadcast %ge3A_519 : i32 to vector<16xi32>
        %ge3A_521 = arith.cmpi sge, %iota3A, %ge3A_520 : vector<16xi32>
        %eq3A_522 = arith.cmpi eq, %get3A_450, %gather3A_518 : vector<16xi32>
        %and3A_523 = arith.andi %ge3A_521, %eq3A_522 : vector<16xi1>
        %max3A_524 = arith.maximumf %select_n3A_500, %gather3A_509 : vector<16xf32>
        %select_n3A_525 = arith.select %and3A_523, %max3A_524, %select_n3A_500 : vector<16xi1>, vector<16xf32>
        %sub3A_526 = arith.constant 8 : i32
        %sub3A_527 = vector.broadcast %sub3A_526 : i32 to vector<16xi32>
        %sub3A_528 = arith.subi %iota3A, %sub3A_527 : vector<16xi32>
        %max3A_529 = arith.constant 0 : i32
        %max3A_530 = vector.broadcast %max3A_529 : i32 to vector<16xi32>
        %max3A_531 = arith.maxsi %sub3A_528, %max3A_530 : vector<16xi32>
        %broadcast_in_dim3A_532 = vector.shape_cast %max3A_531 : vector<16xi32> to vector<16x1xi32>
        %gather3A_533 = vector.shape_cast %broadcast_in_dim3A_532 : vector<16x1xi32> to vector<16xi32>
        %gather3A_534 = tpu.dynamic_gather %select_n3A_525[%gather3A_533] in [0] : vector<16xf32>, vector<16xi32> -> vector<16xf32>
        %sub3A_535 = arith.constant 8 : i32
        %sub3A_536 = vector.broadcast %sub3A_535 : i32 to vector<16xi32>
        %sub3A_537 = arith.subi %iota3A, %sub3A_536 : vector<16xi32>
        %max3A_538 = arith.constant 0 : i32
        %max3A_539 = vector.broadcast %max3A_538 : i32 to vector<16xi32>
        %max3A_540 = arith.maxsi %sub3A_537, %max3A_539 : vector<16xi32>
        %broadcast_in_dim3A_541 = vector.shape_cast %max3A_540 : vector<16xi32> to vector<16x1xi32>
        %gather3A_542 = vector.shape_cast %broadcast_in_dim3A_541 : vector<16x1xi32> to vector<16xi32>
        %gather3A_543 = tpu.dynamic_gather %get3A_450[%gather3A_542] in [0] : vector<16xi32>, vector<16xi32> -> vector<16xi32>
        %ge3A_544 = arith.constant 8 : i32
        %ge3A_545 = vector.broadcast %ge3A_544 : i32 to vector<16xi32>
        %ge3A_546 = arith.cmpi sge, %iota3A, %ge3A_545 : vector<16xi32>
        %eq3A_547 = arith.cmpi eq, %get3A_450, %gather3A_543 : vector<16xi32>
        %and3A_548 = arith.andi %ge3A_546, %eq3A_547 : vector<16xi1>
        %max3A_549 = arith.maximumf %select_n3A_525, %gather3A_534 : vector<16xf32>
        %select_n3A_550 = arith.select %and3A_548, %max3A_549, %select_n3A_525 : vector<16xi1>, vector<16xf32>
        %add3A_551 = arith.constant 1 : i32
        %add3A_552 = vector.broadcast %add3A_551 : i32 to vector<16xi32>
        %add3A_553 = arith.addi %iota3A, %add3A_552 : vector<16xi32>
        %min3A_554 = arith.constant 15 : i32
        %min3A_555 = vector.broadcast %min3A_554 : i32 to vector<16xi32>
        %min3A_556 = arith.minsi %add3A_553, %min3A_555 : vector<16xi32>
        %broadcast_in_dim3A_557 = vector.shape_cast %min3A_556 : vector<16xi32> to vector<16x1xi32>
        %gather3A_558 = vector.shape_cast %broadcast_in_dim3A_557 : vector<16x1xi32> to vector<16xi32>
        %gather3A_559 = tpu.dynamic_gather %get3A_450[%gather3A_558] in [0] : vector<16xi32>, vector<16xi32> -> vector<16xi32>
        %eq3A_560 = arith.constant 15 : i32
        %eq3A_561 = vector.broadcast %eq3A_560 : i32 to vector<16xi32>
        %eq3A_562 = arith.cmpi eq, %iota3A, %eq3A_561 : vector<16xi32>
        %ne3A_563 = arith.cmpi ne, %get3A_450, %gather3A_559 : vector<16xi32>
        %or3A_564 = arith.ori %eq3A_562, %ne3A_563 : vector<16xi1>
        %gather3A_565 = tpu.vector_load_idx %arg15[%get3A_450] : memref<50000xf32, #tpu.memory_space<vmem>>[vector<16xi32>], vector<16xf32>,
        %max3A_566 = arith.maximumf %gather3A_565, %select_n3A_550 : vector<16xf32>
        tpu.vector_store_idx %arg15[%get3A_450], %max3A_566 masked %or3A_564 : memref<50000xf32, #tpu.memory_space<vmem>>[vector<16xi32>], vector<16xf32>, vector<16xi1>
        %get3A_567 = arith.index_cast %scan3A_45 : i32 to index
        %get3A_568 = arith.constant 64 : index
        %get3A_569 = tpu.vector_load %arg9[%get3A_567, %get3A_568] {strides = array<i32>} : memref<32x128xf32, #tpu.memory_space<vmem>>, vector<16xf32>,
        %get3A_570 = arith.index_cast %scan3A_45 : i32 to index
        %get3A_571 = arith.constant 64 : index
        %get3A_572 = tpu.vector_load %arg10[%get3A_570, %get3A_571] {strides = array<i32>} : memref<32x128xf32, #tpu.memory_space<vmem>>, vector<16xf32>,
        %exp3A_573 = math.exp %get3A_569 : vector<16xf32>
        %swap3A_574 = arith.index_cast %scan3A_45 : i32 to index
        %swap3A_575 = arith.constant 64 : index
        %swap3A_576 = tpu.vector_load %arg12[%swap3A_574, %swap3A_575] {strides = array<i32>} : memref<32x128xf32, #tpu.memory_space<vmem>>, vector<16xf32>,
        tpu.vector_store %arg12[%swap3A_574, %swap3A_575], %exp3A_573 {strides = array<i32>} : memref<32x128xf32, #tpu.memory_space<vmem>>, vector<16xf32>,
        %mul3A_577 = arith.mulf %get3A_569, %get3A_572 : vector<16xf32>
        %swap3A_578 = arith.index_cast %scan3A_45 : i32 to index
        %swap3A_579 = arith.constant 64 : index
        %swap3A_580 = tpu.vector_load %arg13[%swap3A_578, %swap3A_579] {strides = array<i32>} : memref<32x128xf32, #tpu.memory_space<vmem>>, vector<16xf32>,
        tpu.vector_store %arg13[%swap3A_578, %swap3A_579], %mul3A_577 {strides = array<i32>} : memref<32x128xf32, #tpu.memory_space<vmem>>, vector<16xf32>,
        %get3A_581 = arith.index_cast %scan3A_45 : i32 to index
        %get3A_582 = arith.constant 64 : index
        %get3A_583 = tpu.vector_load %arg11[%get3A_581, %get3A_582] {strides = array<i32>} : memref<32x128xi32, #tpu.memory_space<vmem>>, vector<16xi32>,
        %sub3A_584 = arith.constant 1 : i32
        %sub3A_585 = vector.broadcast %sub3A_584 : i32 to vector<16xi32>
        %sub3A_586 = arith.subi %iota3A, %sub3A_585 : vector<16xi32>
        %max3A_587 = arith.constant 0 : i32
        %max3A_588 = vector.broadcast %max3A_587 : i32 to vector<16xi32>
        %max3A_589 = arith.maxsi %sub3A_586, %max3A_588 : vector<16xi32>
        %broadcast_in_dim3A_590 = vector.shape_cast %max3A_589 : vector<16xi32> to vector<16x1xi32>
        %gather3A_591 = vector.shape_cast %broadcast_in_dim3A_590 : vector<16x1xi32> to vector<16xi32>
        %gather3A_592 = tpu.dynamic_gather %get3A_569[%gather3A_591] in [0] : vector<16xf32>, vector<16xi32> -> vector<16xf32>
        %sub3A_593 = arith.constant 1 : i32
        %sub3A_594 = vector.broadcast %sub3A_593 : i32 to vector<16xi32>
        %sub3A_595 = arith.subi %iota3A, %sub3A_594 : vector<16xi32>
        %max3A_596 = arith.constant 0 : i32
        %max3A_597 = vector.broadcast %max3A_596 : i32 to vector<16xi32>
        %max3A_598 = arith.maxsi %sub3A_595, %max3A_597 : vector<16xi32>
        %broadcast_in_dim3A_599 = vector.shape_cast %max3A_598 : vector<16xi32> to vector<16x1xi32>
        %gather3A_600 = vector.shape_cast %broadcast_in_dim3A_599 : vector<16x1xi32> to vector<16xi32>
        %gather3A_601 = tpu.dynamic_gather %get3A_583[%gather3A_600] in [0] : vector<16xi32>, vector<16xi32> -> vector<16xi32>
        %ge3A_602 = arith.constant 1 : i32
        %ge3A_603 = vector.broadcast %ge3A_602 : i32 to vector<16xi32>
        %ge3A_604 = arith.cmpi sge, %iota3A, %ge3A_603 : vector<16xi32>
        %eq3A_605 = arith.cmpi eq, %get3A_583, %gather3A_601 : vector<16xi32>
        %and3A_606 = arith.andi %ge3A_604, %eq3A_605 : vector<16xi1>
        %max3A_607 = arith.maximumf %get3A_569, %gather3A_592 : vector<16xf32>
        %select_n3A_608 = arith.select %and3A_606, %max3A_607, %get3A_569 : vector<16xi1>, vector<16xf32>
        %sub3A_609 = arith.constant 2 : i32
        %sub3A_610 = vector.broadcast %sub3A_609 : i32 to vector<16xi32>
        %sub3A_611 = arith.subi %iota3A, %sub3A_610 : vector<16xi32>
        %max3A_612 = arith.constant 0 : i32
        %max3A_613 = vector.broadcast %max3A_612 : i32 to vector<16xi32>
        %max3A_614 = arith.maxsi %sub3A_611, %max3A_613 : vector<16xi32>
        %broadcast_in_dim3A_615 = vector.shape_cast %max3A_614 : vector<16xi32> to vector<16x1xi32>
        %gather3A_616 = vector.shape_cast %broadcast_in_dim3A_615 : vector<16x1xi32> to vector<16xi32>
        %gather3A_617 = tpu.dynamic_gather %select_n3A_608[%gather3A_616] in [0] : vector<16xf32>, vector<16xi32> -> vector<16xf32>
        %sub3A_618 = arith.constant 2 : i32
        %sub3A_619 = vector.broadcast %sub3A_618 : i32 to vector<16xi32>
        %sub3A_620 = arith.subi %iota3A, %sub3A_619 : vector<16xi32>
        %max3A_621 = arith.constant 0 : i32
        %max3A_622 = vector.broadcast %max3A_621 : i32 to vector<16xi32>
        %max3A_623 = arith.maxsi %sub3A_620, %max3A_622 : vector<16xi32>
        %broadcast_in_dim3A_624 = vector.shape_cast %max3A_623 : vector<16xi32> to vector<16x1xi32>
        %gather3A_625 = vector.shape_cast %broadcast_in_dim3A_624 : vector<16x1xi32> to vector<16xi32>
        %gather3A_626 = tpu.dynamic_gather %get3A_583[%gather3A_625] in [0] : vector<16xi32>, vector<16xi32> -> vector<16xi32>
        %ge3A_627 = arith.constant 2 : i32
        %ge3A_628 = vector.broadcast %ge3A_627 : i32 to vector<16xi32>
        %ge3A_629 = arith.cmpi sge, %iota3A, %ge3A_628 : vector<16xi32>
        %eq3A_630 = arith.cmpi eq, %get3A_583, %gather3A_626 : vector<16xi32>
        %and3A_631 = arith.andi %ge3A_629, %eq3A_630 : vector<16xi1>
        %max3A_632 = arith.maximumf %select_n3A_608, %gather3A_617 : vector<16xf32>
        %select_n3A_633 = arith.select %and3A_631, %max3A_632, %select_n3A_608 : vector<16xi1>, vector<16xf32>
        %sub3A_634 = arith.constant 4 : i32
        %sub3A_635 = vector.broadcast %sub3A_634 : i32 to vector<16xi32>
        %sub3A_636 = arith.subi %iota3A, %sub3A_635 : vector<16xi32>
        %max3A_637 = arith.constant 0 : i32
        %max3A_638 = vector.broadcast %max3A_637 : i32 to vector<16xi32>
        %max3A_639 = arith.maxsi %sub3A_636, %max3A_638 : vector<16xi32>
        %broadcast_in_dim3A_640 = vector.shape_cast %max3A_639 : vector<16xi32> to vector<16x1xi32>
        %gather3A_641 = vector.shape_cast %broadcast_in_dim3A_640 : vector<16x1xi32> to vector<16xi32>
        %gather3A_642 = tpu.dynamic_gather %select_n3A_633[%gather3A_641] in [0] : vector<16xf32>, vector<16xi32> -> vector<16xf32>
        %sub3A_643 = arith.constant 4 : i32
        %sub3A_644 = vector.broadcast %sub3A_643 : i32 to vector<16xi32>
        %sub3A_645 = arith.subi %iota3A, %sub3A_644 : vector<16xi32>
        %max3A_646 = arith.constant 0 : i32
        %max3A_647 = vector.broadcast %max3A_646 : i32 to vector<16xi32>
        %max3A_648 = arith.maxsi %sub3A_645, %max3A_647 : vector<16xi32>
        %broadcast_in_dim3A_649 = vector.shape_cast %max3A_648 : vector<16xi32> to vector<16x1xi32>
        %gather3A_650 = vector.shape_cast %broadcast_in_dim3A_649 : vector<16x1xi32> to vector<16xi32>
        %gather3A_651 = tpu.dynamic_gather %get3A_583[%gather3A_650] in [0] : vector<16xi32>, vector<16xi32> -> vector<16xi32>
        %ge3A_652 = arith.constant 4 : i32
        %ge3A_653 = vector.broadcast %ge3A_652 : i32 to vector<16xi32>
        %ge3A_654 = arith.cmpi sge, %iota3A, %ge3A_653 : vector<16xi32>
        %eq3A_655 = arith.cmpi eq, %get3A_583, %gather3A_651 : vector<16xi32>
        %and3A_656 = arith.andi %ge3A_654, %eq3A_655 : vector<16xi1>
        %max3A_657 = arith.maximumf %select_n3A_633, %gather3A_642 : vector<16xf32>
        %select_n3A_658 = arith.select %and3A_656, %max3A_657, %select_n3A_633 : vector<16xi1>, vector<16xf32>
        %sub3A_659 = arith.constant 8 : i32
        %sub3A_660 = vector.broadcast %sub3A_659 : i32 to vector<16xi32>
        %sub3A_661 = arith.subi %iota3A, %sub3A_660 : vector<16xi32>
        %max3A_662 = arith.constant 0 : i32
        %max3A_663 = vector.broadcast %max3A_662 : i32 to vector<16xi32>
        %max3A_664 = arith.maxsi %sub3A_661, %max3A_663 : vector<16xi32>
        %broadcast_in_dim3A_665 = vector.shape_cast %max3A_664 : vector<16xi32> to vector<16x1xi32>
        %gather3A_666 = vector.shape_cast %broadcast_in_dim3A_665 : vector<16x1xi32> to vector<16xi32>
        %gather3A_667 = tpu.dynamic_gather %select_n3A_658[%gather3A_666] in [0] : vector<16xf32>, vector<16xi32> -> vector<16xf32>
        %sub3A_668 = arith.constant 8 : i32
        %sub3A_669 = vector.broadcast %sub3A_668 : i32 to vector<16xi32>
        %sub3A_670 = arith.subi %iota3A, %sub3A_669 : vector<16xi32>
        %max3A_671 = arith.constant 0 : i32
        %max3A_672 = vector.broadcast %max3A_671 : i32 to vector<16xi32>
        %max3A_673 = arith.maxsi %sub3A_670, %max3A_672 : vector<16xi32>
        %broadcast_in_dim3A_674 = vector.shape_cast %max3A_673 : vector<16xi32> to vector<16x1xi32>
        %gather3A_675 = vector.shape_cast %broadcast_in_dim3A_674 : vector<16x1xi32> to vector<16xi32>
        %gather3A_676 = tpu.dynamic_gather %get3A_583[%gather3A_675] in [0] : vector<16xi32>, vector<16xi32> -> vector<16xi32>
        %ge3A_677 = arith.constant 8 : i32
        %ge3A_678 = vector.broadcast %ge3A_677 : i32 to vector<16xi32>
        %ge3A_679 = arith.cmpi sge, %iota3A, %ge3A_678 : vector<16xi32>
        %eq3A_680 = arith.cmpi eq, %get3A_583, %gather3A_676 : vector<16xi32>
        %and3A_681 = arith.andi %ge3A_679, %eq3A_680 : vector<16xi1>
        %max3A_682 = arith.maximumf %select_n3A_658, %gather3A_667 : vector<16xf32>
        %select_n3A_683 = arith.select %and3A_681, %max3A_682, %select_n3A_658 : vector<16xi1>, vector<16xf32>
        %add3A_684 = arith.constant 1 : i32
        %add3A_685 = vector.broadcast %add3A_684 : i32 to vector<16xi32>
        %add3A_686 = arith.addi %iota3A, %add3A_685 : vector<16xi32>
        %min3A_687 = arith.constant 15 : i32
        %min3A_688 = vector.broadcast %min3A_687 : i32 to vector<16xi32>
        %min3A_689 = arith.minsi %add3A_686, %min3A_688 : vector<16xi32>
        %broadcast_in_dim3A_690 = vector.shape_cast %min3A_689 : vector<16xi32> to vector<16x1xi32>
        %gather3A_691 = vector.shape_cast %broadcast_in_dim3A_690 : vector<16x1xi32> to vector<16xi32>
        %gather3A_692 = tpu.dynamic_gather %get3A_583[%gather3A_691] in [0] : vector<16xi32>, vector<16xi32> -> vector<16xi32>
        %eq3A_693 = arith.constant 15 : i32
        %eq3A_694 = vector.broadcast %eq3A_693 : i32 to vector<16xi32>
        %eq3A_695 = arith.cmpi eq, %iota3A, %eq3A_694 : vector<16xi32>
        %ne3A_696 = arith.cmpi ne, %get3A_583, %gather3A_692 : vector<16xi32>
        %or3A_697 = arith.ori %eq3A_695, %ne3A_696 : vector<16xi1>
        %gather3A_698 = tpu.vector_load_idx %arg15[%get3A_583] : memref<50000xf32, #tpu.memory_space<vmem>>[vector<16xi32>], vector<16xf32>,
        %max3A_699 = arith.maximumf %gather3A_698, %select_n3A_683 : vector<16xf32>
        tpu.vector_store_idx %arg15[%get3A_583], %max3A_699 masked %or3A_697 : memref<50000xf32, #tpu.memory_space<vmem>>[vector<16xi32>], vector<16xf32>, vector<16xi1>
        %get3A_700 = arith.index_cast %scan3A_45 : i32 to index
        %get3A_701 = arith.constant 80 : index
        %get3A_702 = tpu.vector_load %arg9[%get3A_700, %get3A_701] {strides = array<i32>} : memref<32x128xf32, #tpu.memory_space<vmem>>, vector<16xf32>,
        %get3A_703 = arith.index_cast %scan3A_45 : i32 to index
        %get3A_704 = arith.constant 80 : index
        %get3A_705 = tpu.vector_load %arg10[%get3A_703, %get3A_704] {strides = array<i32>} : memref<32x128xf32, #tpu.memory_space<vmem>>, vector<16xf32>,
        %exp3A_706 = math.exp %get3A_702 : vector<16xf32>
        %swap3A_707 = arith.index_cast %scan3A_45 : i32 to index
        %swap3A_708 = arith.constant 80 : index
        %swap3A_709 = tpu.vector_load %arg12[%swap3A_707, %swap3A_708] {strides = array<i32>} : memref<32x128xf32, #tpu.memory_space<vmem>>, vector<16xf32>,
        tpu.vector_store %arg12[%swap3A_707, %swap3A_708], %exp3A_706 {strides = array<i32>} : memref<32x128xf32, #tpu.memory_space<vmem>>, vector<16xf32>,
        %mul3A_710 = arith.mulf %get3A_702, %get3A_705 : vector<16xf32>
        %swap3A_711 = arith.index_cast %scan3A_45 : i32 to index
        %swap3A_712 = arith.constant 80 : index
        %swap3A_713 = tpu.vector_load %arg13[%swap3A_711, %swap3A_712] {strides = array<i32>} : memref<32x128xf32, #tpu.memory_space<vmem>>, vector<16xf32>,
        tpu.vector_store %arg13[%swap3A_711, %swap3A_712], %mul3A_710 {strides = array<i32>} : memref<32x128xf32, #tpu.memory_space<vmem>>, vector<16xf32>,
        %get3A_714 = arith.index_cast %scan3A_45 : i32 to index
        %get3A_715 = arith.constant 80 : index
        %get3A_716 = tpu.vector_load %arg11[%get3A_714, %get3A_715] {strides = array<i32>} : memref<32x128xi32, #tpu.memory_space<vmem>>, vector<16xi32>,
        %sub3A_717 = arith.constant 1 : i32
        %sub3A_718 = vector.broadcast %sub3A_717 : i32 to vector<16xi32>
        %sub3A_719 = arith.subi %iota3A, %sub3A_718 : vector<16xi32>
        %max3A_720 = arith.constant 0 : i32
        %max3A_721 = vector.broadcast %max3A_720 : i32 to vector<16xi32>
        %max3A_722 = arith.maxsi %sub3A_719, %max3A_721 : vector<16xi32>
        %broadcast_in_dim3A_723 = vector.shape_cast %max3A_722 : vector<16xi32> to vector<16x1xi32>
        %gather3A_724 = vector.shape_cast %broadcast_in_dim3A_723 : vector<16x1xi32> to vector<16xi32>
        %gather3A_725 = tpu.dynamic_gather %get3A_702[%gather3A_724] in [0] : vector<16xf32>, vector<16xi32> -> vector<16xf32>
        %sub3A_726 = arith.constant 1 : i32
        %sub3A_727 = vector.broadcast %sub3A_726 : i32 to vector<16xi32>
        %sub3A_728 = arith.subi %iota3A, %sub3A_727 : vector<16xi32>
        %max3A_729 = arith.constant 0 : i32
        %max3A_730 = vector.broadcast %max3A_729 : i32 to vector<16xi32>
        %max3A_731 = arith.maxsi %sub3A_728, %max3A_730 : vector<16xi32>
        %broadcast_in_dim3A_732 = vector.shape_cast %max3A_731 : vector<16xi32> to vector<16x1xi32>
        %gather3A_733 = vector.shape_cast %broadcast_in_dim3A_732 : vector<16x1xi32> to vector<16xi32>
        %gather3A_734 = tpu.dynamic_gather %get3A_716[%gather3A_733] in [0] : vector<16xi32>, vector<16xi32> -> vector<16xi32>
        %ge3A_735 = arith.constant 1 : i32
        %ge3A_736 = vector.broadcast %ge3A_735 : i32 to vector<16xi32>
        %ge3A_737 = arith.cmpi sge, %iota3A, %ge3A_736 : vector<16xi32>
        %eq3A_738 = arith.cmpi eq, %get3A_716, %gather3A_734 : vector<16xi32>
        %and3A_739 = arith.andi %ge3A_737, %eq3A_738 : vector<16xi1>
        %max3A_740 = arith.maximumf %get3A_702, %gather3A_725 : vector<16xf32>
        %select_n3A_741 = arith.select %and3A_739, %max3A_740, %get3A_702 : vector<16xi1>, vector<16xf32>
        %sub3A_742 = arith.constant 2 : i32
        %sub3A_743 = vector.broadcast %sub3A_742 : i32 to vector<16xi32>
        %sub3A_744 = arith.subi %iota3A, %sub3A_743 : vector<16xi32>
        %max3A_745 = arith.constant 0 : i32
        %max3A_746 = vector.broadcast %max3A_745 : i32 to vector<16xi32>
        %max3A_747 = arith.maxsi %sub3A_744, %max3A_746 : vector<16xi32>
        %broadcast_in_dim3A_748 = vector.shape_cast %max3A_747 : vector<16xi32> to vector<16x1xi32>
        %gather3A_749 = vector.shape_cast %broadcast_in_dim3A_748 : vector<16x1xi32> to vector<16xi32>
        %gather3A_750 = tpu.dynamic_gather %select_n3A_741[%gather3A_749] in [0] : vector<16xf32>, vector<16xi32> -> vector<16xf32>
        %sub3A_751 = arith.constant 2 : i32
        %sub3A_752 = vector.broadcast %sub3A_751 : i32 to vector<16xi32>
        %sub3A_753 = arith.subi %iota3A, %sub3A_752 : vector<16xi32>
        %max3A_754 = arith.constant 0 : i32
        %max3A_755 = vector.broadcast %max3A_754 : i32 to vector<16xi32>
        %max3A_756 = arith.maxsi %sub3A_753, %max3A_755 : vector<16xi32>
        %broadcast_in_dim3A_757 = vector.shape_cast %max3A_756 : vector<16xi32> to vector<16x1xi32>
        %gather3A_758 = vector.shape_cast %broadcast_in_dim3A_757 : vector<16x1xi32> to vector<16xi32>
        %gather3A_759 = tpu.dynamic_gather %get3A_716[%gather3A_758] in [0] : vector<16xi32>, vector<16xi32> -> vector<16xi32>
        %ge3A_760 = arith.constant 2 : i32
        %ge3A_761 = vector.broadcast %ge3A_760 : i32 to vector<16xi32>
        %ge3A_762 = arith.cmpi sge, %iota3A, %ge3A_761 : vector<16xi32>
        %eq3A_763 = arith.cmpi eq, %get3A_716, %gather3A_759 : vector<16xi32>
        %and3A_764 = arith.andi %ge3A_762, %eq3A_763 : vector<16xi1>
        %max3A_765 = arith.maximumf %select_n3A_741, %gather3A_750 : vector<16xf32>
        %select_n3A_766 = arith.select %and3A_764, %max3A_765, %select_n3A_741 : vector<16xi1>, vector<16xf32>
        %sub3A_767 = arith.constant 4 : i32
        %sub3A_768 = vector.broadcast %sub3A_767 : i32 to vector<16xi32>
        %sub3A_769 = arith.subi %iota3A, %sub3A_768 : vector<16xi32>
        %max3A_770 = arith.constant 0 : i32
        %max3A_771 = vector.broadcast %max3A_770 : i32 to vector<16xi32>
        %max3A_772 = arith.maxsi %sub3A_769, %max3A_771 : vector<16xi32>
        %broadcast_in_dim3A_773 = vector.shape_cast %max3A_772 : vector<16xi32> to vector<16x1xi32>
        %gather3A_774 = vector.shape_cast %broadcast_in_dim3A_773 : vector<16x1xi32> to vector<16xi32>
        %gather3A_775 = tpu.dynamic_gather %select_n3A_766[%gather3A_774] in [0] : vector<16xf32>, vector<16xi32> -> vector<16xf32>
        %sub3A_776 = arith.constant 4 : i32
        %sub3A_777 = vector.broadcast %sub3A_776 : i32 to vector<16xi32>
        %sub3A_778 = arith.subi %iota3A, %sub3A_777 : vector<16xi32>
        %max3A_779 = arith.constant 0 : i32
        %max3A_780 = vector.broadcast %max3A_779 : i32 to vector<16xi32>
        %max3A_781 = arith.maxsi %sub3A_778, %max3A_780 : vector<16xi32>
        %broadcast_in_dim3A_782 = vector.shape_cast %max3A_781 : vector<16xi32> to vector<16x1xi32>
        %gather3A_783 = vector.shape_cast %broadcast_in_dim3A_782 : vector<16x1xi32> to vector<16xi32>
        %gather3A_784 = tpu.dynamic_gather %get3A_716[%gather3A_783] in [0] : vector<16xi32>, vector<16xi32> -> vector<16xi32>
        %ge3A_785 = arith.constant 4 : i32
        %ge3A_786 = vector.broadcast %ge3A_785 : i32 to vector<16xi32>
        %ge3A_787 = arith.cmpi sge, %iota3A, %ge3A_786 : vector<16xi32>
        %eq3A_788 = arith.cmpi eq, %get3A_716, %gather3A_784 : vector<16xi32>
        %and3A_789 = arith.andi %ge3A_787, %eq3A_788 : vector<16xi1>
        %max3A_790 = arith.maximumf %select_n3A_766, %gather3A_775 : vector<16xf32>
        %select_n3A_791 = arith.select %and3A_789, %max3A_790, %select_n3A_766 : vector<16xi1>, vector<16xf32>
        %sub3A_792 = arith.constant 8 : i32
        %sub3A_793 = vector.broadcast %sub3A_792 : i32 to vector<16xi32>
        %sub3A_794 = arith.subi %iota3A, %sub3A_793 : vector<16xi32>
        %max3A_795 = arith.constant 0 : i32
        %max3A_796 = vector.broadcast %max3A_795 : i32 to vector<16xi32>
        %max3A_797 = arith.maxsi %sub3A_794, %max3A_796 : vector<16xi32>
        %broadcast_in_dim3A_798 = vector.shape_cast %max3A_797 : vector<16xi32> to vector<16x1xi32>
        %gather3A_799 = vector.shape_cast %broadcast_in_dim3A_798 : vector<16x1xi32> to vector<16xi32>
        %gather3A_800 = tpu.dynamic_gather %select_n3A_791[%gather3A_799] in [0] : vector<16xf32>, vector<16xi32> -> vector<16xf32>
        %sub3A_801 = arith.constant 8 : i32
        %sub3A_802 = vector.broadcast %sub3A_801 : i32 to vector<16xi32>
        %sub3A_803 = arith.subi %iota3A, %sub3A_802 : vector<16xi32>
        %max3A_804 = arith.constant 0 : i32
        %max3A_805 = vector.broadcast %max3A_804 : i32 to vector<16xi32>
        %max3A_806 = arith.maxsi %sub3A_803, %max3A_805 : vector<16xi32>
        %broadcast_in_dim3A_807 = vector.shape_cast %max3A_806 : vector<16xi32> to vector<16x1xi32>
        %gather3A_808 = vector.shape_cast %broadcast_in_dim3A_807 : vector<16x1xi32> to vector<16xi32>
        %gather3A_809 = tpu.dynamic_gather %get3A_716[%gather3A_808] in [0] : vector<16xi32>, vector<16xi32> -> vector<16xi32>
        %ge3A_810 = arith.constant 8 : i32
        %ge3A_811 = vector.broadcast %ge3A_810 : i32 to vector<16xi32>
        %ge3A_812 = arith.cmpi sge, %iota3A, %ge3A_811 : vector<16xi32>
        %eq3A_813 = arith.cmpi eq, %get3A_716, %gather3A_809 : vector<16xi32>
        %and3A_814 = arith.andi %ge3A_812, %eq3A_813 : vector<16xi1>
        %max3A_815 = arith.maximumf %select_n3A_791, %gather3A_800 : vector<16xf32>
        %select_n3A_816 = arith.select %and3A_814, %max3A_815, %select_n3A_791 : vector<16xi1>, vector<16xf32>
        %add3A_817 = arith.constant 1 : i32
        %add3A_818 = vector.broadcast %add3A_817 : i32 to vector<16xi32>
        %add3A_819 = arith.addi %iota3A, %add3A_818 : vector<16xi32>
        %min3A_820 = arith.constant 15 : i32
        %min3A_821 = vector.broadcast %min3A_820 : i32 to vector<16xi32>
        %min3A_822 = arith.minsi %add3A_819, %min3A_821 : vector<16xi32>
        %broadcast_in_dim3A_823 = vector.shape_cast %min3A_822 : vector<16xi32> to vector<16x1xi32>
        %gather3A_824 = vector.shape_cast %broadcast_in_dim3A_823 : vector<16x1xi32> to vector<16xi32>
        %gather3A_825 = tpu.dynamic_gather %get3A_716[%gather3A_824] in [0] : vector<16xi32>, vector<16xi32> -> vector<16xi32>
        %eq3A_826 = arith.constant 15 : i32
        %eq3A_827 = vector.broadcast %eq3A_826 : i32 to vector<16xi32>
        %eq3A_828 = arith.cmpi eq, %iota3A, %eq3A_827 : vector<16xi32>
        %ne3A_829 = arith.cmpi ne, %get3A_716, %gather3A_825 : vector<16xi32>
        %or3A_830 = arith.ori %eq3A_828, %ne3A_829 : vector<16xi1>
        %gather3A_831 = tpu.vector_load_idx %arg15[%get3A_716] : memref<50000xf32, #tpu.memory_space<vmem>>[vector<16xi32>], vector<16xf32>,
        %max3A_832 = arith.maximumf %gather3A_831, %select_n3A_816 : vector<16xf32>
        tpu.vector_store_idx %arg15[%get3A_716], %max3A_832 masked %or3A_830 : memref<50000xf32, #tpu.memory_space<vmem>>[vector<16xi32>], vector<16xf32>, vector<16xi1>
        %get3A_833 = arith.index_cast %scan3A_45 : i32 to index
        %get3A_834 = arith.constant 96 : index
        %get3A_835 = tpu.vector_load %arg9[%get3A_833, %get3A_834] {strides = array<i32>} : memref<32x128xf32, #tpu.memory_space<vmem>>, vector<16xf32>,
        %get3A_836 = arith.index_cast %scan3A_45 : i32 to index
        %get3A_837 = arith.constant 96 : index
        %get3A_838 = tpu.vector_load %arg10[%get3A_836, %get3A_837] {strides = array<i32>} : memref<32x128xf32, #tpu.memory_space<vmem>>, vector<16xf32>,
        %exp3A_839 = math.exp %get3A_835 : vector<16xf32>
        %swap3A_840 = arith.index_cast %scan3A_45 : i32 to index
        %swap3A_841 = arith.constant 96 : index
        %swap3A_842 = tpu.vector_load %arg12[%swap3A_840, %swap3A_841] {strides = array<i32>} : memref<32x128xf32, #tpu.memory_space<vmem>>, vector<16xf32>,
        tpu.vector_store %arg12[%swap3A_840, %swap3A_841], %exp3A_839 {strides = array<i32>} : memref<32x128xf32, #tpu.memory_space<vmem>>, vector<16xf32>,
        %mul3A_843 = arith.mulf %get3A_835, %get3A_838 : vector<16xf32>
        %swap3A_844 = arith.index_cast %scan3A_45 : i32 to index
        %swap3A_845 = arith.constant 96 : index
        %swap3A_846 = tpu.vector_load %arg13[%swap3A_844, %swap3A_845] {strides = array<i32>} : memref<32x128xf32, #tpu.memory_space<vmem>>, vector<16xf32>,
        tpu.vector_store %arg13[%swap3A_844, %swap3A_845], %mul3A_843 {strides = array<i32>} : memref<32x128xf32, #tpu.memory_space<vmem>>, vector<16xf32>,
        %get3A_847 = arith.index_cast %scan3A_45 : i32 to index
        %get3A_848 = arith.constant 96 : index
        %get3A_849 = tpu.vector_load %arg11[%get3A_847, %get3A_848] {strides = array<i32>} : memref<32x128xi32, #tpu.memory_space<vmem>>, vector<16xi32>,
        %sub3A_850 = arith.constant 1 : i32
        %sub3A_851 = vector.broadcast %sub3A_850 : i32 to vector<16xi32>
        %sub3A_852 = arith.subi %iota3A, %sub3A_851 : vector<16xi32>
        %max3A_853 = arith.constant 0 : i32
        %max3A_854 = vector.broadcast %max3A_853 : i32 to vector<16xi32>
        %max3A_855 = arith.maxsi %sub3A_852, %max3A_854 : vector<16xi32>
        %broadcast_in_dim3A_856 = vector.shape_cast %max3A_855 : vector<16xi32> to vector<16x1xi32>
        %gather3A_857 = vector.shape_cast %broadcast_in_dim3A_856 : vector<16x1xi32> to vector<16xi32>
        %gather3A_858 = tpu.dynamic_gather %get3A_835[%gather3A_857] in [0] : vector<16xf32>, vector<16xi32> -> vector<16xf32>
        %sub3A_859 = arith.constant 1 : i32
        %sub3A_860 = vector.broadcast %sub3A_859 : i32 to vector<16xi32>
        %sub3A_861 = arith.subi %iota3A, %sub3A_860 : vector<16xi32>
        %max3A_862 = arith.constant 0 : i32
        %max3A_863 = vector.broadcast %max3A_862 : i32 to vector<16xi32>
        %max3A_864 = arith.maxsi %sub3A_861, %max3A_863 : vector<16xi32>
        %broadcast_in_dim3A_865 = vector.shape_cast %max3A_864 : vector<16xi32> to vector<16x1xi32>
        %gather3A_866 = vector.shape_cast %broadcast_in_dim3A_865 : vector<16x1xi32> to vector<16xi32>
        %gather3A_867 = tpu.dynamic_gather %get3A_849[%gather3A_866] in [0] : vector<16xi32>, vector<16xi32> -> vector<16xi32>
        %ge3A_868 = arith.constant 1 : i32
        %ge3A_869 = vector.broadcast %ge3A_868 : i32 to vector<16xi32>
        %ge3A_870 = arith.cmpi sge, %iota3A, %ge3A_869 : vector<16xi32>
        %eq3A_871 = arith.cmpi eq, %get3A_849, %gather3A_867 : vector<16xi32>
        %and3A_872 = arith.andi %ge3A_870, %eq3A_871 : vector<16xi1>
        %max3A_873 = arith.maximumf %get3A_835, %gather3A_858 : vector<16xf32>
        %select_n3A_874 = arith.select %and3A_872, %max3A_873, %get3A_835 : vector<16xi1>, vector<16xf32>
        %sub3A_875 = arith.constant 2 : i32
        %sub3A_876 = vector.broadcast %sub3A_875 : i32 to vector<16xi32>
        %sub3A_877 = arith.subi %iota3A, %sub3A_876 : vector<16xi32>
        %max3A_878 = arith.constant 0 : i32
        %max3A_879 = vector.broadcast %max3A_878 : i32 to vector<16xi32>
        %max3A_880 = arith.maxsi %sub3A_877, %max3A_879 : vector<16xi32>
        %broadcast_in_dim3A_881 = vector.shape_cast %max3A_880 : vector<16xi32> to vector<16x1xi32>
        %gather3A_882 = vector.shape_cast %broadcast_in_dim3A_881 : vector<16x1xi32> to vector<16xi32>
        %gather3A_883 = tpu.dynamic_gather %select_n3A_874[%gather3A_882] in [0] : vector<16xf32>, vector<16xi32> -> vector<16xf32>
        %sub3A_884 = arith.constant 2 : i32
        %sub3A_885 = vector.broadcast %sub3A_884 : i32 to vector<16xi32>
        %sub3A_886 = arith.subi %iota3A, %sub3A_885 : vector<16xi32>
        %max3A_887 = arith.constant 0 : i32
        %max3A_888 = vector.broadcast %max3A_887 : i32 to vector<16xi32>
        %max3A_889 = arith.maxsi %sub3A_886, %max3A_888 : vector<16xi32>
        %broadcast_in_dim3A_890 = vector.shape_cast %max3A_889 : vector<16xi32> to vector<16x1xi32>
        %gather3A_891 = vector.shape_cast %broadcast_in_dim3A_890 : vector<16x1xi32> to vector<16xi32>
        %gather3A_892 = tpu.dynamic_gather %get3A_849[%gather3A_891] in [0] : vector<16xi32>, vector<16xi32> -> vector<16xi32>
        %ge3A_893 = arith.constant 2 : i32
        %ge3A_894 = vector.broadcast %ge3A_893 : i32 to vector<16xi32>
        %ge3A_895 = arith.cmpi sge, %iota3A, %ge3A_894 : vector<16xi32>
        %eq3A_896 = arith.cmpi eq, %get3A_849, %gather3A_892 : vector<16xi32>
        %and3A_897 = arith.andi %ge3A_895, %eq3A_896 : vector<16xi1>
        %max3A_898 = arith.maximumf %select_n3A_874, %gather3A_883 : vector<16xf32>
        %select_n3A_899 = arith.select %and3A_897, %max3A_898, %select_n3A_874 : vector<16xi1>, vector<16xf32>
        %sub3A_900 = arith.constant 4 : i32
        %sub3A_901 = vector.broadcast %sub3A_900 : i32 to vector<16xi32>
        %sub3A_902 = arith.subi %iota3A, %sub3A_901 : vector<16xi32>
        %max3A_903 = arith.constant 0 : i32
        %max3A_904 = vector.broadcast %max3A_903 : i32 to vector<16xi32>
        %max3A_905 = arith.maxsi %sub3A_902, %max3A_904 : vector<16xi32>
        %broadcast_in_dim3A_906 = vector.shape_cast %max3A_905 : vector<16xi32> to vector<16x1xi32>
        %gather3A_907 = vector.shape_cast %broadcast_in_dim3A_906 : vector<16x1xi32> to vector<16xi32>
        %gather3A_908 = tpu.dynamic_gather %select_n3A_899[%gather3A_907] in [0] : vector<16xf32>, vector<16xi32> -> vector<16xf32>
        %sub3A_909 = arith.constant 4 : i32
        %sub3A_910 = vector.broadcast %sub3A_909 : i32 to vector<16xi32>
        %sub3A_911 = arith.subi %iota3A, %sub3A_910 : vector<16xi32>
        %max3A_912 = arith.constant 0 : i32
        %max3A_913 = vector.broadcast %max3A_912 : i32 to vector<16xi32>
        %max3A_914 = arith.maxsi %sub3A_911, %max3A_913 : vector<16xi32>
        %broadcast_in_dim3A_915 = vector.shape_cast %max3A_914 : vector<16xi32> to vector<16x1xi32>
        %gather3A_916 = vector.shape_cast %broadcast_in_dim3A_915 : vector<16x1xi32> to vector<16xi32>
        %gather3A_917 = tpu.dynamic_gather %get3A_849[%gather3A_916] in [0] : vector<16xi32>, vector<16xi32> -> vector<16xi32>
        %ge3A_918 = arith.constant 4 : i32
        %ge3A_919 = vector.broadcast %ge3A_918 : i32 to vector<16xi32>
        %ge3A_920 = arith.cmpi sge, %iota3A, %ge3A_919 : vector<16xi32>
        %eq3A_921 = arith.cmpi eq, %get3A_849, %gather3A_917 : vector<16xi32>
        %and3A_922 = arith.andi %ge3A_920, %eq3A_921 : vector<16xi1>
        %max3A_923 = arith.maximumf %select_n3A_899, %gather3A_908 : vector<16xf32>
        %select_n3A_924 = arith.select %and3A_922, %max3A_923, %select_n3A_899 : vector<16xi1>, vector<16xf32>
        %sub3A_925 = arith.constant 8 : i32
        %sub3A_926 = vector.broadcast %sub3A_925 : i32 to vector<16xi32>
        %sub3A_927 = arith.subi %iota3A, %sub3A_926 : vector<16xi32>
        %max3A_928 = arith.constant 0 : i32
        %max3A_929 = vector.broadcast %max3A_928 : i32 to vector<16xi32>
        %max3A_930 = arith.maxsi %sub3A_927, %max3A_929 : vector<16xi32>
        %broadcast_in_dim3A_931 = vector.shape_cast %max3A_930 : vector<16xi32> to vector<16x1xi32>
        %gather3A_932 = vector.shape_cast %broadcast_in_dim3A_931 : vector<16x1xi32> to vector<16xi32>
        %gather3A_933 = tpu.dynamic_gather %select_n3A_924[%gather3A_932] in [0] : vector<16xf32>, vector<16xi32> -> vector<16xf32>
        %sub3A_934 = arith.constant 8 : i32
        %sub3A_935 = vector.broadcast %sub3A_934 : i32 to vector<16xi32>
        %sub3A_936 = arith.subi %iota3A, %sub3A_935 : vector<16xi32>
        %max3A_937 = arith.constant 0 : i32
        %max3A_938 = vector.broadcast %max3A_937 : i32 to vector<16xi32>
        %max3A_939 = arith.maxsi %sub3A_936, %max3A_938 : vector<16xi32>
        %broadcast_in_dim3A_940 = vector.shape_cast %max3A_939 : vector<16xi32> to vector<16x1xi32>
        %gather3A_941 = vector.shape_cast %broadcast_in_dim3A_940 : vector<16x1xi32> to vector<16xi32>
        %gather3A_942 = tpu.dynamic_gather %get3A_849[%gather3A_941] in [0] : vector<16xi32>, vector<16xi32> -> vector<16xi32>
        %ge3A_943 = arith.constant 8 : i32
        %ge3A_944 = vector.broadcast %ge3A_943 : i32 to vector<16xi32>
        %ge3A_945 = arith.cmpi sge, %iota3A, %ge3A_944 : vector<16xi32>
        %eq3A_946 = arith.cmpi eq, %get3A_849, %gather3A_942 : vector<16xi32>
        %and3A_947 = arith.andi %ge3A_945, %eq3A_946 : vector<16xi1>
        %max3A_948 = arith.maximumf %select_n3A_924, %gather3A_933 : vector<16xf32>
        %select_n3A_949 = arith.select %and3A_947, %max3A_948, %select_n3A_924 : vector<16xi1>, vector<16xf32>
        %add3A_950 = arith.constant 1 : i32
        %add3A_951 = vector.broadcast %add3A_950 : i32 to vector<16xi32>
        %add3A_952 = arith.addi %iota3A, %add3A_951 : vector<16xi32>
        %min3A_953 = arith.constant 15 : i32
        %min3A_954 = vector.broadcast %min3A_953 : i32 to vector<16xi32>
        %min3A_955 = arith.minsi %add3A_952, %min3A_954 : vector<16xi32>
        %broadcast_in_dim3A_956 = vector.shape_cast %min3A_955 : vector<16xi32> to vector<16x1xi32>
        %gather3A_957 = vector.shape_cast %broadcast_in_dim3A_956 : vector<16x1xi32> to vector<16xi32>
        %gather3A_958 = tpu.dynamic_gather %get3A_849[%gather3A_957] in [0] : vector<16xi32>, vector<16xi32> -> vector<16xi32>
        %eq3A_959 = arith.constant 15 : i32
        %eq3A_960 = vector.broadcast %eq3A_959 : i32 to vector<16xi32>
        %eq3A_961 = arith.cmpi eq, %iota3A, %eq3A_960 : vector<16xi32>
        %ne3A_962 = arith.cmpi ne, %get3A_849, %gather3A_958 : vector<16xi32>
        %or3A_963 = arith.ori %eq3A_961, %ne3A_962 : vector<16xi1>
        %gather3A_964 = tpu.vector_load_idx %arg15[%get3A_849] : memref<50000xf32, #tpu.memory_space<vmem>>[vector<16xi32>], vector<16xf32>,
        %max3A_965 = arith.maximumf %gather3A_964, %select_n3A_949 : vector<16xf32>
        tpu.vector_store_idx %arg15[%get3A_849], %max3A_965 masked %or3A_963 : memref<50000xf32, #tpu.memory_space<vmem>>[vector<16xi32>], vector<16xf32>, vector<16xi1>
        %get3A_966 = arith.index_cast %scan3A_45 : i32 to index
        %get3A_967 = arith.constant 112 : index
        %get3A_968 = tpu.vector_load %arg9[%get3A_966, %get3A_967] {strides = array<i32>} : memref<32x128xf32, #tpu.memory_space<vmem>>, vector<16xf32>,
        %get3A_969 = arith.index_cast %scan3A_45 : i32 to index
        %get3A_970 = arith.constant 112 : index
        %get3A_971 = tpu.vector_load %arg10[%get3A_969, %get3A_970] {strides = array<i32>} : memref<32x128xf32, #tpu.memory_space<vmem>>, vector<16xf32>,
        %exp3A_972 = math.exp %get3A_968 : vector<16xf32>
        %swap3A_973 = arith.index_cast %scan3A_45 : i32 to index
        %swap3A_974 = arith.constant 112 : index
        %swap3A_975 = tpu.vector_load %arg12[%swap3A_973, %swap3A_974] {strides = array<i32>} : memref<32x128xf32, #tpu.memory_space<vmem>>, vector<16xf32>,
        tpu.vector_store %arg12[%swap3A_973, %swap3A_974], %exp3A_972 {strides = array<i32>} : memref<32x128xf32, #tpu.memory_space<vmem>>, vector<16xf32>,
        %mul3A_976 = arith.mulf %get3A_968, %get3A_971 : vector<16xf32>
        %swap3A_977 = arith.index_cast %scan3A_45 : i32 to index
        %swap3A_978 = arith.constant 112 : index
        %swap3A_979 = tpu.vector_load %arg13[%swap3A_977, %swap3A_978] {strides = array<i32>} : memref<32x128xf32, #tpu.memory_space<vmem>>, vector<16xf32>,
        tpu.vector_store %arg13[%swap3A_977, %swap3A_978], %mul3A_976 {strides = array<i32>} : memref<32x128xf32, #tpu.memory_space<vmem>>, vector<16xf32>,
        %get3A_980 = arith.index_cast %scan3A_45 : i32 to index
        %get3A_981 = arith.constant 112 : index
        %get3A_982 = tpu.vector_load %arg11[%get3A_980, %get3A_981] {strides = array<i32>} : memref<32x128xi32, #tpu.memory_space<vmem>>, vector<16xi32>,
        %sub3A_983 = arith.constant 1 : i32
        %sub3A_984 = vector.broadcast %sub3A_983 : i32 to vector<16xi32>
        %sub3A_985 = arith.subi %iota3A, %sub3A_984 : vector<16xi32>
        %max3A_986 = arith.constant 0 : i32
        %max3A_987 = vector.broadcast %max3A_986 : i32 to vector<16xi32>
        %max3A_988 = arith.maxsi %sub3A_985, %max3A_987 : vector<16xi32>
        %broadcast_in_dim3A_989 = vector.shape_cast %max3A_988 : vector<16xi32> to vector<16x1xi32>
        %gather3A_990 = vector.shape_cast %broadcast_in_dim3A_989 : vector<16x1xi32> to vector<16xi32>
        %gather3A_991 = tpu.dynamic_gather %get3A_968[%gather3A_990] in [0] : vector<16xf32>, vector<16xi32> -> vector<16xf32>
        %sub3A_992 = arith.constant 1 : i32
        %sub3A_993 = vector.broadcast %sub3A_992 : i32 to vector<16xi32>
        %sub3A_994 = arith.subi %iota3A, %sub3A_993 : vector<16xi32>
        %max3A_995 = arith.constant 0 : i32
        %max3A_996 = vector.broadcast %max3A_995 : i32 to vector<16xi32>
        %max3A_997 = arith.maxsi %sub3A_994, %max3A_996 : vector<16xi32>
        %broadcast_in_dim3A_998 = vector.shape_cast %max3A_997 : vector<16xi32> to vector<16x1xi32>
        %gather3A_999 = vector.shape_cast %broadcast_in_dim3A_998 : vector<16x1xi32> to vector<16xi32>
        %gather3A_1000 = tpu.dynamic_gather %get3A_982[%gather3A_999] in [0] : vector<16xi32>, vector<16xi32> -> vector<16xi32>
        %ge3A_1001 = arith.constant 1 : i32
        %ge3A_1002 = vector.broadcast %ge3A_1001 : i32 to vector<16xi32>
        %ge3A_1003 = arith.cmpi sge, %iota3A, %ge3A_1002 : vector<16xi32>
        %eq3A_1004 = arith.cmpi eq, %get3A_982, %gather3A_1000 : vector<16xi32>
        %and3A_1005 = arith.andi %ge3A_1003, %eq3A_1004 : vector<16xi1>
        %max3A_1006 = arith.maximumf %get3A_968, %gather3A_991 : vector<16xf32>
        %select_n3A_1007 = arith.select %and3A_1005, %max3A_1006, %get3A_968 : vector<16xi1>, vector<16xf32>
        %sub3A_1008 = arith.constant 2 : i32
        %sub3A_1009 = vector.broadcast %sub3A_1008 : i32 to vector<16xi32>
        %sub3A_1010 = arith.subi %iota3A, %sub3A_1009 : vector<16xi32>
        %max3A_1011 = arith.constant 0 : i32
        %max3A_1012 = vector.broadcast %max3A_1011 : i32 to vector<16xi32>
        %max3A_1013 = arith.maxsi %sub3A_1010, %max3A_1012 : vector<16xi32>
        %broadcast_in_dim3A_1014 = vector.shape_cast %max3A_1013 : vector<16xi32> to vector<16x1xi32>
        %gather3A_1015 = vector.shape_cast %broadcast_in_dim3A_1014 : vector<16x1xi32> to vector<16xi32>
        %gather3A_1016 = tpu.dynamic_gather %select_n3A_1007[%gather3A_1015] in [0] : vector<16xf32>, vector<16xi32> -> vector<16xf32>
        %sub3A_1017 = arith.constant 2 : i32
        %sub3A_1018 = vector.broadcast %sub3A_1017 : i32 to vector<16xi32>
        %sub3A_1019 = arith.subi %iota3A, %sub3A_1018 : vector<16xi32>
        %max3A_1020 = arith.constant 0 : i32
        %max3A_1021 = vector.broadcast %max3A_1020 : i32 to vector<16xi32>
        %max3A_1022 = arith.maxsi %sub3A_1019, %max3A_1021 : vector<16xi32>
        %broadcast_in_dim3A_1023 = vector.shape_cast %max3A_1022 : vector<16xi32> to vector<16x1xi32>
        %gather3A_1024 = vector.shape_cast %broadcast_in_dim3A_1023 : vector<16x1xi32> to vector<16xi32>
        %gather3A_1025 = tpu.dynamic_gather %get3A_982[%gather3A_1024] in [0] : vector<16xi32>, vector<16xi32> -> vector<16xi32>
        %ge3A_1026 = arith.constant 2 : i32
        %ge3A_1027 = vector.broadcast %ge3A_1026 : i32 to vector<16xi32>
        %ge3A_1028 = arith.cmpi sge, %iota3A, %ge3A_1027 : vector<16xi32>
        %eq3A_1029 = arith.cmpi eq, %get3A_982, %gather3A_1025 : vector<16xi32>
        %and3A_1030 = arith.andi %ge3A_1028, %eq3A_1029 : vector<16xi1>
        %max3A_1031 = arith.maximumf %select_n3A_1007, %gather3A_1016 : vector<16xf32>
        %select_n3A_1032 = arith.select %and3A_1030, %max3A_1031, %select_n3A_1007 : vector<16xi1>, vector<16xf32>
        %sub3A_1033 = arith.constant 4 : i32
        %sub3A_1034 = vector.broadcast %sub3A_1033 : i32 to vector<16xi32>
        %sub3A_1035 = arith.subi %iota3A, %sub3A_1034 : vector<16xi32>
        %max3A_1036 = arith.constant 0 : i32
        %max3A_1037 = vector.broadcast %max3A_1036 : i32 to vector<16xi32>
        %max3A_1038 = arith.maxsi %sub3A_1035, %max3A_1037 : vector<16xi32>
        %broadcast_in_dim3A_1039 = vector.shape_cast %max3A_1038 : vector<16xi32> to vector<16x1xi32>
        %gather3A_1040 = vector.shape_cast %broadcast_in_dim3A_1039 : vector<16x1xi32> to vector<16xi32>
        %gather3A_1041 = tpu.dynamic_gather %select_n3A_1032[%gather3A_1040] in [0] : vector<16xf32>, vector<16xi32> -> vector<16xf32>
        %sub3A_1042 = arith.constant 4 : i32
        %sub3A_1043 = vector.broadcast %sub3A_1042 : i32 to vector<16xi32>
        %sub3A_1044 = arith.subi %iota3A, %sub3A_1043 : vector<16xi32>
        %max3A_1045 = arith.constant 0 : i32
        %max3A_1046 = vector.broadcast %max3A_1045 : i32 to vector<16xi32>
        %max3A_1047 = arith.maxsi %sub3A_1044, %max3A_1046 : vector<16xi32>
        %broadcast_in_dim3A_1048 = vector.shape_cast %max3A_1047 : vector<16xi32> to vector<16x1xi32>
        %gather3A_1049 = vector.shape_cast %broadcast_in_dim3A_1048 : vector<16x1xi32> to vector<16xi32>
        %gather3A_1050 = tpu.dynamic_gather %get3A_982[%gather3A_1049] in [0] : vector<16xi32>, vector<16xi32> -> vector<16xi32>
        %ge3A_1051 = arith.constant 4 : i32
        %ge3A_1052 = vector.broadcast %ge3A_1051 : i32 to vector<16xi32>
        %ge3A_1053 = arith.cmpi sge, %iota3A, %ge3A_1052 : vector<16xi32>
        %eq3A_1054 = arith.cmpi eq, %get3A_982, %gather3A_1050 : vector<16xi32>
        %and3A_1055 = arith.andi %ge3A_1053, %eq3A_1054 : vector<16xi1>
        %max3A_1056 = arith.maximumf %select_n3A_1032, %gather3A_1041 : vector<16xf32>
        %select_n3A_1057 = arith.select %and3A_1055, %max3A_1056, %select_n3A_1032 : vector<16xi1>, vector<16xf32>
        %sub3A_1058 = arith.constant 8 : i32
        %sub3A_1059 = vector.broadcast %sub3A_1058 : i32 to vector<16xi32>
        %sub3A_1060 = arith.subi %iota3A, %sub3A_1059 : vector<16xi32>
        %max3A_1061 = arith.constant 0 : i32
        %max3A_1062 = vector.broadcast %max3A_1061 : i32 to vector<16xi32>
        %max3A_1063 = arith.maxsi %sub3A_1060, %max3A_1062 : vector<16xi32>
        %broadcast_in_dim3A_1064 = vector.shape_cast %max3A_1063 : vector<16xi32> to vector<16x1xi32>
        %gather3A_1065 = vector.shape_cast %broadcast_in_dim3A_1064 : vector<16x1xi32> to vector<16xi32>
        %gather3A_1066 = tpu.dynamic_gather %select_n3A_1057[%gather3A_1065] in [0] : vector<16xf32>, vector<16xi32> -> vector<16xf32>
        %sub3A_1067 = arith.constant 8 : i32
        %sub3A_1068 = vector.broadcast %sub3A_1067 : i32 to vector<16xi32>
        %sub3A_1069 = arith.subi %iota3A, %sub3A_1068 : vector<16xi32>
        %max3A_1070 = arith.constant 0 : i32
        %max3A_1071 = vector.broadcast %max3A_1070 : i32 to vector<16xi32>
        %max3A_1072 = arith.maxsi %sub3A_1069, %max3A_1071 : vector<16xi32>
        %broadcast_in_dim3A_1073 = vector.shape_cast %max3A_1072 : vector<16xi32> to vector<16x1xi32>
        %gather3A_1074 = vector.shape_cast %broadcast_in_dim3A_1073 : vector<16x1xi32> to vector<16xi32>
        %gather3A_1075 = tpu.dynamic_gather %get3A_982[%gather3A_1074] in [0] : vector<16xi32>, vector<16xi32> -> vector<16xi32>
        %ge3A_1076 = arith.constant 8 : i32
        %ge3A_1077 = vector.broadcast %ge3A_1076 : i32 to vector<16xi32>
        %ge3A_1078 = arith.cmpi sge, %iota3A, %ge3A_1077 : vector<16xi32>
        %eq3A_1079 = arith.cmpi eq, %get3A_982, %gather3A_1075 : vector<16xi32>
        %and3A_1080 = arith.andi %ge3A_1078, %eq3A_1079 : vector<16xi1>
        %max3A_1081 = arith.maximumf %select_n3A_1057, %gather3A_1066 : vector<16xf32>
        %select_n3A_1082 = arith.select %and3A_1080, %max3A_1081, %select_n3A_1057 : vector<16xi1>, vector<16xf32>
        %add3A_1083 = arith.constant 1 : i32
        %add3A_1084 = vector.broadcast %add3A_1083 : i32 to vector<16xi32>
        %add3A_1085 = arith.addi %iota3A, %add3A_1084 : vector<16xi32>
        %min3A_1086 = arith.constant 15 : i32
        %min3A_1087 = vector.broadcast %min3A_1086 : i32 to vector<16xi32>
        %min3A_1088 = arith.minsi %add3A_1085, %min3A_1087 : vector<16xi32>
        %broadcast_in_dim3A_1089 = vector.shape_cast %min3A_1088 : vector<16xi32> to vector<16x1xi32>
        %gather3A_1090 = vector.shape_cast %broadcast_in_dim3A_1089 : vector<16x1xi32> to vector<16xi32>
        %gather3A_1091 = tpu.dynamic_gather %get3A_982[%gather3A_1090] in [0] : vector<16xi32>, vector<16xi32> -> vector<16xi32>
        %eq3A_1092 = arith.constant 15 : i32
        %eq3A_1093 = vector.broadcast %eq3A_1092 : i32 to vector<16xi32>
        %eq3A_1094 = arith.cmpi eq, %iota3A, %eq3A_1093 : vector<16xi32>
        %ne3A_1095 = arith.cmpi ne, %get3A_982, %gather3A_1091 : vector<16xi32>
        %or3A_1096 = arith.ori %eq3A_1094, %ne3A_1095 : vector<16xi1>
        %gather3A_1097 = tpu.vector_load_idx %arg15[%get3A_982] : memref<50000xf32, #tpu.memory_space<vmem>>[vector<16xi32>], vector<16xf32>,
        %max3A_1098 = arith.maximumf %gather3A_1097, %select_n3A_1082 : vector<16xf32>
        tpu.vector_store_idx %arg15[%get3A_982], %max3A_1098 masked %or3A_1096 : memref<50000xf32, #tpu.memory_space<vmem>>[vector<16xi32>], vector<16xf32>, vector<16xi1>
        "tpu.region"() ({
          %run_scoped3A = tpu.sem_alloc : memref<!tpu.dma_semaphore, #tpu.memory_space<semaphore_mem>>
          %dma_start3A = arith.constant 0 : i32
          %dma_start3A_1100 = tpu.memref_slice %arg12[%scan3A_45, %dma_start3A] : memref<32x128xf32, #tpu.memory_space<vmem>> -> memref<1x128xf32, #tpu.memory_space<vmem>>
          %dma_start3A_1101 = tpu.memref_squeeze %dma_start3A_1100 : memref<1x128xf32, #tpu.memory_space<vmem>> -> memref<128xf32, #tpu.memory_space<vmem>>
          %dma_start3A_1102 = arith.constant 0 : i32
          %dma_start3A_1103 = tpu.memref_slice %arg11[%scan3A_45, %dma_start3A_1102] : memref<32x128xi32, #tpu.memory_space<vmem>> -> memref<1x128xi32, #tpu.memory_space<vmem>>
          %dma_start3A_1104 = tpu.memref_squeeze %dma_start3A_1103 : memref<1x128xi32, #tpu.memory_space<vmem>> -> memref<128xi32, #tpu.memory_space<vmem>>
          %dma_start3A_1105 = arith.constant 0 : i32
          %dma_start3A_1106 = tpu.memref_slice %arg16[%dma_start3A_1105] : memref<50000xf32, #tpu.memory_space<vmem_shared>> -> memref<50000xf32, #tpu.memory_space<vmem_shared>>
          tpu.enqueue_indirect_dma source(%dma_start3A_1101 : memref<128xf32, #tpu.memory_space<vmem>>) target(%dma_start3A_1106 : memref<50000xf32, #tpu.memory_space<vmem_shared>>) offsets(%dma_start3A_1104 : memref<128xi32, #tpu.memory_space<vmem>>) semaphore(%run_scoped3A : memref<!tpu.dma_semaphore, #tpu.memory_space<semaphore_mem>>) {add = true}
          %dma_wait3A = arith.constant 0 : i32
          %dma_wait3A_1107 = tpu.memref_slice %arg12[%scan3A_45, %dma_wait3A] : memref<32x128xf32, #tpu.memory_space<vmem>> -> memref<1x128xf32, #tpu.memory_space<vmem>>
          %dma_wait3A_1108 = tpu.memref_squeeze %dma_wait3A_1107 : memref<1x128xf32, #tpu.memory_space<vmem>> -> memref<128xf32, #tpu.memory_space<vmem>>
          %dma_wait3A_1109 = arith.constant 0 : i32
          %dma_wait3A_1110 = tpu.memref_slice %arg11[%scan3A_45, %dma_wait3A_1109] : memref<32x128xi32, #tpu.memory_space<vmem>> -> memref<1x128xi32, #tpu.memory_space<vmem>>
          %dma_wait3A_1111 = tpu.memref_squeeze %dma_wait3A_1110 : memref<1x128xi32, #tpu.memory_space<vmem>> -> memref<128xi32, #tpu.memory_space<vmem>>
          %dma_wait3A_1112 = arith.constant 0 : i32
          %dma_wait3A_1113 = tpu.memref_slice %arg16[%dma_wait3A_1112] : memref<50000xf32, #tpu.memory_space<vmem_shared>> -> memref<50000xf32, #tpu.memory_space<vmem_shared>>
          tpu.wait_indirect_dma semaphore(%run_scoped3A : memref<!tpu.dma_semaphore, #tpu.memory_space<semaphore_mem>>) src(%dma_wait3A_1108 : memref<128xf32, #tpu.memory_space<vmem>>) dst(%dma_wait3A_1113 : memref<50000xf32, #tpu.memory_space<vmem_shared>>)
          tpu.yield
        }) : () -> ()
        "tpu.region"() ({
          %run_scoped3A = tpu.sem_alloc : memref<!tpu.dma_semaphore, #tpu.memory_space<semaphore_mem>>
          %dma_start3A = arith.constant 0 : i32
          %dma_start3A_1100 = tpu.memref_slice %arg13[%scan3A_45, %dma_start3A] : memref<32x128xf32, #tpu.memory_space<vmem>> -> memref<1x128xf32, #tpu.memory_space<vmem>>
          %dma_start3A_1101 = tpu.memref_squeeze %dma_start3A_1100 : memref<1x128xf32, #tpu.memory_space<vmem>> -> memref<128xf32, #tpu.memory_space<vmem>>
          %dma_start3A_1102 = arith.constant 0 : i32
          %dma_start3A_1103 = tpu.memref_slice %arg11[%scan3A_45, %dma_start3A_1102] : memref<32x128xi32, #tpu.memory_space<vmem>> -> memref<1x128xi32, #tpu.memory_space<vmem>>
          %dma_start3A_1104 = tpu.memref_squeeze %dma_start3A_1103 : memref<1x128xi32, #tpu.memory_space<vmem>> -> memref<128xi32, #tpu.memory_space<vmem>>
          %dma_start3A_1105 = arith.constant 0 : i32
          %dma_start3A_1106 = tpu.memref_slice %arg17[%dma_start3A_1105] : memref<50000xf32, #tpu.memory_space<vmem_shared>> -> memref<50000xf32, #tpu.memory_space<vmem_shared>>
          tpu.enqueue_indirect_dma source(%dma_start3A_1101 : memref<128xf32, #tpu.memory_space<vmem>>) target(%dma_start3A_1106 : memref<50000xf32, #tpu.memory_space<vmem_shared>>) offsets(%dma_start3A_1104 : memref<128xi32, #tpu.memory_space<vmem>>) semaphore(%run_scoped3A : memref<!tpu.dma_semaphore, #tpu.memory_space<semaphore_mem>>) {add = true}
          %dma_wait3A = arith.constant 0 : i32
          %dma_wait3A_1107 = tpu.memref_slice %arg13[%scan3A_45, %dma_wait3A] : memref<32x128xf32, #tpu.memory_space<vmem>> -> memref<1x128xf32, #tpu.memory_space<vmem>>
          %dma_wait3A_1108 = tpu.memref_squeeze %dma_wait3A_1107 : memref<1x128xf32, #tpu.memory_space<vmem>> -> memref<128xf32, #tpu.memory_space<vmem>>
          %dma_wait3A_1109 = arith.constant 0 : i32
          %dma_wait3A_1110 = tpu.memref_slice %arg11[%scan3A_45, %dma_wait3A_1109] : memref<32x128xi32, #tpu.memory_space<vmem>> -> memref<1x128xi32, #tpu.memory_space<vmem>>
          %dma_wait3A_1111 = tpu.memref_squeeze %dma_wait3A_1110 : memref<1x128xi32, #tpu.memory_space<vmem>> -> memref<128xi32, #tpu.memory_space<vmem>>
          %dma_wait3A_1112 = arith.constant 0 : i32
          %dma_wait3A_1113 = tpu.memref_slice %arg17[%dma_wait3A_1112] : memref<50000xf32, #tpu.memory_space<vmem_shared>> -> memref<50000xf32, #tpu.memory_space<vmem_shared>>
          tpu.wait_indirect_dma semaphore(%run_scoped3A : memref<!tpu.dma_semaphore, #tpu.memory_space<semaphore_mem>>) src(%dma_wait3A_1108 : memref<128xf32, #tpu.memory_space<vmem>>) dst(%dma_wait3A_1113 : memref<50000xf32, #tpu.memory_space<vmem_shared>>)
          tpu.yield
        }) : () -> ()
        "tpu.region"() ({
          %run_scoped3A = tpu.sem_alloc : memref<!tpu.dma_semaphore, #tpu.memory_space<semaphore_mem>>
          %dma_start3A = arith.constant 0 : i32
          %dma_start3A_1100 = tpu.memref_slice %arg10[%scan3A_45, %dma_start3A] : memref<32x128xf32, #tpu.memory_space<vmem>> -> memref<1x128xf32, #tpu.memory_space<vmem>>
          %dma_start3A_1101 = tpu.memref_squeeze %dma_start3A_1100 : memref<1x128xf32, #tpu.memory_space<vmem>> -> memref<128xf32, #tpu.memory_space<vmem>>
          %dma_start3A_1102 = arith.constant 0 : i32
          %dma_start3A_1103 = tpu.memref_slice %arg11[%scan3A_45, %dma_start3A_1102] : memref<32x128xi32, #tpu.memory_space<vmem>> -> memref<1x128xi32, #tpu.memory_space<vmem>>
          %dma_start3A_1104 = tpu.memref_squeeze %dma_start3A_1103 : memref<1x128xi32, #tpu.memory_space<vmem>> -> memref<128xi32, #tpu.memory_space<vmem>>
          %dma_start3A_1105 = arith.constant 0 : i32
          %dma_start3A_1106 = tpu.memref_slice %arg18[%dma_start3A_1105] : memref<50000xf32, #tpu.memory_space<vmem_shared>> -> memref<50000xf32, #tpu.memory_space<vmem_shared>>
          tpu.enqueue_indirect_dma source(%dma_start3A_1101 : memref<128xf32, #tpu.memory_space<vmem>>) target(%dma_start3A_1106 : memref<50000xf32, #tpu.memory_space<vmem_shared>>) offsets(%dma_start3A_1104 : memref<128xi32, #tpu.memory_space<vmem>>) semaphore(%run_scoped3A : memref<!tpu.dma_semaphore, #tpu.memory_space<semaphore_mem>>) {add = true}
          %dma_wait3A = arith.constant 0 : i32
          %dma_wait3A_1107 = tpu.memref_slice %arg10[%scan3A_45, %dma_wait3A] : memref<32x128xf32, #tpu.memory_space<vmem>> -> memref<1x128xf32, #tpu.memory_space<vmem>>
          %dma_wait3A_1108 = tpu.memref_squeeze %dma_wait3A_1107 : memref<1x128xf32, #tpu.memory_space<vmem>> -> memref<128xf32, #tpu.memory_space<vmem>>
          %dma_wait3A_1109 = arith.constant 0 : i32
          %dma_wait3A_1110 = tpu.memref_slice %arg11[%scan3A_45, %dma_wait3A_1109] : memref<32x128xi32, #tpu.memory_space<vmem>> -> memref<1x128xi32, #tpu.memory_space<vmem>>
          %dma_wait3A_1111 = tpu.memref_squeeze %dma_wait3A_1110 : memref<1x128xi32, #tpu.memory_space<vmem>> -> memref<128xi32, #tpu.memory_space<vmem>>
          %dma_wait3A_1112 = arith.constant 0 : i32
          %dma_wait3A_1113 = tpu.memref_slice %arg18[%dma_wait3A_1112] : memref<50000xf32, #tpu.memory_space<vmem_shared>> -> memref<50000xf32, #tpu.memory_space<vmem_shared>>
          tpu.wait_indirect_dma semaphore(%run_scoped3A : memref<!tpu.dma_semaphore, #tpu.memory_space<semaphore_mem>>) src(%dma_wait3A_1108 : memref<128xf32, #tpu.memory_space<vmem>>) dst(%dma_wait3A_1113 : memref<50000xf32, #tpu.memory_space<vmem_shared>>)
          tpu.yield
        }) : () -> ()
        %scan3A_1099 = arith.constant 0 : i32
        scf.yield %scan3A_1099 : i32
      }
      %scan3A_44 = arith.constant 20 : i32
    } else {
    }
    %mul3A_22 = arith.constant 50000 : i32
    %mul3A_23 = arith.muli %add3A, %mul3A_22 : i32
    "tpu.region"() ({
      %run_scoped3A = tpu.sem_alloc : memref<!tpu.dma_semaphore, #tpu.memory_space<semaphore_mem>>
      %dma_start3A = tpu.memref_slice %arg8[%mul3A_23] : memref<1600000xf32, #tpu.memory_space<hbm>> -> memref<50000xf32, #tpu.memory_space<hbm>>
      %dma_start3A_38 = tpu.memref_slice %arg8[%mul3A_23] : memref<1600000xf32, #tpu.memory_space<hbm>> -> memref<50000xf32, #tpu.memory_space<hbm>>
      tpu.enqueue_dma source(%arg15 : memref<50000xf32, #tpu.memory_space<vmem>>) target(%dma_start3A_38 : memref<50000xf32, #tpu.memory_space<hbm>>) target_semaphore(%run_scoped3A : memref<!tpu.dma_semaphore, #tpu.memory_space<semaphore_mem>>)
      %dma_wait3A = tpu.memref_slice %arg8[%mul3A_23] : memref<1600000xf32, #tpu.memory_space<hbm>> -> memref<50000xf32, #tpu.memory_space<hbm>>
      %dma_wait3A_39 = tpu.memref_slice %arg8[%mul3A_23] : memref<1600000xf32, #tpu.memory_space<hbm>> -> memref<50000xf32, #tpu.memory_space<hbm>>
      tpu.wait_dma2 semaphore(%run_scoped3A : memref<!tpu.dma_semaphore, #tpu.memory_space<semaphore_mem>>) src(%arg15 : memref<50000xf32, #tpu.memory_space<vmem>>) dst(%dma_wait3A_39 : memref<50000xf32, #tpu.memory_space<hbm>>)
      tpu.yield
    }) : () -> ()
    %barrier3A_24 = arith.constant 0 : index
    tpu.barrier barrier_id(%barrier3A_24)
    %add3A_25 = arith.constant 0 : i32
    %add3A_26 = arith.addi %arg1, %add3A_25 : i32
    %lt3A = arith.constant 25 : i32
    %lt3A_27 = arith.cmpi slt, %add3A_26, %lt3A : i32
    %convert_element_type3A_28 = arith.extui %lt3A_27 : i1 to i32
    %cond3A_29 = arith.constant 0 : i32
    %cond3A_30 = arith.cmpi ne, %convert_element_type3A_28, %cond3A_29 : i32
    scf.if %cond3A_30 {
      %mul3A_38 = arith.constant 2000 : i32
      %mul3A_39 = arith.muli %add3A_26, %mul3A_38 : i32
      "tpu.region"() ({
        %run_scoped3A = tpu.sem_alloc : memref<!tpu.dma_semaphore, #tpu.memory_space<semaphore_mem>>
        %dma_start3A = tpu.memref_slice %arg16[%mul3A_39] : memref<50000xf32, #tpu.memory_space<vmem_shared>> -> memref<2000xf32, #tpu.memory_space<vmem_shared>>
        %dma_start3A_49 = tpu.memref_slice %arg16[%mul3A_39] : memref<50000xf32, #tpu.memory_space<vmem_shared>> -> memref<2000xf32, #tpu.memory_space<vmem_shared>>
        tpu.enqueue_dma source(%dma_start3A_49 : memref<2000xf32, #tpu.memory_space<vmem_shared>>) target(%arg14 : memref<2000xf32, #tpu.memory_space<vmem>>) target_semaphore(%run_scoped3A : memref<!tpu.dma_semaphore, #tpu.memory_space<semaphore_mem>>)
        %dma_wait3A = tpu.memref_slice %arg16[%mul3A_39] : memref<50000xf32, #tpu.memory_space<vmem_shared>> -> memref<2000xf32, #tpu.memory_space<vmem_shared>>
        %dma_wait3A_50 = tpu.memref_slice %arg16[%mul3A_39] : memref<50000xf32, #tpu.memory_space<vmem_shared>> -> memref<2000xf32, #tpu.memory_space<vmem_shared>>
        tpu.wait_dma2 semaphore(%run_scoped3A : memref<!tpu.dma_semaphore, #tpu.memory_space<semaphore_mem>>) src(%dma_wait3A_50 : memref<2000xf32, #tpu.memory_space<vmem_shared>>) dst(%arg14 : memref<2000xf32, #tpu.memory_space<vmem>>)
        tpu.yield
      }) : () -> ()
      %mul3A_40 = arith.constant 50000 : i32
      %mul3A_41 = arith.muli %arg0, %mul3A_40 : i32
      %add3A_42 = arith.addi %mul3A_41, %mul3A_39 : i32
      "tpu.region"() ({
        %run_scoped3A = tpu.sem_alloc : memref<!tpu.dma_semaphore, #tpu.memory_space<semaphore_mem>>
        %dma_start3A = tpu.memref_slice %arg5[%add3A_42] : memref<100000xf32, #tpu.memory_space<hbm>> -> memref<2000xf32, #tpu.memory_space<hbm>>
        %dma_start3A_49 = tpu.memref_slice %arg5[%add3A_42] : memref<100000xf32, #tpu.memory_space<hbm>> -> memref<2000xf32, #tpu.memory_space<hbm>>
        tpu.enqueue_dma source(%arg14 : memref<2000xf32, #tpu.memory_space<vmem>>) target(%dma_start3A_49 : memref<2000xf32, #tpu.memory_space<hbm>>) target_semaphore(%run_scoped3A : memref<!tpu.dma_semaphore, #tpu.memory_space<semaphore_mem>>)
        %dma_wait3A = tpu.memref_slice %arg5[%add3A_42] : memref<100000xf32, #tpu.memory_space<hbm>> -> memref<2000xf32, #tpu.memory_space<hbm>>
        %dma_wait3A_50 = tpu.memref_slice %arg5[%add3A_42] : memref<100000xf32, #tpu.memory_space<hbm>> -> memref<2000xf32, #tpu.memory_space<hbm>>
        tpu.wait_dma2 semaphore(%run_scoped3A : memref<!tpu.dma_semaphore, #tpu.memory_space<semaphore_mem>>) src(%arg14 : memref<2000xf32, #tpu.memory_space<vmem>>) dst(%dma_wait3A_50 : memref<2000xf32, #tpu.memory_space<hbm>>)
        tpu.yield
      }) : () -> ()
      "tpu.region"() ({
        %run_scoped3A = tpu.sem_alloc : memref<!tpu.dma_semaphore, #tpu.memory_space<semaphore_mem>>
        %dma_start3A = tpu.memref_slice %arg17[%mul3A_39] : memref<50000xf32, #tpu.memory_space<vmem_shared>> -> memref<2000xf32, #tpu.memory_space<vmem_shared>>
        %dma_start3A_49 = tpu.memref_slice %arg17[%mul3A_39] : memref<50000xf32, #tpu.memory_space<vmem_shared>> -> memref<2000xf32, #tpu.memory_space<vmem_shared>>
        tpu.enqueue_dma source(%dma_start3A_49 : memref<2000xf32, #tpu.memory_space<vmem_shared>>) target(%arg14 : memref<2000xf32, #tpu.memory_space<vmem>>) target_semaphore(%run_scoped3A : memref<!tpu.dma_semaphore, #tpu.memory_space<semaphore_mem>>)
        %dma_wait3A = tpu.memref_slice %arg17[%mul3A_39] : memref<50000xf32, #tpu.memory_space<vmem_shared>> -> memref<2000xf32, #tpu.memory_space<vmem_shared>>
        %dma_wait3A_50 = tpu.memref_slice %arg17[%mul3A_39] : memref<50000xf32, #tpu.memory_space<vmem_shared>> -> memref<2000xf32, #tpu.memory_space<vmem_shared>>
        tpu.wait_dma2 semaphore(%run_scoped3A : memref<!tpu.dma_semaphore, #tpu.memory_space<semaphore_mem>>) src(%dma_wait3A_50 : memref<2000xf32, #tpu.memory_space<vmem_shared>>) dst(%arg14 : memref<2000xf32, #tpu.memory_space<vmem>>)
        tpu.yield
      }) : () -> ()
      %mul3A_43 = arith.constant 50000 : i32
      %mul3A_44 = arith.muli %arg0, %mul3A_43 : i32
      %add3A_45 = arith.addi %mul3A_44, %mul3A_39 : i32
      "tpu.region"() ({
        %run_scoped3A = tpu.sem_alloc : memref<!tpu.dma_semaphore, #tpu.memory_space<semaphore_mem>>
        %dma_start3A = tpu.memref_slice %arg6[%add3A_45] : memref<100000xf32, #tpu.memory_space<hbm>> -> memref<2000xf32, #tpu.memory_space<hbm>>
        %dma_start3A_49 = tpu.memref_slice %arg6[%add3A_45] : memref<100000xf32, #tpu.memory_space<hbm>> -> memref<2000xf32, #tpu.memory_space<hbm>>
        tpu.enqueue_dma source(%arg14 : memref<2000xf32, #tpu.memory_space<vmem>>) target(%dma_start3A_49 : memref<2000xf32, #tpu.memory_space<hbm>>) target_semaphore(%run_scoped3A : memref<!tpu.dma_semaphore, #tpu.memory_space<semaphore_mem>>)
        %dma_wait3A = tpu.memref_slice %arg6[%add3A_45] : memref<100000xf32, #tpu.memory_space<hbm>> -> memref<2000xf32, #tpu.memory_space<hbm>>
        %dma_wait3A_50 = tpu.memref_slice %arg6[%add3A_45] : memref<100000xf32, #tpu.memory_space<hbm>> -> memref<2000xf32, #tpu.memory_space<hbm>>
        tpu.wait_dma2 semaphore(%run_scoped3A : memref<!tpu.dma_semaphore, #tpu.memory_space<semaphore_mem>>) src(%arg14 : memref<2000xf32, #tpu.memory_space<vmem>>) dst(%dma_wait3A_50 : memref<2000xf32, #tpu.memory_space<hbm>>)
        tpu.yield
      }) : () -> ()
      "tpu.region"() ({
        %run_scoped3A = tpu.sem_alloc : memref<!tpu.dma_semaphore, #tpu.memory_space<semaphore_mem>>
        %dma_start3A = tpu.memref_slice %arg18[%mul3A_39] : memref<50000xf32, #tpu.memory_space<vmem_shared>> -> memref<2000xf32, #tpu.memory_space<vmem_shared>>
        %dma_start3A_49 = tpu.memref_slice %arg18[%mul3A_39] : memref<50000xf32, #tpu.memory_space<vmem_shared>> -> memref<2000xf32, #tpu.memory_space<vmem_shared>>
        tpu.enqueue_dma source(%dma_start3A_49 : memref<2000xf32, #tpu.memory_space<vmem_shared>>) target(%arg14 : memref<2000xf32, #tpu.memory_space<vmem>>) target_semaphore(%run_scoped3A : memref<!tpu.dma_semaphore, #tpu.memory_space<semaphore_mem>>)
        %dma_wait3A = tpu.memref_slice %arg18[%mul3A_39] : memref<50000xf32, #tpu.memory_space<vmem_shared>> -> memref<2000xf32, #tpu.memory_space<vmem_shared>>
        %dma_wait3A_50 = tpu.memref_slice %arg18[%mul3A_39] : memref<50000xf32, #tpu.memory_space<vmem_shared>> -> memref<2000xf32, #tpu.memory_space<vmem_shared>>
        tpu.wait_dma2 semaphore(%run_scoped3A : memref<!tpu.dma_semaphore, #tpu.memory_space<semaphore_mem>>) src(%dma_wait3A_50 : memref<2000xf32, #tpu.memory_space<vmem_shared>>) dst(%arg14 : memref<2000xf32, #tpu.memory_space<vmem>>)
        tpu.yield
      }) : () -> ()
      %mul3A_46 = arith.constant 50000 : i32
      %mul3A_47 = arith.muli %arg0, %mul3A_46 : i32
      %add3A_48 = arith.addi %mul3A_47, %mul3A_39 : i32
      "tpu.region"() ({
        %run_scoped3A = tpu.sem_alloc : memref<!tpu.dma_semaphore, #tpu.memory_space<semaphore_mem>>
        %dma_start3A = tpu.memref_slice %arg7[%add3A_48] : memref<100000xf32, #tpu.memory_space<hbm>> -> memref<2000xf32, #tpu.memory_space<hbm>>
        %dma_start3A_49 = tpu.memref_slice %arg7[%add3A_48] : memref<100000xf32, #tpu.memory_space<hbm>> -> memref<2000xf32, #tpu.memory_space<hbm>>
        tpu.enqueue_dma source(%arg14 : memref<2000xf32, #tpu.memory_space<vmem>>) target(%dma_start3A_49 : memref<2000xf32, #tpu.memory_space<hbm>>) target_semaphore(%run_scoped3A : memref<!tpu.dma_semaphore, #tpu.memory_space<semaphore_mem>>)
        %dma_wait3A = tpu.memref_slice %arg7[%add3A_48] : memref<100000xf32, #tpu.memory_space<hbm>> -> memref<2000xf32, #tpu.memory_space<hbm>>
        %dma_wait3A_50 = tpu.memref_slice %arg7[%add3A_48] : memref<100000xf32, #tpu.memory_space<hbm>> -> memref<2000xf32, #tpu.memory_space<hbm>>
        tpu.wait_dma2 semaphore(%run_scoped3A : memref<!tpu.dma_semaphore, #tpu.memory_space<semaphore_mem>>) src(%arg14 : memref<2000xf32, #tpu.memory_space<vmem>>) dst(%dma_wait3A_50 : memref<2000xf32, #tpu.memory_space<hbm>>)
        tpu.yield
      }) : () -> ()
    } else {
    }
    %add3A_31 = arith.constant 16 : i32
    %add3A_32 = arith.addi %arg1, %add3A_31 : i32
    %lt3A_33 = arith.constant 25 : i32
    %lt3A_34 = arith.cmpi slt, %add3A_32, %lt3A_33 : i32
    %convert_element_type3A_35 = arith.extui %lt3A_34 : i1 to i32
    %cond3A_36 = arith.constant 0 : i32
    %cond3A_37 = arith.cmpi ne, %convert_element_type3A_35, %cond3A_36 : i32
    scf.if %cond3A_37 {
      %mul3A_38 = arith.constant 2000 : i32
      %mul3A_39 = arith.muli %add3A_32, %mul3A_38 : i32
      "tpu.region"() ({
        %run_scoped3A = tpu.sem_alloc : memref<!tpu.dma_semaphore, #tpu.memory_space<semaphore_mem>>
        %dma_start3A = tpu.memref_slice %arg16[%mul3A_39] : memref<50000xf32, #tpu.memory_space<vmem_shared>> -> memref<2000xf32, #tpu.memory_space<vmem_shared>>
        %dma_start3A_49 = tpu.memref_slice %arg16[%mul3A_39] : memref<50000xf32, #tpu.memory_space<vmem_shared>> -> memref<2000xf32, #tpu.memory_space<vmem_shared>>
        tpu.enqueue_dma source(%dma_start3A_49 : memref<2000xf32, #tpu.memory_space<vmem_shared>>) target(%arg14 : memref<2000xf32, #tpu.memory_space<vmem>>) target_semaphore(%run_scoped3A : memref<!tpu.dma_semaphore, #tpu.memory_space<semaphore_mem>>)
        %dma_wait3A = tpu.memref_slice %arg16[%mul3A_39] : memref<50000xf32, #tpu.memory_space<vmem_shared>> -> memref<2000xf32, #tpu.memory_space<vmem_shared>>
        %dma_wait3A_50 = tpu.memref_slice %arg16[%mul3A_39] : memref<50000xf32, #tpu.memory_space<vmem_shared>> -> memref<2000xf32, #tpu.memory_space<vmem_shared>>
        tpu.wait_dma2 semaphore(%run_scoped3A : memref<!tpu.dma_semaphore, #tpu.memory_space<semaphore_mem>>) src(%dma_wait3A_50 : memref<2000xf32, #tpu.memory_space<vmem_shared>>) dst(%arg14 : memref<2000xf32, #tpu.memory_space<vmem>>)
        tpu.yield
      }) : () -> ()
      %mul3A_40 = arith.constant 50000 : i32
      %mul3A_41 = arith.muli %arg0, %mul3A_40 : i32
      %add3A_42 = arith.addi %mul3A_41, %mul3A_39 : i32
      "tpu.region"() ({
        %run_scoped3A = tpu.sem_alloc : memref<!tpu.dma_semaphore, #tpu.memory_space<semaphore_mem>>
        %dma_start3A = tpu.memref_slice %arg5[%add3A_42] : memref<100000xf32, #tpu.memory_space<hbm>> -> memref<2000xf32, #tpu.memory_space<hbm>>
        %dma_start3A_49 = tpu.memref_slice %arg5[%add3A_42] : memref<100000xf32, #tpu.memory_space<hbm>> -> memref<2000xf32, #tpu.memory_space<hbm>>
        tpu.enqueue_dma source(%arg14 : memref<2000xf32, #tpu.memory_space<vmem>>) target(%dma_start3A_49 : memref<2000xf32, #tpu.memory_space<hbm>>) target_semaphore(%run_scoped3A : memref<!tpu.dma_semaphore, #tpu.memory_space<semaphore_mem>>)
        %dma_wait3A = tpu.memref_slice %arg5[%add3A_42] : memref<100000xf32, #tpu.memory_space<hbm>> -> memref<2000xf32, #tpu.memory_space<hbm>>
        %dma_wait3A_50 = tpu.memref_slice %arg5[%add3A_42] : memref<100000xf32, #tpu.memory_space<hbm>> -> memref<2000xf32, #tpu.memory_space<hbm>>
        tpu.wait_dma2 semaphore(%run_scoped3A : memref<!tpu.dma_semaphore, #tpu.memory_space<semaphore_mem>>) src(%arg14 : memref<2000xf32, #tpu.memory_space<vmem>>) dst(%dma_wait3A_50 : memref<2000xf32, #tpu.memory_space<hbm>>)
        tpu.yield
      }) : () -> ()
      "tpu.region"() ({
        %run_scoped3A = tpu.sem_alloc : memref<!tpu.dma_semaphore, #tpu.memory_space<semaphore_mem>>
        %dma_start3A = tpu.memref_slice %arg17[%mul3A_39] : memref<50000xf32, #tpu.memory_space<vmem_shared>> -> memref<2000xf32, #tpu.memory_space<vmem_shared>>
        %dma_start3A_49 = tpu.memref_slice %arg17[%mul3A_39] : memref<50000xf32, #tpu.memory_space<vmem_shared>> -> memref<2000xf32, #tpu.memory_space<vmem_shared>>
        tpu.enqueue_dma source(%dma_start3A_49 : memref<2000xf32, #tpu.memory_space<vmem_shared>>) target(%arg14 : memref<2000xf32, #tpu.memory_space<vmem>>) target_semaphore(%run_scoped3A : memref<!tpu.dma_semaphore, #tpu.memory_space<semaphore_mem>>)
        %dma_wait3A = tpu.memref_slice %arg17[%mul3A_39] : memref<50000xf32, #tpu.memory_space<vmem_shared>> -> memref<2000xf32, #tpu.memory_space<vmem_shared>>
        %dma_wait3A_50 = tpu.memref_slice %arg17[%mul3A_39] : memref<50000xf32, #tpu.memory_space<vmem_shared>> -> memref<2000xf32, #tpu.memory_space<vmem_shared>>
        tpu.wait_dma2 semaphore(%run_scoped3A : memref<!tpu.dma_semaphore, #tpu.memory_space<semaphore_mem>>) src(%dma_wait3A_50 : memref<2000xf32, #tpu.memory_space<vmem_shared>>) dst(%arg14 : memref<2000xf32, #tpu.memory_space<vmem>>)
        tpu.yield
      }) : () -> ()
      %mul3A_43 = arith.constant 50000 : i32
      %mul3A_44 = arith.muli %arg0, %mul3A_43 : i32
      %add3A_45 = arith.addi %mul3A_44, %mul3A_39 : i32
      "tpu.region"() ({
        %run_scoped3A = tpu.sem_alloc : memref<!tpu.dma_semaphore, #tpu.memory_space<semaphore_mem>>
        %dma_start3A = tpu.memref_slice %arg6[%add3A_45] : memref<100000xf32, #tpu.memory_space<hbm>> -> memref<2000xf32, #tpu.memory_space<hbm>>
        %dma_start3A_49 = tpu.memref_slice %arg6[%add3A_45] : memref<100000xf32, #tpu.memory_space<hbm>> -> memref<2000xf32, #tpu.memory_space<hbm>>
        tpu.enqueue_dma source(%arg14 : memref<2000xf32, #tpu.memory_space<vmem>>) target(%dma_start3A_49 : memref<2000xf32, #tpu.memory_space<hbm>>) target_semaphore(%run_scoped3A : memref<!tpu.dma_semaphore, #tpu.memory_space<semaphore_mem>>)
        %dma_wait3A = tpu.memref_slice %arg6[%add3A_45] : memref<100000xf32, #tpu.memory_space<hbm>> -> memref<2000xf32, #tpu.memory_space<hbm>>
        %dma_wait3A_50 = tpu.memref_slice %arg6[%add3A_45] : memref<100000xf32, #tpu.memory_space<hbm>> -> memref<2000xf32, #tpu.memory_space<hbm>>
        tpu.wait_dma2 semaphore(%run_scoped3A : memref<!tpu.dma_semaphore, #tpu.memory_space<semaphore_mem>>) src(%arg14 : memref<2000xf32, #tpu.memory_space<vmem>>) dst(%dma_wait3A_50 : memref<2000xf32, #tpu.memory_space<hbm>>)
        tpu.yield
      }) : () -> ()
      "tpu.region"() ({
        %run_scoped3A = tpu.sem_alloc : memref<!tpu.dma_semaphore, #tpu.memory_space<semaphore_mem>>
        %dma_start3A = tpu.memref_slice %arg18[%mul3A_39] : memref<50000xf32, #tpu.memory_space<vmem_shared>> -> memref<2000xf32, #tpu.memory_space<vmem_shared>>
        %dma_start3A_49 = tpu.memref_slice %arg18[%mul3A_39] : memref<50000xf32, #tpu.memory_space<vmem_shared>> -> memref<2000xf32, #tpu.memory_space<vmem_shared>>
        tpu.enqueue_dma source(%dma_start3A_49 : memref<2000xf32, #tpu.memory_space<vmem_shared>>) target(%arg14 : memref<2000xf32, #tpu.memory_space<vmem>>) target_semaphore(%run_scoped3A : memref<!tpu.dma_semaphore, #tpu.memory_space<semaphore_mem>>)
        %dma_wait3A = tpu.memref_slice %arg18[%mul3A_39] : memref<50000xf32, #tpu.memory_space<vmem_shared>> -> memref<2000xf32, #tpu.memory_space<vmem_shared>>
        %dma_wait3A_50 = tpu.memref_slice %arg18[%mul3A_39] : memref<50000xf32, #tpu.memory_space<vmem_shared>> -> memref<2000xf32, #tpu.memory_space<vmem_shared>>
        tpu.wait_dma2 semaphore(%run_scoped3A : memref<!tpu.dma_semaphore, #tpu.memory_space<semaphore_mem>>) src(%dma_wait3A_50 : memref<2000xf32, #tpu.memory_space<vmem_shared>>) dst(%arg14 : memref<2000xf32, #tpu.memory_space<vmem>>)
        tpu.yield
      }) : () -> ()
      %mul3A_46 = arith.constant 50000 : i32
      %mul3A_47 = arith.muli %arg0, %mul3A_46 : i32
      %add3A_48 = arith.addi %mul3A_47, %mul3A_39 : i32
      "tpu.region"() ({
        %run_scoped3A = tpu.sem_alloc : memref<!tpu.dma_semaphore, #tpu.memory_space<semaphore_mem>>
        %dma_start3A = tpu.memref_slice %arg7[%add3A_48] : memref<100000xf32, #tpu.memory_space<hbm>> -> memref<2000xf32, #tpu.memory_space<hbm>>
        %dma_start3A_49 = tpu.memref_slice %arg7[%add3A_48] : memref<100000xf32, #tpu.memory_space<hbm>> -> memref<2000xf32, #tpu.memory_space<hbm>>
        tpu.enqueue_dma source(%arg14 : memref<2000xf32, #tpu.memory_space<vmem>>) target(%dma_start3A_49 : memref<2000xf32, #tpu.memory_space<hbm>>) target_semaphore(%run_scoped3A : memref<!tpu.dma_semaphore, #tpu.memory_space<semaphore_mem>>)
        %dma_wait3A = tpu.memref_slice %arg7[%add3A_48] : memref<100000xf32, #tpu.memory_space<hbm>> -> memref<2000xf32, #tpu.memory_space<hbm>>
        %dma_wait3A_50 = tpu.memref_slice %arg7[%add3A_48] : memref<100000xf32, #tpu.memory_space<hbm>> -> memref<2000xf32, #tpu.memory_space<hbm>>
        tpu.wait_dma2 semaphore(%run_scoped3A : memref<!tpu.dma_semaphore, #tpu.memory_space<semaphore_mem>>) src(%arg14 : memref<2000xf32, #tpu.memory_space<vmem>>) dst(%dma_wait3A_50 : memref<2000xf32, #tpu.memory_space<hbm>>)
        tpu.yield
      }) : () -> ()
    } else {
    }
    return
  }
}

module attributes {stable_mosaic.version = 14 : i64} {
  func.func @_tc_finish_body(%arg0: memref<391x128xf32, #tpu.memory_space<vmem>>, %arg1: memref<391x128xf32, #tpu.memory_space<vmem>>, %arg2: memref<391x128xf32, #tpu.memory_space<vmem>>, %arg3: memref<391x128xf32, #tpu.memory_space<vmem>>, %arg4: memref<391x128xf32, #tpu.memory_space<vmem>>, %arg5: memref<391x128xf32, #tpu.memory_space<vmem>>, %arg6: memref<12512x128xf32, #tpu.memory_space<vmem>>, %arg7: memref<391x128xf32, #tpu.memory_space<vmem>>, %arg8: memref<1x1xf32, #tpu.memory_space<smem>>) attributes {dimension_semantics = [], scalar_prefetch = 0 : i64, scratch_operands = 0 : i64, tpu.core_type = #tpu.core_type<tc>} {
    %get3A = arith.constant 0 : index
    %get3A_0 = arith.constant 0 : index
    %get3A_1 = vector.load %arg0[%get3A, %get3A_0] : memref<391x128xf32, #tpu.memory_space<vmem>>, vector<391x128xf32>
    %get3A_2 = arith.constant 0 : index
    %get3A_3 = arith.constant 0 : index
    %get3A_4 = vector.load %arg1[%get3A_2, %get3A_3] : memref<391x128xf32, #tpu.memory_space<vmem>>, vector<391x128xf32>
    %add3A = arith.addf %get3A_1, %get3A_4 : vector<391x128xf32>
    %get3A_5 = arith.constant 0 : index
    %get3A_6 = arith.constant 0 : index
    %get3A_7 = vector.load %arg2[%get3A_5, %get3A_6] : memref<391x128xf32, #tpu.memory_space<vmem>>, vector<391x128xf32>
    %get3A_8 = arith.constant 0 : index
    %get3A_9 = arith.constant 0 : index
    %get3A_10 = vector.load %arg3[%get3A_8, %get3A_9] : memref<391x128xf32, #tpu.memory_space<vmem>>, vector<391x128xf32>
    %add3A_11 = arith.addf %get3A_7, %get3A_10 : vector<391x128xf32>
    %get3A_12 = arith.constant 0 : index
    %get3A_13 = arith.constant 0 : index
    %get3A_14 = vector.load %arg4[%get3A_12, %get3A_13] : memref<391x128xf32, #tpu.memory_space<vmem>>, vector<391x128xf32>
    %get3A_15 = arith.constant 0 : index
    %get3A_16 = arith.constant 0 : index
    %get3A_17 = vector.load %arg5[%get3A_15, %get3A_16] : memref<391x128xf32, #tpu.memory_space<vmem>>, vector<391x128xf32>
    %add3A_18 = arith.addf %get3A_14, %get3A_17 : vector<391x128xf32>
    %get3A_19 = arith.constant 0 : index
    %get3A_20 = arith.constant 0 : index
    %get3A_21 = vector.load %arg6[%get3A_19, %get3A_20] : memref<12512x128xf32, #tpu.memory_space<vmem>>, vector<12512x128xf32>
    %reshape3A = vector.shape_cast %get3A_21 : vector<12512x128xf32> to vector<32x391x128xf32>
    %reduce_max3A = arith.constant dense<0xFF800000> : vector<391x128xf32>
    %reduce_max3A_22 = vector.multi_reduction <maximumf>, %reshape3A, %reduce_max3A [0] : vector<32x391x128xf32> to vector<391x128xf32>
    %eq3A = arith.constant 0xFF800000 : f32
    %eq3A_23 = vector.broadcast %eq3A : f32 to vector<391x128xf32>
    %eq3A_24 = arith.cmpf oeq, %reduce_max3A_22, %eq3A_23 : vector<391x128xf32>
    %jit3A = arith.constant 0.000000e+00 : f32
    %broadcast_in_dim3A = vector.broadcast %jit3A : f32 to vector<391x128xf32>
    %select_n3A = arith.select %eq3A_24, %broadcast_in_dim3A, %reduce_max3A_22 : vector<391x128xi1>, vector<391x128xf32>
    %get3A_25 = arith.constant 0 : index
    %get3A_26 = arith.constant 0 : index
    %get3A_27 = vector.load %arg7[%get3A_25, %get3A_26] : memref<391x128xf32, #tpu.memory_space<vmem>>, vector<391x128xf32>
    %gt3A = arith.constant 0.000000e+00 : f32
    %gt3A_28 = vector.broadcast %gt3A : f32 to vector<391x128xf32>
    %gt3A_29 = arith.cmpf ogt, %get3A_27, %gt3A_28 : vector<391x128xf32>
    %log3A = math.log %add3A : vector<391x128xf32>
    %sub3A = arith.subf %log3A, %add3A_11 : vector<391x128xf32>
    %sub3A_30 = arith.constant 1.000000e+00 : f32
    %sub3A_31 = vector.broadcast %sub3A_30 : f32 to vector<391x128xf32>
    %sub3A_32 = arith.subf %add3A_18, %sub3A_31 : vector<391x128xf32>
    %mul3A = arith.mulf %select_n3A, %sub3A_32 : vector<391x128xf32>
    %add3A_33 = arith.addf %sub3A, %mul3A : vector<391x128xf32>
    %jit3A_34 = arith.constant 0.000000e+00 : f32
    %broadcast_in_dim3A_35 = vector.broadcast %jit3A_34 : f32 to vector<391x128xf32>
    %select_n3A_36 = arith.select %gt3A_29, %add3A_33, %broadcast_in_dim3A_35 : vector<391x128xi1>, vector<391x128xf32>
    %reduce_sum3A = vector.shape_cast %select_n3A_36 : vector<391x128xf32> to vector<1x391x128xf32>
    %reduce_sum3A_37 = arith.constant dense<0.000000e+00> : vector<1xf32>
    %reduce_sum3A_38 = vector.multi_reduction <add>, %reduce_sum3A, %reduce_sum3A_37 [1, 2] : vector<1x391x128xf32> to vector<1xf32>
    %reduce_sum3A_39 = vector.shape_cast %reduce_sum3A_38 : vector<1xf32> to vector<1x1x1xf32>
    %reduce_sum3A_40 = vector.extract %reduce_sum3A_39[0, 0, 0] : f32 from vector<1x1x1xf32>
    %reduce_sum3A_41 = vector.shape_cast %get3A_27 : vector<391x128xf32> to vector<1x391x128xf32>
    %reduce_sum3A_42 = arith.constant dense<0.000000e+00> : vector<1xf32>
    %reduce_sum3A_43 = vector.multi_reduction <add>, %reduce_sum3A_41, %reduce_sum3A_42 [1, 2] : vector<1x391x128xf32> to vector<1xf32>
    %reduce_sum3A_44 = vector.shape_cast %reduce_sum3A_43 : vector<1xf32> to vector<1x1x1xf32>
    %reduce_sum3A_45 = vector.extract %reduce_sum3A_44[0, 0, 0] : f32 from vector<1x1x1xf32>
    %div3A = arith.divf %reduce_sum3A_40, %reduce_sum3A_45 : f32
    %swap3A = arith.constant 0 : index
    %swap3A_46 = arith.constant 0 : index
    %swap3A_47 = memref.load %arg8[%swap3A, %swap3A_46] : memref<1x1xf32, #tpu.memory_space<smem>>
    memref.store %div3A, %arg8[%swap3A, %swap3A_46] : memref<1x1xf32, #tpu.memory_space<smem>>
    return
  }
}

</mosaic_0001>

<sc_bundles>
// kernel: kernel.4.cloned.1.call-start
scs
__scs_entry_jumppad:
0x0: {  	(pc) =	sbr.rel $0x88, $3  }
0x1: {  	(tag) =	ssettag $0x0;
	lr =	simm.s32 $0x1  }
0x2: {  	[smem:$0x3F9C] =	sst lr;
	_ =	strace $0xD0000000  }
0x3: {  	_ = 	snop  }
0x4: {  	_ = 	snop  }
0x5: {  	_ = 	snop  }
0x6: {  	_ = 	snop  }
0x7: {  	_ = 	snop  }
__scs_overlays_trampoline_lowered:
0x8: {  	[smem:$0x3FAB] =	sst s0  }
0x9: {  	[smem:$0x3FAC] =	sst s1  }
0xa: {  	[smem:$0x3FAD] =	sst s2  }
0xb: {  	[smem:$0x3FAE] =	sst s3  }
0xc: {  	[smem:$0x3FAF] =	sst s4  }
0xd: {  	[smem:$0x3FB0] =	sst s5  }
0xe: {  	[smem:$0x3FB1] =	sst s6  }
0xf: {  	[smem:$0x3FB2] =	sst s7  }
0x10: {  	[smem:$0x3FB3] =	sst s8  }
0x11: {  	[smem:$0x3FB4] =	sst s9;
	s0 =	simm.s32 @!p0 $0x0  }
0x12: {  	s1 =	sld [smem:$0x3F9A];
	s0 =	simm.s32 @p0 $0x1  }
0x13: {  	[smem:$0x3FB5] =	sst s0;
	s0 =	simm.s32 @!p1 $0x0  }
0x14: {  	s2 =	sld [smem:$0x3F99];
	s0 =	simm.s32 @p1 $0x1  }
0x15: {  	[smem:$0x3FB6] =	sst s0;
	s0 =	simm.s32 @!p2 $0x0  }
0x16: {  	s3 =	sld [smem:$0x3FDB];
	s0 =	simm.s32 @p2 $0x1  }
0x17: {  	s4 =	simm.s32 $0x1BF5;
	[smem:$0x3FB8] =	sst s0  }
0x18: {  	s0 =	sld [smem:$0x3F9B];
	_ =	swait.ge [sflag:s4], $0x0  }
0x19: {  	s7 =	sld [smem:$0x3F9C]  }
0x1a: {  	s8 =	sadd.s32 $0xFFFFE003, lr  }
0x1b: {  	s9 =	sadd.s32 $0xFFFFFEF7, lr;
	s5 =	simm.s32 $0xFFFFFFFF;
	p2 =	slt.u32 s8, $0xFFFFF086  }
0x1c: {  	p1 =	slt.u32 s9, $0xF7A;
	s5 =	simm.s32 @!p2 $0x0  }
0x1d: {  	s5 =	simm.s32 @p1 $0x1;
	p0 =	seq.s32 s7, s2  }
0x1e: {  	s7 =	smul.u32 @!p0 $0xF7A, s2;
	p2 =	seq.s32 @!p0 s5, $0x0  }
0x1f: {  	s9 =	smul.u32 $0xF7A, s1;
	s8 =	simm.s32 @!p0 $0x1BF5;
	p2 =	por !p2, p0  }
0x20: {  	[sflag:s8] =	ssyncset.s32 @!p0 $0xFFFFF086;
	s6 =	sadd.s32 @!p0 s3, s7;
	s7 =	simm.s32 @!p0 $0x108  }
0x21: {  	s3 =	sadd.s32 s3, s9;
	s6 =	sadd.s32 @!p0 $0x88, s6;
	s7 =	simm.s32 @p2 $0x1082  }
0x22: {  	[simem:s7], [sflag:s8] =	dma.local @!p0 [hbm:s6], $0xF7A  }
0x23: {  	s9 =	sor.u32 $0xD0000000, s2;
	s6 =	simm.s32 $0x108;
	_ =	swait.ge @!p0 [sflag:s8], $0x0  }
0x24: {  	s3 =	sadd.s32 $0x88, s3;
	s6 =	simm.s32 @!p1 $0x1082;
	[sflag:s4] =	ssyncset.s32 $0xFFFFF086  }
0x25: {  	[simem:s6], [sflag:s4] =	dma.local [hbm:s3], $0xF7A  }
0x26: {  	[smem:$0x3F9C] =	sst s1;
	(tag) =	ssettag s2;
	_ =	strace s9  }
0x27: {  	s1 =	sld [smem:$0x3FAC]  }
0x28: {  	s2 =	sld [smem:$0x3FAD]  }
0x29: {  	s4 =	sld [smem:$0x3FAF]  }
0x2a: {  	p0 =	seq.s32 s5, $0x0;
	s5 =	sld [smem:$0x3FB0]  }
0x2b: {  	s6 =	sld [smem:$0x3FB1]  }
0x2c: {  	s7 =	sld [smem:$0x3FB2]  }
0x2d: {  	s3 =	simm.s32 $0x108;
	s8 =	sld [smem:$0x3FB3]  }
0x2e: {  	s3 =	simm.s32 @!p0 $0x1082;
	s9 =	sld [smem:$0x3FB4]  }
0x2f: {  	lr =	sadd.s32 s0, s3;
	s0 =	sld [smem:$0x3FAB]  }
0x30: {  	s3 =	sld [smem:$0x3FAE]  }
0x31: {  	[smem:$0x3FB7] =	sst s10  }
0x32: {  	s10 =	sld [smem:$0x3FB5];
	_ =	sdelay $0x3  }
0x33: {  	p0 =	seq.s32 s10, $0x1;
	s10 =	sld [smem:$0x3FB7];
	_ =	sdelay $0x3  }
0x34: {  	[smem:$0x3FB7] =	sst s10  }
0x35: {  	s10 =	sld [smem:$0x3FB6];
	_ =	sdelay $0x3  }
0x36: {  	p1 =	seq.s32 s10, $0x1;
	s10 =	sld [smem:$0x3FB7];
	_ =	sdelay $0x3  }
0x37: {  	[smem:$0x3FB7] =	sst s10  }
0x38: {  	s10 =	sld [smem:$0x3FB8]  }
0x39: {  	_ = 	snop;
	(pc) =	sbr.ind lr, $3  }
0x3a: {  	_ = 	snop  }
0x3b: {  	_ = 	snop  }
0x3c: {  	p2 =	seq.s32 s10, $0x1;
	s10 =	sld [smem:$0x3FB7]  }
0x3d: {  	_ =	shalt  }
0x3e: {  	_ =	shalt  }
0x3f: {  	_ =	shalt  }
0x40: {  	_ =	shalt  }
0x41: {  	_ =	shalt  }
0x42: {  	_ =	shalt  }
0x43: {  	_ =	shalt  }
0x44: {  	_ =	shalt  }
0x45: {  	_ =	shalt  }
0x46: {  	_ =	shalt  }
0x47: {  	_ =	shalt  }
0x48: {  	_ =	shalt  }
0x49: {  	_ =	shalt  }
0x4a: {  	_ =	shalt  }
0x4b: {  	_ =	shalt  }
0x4c: {  	_ =	shalt  }
0x4d: {  	_ =	shalt  }
0x4e: {  	_ =	shalt  }
0x4f: {  	_ =	shalt  }
0x50: {  	_ =	shalt  }
0x51: {  	_ =	shalt  }
0x52: {  	_ =	shalt  }
0x53: {  	_ =	shalt  }
0x54: {  	_ =	shalt  }
0x55: {  	_ =	shalt  }
0x56: {  	_ =	shalt  }
0x57: {  	_ =	shalt  }
0x58: {  	_ =	shalt  }
0x59: {  	_ =	shalt  }
0x5a: {  	_ =	shalt  }
0x5b: {  	_ =	shalt  }
0x5c: {  	_ =	shalt  }
0x5d: {  	_ =	shalt  }
0x5e: {  	_ =	shalt  }
0x5f: {  	_ =	shalt  }
0x60: {  	_ =	shalt  }
0x61: {  	_ =	shalt  }
0x62: {  	_ =	shalt  }
0x63: {  	_ =	shalt  }
0x64: {  	_ =	shalt  }
0x65: {  	_ =	shalt  }
0x66: {  	_ =	shalt  }
0x67: {  	_ =	shalt  }
0x68: {  	_ =	shalt  }
0x69: {  	_ =	shalt  }
0x6a: {  	_ =	shalt  }
0x6b: {  	_ =	shalt  }
0x6c: {  	_ =	shalt  }
0x6d: {  	_ =	shalt  }
0x6e: {  	_ =	shalt  }
0x6f: {  	_ =	shalt  }
0x70: {  	_ =	shalt  }
0x71: {  	_ =	shalt  }
0x72: {  	_ =	shalt  }
0x73: {  	_ =	shalt  }
0x74: {  	_ =	shalt  }
0x75: {  	_ =	shalt  }
0x76: {  	_ =	shalt  }
0x77: {  	_ =	shalt  }
0x78: {  	_ =	shalt  }
0x79: {  	_ =	shalt  }
0x7a: {  	_ =	shalt  }
0x7b: {  	_ =	shalt  }
0x7c: {  	_ =	shalt  }
0x7d: {  	_ =	shalt  }
0x7e: {  	_ =	shalt  }
0x7f: {  	_ =	shalt  }
0x80: {  	_ =	shalt  }
0x81: {  	_ =	shalt  }
0x82: {  	_ =	shalt  }
0x83: {  	_ =	shalt  }
0x84: {  	_ =	shalt  }
0x85: {  	_ =	shalt  }
0x86: {  	_ =	shalt  }
0x87: {  	_ =	shalt  }
.Lfunc_end0:
.L_simem_size_0:
called_computation_lowered:
.L_overlay_start_0:
0x88: {  	s2 =	sld [smem:$0x3FD9]  }
0x89: {  	s3 =	sld [smem:$0x3FFE];
	_ =	sdelay $0x1  }
0x8a: {  	s1 =	srdreg.scid  }
0x8b: {  	s0 =	sand.u32 $0x1, s1  }
0x8c: {  	s17 =	sshll.u32 s0, $0xA;
	s2 =	sadd.s32 s3, s2  }
0x8d: {  	s2 =	sadd.s32 s2, s17  }
0x8e: {  	[smem:$0x3FC3] =	sst s2  }
0x8f: {  	_ = 	snop  }
0x90: {  	s2 =	sld [smem:$0x3FC9]  }
0x91: {  	s18 =	sld [smem:$0x3FC8]  }
0x92: {  	s4 =	sld [smem:$0x3FC7];
	(tm) =	ssettm $0x1  }
0x93: {  	s5 =	sld [smem:$0x3FFB];
	_ =	sdelay $0x3  }
0x94: {  	_ =	strace s5  }
0x95: {  	s5 =	sld [smem:$0x3FFC];
	_ =	sdelay $0x3  }
0x96: {  	_ =	strace s5  }
0x97: {  	s5 =	sld [smem:$0x3FFD];
	_ =	sdelay $0x3  }
0x98: {  	_ =	strace s5  }
0x99: {  	_ =	strace $0x8FFFFFFF  }
0x9a: {  	s19 =	sld [smem:$0x3FDB];
	_ =	sdelay $0x1  }
0x9b: {  	s6 =	simm.s32 $_scs_section_size  }
0x9c: {  	s7 =	simm.s32 $_size__tile_overlayer_lowered;
	s8 =	simm.s32 $_tile_overlayer_lowered  }
0x9d: {  	s22 =	simm.s32 $0x1BFF;
	s21 =	sshll.u32 s8, $0x1;
	s5 =	sadd.s32 s6, s19  }
0x9e: {  	s9 =	simm.s32 $0x0;
	s20 =	sshll.u32 s7, $0x1;
	s7 =	sadd.s32 s21, s5  }
0x9f: {  	[timem:s9], [sflag:s22] =	dma.local [hbm:s7], s20  }
0xa0: {  	_ =	swait.ge [sflag:s22], s20  }
0xa1: {  	s6 =	ssub.s32 $0x0, s20;
	[sflag:s22] =	ssyncset.done $0x0  }
0xa2: {  	[sflag:s22] =	ssyncadd.s32 s6;
	_ =	sdelay $0x1  }
0xa3: {  	s23 =	simm.s32 $0x1B8B  }
0xa4: {  	_ =	swait.ge [sflag:s23], $0x1  }
0xa5: {  	[sflag:s23] =	ssyncset.done $0x0  }
0xa6: {  	s25 =	simm.s32 $0x1B8E;
	s24 =	sld [smem:$0x3FFE];
	[sflag:s23] =	ssyncadd.s32 $0xFFFFFFFF  }
0xa7: {  	s26 =	simm.s32 $execute0_lowered;
	[smem:$0x3FD2] =	sst s25  }
0xa8: {  	s7 =	sshll.u32 s26, $0x1;
	_ =	strace $0x80000046;
	[dreg:$0x1] =	wrdreg $0xFFFFFFFF  }
0xa9: {  	s28 =	simm.s32 $_size_execute0_lowered;
	s5 =	sadd.s32 s5, s7;
	[dreg:$0x0] =	wrdreg $0x0  }
0xaa: {  	s7 =	sshll.u32 s28, $0x1;
	[dreg:$0x2] =	wrdreg s5  }
0xab: {  	[dreg:$0x3] =	wrdreg s7  }
0xac: {  	[dreg:$0x4] =	wrdreg $0xC0  }
0xad: {  	_ =	task [dreg:s9], $0x5FFFF  }
0xae: {  	[dreg:$0x1] =	wrdreg $0xFFFFFFFF  }
0xaf: {  	[dreg:$0x0] =	wrdreg $0x60  }
0xb0: {  	[dreg:$0x2] =	wrdreg s2  }
0xb1: {  	[dreg:$0x3] =	wrdreg s18  }
0xb2: {  	[dreg:$0x4] =	wrdreg s4  }
0xb3: {  	[dreg:$0x5] =	wrdreg s24  }
0xb4: {  	[dreg:$0x6] =	wrdreg $0x11B800  }
0xb5: {  	[dreg:$0x7] =	wrdreg $0x127B80  }
0xb6: {  	[dreg:$0x8] =	wrdreg $0x133F00  }
0xb7: {  	[dreg:$0x9] =	wrdreg $0x9  }
0xb8: {  	_ =	task.clear_ibuf [dreg:s9], $0xAFFFF;
	_ =	strace $0x90000046  }
0xb9: {  	s29 =	simm.s32 $0x9;
	_ =	strace $0x80000048  }
0xba: {  	_ =	swait.ge [sflag:s29], $0x1  }
0xbb: {  	[sflag:s29] =	ssyncadd.s32 $0xFFFFFFFF  }
0xbc: {  	_ =	strace $0x90000048  }
0xbd: {  	_ =	sfence  }
0xbe: {  	s30 =	sld [smem:$0x0];
	_ =	sdelay $0x2  }
0xbf: {  	s31 =	sshll.u32 s1, $0xD;
	s1 =	sshrl.u32 s1, $0x2  }
0xc0: {  	s3 =	sand.u32 $0x4000, s31;
	s1 =	sadd.s32 s1, s30  }
0xc1: {  	s0 =	sor.u32 s3, s0;
	s1 =	sshll.u32 s1, $0x11  }
0xc2: {  	s0 =	sor.u32 s1, s0  }
0xc3: {  	s0 =	sadd.s32 $0x8F2B, s0  }
0xc4: {  	[sflag:s0] =	ssyncadd.remote.s32 $0x1  }
0xc5: {  	_ =	sfence.sel $0xFFFF  }
0xc6: {  	[dreg:$0x0] =	wrdreg $0xFFFFFFFF;
	(pc) =	sbr.abs _section_cstart, $3  }
0xc7: {  	[dreg:$0x1] =	wrdreg $0xFFFFFFFF  }
0xc8: {  	_ =	task.clear_ibuf [dreg:s9], $0x2FFFF;
	_ =	strace $0x9FFFFFFF  }
0xc9: {  	(tm) =	ssettm $0x7FFFFFFF  }
tec
execute0_lowered:
.L_overlay_start_1:
0x0: {  	(tag) =	ssettag $0x1  }
0x1: {  	s0 =	rddreg [dreg:$0x0]  }
0x2: {  	s1 =	rddreg [dreg:$0x1]  }
0x3: {  	s2 =	rddreg [dreg:$0x2]  }
0x4: {  	s3 =	rddreg [dreg:$0x3]  }
0x5: {  	s4 =	rddreg [dreg:$0x4]  }
0x6: {  	s5 =	rddreg [dreg:$0x5];
	s6 =	srdreg.scid  }
0x7: {  	s14 =	stileid.u32;
	s7 =	rddreg [dreg:$0x6];
	s8 =	simm.s32 $0x0  }
0x8: {  	s28 =	simm.s32 $0x5000;
	s29 =	simm.s32 $0x1;
	s30 =	simm.s32 $0x1000  }
0x9: {  	v0 =	vimm.s32 $0xEDCBA987;
	v1 =	vimm.s32 $0x65432100;
	s31 =	simm.s32 $0x2000;
	s6 =	sand.u32 $0x1, s6;
	s9 =	sshll.u32 s14, $0x1  }
0xa: {  	v2 =	vimm.s32 $0xDCBA9876;
	v0 =	vunpack.c.l.s4.s8 v0;
	[smem:$0x7FF] =	sst s8;
	s11 =	sadd.s32 $0x31400, s3;
	s12 =	smul.u32 $0x7D0, s14  }
0xb: {  	v3 =	vimm.s32 $0x54321000;
	v1 =	vunpack.c.l.s4.s8 v1;
	v2 =	vunpack.c.l.s4.s8 v2;
	s21 =	sadd.s32 $0x34600, s3;
	s22 =	sadd.s32 $0x37800, s3;
	s18 =	sadd.s32 $0x30C00, s0  }
0xc: {  	v5 =	vimm.s32 $0xFFEDCBA9;
	v3 =	vunpack.c.l.s4.s8 v3;
	s15 =	sadd.s32 $0x30C00, s1;
	p0 =	seq.s32 s14, $0x0;
	s26 =	sadd.s32 $0x30C00, s2;
	v0 =	vunpack.c.0.s8.s32 v0  }
0xd: {  	v6 =	vimm.s32 $0x87654321;
	s9 =	sor.u32 s6, s9;
	_ =	strace $0x80000047;
	[dreg:$0x8] =	wrdreg s18;
	v1 =	vunpack.c.0.s8.s32 v1;
	v2 =	vunpack.c.0.s8.s32 v2  }
0xe: {  	v5 =	vunpack.c.l.s4.s8 v5;
	s13 =	ssub.s32 $0x2, s6;
	s6 =	smul.u32 $0xC350, s6;
	[dreg:$0x9] =	wrdreg s15;
	v3 =	vunpack.c.0.s8.s32 v3;
	v0 =	vand.u32 $0xF, v0  }
0xf: {  	v6 =	vunpack.c.l.s4.s8 v6;
	p2 =	sgt.u32 s14, $0x8;
	[dreg:$0xd] =	wrdreg s26;
	s10 =	smul.u32 $0x186A, s9;
	v0 =	vcombine.low v1, v0;
	v1 =	vand.u32 $0xF, v2  }
0x10: {  	s17 =	sshrl.u32 s13, $0x1;
	s23 =	sadd.s32 s12, s4;
	s15 =	sadd.s32 s12, s5;
	v2 =	vimm.s32 $0x32100000;
	v1 =	vcombine.low v3, v1;
	v3 =	vimm.s32 $0xBA987654  }
0x11: {  	p1 =	sne.s32 s9, $0x1F;
	s19 =	sadd.s32 s12, s6;
	[dreg:$0xb] =	wrdreg s23;
	v4 =	vunpack.c.l.s4.s8 v2;
	v2 =	vunpack.c.l.s4.s8 v3;
	v3 =	vimm.s32 $0xE40000  }
0x12: {  	vm0 =	vcmask $0x3F04;
	s3 =	sadd.s32 s10, s3;
	s10 =	ssub.s32 s13, s17;
	s20 =	sshrl.u32 s19, $0x3;
	v3 =	vunpack.c.l.s2.s4 v3  }
0x13: {  	vm3 =	vcmask $0x3F30;
	v5 =	vunpack.c.0.s8.s32 v5;
	v6 =	vunpack.c.0.s8.s32 v6;
	s17 =	sadd.s32 s12, s7;
	s3 =	sadd.s32 $0x600, s3;
	s24 =	sadd.s32 s11, s20  }
0x14: {  	vm1 =	vcmask $0x3F08;
	s16 =	sadd.s32 s21, s20;
	s18 =	sadd.s32 s22, s20;
	[dreg:$0xa] =	wrdreg s3;
	v7 =	vunpack.c.0.s8.s32 v2;
	v8 =	vunpack.c.l.s4.s8 v3  }
.Ltmp0:
0x15: {  	vm2 =	vcmask $0x3F10;
	v6 =	vcombine.low v6, v5;
	[dreg:$0xc] =	wrdreg s24;
	s24 =	sadd.s32 $0x7D00, s12;
	v4 =	vunpack.c.0.s8.s32 v4;
	(pc) =	sbr.rel .LBB2_1-.Ltmp0, $4  }
0x16: {  	s3 =	simm.s32 $0x80;
	s6 =	sadd.s32 s6, s24;
	s19 =	sadd.s32 s24, s4;
	v3 =	vand.u32 $0xF, v7;
	v7 =	vimm.s32 $0x7060504;
	v8 =	vunpack.c.0.s8.s32 v8  }
0x17: {  	vm4 =	vcmask $0x3F3C;
	v6 =	vand.u32 $0xF, v6;
	s23 =	sadd.s32 s24, s5;
	s24 =	sadd.s32 s24, s7;
	s25 =	sshrl.u32 s6, $0x3;
	v5 =	vunpack.c.0.s8.s32 v7  }
0x18: {  	s6 =	simm.s32 $0x5800;
	v2 =	vimm.f32 $-Inf;
	s20 =	sadd.s32 s11, s25;
	s21 =	sadd.s32 s21, s25;
	v3 =	vcombine.low v4, v3;
	v7 =	vand.u32 $0x3, v8  }
0x19: {  	s22 =	sadd.s32 s22, s25;
	s25 =	smax.u32 s10, $0x1;
	s10 =	simm.s32 $0x0;
	v4 =	vimm.f32 $0.0e+00;
	v5 =	vsel vm3, v5, v7;
	vm3 =	vcmask $0x3F20  }
.LBB2_19:
0x1a: {  	s11 =	rddreg [dreg:$0xa]  }
0x1b: {  	[hbm4b:s11+s8] =	stream.linear.scatter [tilespmem:s6], [sflag:$0x1], $0xC350, $0x38;
	[tilespmem:$0x14028] =	vst v63  }
0x1c: {  	_ =	swait.ge [sflag:s29], $0xC350  }
0x1d: {  	[sflag:s29] =	ssyncset.done $0x0  }
0x1e: {  	[sflag:s29] =	ssyncadd.s32 $0xFFFF3CB0  }
0x1f: {  	[bflag:$0x0] =	sbarrier.arrive $0xFFFF  }
0x20: {  	s14 =	rddreg [dreg:$0xb]  }
0x21: {  	[tilespmem:s28], [sflag:$0x1] =	stream.linear.gather [spmem:s14], $0x7D0, $0x38;
	[tilespmem:$0x14028] =	vst v63  }
0x22: {  	_ =	swait.ge [sflag:s29], $0x7D0  }
0x23: {  	[sflag:s29] =	ssyncset.done $0x0  }
0x24: {  	s26 =	rddreg [dreg:$0xc];
	[sflag:s29] =	ssyncadd.s32 $0xFFFFF830  }
0x25: {  	[hbm4b:s26+s8] =	stream.linear.scatter [tilespmem:s28], [sflag:$0x1], $0x7D0, $0x38;
	[tilespmem:$0x14028] =	vst v63  }
0x26: {  	_ =	swait.ge [sflag:s29], $0x7D0  }
0x27: {  	[sflag:s29] =	ssyncset.done $0x0  }
0x28: {  	[sflag:s29] =	ssyncadd.s32 $0xFFFFF830  }
0x29: {  	[tilespmem:s28], [sflag:$0x1] =	stream.linear.gather [spmem:s15], $0x7D0, $0x38;
	[tilespmem:$0x14028] =	vst v63  }
0x2a: {  	_ =	swait.ge [sflag:s29], $0x7D0  }
0x2b: {  	[sflag:s29] =	ssyncset.done $0x0  }
0x2c: {  	[sflag:s29] =	ssyncadd.s32 $0xFFFFF830  }
0x2d: {  	[hbm4b:s16+s8] =	stream.linear.scatter [tilespmem:s28], [sflag:$0x1], $0x7D0, $0x38;
	[tilespmem:$0x14028] =	vst v63  }
0x2e: {  	_ =	swait.ge [sflag:s29], $0x7D0  }
0x2f: {  	[sflag:s29] =	ssyncset.done $0x0  }
0x30: {  	[sflag:s29] =	ssyncadd.s32 $0xFFFFF830  }
0x31: {  	[tilespmem:s28], [sflag:$0x1] =	stream.linear.gather [spmem:s17], $0x7D0, $0x38;
	[tilespmem:$0x14028] =	vst v63  }
0x32: {  	_ =	swait.ge [sflag:s29], $0x7D0  }
0x33: {  	[sflag:s29] =	ssyncset.done $0x0  }
0x34: {  	[sflag:s29] =	ssyncadd.s32 $0xFFFFF830  }
0x35: {  	[hbm4b:s18+s8] =	stream.linear.scatter [tilespmem:s28], [sflag:$0x1], $0x7D0, $0x38;
	[tilespmem:$0x14028] =	vst v63  }
0x36: {  	_ =	swait.ge [sflag:s29], $0x7D0  }
0x37: {  	[sflag:s29] =	ssyncset.done $0x0  }
0x38: {  	s12 =	simm.s32 @!p2 $0x1;
	s11 =	simm.s32 @!p2 $0x5000;
	[sflag:s29] =	ssyncadd.s32 $0xFFFFF830  }
0x39: {  	[tilespmem:s11], [sflag:$0x1] =	stream.linear.gather @!p2 [spmem:s19], $0x7D0, $0x38;
	[tilespmem:$0x14028] =	vst v63  }
0x3a: {  	_ =	swait.ge @!p2 [sflag:s12], $0x7D0  }
0x3b: {  	[sflag:s12] =	ssyncset.done @!p2 $0x0  }
0x3c: {  	s13 =	simm.s32 @!p2 $0x0;
	[sflag:s12] =	ssyncadd.s32 @!p2 $0xFFFFF830  }
0x3d: {  	[hbm4b:s20+s13] =	stream.linear.scatter @!p2 [tilespmem:s11], [sflag:$0x1], $0x7D0, $0x38;
	[tilespmem:$0x14028] =	vst v63  }
0x3e: {  	_ =	swait.ge @!p2 [sflag:s12], $0x7D0  }
0x3f: {  	[sflag:s12] =	ssyncset.done @!p2 $0x0  }
0x40: {  	[sflag:s12] =	ssyncadd.s32 @!p2 $0xFFFFF830  }
0x41: {  	[tilespmem:s11], [sflag:$0x1] =	stream.linear.gather @!p2 [spmem:s23], $0x7D0, $0x38;
	[tilespmem:$0x14028] =	vst v63  }
0x42: {  	_ =	swait.ge @!p2 [sflag:s12], $0x7D0  }
0x43: {  	[sflag:s12] =	ssyncset.done @!p2 $0x0  }
0x44: {  	[sflag:s12] =	ssyncadd.s32 @!p2 $0xFFFFF830  }
0x45: {  	[hbm4b:s21+s13] =	stream.linear.scatter @!p2 [tilespmem:s11], [sflag:$0x1], $0x7D0, $0x38;
	[tilespmem:$0x14028] =	vst v63  }
0x46: {  	_ =	swait.ge @!p2 [sflag:s12], $0x7D0  }
0x47: {  	[sflag:s12] =	ssyncset.done @!p2 $0x0  }
0x48: {  	[sflag:s12] =	ssyncadd.s32 @!p2 $0xFFFFF830  }
0x49: {  	[tilespmem:s11], [sflag:$0x1] =	stream.linear.gather @!p2 [spmem:s24], $0x7D0, $0x38;
	[tilespmem:$0x14028] =	vst v63  }
0x4a: {  	s10 =	sadd.s32 $0x1, s10;
	_ =	swait.ge @!p2 [sflag:s12], $0x7D0  }
0x4b: {  	p3 =	sne.s32 s10, s25;
	[sflag:s12] =	ssyncset.done @!p2 $0x0  }
.Ltmp1:
0x4c: {  	[sflag:s12] =	ssyncadd.s32 @!p2 $0xFFFFF830;
	(pc) =	sbr.rel @!p3 .LBB2_20-.Ltmp1, $4  }
0x4d: {  	[hbm4b:s22+s13] =	stream.linear.scatter @!p2 [tilespmem:s11], [sflag:$0x1], $0x7D0, $0x38;
	[tilespmem:$0x14028] =	vst v63  }
0x4e: {  	_ =	swait.ge @!p2 [sflag:s12], $0x7D0  }
0x4f: {  	[sflag:s12] =	ssyncset.done @!p2 $0x0  }
0x50: {  	[sflag:s12] =	ssyncadd.s32 @!p2 $0xFFFFF830  }
.LBB2_1:
0x51: {  	s11 =	simm.s32 $0x40;
	s12 =	simm.s32 $0x0  }
.LBB2_2:
0x52: {  	p3 =	sne.s32 s11, $0x30D00;
	[tilespmem:s12+$0x5800] =	vst v2;
	s12 =	smov.u32 s11;
	s11 =	sadd.s32 $0x40, s11  }
.Ltmp2:
0x53: {  	(pc) =	sbr.rel @p3 .LBB2_2-.Ltmp2, $2  }
0x54: {  	_ =	sdelay $0x2  }
0x55: {  	s12 =	sshra.s32 s12, $0x2  }
.Ltmp3:
0x56: {  	(pc) =	sbr.rel @!p0 .LBB2_9-.Ltmp3, $2  }
0x57: {  	_ =	sdelay $0x2  }
0x58: {  	[tilespmem:s12+$0x5800] =	vst v2  }
0x59: {  	s11 =	simm.s32 $0x40;
	s12 =	simm.s32 $0x0  }
.LBB2_5:
0x5a: {  	p3 =	seq.s32 s11, $0x1F00;
	[tilespmem:s12+$0x5000] =	vst v4;
	s12 =	smov.u32 s11;
	s11 =	sadd.s32 $0x40, s11  }
.Ltmp4:
0x5b: {  	(pc) =	sbr.rel @!p3 .LBB2_5-.Ltmp4, $2  }
0x5c: {  	_ =	sdelay $0x2  }
0x5d: {  	s12 =	sshra.s32 s12, $0x2  }
0x5e: {  	[tilespmem:s12+$0x5000] =	vst v4;
	s11 =	sadd.s32 $0x0, s4  }
0x5f: {  	[spmem:s11] =	stream.linear.scatter [tilespmem:s28], [sflag:$0x1], $0x7D0, $0x38;
	[tilespmem:$0x14028] =	vst v63  }
0x60: {  	_ =	swait.ge [sflag:s29], $0x7D0  }
0x61: {  	[sflag:s29] =	ssyncset.done $0x0  }
0x62: {  	s14 =	sadd.s32 $0x0, s5;
	[sflag:s29] =	ssyncadd.s32 $0xFFFFF830  }
0x63: {  	[spmem:s14] =	stream.linear.scatter [tilespmem:s28], [sflag:$0x1], $0x7D0, $0x38;
	[tilespmem:$0x14028] =	vst v63  }
0x64: {  	_ =	swait.ge [sflag:s29], $0x7D0  }
0x65: {  	[sflag:s29] =	ssyncset.done $0x0  }
0x66: {  	s26 =	sadd.s32 $0x0, s7;
	[sflag:s29] =	ssyncadd.s32 $0xFFFFF830  }
0x67: {  	[spmem:s26] =	stream.linear.scatter [tilespmem:s28], [sflag:$0x1], $0x7D0, $0x38;
	[tilespmem:$0x14028] =	vst v63  }
0x68: {  	_ =	swait.ge [sflag:s29], $0x7D0  }
0x69: {  	s12 =	simm.s32 $0x3E80;
	s11 =	simm.s32 $0x7D0;
	[sflag:s29] =	ssyncset.done $0x0  }
.LBB2_7:
0x6a: {  	s26 =	sadd.s32 s11, s4  }
0x6b: {  	[sflag:s29] =	ssyncadd.s32 $0xFFFFF830;
	s13 =	smov.u32 s12;
	s14 =	sadd.s32 $0x1F40, s12  }
0x6c: {  	[spmem:s26] =	stream.linear.scatter [tilespmem:s28], [sflag:$0x1], $0x7D0, $0x38;
	[tilespmem:$0x14028] =	vst v63  }
0x6d: {  	p3 =	sne.s32 s12, $0x2EE00;
	_ =	swait.ge [sflag:s29], $0x7D0  }
0x6e: {  	[sflag:s29] =	ssyncset.done $0x0  }
0x6f: {  	s12 =	sadd.s32 s11, s5;
	[sflag:s29] =	ssyncadd.s32 $0xFFFFF830  }
0x70: {  	[spmem:s12] =	stream.linear.scatter [tilespmem:s28], [sflag:$0x1], $0x7D0, $0x38;
	[tilespmem:$0x14028] =	vst v63  }
0x71: {  	_ =	swait.ge [sflag:s29], $0x7D0  }
.Ltmp5:
0x72: {  	[sflag:s29] =	ssyncset.done $0x0;
	(pc) =	sbr.rel @p3 .LBB2_7-.Ltmp5, $4  }
0x73: {  	s11 =	sadd.s32 s11, s7;
	[sflag:s29] =	ssyncadd.s32 $0xFFFFF830  }
0x74: {  	[spmem:s11] =	stream.linear.scatter [tilespmem:s28], [sflag:$0x1], $0x7D0, $0x38;
	[tilespmem:$0x14028] =	vst v63  }
0x75: {  	_ =	swait.ge [sflag:s29], $0x7D0  }
0x76: {  	s12 =	smov.u32 s14;
	s11 =	sshra.s32 s13, $0x2;
	[sflag:s29] =	ssyncset.done $0x0  }
0x77: {  	s12 =	sadd.s32 s11, s4;
	[sflag:s29] =	ssyncadd.s32 $0xFFFFF830  }
0x78: {  	[spmem:s12] =	stream.linear.scatter [tilespmem:s28], [sflag:$0x1], $0x7D0, $0x38;
	[tilespmem:$0x14028] =	vst v63  }
0x79: {  	_ =	swait.ge [sflag:s29], $0x7D0  }
0x7a: {  	[sflag:s29] =	ssyncset.done $0x0  }
0x7b: {  	s14 =	sadd.s32 s11, s5;
	[sflag:s29] =	ssyncadd.s32 $0xFFFFF830  }
0x7c: {  	[spmem:s14] =	stream.linear.scatter [tilespmem:s28], [sflag:$0x1], $0x7D0, $0x38;
	[tilespmem:$0x14028] =	vst v63  }
0x7d: {  	_ =	swait.ge [sflag:s29], $0x7D0  }
0x7e: {  	[sflag:s29] =	ssyncset.done $0x0  }
0x7f: {  	s26 =	sadd.s32 s11, s7;
	[sflag:s29] =	ssyncadd.s32 $0xFFFFF830  }
0x80: {  	[spmem:s26] =	stream.linear.scatter [tilespmem:s28], [sflag:$0x1], $0x7D0, $0x38;
	[tilespmem:$0x14028] =	vst v63  }
0x81: {  	_ =	swait.ge [sflag:s29], $0x7D0  }
0x82: {  	[sflag:s29] =	ssyncset.done $0x0  }
0x83: {  	[sflag:s29] =	ssyncadd.s32 $0xFFFFF830  }
.LBB2_9:
.Ltmp6:
0x84: {  	(pc) =	sbr.rel .LBB2_10-.Ltmp6, $3  }
0x85: {  	_ =	sdelay $0x1  }
0x86: {  	[bflag:$0x0] =	sbarrier.arrive $0xFFFF  }
0x87: {  	s11 =	simm.s32 $0x0  }
.LBB2_14:
0x88: {  	s11 =	sadd.s32 $0x1, s11  }
0x89: {  	p3 =	sne.s32 s11, $0xD  }
.Ltmp7:
0x8a: {  	_ = 	snop;
	(pc) =	sbr.rel @!p3 .LBB2_15-.Ltmp7, $1  }
0x8b: {  	_ =	sdelay $0x3  }
.LBB2_10:
0x8c: {  	s12 =	sshll.u32 s11, $0x5  }
0x8d: {  	s12 =	sor.u32 s9, s12  }
0x8e: {  	p3 =	sgt.u32 s12, $0x185  }
.Ltmp8:
0x8f: {  	_ = 	snop;
	(pc) =	sbr.rel @p3 .LBB2_14-.Ltmp8, $1  }
0x90: {  	_ =	sdelay $0x3  }
0x91: {  	s12 =	sshll.u32 s12, $0x9  }
0x92: {  	s14 =	simm.s32 $0x0;
	s13 =	sadd.s32 s0, s12  }
0x93: {  	[tilespmem:s14], [sflag:$0x1] =	stream.linear.gather [hbm4b:s13+s14], $0x1000, $0x38;
	[tilespmem:$0x14028] =	vst v63  }
0x94: {  	_ =	swait.ge [sflag:s29], $0x1000  }
0x95: {  	[sflag:s29] =	ssyncset.done $0x0  }
0x96: {  	s26 =	sadd.s32 s1, s12;
	[sflag:s29] =	ssyncadd.s32 $0xFFFFF000  }
0x97: {  	[tilespmem:s30], [sflag:$0x1] =	stream.linear.gather [hbm4b:s26+s14], $0x1000, $0x38;
	[tilespmem:$0x14028] =	vst v63  }
0x98: {  	_ =	swait.ge [sflag:s29], $0x1000  }
0x99: {  	[sflag:s29] =	ssyncset.done $0x0  }
0x9a: {  	s12 =	sadd.s32 s2, s12;
	[sflag:s29] =	ssyncadd.s32 $0xFFFFF000  }
0x9b: {  	[tilespmem:s31], [sflag:$0x1] =	stream.linear.gather [hbm4b:s12+s14], $0x1000, $0x38;
	[tilespmem:$0x14028] =	vst v63  }
0x9c: {  	_ =	swait.ge [sflag:s29], $0x1000  }
0x9d: {  	[sflag:s29] =	ssyncset.done $0x0  }
0x9e: {  	s14 =	simm.s32 $0x0;
	[sflag:s29] =	ssyncadd.s32 $0xFFFFF000  }
0x9f: {  	v7 =	vld [tilespmem:s14+$0x0]  }
0xa0: {  	v8 =	vld [tilespmem:s14+$0x2000];
	_ =	sdelay $0x3  }
0xa1: {  	v9 =	vmul.f32 $1.442695020e+00, v7  }
0xa2: {  	v10 =	vperm.xlane v8, v0  }
0xa3: {  	v56 =	vperm.xlane v7, v0;
	(erf) = vpow2.f32 v9  }
0xa4: {  	vm5 =	veq.s32 v8, v10  }
0xa5: {  	v11 =	vld [tilespmem:s14+$0x1000];
	v9 =	vmax.f32 v7, v56;
	vm5 =	vmand vm5, vm0  }
0xa6: {  	v57 =	vperm.xlane v8, v1;
	v9 =	vsel vm5, v9, v7  }
0xa7: {  	v12 =	vperm.xlane v9, v1  }
0xa8: {  	vm5 =	veq.s32 v8, v57  }
0xa9: {  	vm5 =	vmand vm5, vm1;
	v58 =	vmax.f32 v9, v12  }
0xaa: {  	v59 =	vperm.xlane v8, v3;
	v7 =	vmul.f32 v11, v7;
	v9 =	vsel vm5, v58, v9  }
0xab: {  	v13 =	vperm.xlane v8, v6;
	v10 =	vperm.xlane v9, v3  }
0xac: {  	[tilespmem:s14+$0x4000] =	vst v7;
	vm5 =	veq.s32 v8, v59;
	v60 =	vpop (erf)  }
0xad: {  	vm6 =	vne.s32 v8, v13;
	vm5 =	vmand vm5, vm2;
	v7 =	vmax.f32 v9, v10;
	[tilespmem:s14+$0x3000] =	vst v60  }
0xae: {  	v61 =	vperm.xlane v8, v5;
	v7 =	vsel vm5, v7, v9;
	vm5 =	vmor vm6, vm4;
	v62 =	vld.idx.msk [tilespmem:v8+s6+$0x0], $0xffff  }
0xaf: {  	v63 =	vperm.xlane v7, v5  }
0xb0: {  	vm6 =	veq.s32 v8, v61  }
0xb1: {  	vm6 =	vmand vm6, vm3;
	v12 =	vmax.f32 v7, v63  }
0xb2: {  	v7 =	vsel vm6, v12, v7  }
0xb3: {  	v7 =	vmax.f32 v62, v7  }
0xb4: {  	[tilespmem:v8+s6+$0x0] =	vst.idx.msk vm5, v7  }
0xb5: {  	v7 =	vld [tilespmem:s14+$0x10]  }
0xb6: {  	v8 =	vld [tilespmem:s14+$0x2010];
	_ =	sdelay $0x3  }
0xb7: {  	v13 =	vmul.f32 $1.442695020e+00, v7  }
0xb8: {  	v14 =	vperm.xlane v8, v0  }
0xb9: {  	v17 =	vld [tilespmem:s14+$0x1010];
	v15 =	vperm.xlane v7, v0;
	(erf) = vpow2.f32 v13  }
0xba: {  	vm5 =	veq.s32 v8, v14  }
0xbb: {  	v16 =	vmax.f32 v7, v15;
	vm5 =	vmand vm5, vm0  }
0xbc: {  	v18 =	vperm.xlane v8, v1;
	v9 =	vsel vm5, v16, v7  }
0xbd: {  	v19 =	vperm.xlane v9, v1  }
0xbe: {  	vm5 =	veq.s32 v8, v18;
	v7 =	vmul.f32 v17, v7  }
0xbf: {  	vm5 =	vmand vm5, vm1;
	v20 =	vmax.f32 v9, v19  }
0xc0: {  	v21 =	vperm.xlane v8, v3;
	v9 =	vsel vm5, v20, v9  }
0xc1: {  	v22 =	vperm.xlane v8, v6;
	v11 =	vperm.xlane v9, v3  }
0xc2: {  	[tilespmem:s14+$0x4010] =	vst v7;
	vm5 =	veq.s32 v8, v21;
	v7 =	vpop (erf)  }
0xc3: {  	vm6 =	vne.s32 v8, v22;
	vm5 =	vmand vm5, vm2;
	[tilespmem:s14+$0x3010] =	vst v7;
	v7 =	vmax.f32 v9, v11  }
0xc4: {  	v23 =	vperm.xlane v8, v5;
	v7 =	vsel vm5, v7, v9;
	vm5 =	vmor vm6, vm4;
	v24 =	vld.idx.msk [tilespmem:v8+s6+$0x0], $0xffff  }
0xc5: {  	v25 =	vperm.xlane v7, v5  }
0xc6: {  	vm6 =	veq.s32 v8, v23  }
0xc7: {  	vm6 =	vmand vm6, vm3;
	v26 =	vmax.f32 v7, v25  }
0xc8: {  	v7 =	vsel vm6, v26, v7  }
0xc9: {  	v7 =	vmax.f32 v24, v7  }
0xca: {  	[tilespmem:v8+s6+$0x0] =	vst.idx.msk vm5, v7  }
0xcb: {  	v7 =	vld [tilespmem:s14+$0x20]  }
0xcc: {  	v8 =	vld [tilespmem:s14+$0x2020];
	_ =	sdelay $0x3  }
0xcd: {  	v27 =	vmul.f32 $1.442695020e+00, v7  }
0xce: {  	v28 =	vperm.xlane v8, v0  }
0xcf: {  	v31 =	vld [tilespmem:s14+$0x1020];
	v29 =	vperm.xlane v7, v0;
	(erf) = vpow2.f32 v27  }
0xd0: {  	vm5 =	veq.s32 v8, v28  }
0xd1: {  	v30 =	vmax.f32 v7, v29;
	vm5 =	vmand vm5, vm0  }
0xd2: {  	v32 =	vperm.xlane v8, v1;
	v9 =	vsel vm5, v30, v7  }
0xd3: {  	v33 =	vperm.xlane v9, v1  }
0xd4: {  	vm5 =	veq.s32 v8, v32;
	v7 =	vmul.f32 v31, v7  }
0xd5: {  	vm5 =	vmand vm5, vm1;
	v34 =	vmax.f32 v9, v33  }
0xd6: {  	v35 =	vperm.xlane v8, v3;
	v9 =	vsel vm5, v34, v9  }
0xd7: {  	v36 =	vperm.xlane v8, v6;
	v11 =	vperm.xlane v9, v3  }
0xd8: {  	[tilespmem:s14+$0x4020] =	vst v7;
	vm5 =	veq.s32 v8, v35;
	v7 =	vpop (erf)  }
0xd9: {  	vm6 =	vne.s32 v8, v36;
	vm5 =	vmand vm5, vm2;
	[tilespmem:s14+$0x3020] =	vst v7;
	v7 =	vmax.f32 v9, v11  }
0xda: {  	v37 =	vperm.xlane v8, v5;
	v7 =	vsel vm5, v7, v9;
	vm5 =	vmor vm6, vm4;
	v38 =	vld.idx.msk [tilespmem:v8+s6+$0x0], $0xffff  }
0xdb: {  	v39 =	vperm.xlane v7, v5  }
0xdc: {  	vm6 =	veq.s32 v8, v37  }
0xdd: {  	vm6 =	vmand vm6, vm3;
	v40 =	vmax.f32 v7, v39  }
0xde: {  	v7 =	vsel vm6, v40, v7  }
0xdf: {  	v7 =	vmax.f32 v38, v7  }
0xe0: {  	[tilespmem:v8+s6+$0x0] =	vst.idx.msk vm5, v7  }
0xe1: {  	v7 =	vld [tilespmem:s14+$0x30]  }
0xe2: {  	v8 =	vld [tilespmem:s14+$0x2030];
	_ =	sdelay $0x3  }
0xe3: {  	v41 =	vmul.f32 $1.442695020e+00, v7  }
0xe4: {  	v42 =	vperm.xlane v8, v0  }
0xe5: {  	v45 =	vld [tilespmem:s14+$0x1030];
	v43 =	vperm.xlane v7, v0;
	(erf) = vpow2.f32 v41  }
0xe6: {  	vm5 =	veq.s32 v8, v42  }
0xe7: {  	v44 =	vmax.f32 v7, v43;
	vm5 =	vmand vm5, vm0  }
0xe8: {  	v46 =	vperm.xlane v8, v1;
	v9 =	vsel vm5, v44, v7  }
0xe9: {  	v47 =	vperm.xlane v9, v1  }
0xea: {  	vm5 =	veq.s32 v8, v46;
	v7 =	vmul.f32 v45, v7  }
0xeb: {  	vm5 =	vmand vm5, vm1;
	v48 =	vmax.f32 v9, v47  }
0xec: {  	v49 =	vperm.xlane v8, v3;
	v9 =	vsel vm5, v48, v9  }
0xed: {  	v50 =	vperm.xlane v8, v6;
	v11 =	vperm.xlane v9, v3  }
0xee: {  	[tilespmem:s14+$0x4030] =	vst v7;
	vm5 =	veq.s32 v8, v49;
	v7 =	vpop (erf)  }
0xef: {  	vm6 =	vne.s32 v8, v50;
	vm5 =	vmand vm5, vm2;
	[tilespmem:s14+$0x3030] =	vst v7;
	v7 =	vmax.f32 v9, v11  }
0xf0: {  	v51 =	vperm.xlane v8, v5;
	v7 =	vsel vm5, v7, v9;
	vm5 =	vmor vm6, vm4;
	v52 =	vld.idx.msk [tilespmem:v8+s6+$0x0], $0xffff  }
0xf1: {  	v53 =	vperm.xlane v7, v5  }
0xf2: {  	vm6 =	veq.s32 v8, v51  }
0xf3: {  	vm6 =	vmand vm6, vm3;
	v54 =	vmax.f32 v7, v53  }
0xf4: {  	v7 =	vsel vm6, v54, v7  }
0xf5: {  	v7 =	vmax.f32 v52, v7  }
0xf6: {  	[tilespmem:v8+s6+$0x0] =	vst.idx.msk vm5, v7  }
0xf7: {  	v7 =	vld [tilespmem:s14+$0x40]  }
0xf8: {  	v8 =	vld [tilespmem:s14+$0x2040];
	_ =	sdelay $0x3  }
0xf9: {  	v55 =	vmul.f32 $1.442695020e+00, v7  }
0xfa: {  	v56 =	vperm.xlane v8, v0  }
0xfb: {  	v59 =	vld [tilespmem:s14+$0x1040];
	v57 =	vperm.xlane v7, v0;
	(erf) = vpow2.f32 v55  }
0xfc: {  	vm5 =	veq.s32 v8, v56  }
0xfd: {  	v58 =	vmax.f32 v7, v57;
	vm5 =	vmand vm5, vm0  }
0xfe: {  	v60 =	vperm.xlane v8, v1;
	v9 =	vsel vm5, v58, v7  }
0xff: {  	v61 =	vperm.xlane v9, v1  }
0x100: {  	vm5 =	veq.s32 v8, v60;
	v7 =	vmul.f32 v59, v7  }
0x101: {  	vm5 =	vmand vm5, vm1;
	v62 =	vmax.f32 v9, v61  }
0x102: {  	v63 =	vperm.xlane v8, v3;
	v9 =	vsel vm5, v62, v9  }
0x103: {  	v14 =	vperm.xlane v8, v6;
	v11 =	vperm.xlane v9, v3  }
0x104: {  	[tilespmem:s14+$0x4040] =	vst v7;
	vm5 =	veq.s32 v8, v63;
	v7 =	vpop (erf)  }
0x105: {  	vm6 =	vne.s32 v8, v14;
	vm5 =	vmand vm5, vm2;
	[tilespmem:s14+$0x3040] =	vst v7;
	v7 =	vmax.f32 v9, v11  }
0x106: {  	v15 =	vperm.xlane v8, v5;
	v7 =	vsel vm5, v7, v9;
	vm5 =	vmor vm6, vm4;
	v16 =	vld.idx.msk [tilespmem:v8+s6+$0x0], $0xffff  }
0x107: {  	v17 =	vperm.xlane v7, v5  }
0x108: {  	vm6 =	veq.s32 v8, v15  }
0x109: {  	vm6 =	vmand vm6, vm3;
	v18 =	vmax.f32 v7, v17  }
0x10a: {  	v7 =	vsel vm6, v18, v7  }
0x10b: {  	v7 =	vmax.f32 v16, v7  }
0x10c: {  	[tilespmem:v8+s6+$0x0] =	vst.idx.msk vm5, v7  }
0x10d: {  	v7 =	vld [tilespmem:s14+$0x50]  }
0x10e: {  	v8 =	vld [tilespmem:s14+$0x2050];
	_ =	sdelay $0x3  }
0x10f: {  	v19 =	vmul.f32 $1.442695020e+00, v7  }
0x110: {  	v20 =	vperm.xlane v8, v0  }
0x111: {  	v22 =	vld [tilespmem:s14+$0x1050];
	v21 =	vperm.xlane v7, v0;
	(erf) = vpow2.f32 v19  }
0x112: {  	vm5 =	veq.s32 v8, v20  }
0x113: {  	v23 =	vmax.f32 v7, v21;
	vm5 =	vmand vm5, vm0  }
0x114: {  	v24 =	vperm.xlane v8, v1;
	v10 =	vsel vm5, v23, v7  }
0x115: {  	v25 =	vperm.xlane v10, v1  }
0x116: {  	vm5 =	veq.s32 v8, v24;
	v7 =	vmul.f32 v22, v7  }
0x117: {  	vm5 =	vmand vm5, vm1;
	v26 =	vmax.f32 v10, v25  }
0x118: {  	v27 =	vperm.xlane v8, v3;
	v28 =	vsel vm5, v26, v10  }
0x119: {  	v29 =	vperm.xlane v8, v6;
	v11 =	vperm.xlane v28, v3  }
0x11a: {  	[tilespmem:s14+$0x4050] =	vst v7;
	vm5 =	veq.s32 v8, v27;
	v7 =	vpop (erf)  }
0x11b: {  	vm6 =	vne.s32 v8, v29;
	vm5 =	vmand vm5, vm2;
	[tilespmem:s14+$0x3050] =	vst v7;
	v7 =	vmax.f32 v28, v11  }
0x11c: {  	v30 =	vperm.xlane v8, v5;
	v7 =	vsel vm5, v7, v28;
	vm5 =	vmor vm6, vm4;
	v31 =	vld.idx.msk [tilespmem:v8+s6+$0x0], $0xffff  }
0x11d: {  	v32 =	vperm.xlane v7, v5  }
0x11e: {  	vm6 =	veq.s32 v8, v30  }
0x11f: {  	vm6 =	vmand vm6, vm3;
	v33 =	vmax.f32 v7, v32  }
0x120: {  	v7 =	vsel vm6, v33, v7  }
0x121: {  	v7 =	vmax.f32 v31, v7  }
0x122: {  	[tilespmem:v8+s6+$0x0] =	vst.idx.msk vm5, v7  }
0x123: {  	v7 =	vld [tilespmem:s14+$0x60]  }
0x124: {  	v8 =	vld [tilespmem:s14+$0x2060];
	_ =	sdelay $0x3  }
0x125: {  	v34 =	vmul.f32 $1.442695020e+00, v7  }
0x126: {  	v35 =	vperm.xlane v8, v0  }
0x127: {  	v37 =	vld [tilespmem:s14+$0x1060];
	v36 =	vperm.xlane v7, v0;
	(erf) = vpow2.f32 v34  }
0x128: {  	vm5 =	veq.s32 v8, v35  }
0x129: {  	v38 =	vmax.f32 v7, v36;
	vm5 =	vmand vm5, vm0  }
0x12a: {  	v39 =	vperm.xlane v8, v1;
	v10 =	vsel vm5, v38, v7  }
0x12b: {  	v40 =	vperm.xlane v10, v1  }
0x12c: {  	vm5 =	veq.s32 v8, v39;
	v7 =	vmul.f32 v37, v7  }
0x12d: {  	vm5 =	vmand vm5, vm1;
	v41 =	vmax.f32 v10, v40  }
0x12e: {  	v42 =	vperm.xlane v8, v3;
	v43 =	vsel vm5, v41, v10  }
0x12f: {  	v44 =	vperm.xlane v8, v6;
	v11 =	vperm.xlane v43, v3  }
0x130: {  	[tilespmem:s14+$0x4060] =	vst v7;
	vm5 =	veq.s32 v8, v42;
	v7 =	vpop (erf)  }
0x131: {  	vm6 =	vne.s32 v8, v44;
	vm5 =	vmand vm5, vm2;
	[tilespmem:s14+$0x3060] =	vst v7;
	v7 =	vmax.f32 v43, v11  }
0x132: {  	v45 =	vperm.xlane v8, v5;
	v7 =	vsel vm5, v7, v43;
	vm5 =	vmor vm6, vm4;
	v46 =	vld.idx.msk [tilespmem:v8+s6+$0x0], $0xffff  }
0x133: {  	v47 =	vperm.xlane v7, v5  }
0x134: {  	vm6 =	veq.s32 v8, v45  }
0x135: {  	vm6 =	vmand vm6, vm3;
	v48 =	vmax.f32 v7, v47  }
0x136: {  	v7 =	vsel vm6, v48, v7  }
0x137: {  	v7 =	vmax.f32 v46, v7  }
0x138: {  	[tilespmem:v8+s6+$0x0] =	vst.idx.msk vm5, v7  }
0x139: {  	v7 =	vld [tilespmem:s14+$0x70]  }
0x13a: {  	v8 =	vld [tilespmem:s14+$0x2070];
	_ =	sdelay $0x3  }
0x13b: {  	v49 =	vmul.f32 $1.442695020e+00, v7  }
0x13c: {  	v50 =	vperm.xlane v8, v0  }
0x13d: {  	v52 =	vld [tilespmem:s14+$0x1070];
	v51 =	vperm.xlane v7, v0;
	(erf) = vpow2.f32 v49  }
0x13e: {  	vm5 =	veq.s32 v8, v50  }
0x13f: {  	v53 =	vmax.f32 v7, v51;
	vm5 =	vmand vm5, vm0  }
0x140: {  	v54 =	vperm.xlane v8, v1;
	v10 =	vsel vm5, v53, v7  }
0x141: {  	v55 =	vperm.xlane v10, v1  }
0x142: {  	vm5 =	veq.s32 v8, v54;
	v7 =	vmul.f32 v52, v7  }
0x143: {  	vm5 =	vmand vm5, vm1;
	v56 =	vmax.f32 v10, v55  }
0x144: {  	v57 =	vperm.xlane v8, v3;
	v58 =	vsel vm5, v56, v10  }
0x145: {  	v59 =	vperm.xlane v8, v6;
	v11 =	vperm.xlane v58, v3  }
0x146: {  	[tilespmem:s14+$0x4070] =	vst v7;
	vm5 =	veq.s32 v8, v57;
	v7 =	vpop (erf)  }
0x147: {  	vm6 =	vne.s32 v8, v59;
	vm5 =	vmand vm5, vm2;
	[tilespmem:s14+$0x3070] =	vst v7;
	v7 =	vmax.f32 v58, v11  }
0x148: {  	v60 =	vperm.xlane v8, v5;
	v7 =	vsel vm5, v7, v58;
	v61 =	vld.idx.msk [tilespmem:v8+s6+$0x0], $0xffff;
	vm5 =	vmor vm6, vm4  }
0x149: {  	v62 =	vperm.xlane v7, v5  }
0x14a: {  	vm6 =	veq.s32 v8, v60  }
0x14b: {  	vm6 =	vmand vm6, vm3;
	v63 =	vmax.f32 v7, v62  }
0x14c: {  	v7 =	vsel vm6, v63, v7  }
0x14d: {  	v7 =	vmax.f32 v61, v7  }
0x14e: {  	s13 =	simm.s32 $0x2000;
	s26 =	simm.s32 $0x3000;
	[tilespmem:v8+s6+$0x0] =	vst.idx.msk vm5, v7  }
0x14f: {  	[spmem:s4] =	stream.indirect.scatter.add.f32 [tilespmem:s26], [sflag:$0x1], $0x1, s13, s3, $0xb8;
	[tilespmem:$0x14028] =	vst v63  }
0x150: {  	_ =	swait.ge [sflag:s29], $0x80  }
0x151: {  	[sflag:s29] =	ssyncset.done $0x0  }
0x152: {  	s14 =	simm.s32 $0x4000;
	[sflag:s29] =	ssyncadd.s32 $0xFFFFFF80  }
0x153: {  	[spmem:s5] =	stream.indirect.scatter.add.f32 [tilespmem:s14], [sflag:$0x1], $0x1, s13, s3, $0xb8;
	[tilespmem:$0x14028] =	vst v63  }
0x154: {  	_ =	swait.ge [sflag:s29], $0x80  }
0x155: {  	[sflag:s29] =	ssyncset.done $0x0  }
0x156: {  	s26 =	simm.s32 $0x1000;
	[sflag:s29] =	ssyncadd.s32 $0xFFFFFF80  }
0x157: {  	[spmem:s7] =	stream.indirect.scatter.add.f32 [tilespmem:s26], [sflag:$0x1], $0x1, s13, s3, $0xb8;
	[tilespmem:$0x14028] =	vst v63  }
0x158: {  	s26 =	simm.s32 $0x200;
	_ =	swait.ge [sflag:s29], $0x80  }
.LBB2_12:
0x159: {  	p3 =	sne.s32 s26, $0x3E00  }
0x15a: {  	[sflag:s29] =	ssyncset.done $0x0;
	s12 =	smov.u32 s26;
	s26 =	sadd.s32 $0x200, s26  }
0x15b: {  	s12 =	sshra.s32 s12, $0x2;
	[sflag:s29] =	ssyncadd.s32 $0xFFFFFF80  }
0x15c: {  	v7 =	vld [tilespmem:s12+$0x0];
	_ =	sdelay $0x1  }
0x15d: {  	v8 =	vld [tilespmem:s12+$0x2000];
	_ =	sdelay $0x2  }
0x15e: {  	v9 =	vmul.f32 $1.442695020e+00, v7;
	v10 =	vperm.xlane v7, v0;
	_ =	sdelay $0x1  }
0x15f: {  	v11 =	vperm.xlane v8, v0;
	v10 =	vmax.f32 v7, v10;
	(erf) = vpow2.f32 v9  }
0x160: {  	v9 =	vperm.xlane v8, v1;
	v12 =	vperm.xlane v8, v3  }
0x161: {  	v13 =	vperm.xlane v8, v6;
	vm5 =	veq.s32 v8, v11;
	v11 =	vperm.xlane v8, v5  }
0x162: {  	vm6 =	veq.s32 v8, v9;
	vm7 =	veq.s32 v8, v12;
	v14 =	vld [tilespmem:s12+$0x1000];
	vm5 =	vmand vm5, vm0  }
0x163: {  	vm8 =	vne.s32 v8, v13;
	v9 =	vsel vm5, v10, v7;
	vm5 =	veq.s32 v8, v11  }
0x164: {  	v10 =	vperm.xlane v9, v1;
	_ =	sdelay $0x1  }
0x165: {  	vm6 =	vmand vm6, vm1;
	v10 =	vmax.f32 v9, v10  }
0x166: {  	v7 =	vmul.f32 v14, v7;
	v9 =	vsel vm6, v10, v9  }
0x167: {  	v10 =	vperm.xlane v9, v3;
	v11 =	vpop (erf)  }
0x168: {  	[tilespmem:s12+$0x3000] =	vst v11  }
0x169: {  	vm6 =	vmand vm7, vm2;
	[tilespmem:s12+$0x4000] =	vst v7;
	v7 =	vmax.f32 v9, v10  }
0x16a: {  	v7 =	vsel vm6, v7, v9;
	vm6 =	vmor vm8, vm4;
	v9 =	vld.idx.msk [tilespmem:v8+s6+$0x0], $0xffff  }
0x16b: {  	v10 =	vperm.xlane v7, v5;
	_ =	sdelay $0x1  }
0x16c: {  	vm5 =	vmand vm5, vm3;
	v10 =	vmax.f32 v7, v10  }
0x16d: {  	v7 =	vsel vm5, v10, v7;
	_ =	sdelay $0x1  }
0x16e: {  	v7 =	vmax.f32 v9, v7  }
0x16f: {  	[tilespmem:v8+s6+$0x0] =	vst.idx.msk vm6, v7  }
0x170: {  	v7 =	vld [tilespmem:s12+$0x10]  }
0x171: {  	v8 =	vld [tilespmem:s12+$0x2010];
	_ =	sdelay $0x3  }
0x172: {  	v9 =	vmul.f32 $1.442695020e+00, v7;
	v10 =	vperm.xlane v7, v0  }
0x173: {  	v11 =	vperm.xlane v8, v0;
	v12 =	vperm.xlane v8, v1  }
0x174: {  	v13 =	vperm.xlane v8, v3;
	v10 =	vmax.f32 v7, v10;
	(erf) = vpow2.f32 v9  }
0x175: {  	v9 =	vperm.xlane v8, v6;
	vm5 =	veq.s32 v8, v11;
	vm6 =	veq.s32 v8, v12  }
0x176: {  	vm7 =	veq.s32 v8, v13;
	v12 =	vperm.xlane v8, v5;
	v11 =	vld [tilespmem:s12+$0x1010];
	vm5 =	vmand vm5, vm0  }
0x177: {  	v10 =	vsel vm5, v10, v7;
	vm5 =	vne.s32 v8, v9  }
0x178: {  	vm8 =	veq.s32 v8, v12;
	v9 =	vperm.xlane v10, v1;
	_ =	sdelay $0x1  }
0x179: {  	vm6 =	vmand vm6, vm1;
	v9 =	vmax.f32 v10, v9  }
0x17a: {  	v11 =	vmul.f32 v11, v7;
	v9 =	vsel vm6, v9, v10  }
0x17b: {  	v10 =	vperm.xlane v9, v3  }
0x17c: {  	[tilespmem:s12+$0x4010] =	vst v11;
	v7 =	vpop (erf)  }
0x17d: {  	vm6 =	vmand vm7, vm2;
	[tilespmem:s12+$0x3010] =	vst v7;
	v7 =	vmax.f32 v9, v10  }
0x17e: {  	vm5 =	vmor vm5, vm4;
	v7 =	vsel vm6, v7, v9;
	v9 =	vld.idx.msk [tilespmem:v8+s6+$0x0], $0xffff  }
0x17f: {  	v10 =	vperm.xlane v7, v5;
	_ =	sdelay $0x1  }
0x180: {  	vm6 =	vmand vm8, vm3;
	v10 =	vmax.f32 v7, v10  }
0x181: {  	v7 =	vsel vm6, v10, v7;
	_ =	sdelay $0x1  }
0x182: {  	v7 =	vmax.f32 v9, v7  }
0x183: {  	[tilespmem:v8+s6+$0x0] =	vst.idx.msk vm5, v7  }
0x184: {  	v7 =	vld [tilespmem:s12+$0x20]  }
0x185: {  	v8 =	vld [tilespmem:s12+$0x2020];
	_ =	sdelay $0x3  }
0x186: {  	v9 =	vmul.f32 $1.442695020e+00, v7;
	v10 =	vperm.xlane v7, v0  }
0x187: {  	v11 =	vperm.xlane v8, v0;
	v12 =	vperm.xlane v8, v1  }
0x188: {  	v13 =	vperm.xlane v8, v3;
	v10 =	vmax.f32 v7, v10;
	(erf) = vpow2.f32 v9  }
0x189: {  	v9 =	vperm.xlane v8, v6;
	vm5 =	veq.s32 v8, v11;
	vm6 =	veq.s32 v8, v12  }
0x18a: {  	vm7 =	veq.s32 v8, v13;
	v12 =	vperm.xlane v8, v5;
	v11 =	vld [tilespmem:s12+$0x1020];
	vm5 =	vmand vm5, vm0  }
0x18b: {  	v10 =	vsel vm5, v10, v7;
	vm5 =	vne.s32 v8, v9  }
0x18c: {  	vm8 =	veq.s32 v8, v12;
	v9 =	vperm.xlane v10, v1;
	_ =	sdelay $0x1  }
0x18d: {  	vm6 =	vmand vm6, vm1;
	v9 =	vmax.f32 v10, v9  }
0x18e: {  	v11 =	vmul.f32 v11, v7;
	v9 =	vsel vm6, v9, v10  }
0x18f: {  	v10 =	vperm.xlane v9, v3  }
0x190: {  	[tilespmem:s12+$0x4020] =	vst v11;
	v7 =	vpop (erf)  }
0x191: {  	vm6 =	vmand vm7, vm2;
	[tilespmem:s12+$0x3020] =	vst v7;
	v7 =	vmax.f32 v9, v10  }
0x192: {  	vm5 =	vmor vm5, vm4;
	v7 =	vsel vm6, v7, v9;
	v9 =	vld.idx.msk [tilespmem:v8+s6+$0x0], $0xffff  }
0x193: {  	v10 =	vperm.xlane v7, v5;
	_ =	sdelay $0x1  }
0x194: {  	vm6 =	vmand vm8, vm3;
	v10 =	vmax.f32 v7, v10  }
0x195: {  	v7 =	vsel vm6, v10, v7;
	_ =	sdelay $0x1  }
0x196: {  	v7 =	vmax.f32 v9, v7  }
0x197: {  	[tilespmem:v8+s6+$0x0] =	vst.idx.msk vm5, v7  }
0x198: {  	v7 =	vld [tilespmem:s12+$0x30]  }
0x199: {  	v8 =	vld [tilespmem:s12+$0x2030];
	_ =	sdelay $0x3  }
0x19a: {  	v9 =	vmul.f32 $1.442695020e+00, v7;
	v10 =	vperm.xlane v7, v0  }
0x19b: {  	v11 =	vperm.xlane v8, v0;
	v12 =	vperm.xlane v8, v1  }
0x19c: {  	v13 =	vperm.xlane v8, v3;
	v10 =	vmax.f32 v7, v10;
	(erf) = vpow2.f32 v9  }
0x19d: {  	v9 =	vperm.xlane v8, v6;
	vm5 =	veq.s32 v8, v11;
	vm6 =	veq.s32 v8, v12  }
0x19e: {  	vm7 =	veq.s32 v8, v13;
	v12 =	vperm.xlane v8, v5;
	v11 =	vld [tilespmem:s12+$0x1030];
	vm5 =	vmand vm5, vm0  }
0x19f: {  	v10 =	vsel vm5, v10, v7;
	vm5 =	vne.s32 v8, v9  }
0x1a0: {  	vm8 =	veq.s32 v8, v12;
	v9 =	vperm.xlane v10, v1;
	_ =	sdelay $0x1  }
0x1a1: {  	vm6 =	vmand vm6, vm1;
	v9 =	vmax.f32 v10, v9  }
0x1a2: {  	v11 =	vmul.f32 v11, v7;
	v9 =	vsel vm6, v9, v10  }
0x1a3: {  	v10 =	vperm.xlane v9, v3  }
0x1a4: {  	[tilespmem:s12+$0x4030] =	vst v11;
	v7 =	vpop (erf)  }
0x1a5: {  	vm6 =	vmand vm7, vm2;
	[tilespmem:s12+$0x3030] =	vst v7;
	v7 =	vmax.f32 v9, v10  }
0x1a6: {  	vm5 =	vmor vm5, vm4;
	v7 =	vsel vm6, v7, v9;
	v9 =	vld.idx.msk [tilespmem:v8+s6+$0x0], $0xffff  }
0x1a7: {  	v10 =	vperm.xlane v7, v5;
	_ =	sdelay $0x1  }
0x1a8: {  	vm6 =	vmand vm8, vm3;
	v10 =	vmax.f32 v7, v10  }
0x1a9: {  	v7 =	vsel vm6, v10, v7;
	_ =	sdelay $0x1  }
0x1aa: {  	v7 =	vmax.f32 v9, v7  }
0x1ab: {  	[tilespmem:v8+s6+$0x0] =	vst.idx.msk vm5, v7  }
0x1ac: {  	v7 =	vld [tilespmem:s12+$0x40]  }
0x1ad: {  	v8 =	vld [tilespmem:s12+$0x2040];
	_ =	sdelay $0x3  }
0x1ae: {  	v9 =	vmul.f32 $1.442695020e+00, v7;
	v10 =	vperm.xlane v7, v0  }
0x1af: {  	v11 =	vperm.xlane v8, v0;
	v12 =	vperm.xlane v8, v1  }
0x1b0: {  	v13 =	vperm.xlane v8, v3;
	v10 =	vmax.f32 v7, v10;
	(erf) = vpow2.f32 v9  }
0x1b1: {  	v9 =	vperm.xlane v8, v6;
	vm5 =	veq.s32 v8, v11;
	vm6 =	veq.s32 v8, v12  }
0x1b2: {  	vm7 =	veq.s32 v8, v13;
	v12 =	vperm.xlane v8, v5;
	v11 =	vld [tilespmem:s12+$0x1040];
	vm5 =	vmand vm5, vm0  }
0x1b3: {  	v10 =	vsel vm5, v10, v7;
	vm5 =	vne.s32 v8, v9  }
0x1b4: {  	vm8 =	veq.s32 v8, v12;
	v9 =	vperm.xlane v10, v1;
	_ =	sdelay $0x1  }
0x1b5: {  	vm6 =	vmand vm6, vm1;
	v9 =	vmax.f32 v10, v9  }
0x1b6: {  	v11 =	vmul.f32 v11, v7;
	v9 =	vsel vm6, v9, v10  }
0x1b7: {  	v10 =	vperm.xlane v9, v3  }
0x1b8: {  	[tilespmem:s12+$0x4040] =	vst v11;
	v7 =	vpop (erf)  }
0x1b9: {  	vm6 =	vmand vm7, vm2;
	[tilespmem:s12+$0x3040] =	vst v7;
	v7 =	vmax.f32 v9, v10  }
0x1ba: {  	vm5 =	vmor vm5, vm4;
	v7 =	vsel vm6, v7, v9;
	v9 =	vld.idx.msk [tilespmem:v8+s6+$0x0], $0xffff  }
0x1bb: {  	v10 =	vperm.xlane v7, v5;
	_ =	sdelay $0x1  }
0x1bc: {  	vm6 =	vmand vm8, vm3;
	v10 =	vmax.f32 v7, v10  }
0x1bd: {  	v7 =	vsel vm6, v10, v7;
	_ =	sdelay $0x1  }
0x1be: {  	v7 =	vmax.f32 v9, v7  }
0x1bf: {  	[tilespmem:v8+s6+$0x0] =	vst.idx.msk vm5, v7  }
0x1c0: {  	v7 =	vld [tilespmem:s12+$0x50]  }
0x1c1: {  	v8 =	vld [tilespmem:s12+$0x2050]  }
0x1c2: {  	v9 =	vld [tilespmem:s12+$0x1050];
	_ =	sdelay $0x2  }
0x1c3: {  	v10 =	vmul.f32 $1.442695020e+00, v7;
	v11 =	vperm.xlane v7, v0  }
0x1c4: {  	v12 =	vperm.xlane v8, v0;
	v13 =	vperm.xlane v8, v1  }
0x1c5: {  	v14 =	vperm.xlane v8, v3;
	v11 =	vmax.f32 v7, v11;
	(erf) = vpow2.f32 v10  }
0x1c6: {  	v10 =	vperm.xlane v8, v6;
	vm5 =	veq.s32 v8, v12;
	vm6 =	veq.s32 v8, v13  }
0x1c7: {  	v9 =	vmul.f32 v9, v7;
	vm7 =	veq.s32 v8, v14;
	vm5 =	vmand vm5, vm0  }
0x1c8: {  	v7 =	vsel vm5, v11, v7;
	v11 =	vperm.xlane v8, v5;
	vm5 =	vne.s32 v8, v10  }
0x1c9: {  	[tilespmem:s12+$0x4050] =	vst v9;
	v9 =	vperm.xlane v7, v1  }
0x1ca: {  	vm8 =	veq.s32 v8, v11  }
0x1cb: {  	vm6 =	vmand vm6, vm1;
	v9 =	vmax.f32 v7, v9  }
0x1cc: {  	v7 =	vsel vm6, v9, v7  }
0x1cd: {  	v9 =	vperm.xlane v7, v3  }
0x1ce: {  	v10 =	vpop (erf)  }
0x1cf: {  	vm6 =	vmand vm7, vm2;
	[tilespmem:s12+$0x3050] =	vst v10;
	v9 =	vmax.f32 v7, v9  }
0x1d0: {  	vm5 =	vmor vm5, vm4;
	v7 =	vsel vm6, v9, v7;
	v9 =	vld.idx.msk [tilespmem:v8+s6+$0x0], $0xffff  }
0x1d1: {  	v10 =	vperm.xlane v7, v5;
	_ =	sdelay $0x1  }
0x1d2: {  	vm6 =	vmand vm8, vm3;
	v10 =	vmax.f32 v7, v10  }
0x1d3: {  	v7 =	vsel vm6, v10, v7;
	_ =	sdelay $0x1  }
0x1d4: {  	v7 =	vmax.f32 v9, v7  }
0x1d5: {  	[tilespmem:v8+s6+$0x0] =	vst.idx.msk vm5, v7  }
0x1d6: {  	v7 =	vld [tilespmem:s12+$0x60]  }
0x1d7: {  	v8 =	vld [tilespmem:s12+$0x2060]  }
0x1d8: {  	v9 =	vld [tilespmem:s12+$0x1060];
	_ =	sdelay $0x2  }
0x1d9: {  	v10 =	vmul.f32 $1.442695020e+00, v7;
	v11 =	vperm.xlane v7, v0  }
0x1da: {  	v12 =	vperm.xlane v8, v0;
	v13 =	vperm.xlane v8, v1  }
0x1db: {  	v14 =	vperm.xlane v8, v3;
	v11 =	vmax.f32 v7, v11;
	(erf) = vpow2.f32 v10  }
0x1dc: {  	v10 =	vperm.xlane v8, v6;
	vm5 =	veq.s32 v8, v12;
	vm6 =	veq.s32 v8, v13  }
0x1dd: {  	v9 =	vmul.f32 v9, v7;
	vm7 =	veq.s32 v8, v14;
	vm5 =	vmand vm5, vm0  }
0x1de: {  	v7 =	vsel vm5, v11, v7;
	v11 =	vperm.xlane v8, v5;
	vm5 =	vne.s32 v8, v10  }
0x1df: {  	[tilespmem:s12+$0x4060] =	vst v9;
	v9 =	vperm.xlane v7, v1  }
0x1e0: {  	vm8 =	veq.s32 v8, v11  }
0x1e1: {  	vm6 =	vmand vm6, vm1;
	v9 =	vmax.f32 v7, v9  }
0x1e2: {  	v7 =	vsel vm6, v9, v7  }
0x1e3: {  	v9 =	vperm.xlane v7, v3  }
0x1e4: {  	v10 =	vpop (erf)  }
0x1e5: {  	vm6 =	vmand vm7, vm2;
	[tilespmem:s12+$0x3060] =	vst v10;
	v9 =	vmax.f32 v7, v9  }
0x1e6: {  	vm5 =	vmor vm5, vm4;
	v7 =	vsel vm6, v9, v7;
	v9 =	vld.idx.msk [tilespmem:v8+s6+$0x0], $0xffff  }
0x1e7: {  	v10 =	vperm.xlane v7, v5;
	_ =	sdelay $0x1  }
0x1e8: {  	vm6 =	vmand vm8, vm3;
	v10 =	vmax.f32 v7, v10  }
0x1e9: {  	v7 =	vsel vm6, v10, v7;
	_ =	sdelay $0x1  }
0x1ea: {  	v7 =	vmax.f32 v9, v7  }
0x1eb: {  	[tilespmem:v8+s6+$0x0] =	vst.idx.msk vm5, v7  }
0x1ec: {  	v7 =	vld [tilespmem:s12+$0x70]  }
0x1ed: {  	v8 =	vld [tilespmem:s12+$0x2070]  }
0x1ee: {  	v9 =	vld [tilespmem:s12+$0x1070];
	_ =	sdelay $0x2  }
0x1ef: {  	v10 =	vmul.f32 $1.442695020e+00, v7;
	v11 =	vperm.xlane v7, v0  }
0x1f0: {  	v12 =	vperm.xlane v8, v0;
	v13 =	vperm.xlane v8, v1  }
0x1f1: {  	v14 =	vperm.xlane v8, v3;
	v11 =	vmax.f32 v7, v11;
	(erf) = vpow2.f32 v10  }
0x1f2: {  	v9 =	vmul.f32 v9, v7;
	vm5 =	veq.s32 v8, v12;
	vm6 =	veq.s32 v8, v13  }
0x1f3: {  	v10 =	vperm.xlane v8, v6;
	vm7 =	veq.s32 v8, v14;
	vm5 =	vmand vm5, vm0  }
0x1f4: {  	[tilespmem:s12+$0x4070] =	vst v9;
	v7 =	vsel vm5, v11, v7;
	v9 =	vperm.xlane v8, v5  }
0x1f5: {  	vm5 =	vne.s32 v8, v10;
	v11 =	vperm.xlane v7, v1  }
0x1f6: {  	vm8 =	veq.s32 v8, v9  }
0x1f7: {  	vm6 =	vmand vm6, vm1;
	v9 =	vmax.f32 v7, v11  }
0x1f8: {  	v7 =	vsel vm6, v9, v7  }
0x1f9: {  	v9 =	vperm.xlane v7, v3  }
0x1fa: {  	v10 =	vpop (erf)  }
0x1fb: {  	vm6 =	vmand vm7, vm2;
	[tilespmem:s12+$0x3070] =	vst v10;
	v9 =	vmax.f32 v7, v9  }
0x1fc: {  	v7 =	vsel vm6, v9, v7;
	v9 =	vld.idx.msk [tilespmem:v8+s6+$0x0], $0xffff  }
0x1fd: {  	vm5 =	vmor vm5, vm4;
	v10 =	vperm.xlane v7, v5;
	_ =	sdelay $0x1  }
0x1fe: {  	vm6 =	vmand vm8, vm3;
	v10 =	vmax.f32 v7, v10  }
0x1ff: {  	v7 =	vsel vm6, v10, v7;
	_ =	sdelay $0x1  }
0x200: {  	v7 =	vmax.f32 v9, v7  }
0x201: {  	s13 =	sadd.s32 $0x3000, s12;
	s14 =	sadd.s32 $0x2000, s12;
	[tilespmem:v8+s6+$0x0] =	vst.idx.msk vm5, v7  }
0x202: {  	[spmem:s4] =	stream.indirect.scatter.add.f32 [tilespmem:s13], [sflag:$0x1], $0x1, s14, s3, $0xb8;
	[tilespmem:$0x14028] =	vst v63  }
0x203: {  	_ =	swait.ge [sflag:s29], $0x80  }
0x204: {  	[sflag:s29] =	ssyncset.done $0x0  }
0x205: {  	s13 =	sadd.s32 $0x4000, s12;
	[sflag:s29] =	ssyncadd.s32 $0xFFFFFF80  }
0x206: {  	[spmem:s5] =	stream.indirect.scatter.add.f32 [tilespmem:s13], [sflag:$0x1], $0x1, s14, s3, $0xb8;
	[tilespmem:$0x14028] =	vst v63  }
.Ltmp9:
0x207: {  	_ =	swait.ge [sflag:s29], $0x80;
	(pc) =	sbr.rel @p3 .LBB2_12-.Ltmp9, $4  }
0x208: {  	[sflag:s29] =	ssyncset.done $0x0  }
0x209: {  	s12 =	sadd.s32 $0x1000, s12;
	[sflag:s29] =	ssyncadd.s32 $0xFFFFFF80  }
0x20a: {  	[spmem:s7] =	stream.indirect.scatter.add.f32 [tilespmem:s12], [sflag:$0x1], $0x1, s14, s3, $0xb8;
	[tilespmem:$0x14028] =	vst v63  }
0x20b: {  	_ =	swait.ge [sflag:s29], $0x80  }
.Ltmp10:
0x20c: {  	(pc) =	sbr.rel .LBB2_14-.Ltmp10, $3  }
0x20d: {  	_ =	sdelay $0x1  }
0x20e: {  	[sflag:s29] =	ssyncset.done $0x0  }
0x20f: {  	[sflag:s29] =	ssyncadd.s32 $0xFFFFFF80  }
.LBB2_15:
.Ltmp11:
0x210: {  	(pc) =	sbr.rel @p1 .LBB2_19-.Ltmp11, $1  }
0x211: {  	_ =	sdelay $0x3  }
0x212: {  	s11 =	simm.s32 $0x0;
	s12 =	rddreg [dreg:$0x8]  }
0x213: {  	[tilespmem:s11], [sflag:$0x1] =	stream.linear.gather [hbm4b:s12+s11], $0xA00, $0x38;
	[tilespmem:$0x14028] =	vst v63  }
0x214: {  	_ =	swait.ge [sflag:s29], $0xA00  }
0x215: {  	[sflag:s29] =	ssyncset.done $0x0  }
0x216: {  	s13 =	rddreg [dreg:$0x9];
	[sflag:s29] =	ssyncadd.s32 $0xFFFFF600  }
0x217: {  	[tilespmem:s30], [sflag:$0x1] =	stream.linear.gather [hbm4b:s13+s11], $0xA00, $0x38;
	[tilespmem:$0x14028] =	vst v63  }
0x218: {  	_ =	swait.ge [sflag:s29], $0xA00  }
0x219: {  	[sflag:s29] =	ssyncset.done $0x0  }
0x21a: {  	s14 =	rddreg [dreg:$0xd];
	[sflag:s29] =	ssyncadd.s32 $0xFFFFF600  }
0x21b: {  	[tilespmem:s31], [sflag:$0x1] =	stream.linear.gather [hbm4b:s14+s11], $0xA00, $0x38;
	[tilespmem:$0x14028] =	vst v63  }
0x21c: {  	_ =	swait.ge [sflag:s29], $0xA00  }
0x21d: {  	[sflag:s29] =	ssyncset.done $0x0  }
0x21e: {  	s26 =	simm.s32 $0x0;
	[sflag:s29] =	ssyncadd.s32 $0xFFFFF600  }
0x21f: {  	v7 =	vld [tilespmem:s26+$0x0]  }
0x220: {  	v8 =	vld [tilespmem:s26+$0x2000];
	_ =	sdelay $0x3  }
0x221: {  	v9 =	vmul.f32 $1.442695020e+00, v7  }
0x222: {  	v10 =	vperm.xlane v8, v0  }
0x223: {  	v56 =	vperm.xlane v7, v0;
	(erf) = vpow2.f32 v9  }
0x224: {  	vm5 =	veq.s32 v8, v10  }
0x225: {  	v11 =	vld [tilespmem:s26+$0x1000];
	v9 =	vmax.f32 v7, v56;
	vm5 =	vmand vm5, vm0  }
0x226: {  	v57 =	vperm.xlane v8, v1;
	v9 =	vsel vm5, v9, v7  }
0x227: {  	v12 =	vperm.xlane v9, v1  }
0x228: {  	vm5 =	veq.s32 v8, v57  }
0x229: {  	vm5 =	vmand vm5, vm1;
	v58 =	vmax.f32 v9, v12  }
0x22a: {  	v59 =	vperm.xlane v8, v3;
	v7 =	vmul.f32 v11, v7;
	v9 =	vsel vm5, v58, v9  }
0x22b: {  	v13 =	vperm.xlane v8, v6;
	v10 =	vperm.xlane v9, v3  }
0x22c: {  	[tilespmem:s26+$0x4000] =	vst v7;
	vm5 =	veq.s32 v8, v59;
	v60 =	vpop (erf)  }
0x22d: {  	vm6 =	vne.s32 v8, v13;
	vm5 =	vmand vm5, vm2;
	v7 =	vmax.f32 v9, v10;
	[tilespmem:s26+$0x3000] =	vst v60  }
0x22e: {  	v61 =	vperm.xlane v8, v5;
	v7 =	vsel vm5, v7, v9;
	vm5 =	vmor vm6, vm4;
	v62 =	vld.idx.msk [tilespmem:v8+s6+$0x0], $0xffff  }
0x22f: {  	v63 =	vperm.xlane v7, v5  }
0x230: {  	vm6 =	veq.s32 v8, v61  }
0x231: {  	vm6 =	vmand vm6, vm3;
	v12 =	vmax.f32 v7, v63  }
0x232: {  	v7 =	vsel vm6, v12, v7  }
0x233: {  	v7 =	vmax.f32 v62, v7  }
0x234: {  	[tilespmem:v8+s6+$0x0] =	vst.idx.msk vm5, v7  }
0x235: {  	v7 =	vld [tilespmem:s26+$0x10]  }
0x236: {  	v8 =	vld [tilespmem:s26+$0x2010];
	_ =	sdelay $0x3  }
0x237: {  	v13 =	vmul.f32 $1.442695020e+00, v7  }
0x238: {  	v14 =	vperm.xlane v8, v0  }
0x239: {  	v17 =	vld [tilespmem:s26+$0x1010];
	v15 =	vperm.xlane v7, v0;
	(erf) = vpow2.f32 v13  }
0x23a: {  	vm5 =	veq.s32 v8, v14  }
0x23b: {  	v16 =	vmax.f32 v7, v15;
	vm5 =	vmand vm5, vm0  }
0x23c: {  	v18 =	vperm.xlane v8, v1;
	v9 =	vsel vm5, v16, v7  }
0x23d: {  	v19 =	vperm.xlane v9, v1  }
0x23e: {  	vm5 =	veq.s32 v8, v18;
	v7 =	vmul.f32 v17, v7  }
0x23f: {  	vm5 =	vmand vm5, vm1;
	v20 =	vmax.f32 v9, v19  }
0x240: {  	v21 =	vperm.xlane v8, v3;
	v9 =	vsel vm5, v20, v9  }
0x241: {  	v22 =	vperm.xlane v8, v6;
	v11 =	vperm.xlane v9, v3  }
0x242: {  	[tilespmem:s26+$0x4010] =	vst v7;
	vm5 =	veq.s32 v8, v21;
	v7 =	vpop (erf)  }
0x243: {  	vm6 =	vne.s32 v8, v22;
	vm5 =	vmand vm5, vm2;
	[tilespmem:s26+$0x3010] =	vst v7;
	v7 =	vmax.f32 v9, v11  }
0x244: {  	v23 =	vperm.xlane v8, v5;
	v7 =	vsel vm5, v7, v9;
	vm5 =	vmor vm6, vm4;
	v24 =	vld.idx.msk [tilespmem:v8+s6+$0x0], $0xffff  }
0x245: {  	v25 =	vperm.xlane v7, v5  }
0x246: {  	vm6 =	veq.s32 v8, v23  }
0x247: {  	vm6 =	vmand vm6, vm3;
	v26 =	vmax.f32 v7, v25  }
0x248: {  	v7 =	vsel vm6, v26, v7  }
0x249: {  	v7 =	vmax.f32 v24, v7  }
0x24a: {  	[tilespmem:v8+s6+$0x0] =	vst.idx.msk vm5, v7  }
0x24b: {  	v7 =	vld [tilespmem:s26+$0x20]  }
0x24c: {  	v8 =	vld [tilespmem:s26+$0x2020];
	_ =	sdelay $0x3  }
0x24d: {  	v27 =	vmul.f32 $1.442695020e+00, v7  }
0x24e: {  	v28 =	vperm.xlane v8, v0  }
0x24f: {  	v31 =	vld [tilespmem:s26+$0x1020];
	v29 =	vperm.xlane v7, v0;
	(erf) = vpow2.f32 v27  }
0x250: {  	vm5 =	veq.s32 v8, v28  }
0x251: {  	v30 =	vmax.f32 v7, v29;
	vm5 =	vmand vm5, vm0  }
0x252: {  	v32 =	vperm.xlane v8, v1;
	v9 =	vsel vm5, v30, v7  }
0x253: {  	v33 =	vperm.xlane v9, v1  }
0x254: {  	vm5 =	veq.s32 v8, v32;
	v7 =	vmul.f32 v31, v7  }
0x255: {  	vm5 =	vmand vm5, vm1;
	v34 =	vmax.f32 v9, v33  }
0x256: {  	v35 =	vperm.xlane v8, v3;
	v9 =	vsel vm5, v34, v9  }
0x257: {  	v36 =	vperm.xlane v8, v6;
	v11 =	vperm.xlane v9, v3  }
0x258: {  	[tilespmem:s26+$0x4020] =	vst v7;
	vm5 =	veq.s32 v8, v35;
	v7 =	vpop (erf)  }
0x259: {  	vm6 =	vne.s32 v8, v36;
	vm5 =	vmand vm5, vm2;
	[tilespmem:s26+$0x3020] =	vst v7;
	v7 =	vmax.f32 v9, v11  }
0x25a: {  	v37 =	vperm.xlane v8, v5;
	v7 =	vsel vm5, v7, v9;
	vm5 =	vmor vm6, vm4;
	v38 =	vld.idx.msk [tilespmem:v8+s6+$0x0], $0xffff  }
0x25b: {  	v39 =	vperm.xlane v7, v5  }
0x25c: {  	vm6 =	veq.s32 v8, v37  }
0x25d: {  	vm6 =	vmand vm6, vm3;
	v40 =	vmax.f32 v7, v39  }
0x25e: {  	v7 =	vsel vm6, v40, v7  }
0x25f: {  	v7 =	vmax.f32 v38, v7  }
0x260: {  	[tilespmem:v8+s6+$0x0] =	vst.idx.msk vm5, v7  }
0x261: {  	v7 =	vld [tilespmem:s26+$0x30]  }
0x262: {  	v8 =	vld [tilespmem:s26+$0x2030];
	_ =	sdelay $0x3  }
0x263: {  	v41 =	vmul.f32 $1.442695020e+00, v7  }
0x264: {  	v42 =	vperm.xlane v8, v0  }
0x265: {  	v45 =	vld [tilespmem:s26+$0x1030];
	v43 =	vperm.xlane v7, v0;
	(erf) = vpow2.f32 v41  }
0x266: {  	vm5 =	veq.s32 v8, v42  }
0x267: {  	v44 =	vmax.f32 v7, v43;
	vm5 =	vmand vm5, vm0  }
0x268: {  	v46 =	vperm.xlane v8, v1;
	v9 =	vsel vm5, v44, v7  }
0x269: {  	v47 =	vperm.xlane v9, v1  }
0x26a: {  	vm5 =	veq.s32 v8, v46;
	v7 =	vmul.f32 v45, v7  }
0x26b: {  	vm5 =	vmand vm5, vm1;
	v48 =	vmax.f32 v9, v47  }
0x26c: {  	v49 =	vperm.xlane v8, v3;
	v9 =	vsel vm5, v48, v9  }
0x26d: {  	v50 =	vperm.xlane v8, v6;
	v11 =	vperm.xlane v9, v3  }
0x26e: {  	[tilespmem:s26+$0x4030] =	vst v7;
	vm5 =	veq.s32 v8, v49;
	v7 =	vpop (erf)  }
0x26f: {  	vm6 =	vne.s32 v8, v50;
	vm5 =	vmand vm5, vm2;
	[tilespmem:s26+$0x3030] =	vst v7;
	v7 =	vmax.f32 v9, v11  }
0x270: {  	v51 =	vperm.xlane v8, v5;
	v7 =	vsel vm5, v7, v9;
	vm5 =	vmor vm6, vm4;
	v52 =	vld.idx.msk [tilespmem:v8+s6+$0x0], $0xffff  }
0x271: {  	v53 =	vperm.xlane v7, v5  }
0x272: {  	vm6 =	veq.s32 v8, v51  }
0x273: {  	vm6 =	vmand vm6, vm3;
	v54 =	vmax.f32 v7, v53  }
0x274: {  	v7 =	vsel vm6, v54, v7  }
0x275: {  	v7 =	vmax.f32 v52, v7  }
0x276: {  	[tilespmem:v8+s6+$0x0] =	vst.idx.msk vm5, v7  }
0x277: {  	v7 =	vld [tilespmem:s26+$0x40]  }
0x278: {  	v8 =	vld [tilespmem:s26+$0x2040];
	_ =	sdelay $0x3  }
0x279: {  	v55 =	vmul.f32 $1.442695020e+00, v7  }
0x27a: {  	v56 =	vperm.xlane v8, v0  }
0x27b: {  	v59 =	vld [tilespmem:s26+$0x1040];
	v57 =	vperm.xlane v7, v0;
	(erf) = vpow2.f32 v55  }
0x27c: {  	vm5 =	veq.s32 v8, v56  }
0x27d: {  	v58 =	vmax.f32 v7, v57;
	vm5 =	vmand vm5, vm0  }
0x27e: {  	v60 =	vperm.xlane v8, v1;
	v9 =	vsel vm5, v58, v7  }
0x27f: {  	v61 =	vperm.xlane v9, v1  }
0x280: {  	vm5 =	veq.s32 v8, v60;
	v7 =	vmul.f32 v59, v7  }
0x281: {  	vm5 =	vmand vm5, vm1;
	v62 =	vmax.f32 v9, v61  }
0x282: {  	v63 =	vperm.xlane v8, v3;
	v9 =	vsel vm5, v62, v9  }
0x283: {  	v14 =	vperm.xlane v8, v6;
	v11 =	vperm.xlane v9, v3  }
0x284: {  	[tilespmem:s26+$0x4040] =	vst v7;
	vm5 =	veq.s32 v8, v63;
	v7 =	vpop (erf)  }
0x285: {  	vm6 =	vne.s32 v8, v14;
	vm5 =	vmand vm5, vm2;
	[tilespmem:s26+$0x3040] =	vst v7;
	v7 =	vmax.f32 v9, v11  }
0x286: {  	v15 =	vperm.xlane v8, v5;
	v7 =	vsel vm5, v7, v9;
	vm5 =	vmor vm6, vm4;
	v16 =	vld.idx.msk [tilespmem:v8+s6+$0x0], $0xffff  }
0x287: {  	v17 =	vperm.xlane v7, v5  }
0x288: {  	vm6 =	veq.s32 v8, v15  }
0x289: {  	vm6 =	vmand vm6, vm3;
	v18 =	vmax.f32 v7, v17  }
0x28a: {  	v7 =	vsel vm6, v18, v7  }
0x28b: {  	v7 =	vmax.f32 v16, v7  }
0x28c: {  	[tilespmem:v8+s6+$0x0] =	vst.idx.msk vm5, v7  }
0x28d: {  	v7 =	vld [tilespmem:s26+$0x50]  }
0x28e: {  	v8 =	vld [tilespmem:s26+$0x2050];
	_ =	sdelay $0x3  }
0x28f: {  	v19 =	vmul.f32 $1.442695020e+00, v7  }
0x290: {  	v20 =	vperm.xlane v8, v0  }
0x291: {  	v22 =	vld [tilespmem:s26+$0x1050];
	v21 =	vperm.xlane v7, v0;
	(erf) = vpow2.f32 v19  }
0x292: {  	vm5 =	veq.s32 v8, v20  }
0x293: {  	v23 =	vmax.f32 v7, v21;
	vm5 =	vmand vm5, vm0  }
0x294: {  	v24 =	vperm.xlane v8, v1;
	v10 =	vsel vm5, v23, v7  }
0x295: {  	v25 =	vperm.xlane v10, v1  }
0x296: {  	vm5 =	veq.s32 v8, v24;
	v7 =	vmul.f32 v22, v7  }
0x297: {  	vm5 =	vmand vm5, vm1;
	v26 =	vmax.f32 v10, v25  }
0x298: {  	v27 =	vperm.xlane v8, v3;
	v28 =	vsel vm5, v26, v10  }
0x299: {  	v29 =	vperm.xlane v8, v6;
	v11 =	vperm.xlane v28, v3  }
0x29a: {  	[tilespmem:s26+$0x4050] =	vst v7;
	vm5 =	veq.s32 v8, v27;
	v7 =	vpop (erf)  }
0x29b: {  	vm6 =	vne.s32 v8, v29;
	vm5 =	vmand vm5, vm2;
	[tilespmem:s26+$0x3050] =	vst v7;
	v7 =	vmax.f32 v28, v11  }
0x29c: {  	v30 =	vperm.xlane v8, v5;
	v7 =	vsel vm5, v7, v28;
	vm5 =	vmor vm6, vm4;
	v31 =	vld.idx.msk [tilespmem:v8+s6+$0x0], $0xffff  }
0x29d: {  	v32 =	vperm.xlane v7, v5  }
0x29e: {  	vm6 =	veq.s32 v8, v30  }
0x29f: {  	vm6 =	vmand vm6, vm3;
	v33 =	vmax.f32 v7, v32  }
0x2a0: {  	v7 =	vsel vm6, v33, v7  }
0x2a1: {  	v7 =	vmax.f32 v31, v7  }
0x2a2: {  	[tilespmem:v8+s6+$0x0] =	vst.idx.msk vm5, v7  }
0x2a3: {  	v7 =	vld [tilespmem:s26+$0x60]  }
0x2a4: {  	v8 =	vld [tilespmem:s26+$0x2060];
	_ =	sdelay $0x3  }
0x2a5: {  	v34 =	vmul.f32 $1.442695020e+00, v7  }
0x2a6: {  	v35 =	vperm.xlane v8, v0  }
0x2a7: {  	v37 =	vld [tilespmem:s26+$0x1060];
	v36 =	vperm.xlane v7, v0;
	(erf) = vpow2.f32 v34  }
0x2a8: {  	vm5 =	veq.s32 v8, v35  }
0x2a9: {  	v38 =	vmax.f32 v7, v36;
	vm5 =	vmand vm5, vm0  }
0x2aa: {  	v39 =	vperm.xlane v8, v1;
	v10 =	vsel vm5, v38, v7  }
0x2ab: {  	v40 =	vperm.xlane v10, v1  }
0x2ac: {  	vm5 =	veq.s32 v8, v39;
	v7 =	vmul.f32 v37, v7  }
0x2ad: {  	vm5 =	vmand vm5, vm1;
	v41 =	vmax.f32 v10, v40  }
0x2ae: {  	v42 =	vperm.xlane v8, v3;
	v43 =	vsel vm5, v41, v10  }
0x2af: {  	v44 =	vperm.xlane v8, v6;
	v11 =	vperm.xlane v43, v3  }
0x2b0: {  	[tilespmem:s26+$0x4060] =	vst v7;
	vm5 =	veq.s32 v8, v42;
	v7 =	vpop (erf)  }
0x2b1: {  	vm6 =	vne.s32 v8, v44;
	vm5 =	vmand vm5, vm2;
	[tilespmem:s26+$0x3060] =	vst v7;
	v7 =	vmax.f32 v43, v11  }
0x2b2: {  	v45 =	vperm.xlane v8, v5;
	v7 =	vsel vm5, v7, v43;
	vm5 =	vmor vm6, vm4;
	v46 =	vld.idx.msk [tilespmem:v8+s6+$0x0], $0xffff  }
0x2b3: {  	v47 =	vperm.xlane v7, v5  }
0x2b4: {  	vm6 =	veq.s32 v8, v45  }
0x2b5: {  	vm6 =	vmand vm6, vm3;
	v48 =	vmax.f32 v7, v47  }
0x2b6: {  	v7 =	vsel vm6, v48, v7  }
0x2b7: {  	v7 =	vmax.f32 v46, v7  }
0x2b8: {  	[tilespmem:v8+s6+$0x0] =	vst.idx.msk vm5, v7  }
0x2b9: {  	v7 =	vld [tilespmem:s26+$0x70]  }
0x2ba: {  	v8 =	vld [tilespmem:s26+$0x2070];
	_ =	sdelay $0x3  }
0x2bb: {  	v49 =	vmul.f32 $1.442695020e+00, v7  }
0x2bc: {  	v50 =	vperm.xlane v8, v0  }
0x2bd: {  	v52 =	vld [tilespmem:s26+$0x1070];
	v51 =	vperm.xlane v7, v0;
	(erf) = vpow2.f32 v49  }
0x2be: {  	vm5 =	veq.s32 v8, v50  }
0x2bf: {  	v53 =	vmax.f32 v7, v51;
	vm5 =	vmand vm5, vm0  }
0x2c0: {  	v54 =	vperm.xlane v8, v1;
	v10 =	vsel vm5, v53, v7  }
0x2c1: {  	v55 =	vperm.xlane v10, v1  }
0x2c2: {  	vm5 =	veq.s32 v8, v54;
	v7 =	vmul.f32 v52, v7  }
0x2c3: {  	vm5 =	vmand vm5, vm1;
	v56 =	vmax.f32 v10, v55  }
0x2c4: {  	v57 =	vperm.xlane v8, v3;
	v58 =	vsel vm5, v56, v10  }
0x2c5: {  	v59 =	vperm.xlane v8, v6;
	v11 =	vperm.xlane v58, v3  }
0x2c6: {  	[tilespmem:s26+$0x4070] =	vst v7;
	vm5 =	veq.s32 v8, v57;
	v7 =	vpop (erf)  }
0x2c7: {  	vm6 =	vne.s32 v8, v59;
	vm5 =	vmand vm5, vm2;
	[tilespmem:s26+$0x3070] =	vst v7;
	v7 =	vmax.f32 v58, v11  }
0x2c8: {  	v60 =	vperm.xlane v8, v5;
	v7 =	vsel vm5, v7, v58;
	v61 =	vld.idx.msk [tilespmem:v8+s6+$0x0], $0xffff;
	vm5 =	vmor vm6, vm4  }
0x2c9: {  	v62 =	vperm.xlane v7, v5  }
0x2ca: {  	vm6 =	veq.s32 v8, v60  }
0x2cb: {  	vm6 =	vmand vm6, vm3;
	v63 =	vmax.f32 v7, v62  }
0x2cc: {  	v7 =	vsel vm6, v63, v7  }
0x2cd: {  	v7 =	vmax.f32 v61, v7  }
0x2ce: {  	s12 =	simm.s32 $0x3000;
	s13 =	simm.s32 $0x2000;
	[tilespmem:v8+s6+$0x0] =	vst.idx.msk vm5, v7  }
0x2cf: {  	[spmem:s4] =	stream.indirect.scatter.add.f32 [tilespmem:s12], [sflag:$0x1], $0x1, s13, s3, $0xb8;
	[tilespmem:$0x14028] =	vst v63  }
0x2d0: {  	_ =	swait.ge [sflag:s29], $0x80  }
0x2d1: {  	[sflag:s29] =	ssyncset.done $0x0  }
0x2d2: {  	s14 =	simm.s32 $0x4000;
	[sflag:s29] =	ssyncadd.s32 $0xFFFFFF80  }
0x2d3: {  	[spmem:s5] =	stream.indirect.scatter.add.f32 [tilespmem:s14], [sflag:$0x1], $0x1, s13, s3, $0xb8;
	[tilespmem:$0x14028] =	vst v63  }
0x2d4: {  	_ =	swait.ge [sflag:s29], $0x80  }
0x2d5: {  	[sflag:s29] =	ssyncset.done $0x0  }
0x2d6: {  	s26 =	simm.s32 $0x1000;
	[sflag:s29] =	ssyncadd.s32 $0xFFFFFF80  }
0x2d7: {  	[spmem:s7] =	stream.indirect.scatter.add.f32 [tilespmem:s26], [sflag:$0x1], $0x1, s13, s3, $0xb8;
	[tilespmem:$0x14028] =	vst v63  }
0x2d8: {  	s11 =	simm.s32 $0x200;
	_ =	swait.ge [sflag:s29], $0x80  }
.LBB2_17:
0x2d9: {  	p3 =	sne.s32 s11, $0x2600  }
0x2da: {  	[sflag:s29] =	ssyncset.done $0x0;
	s12 =	smov.u32 s11;
	s11 =	sadd.s32 $0x200, s11  }
0x2db: {  	s12 =	sshra.s32 s12, $0x2;
	[sflag:s29] =	ssyncadd.s32 $0xFFFFFF80  }
0x2dc: {  	v7 =	vld [tilespmem:s12+$0x0];
	_ =	sdelay $0x1  }
0x2dd: {  	v8 =	vld [tilespmem:s12+$0x2000];
	_ =	sdelay $0x2  }
0x2de: {  	v9 =	vmul.f32 $1.442695020e+00, v7;
	v10 =	vperm.xlane v7, v0;
	_ =	sdelay $0x1  }
0x2df: {  	v11 =	vperm.xlane v8, v0;
	v10 =	vmax.f32 v7, v10;
	(erf) = vpow2.f32 v9  }
0x2e0: {  	v9 =	vperm.xlane v8, v1;
	v12 =	vperm.xlane v8, v3  }
0x2e1: {  	v13 =	vperm.xlane v8, v6;
	vm5 =	veq.s32 v8, v11;
	v11 =	vperm.xlane v8, v5  }
0x2e2: {  	vm6 =	veq.s32 v8, v9;
	vm7 =	veq.s32 v8, v12;
	v14 =	vld [tilespmem:s12+$0x1000];
	vm5 =	vmand vm5, vm0  }
0x2e3: {  	vm8 =	vne.s32 v8, v13;
	v9 =	vsel vm5, v10, v7;
	vm5 =	veq.s32 v8, v11  }
0x2e4: {  	v10 =	vperm.xlane v9, v1;
	_ =	sdelay $0x1  }
0x2e5: {  	vm6 =	vmand vm6, vm1;
	v10 =	vmax.f32 v9, v10  }
0x2e6: {  	v7 =	vmul.f32 v14, v7;
	v9 =	vsel vm6, v10, v9  }
0x2e7: {  	v10 =	vperm.xlane v9, v3;
	v11 =	vpop (erf)  }
0x2e8: {  	[tilespmem:s12+$0x3000] =	vst v11  }
0x2e9: {  	vm6 =	vmand vm7, vm2;
	[tilespmem:s12+$0x4000] =	vst v7;
	v7 =	vmax.f32 v9, v10  }
0x2ea: {  	v7 =	vsel vm6, v7, v9;
	vm6 =	vmor vm8, vm4;
	v9 =	vld.idx.msk [tilespmem:v8+s6+$0x0], $0xffff  }
0x2eb: {  	v10 =	vperm.xlane v7, v5;
	_ =	sdelay $0x1  }
0x2ec: {  	vm5 =	vmand vm5, vm3;
	v10 =	vmax.f32 v7, v10  }
0x2ed: {  	v7 =	vsel vm5, v10, v7;
	_ =	sdelay $0x1  }
0x2ee: {  	v7 =	vmax.f32 v9, v7  }
0x2ef: {  	[tilespmem:v8+s6+$0x0] =	vst.idx.msk vm6, v7  }
0x2f0: {  	v7 =	vld [tilespmem:s12+$0x10]  }
0x2f1: {  	v8 =	vld [tilespmem:s12+$0x2010];
	_ =	sdelay $0x3  }
0x2f2: {  	v9 =	vmul.f32 $1.442695020e+00, v7;
	v10 =	vperm.xlane v7, v0  }
0x2f3: {  	v11 =	vperm.xlane v8, v0;
	v12 =	vperm.xlane v8, v1  }
0x2f4: {  	v13 =	vperm.xlane v8, v3;
	v10 =	vmax.f32 v7, v10;
	(erf) = vpow2.f32 v9  }
0x2f5: {  	v9 =	vperm.xlane v8, v6;
	vm5 =	veq.s32 v8, v11;
	vm6 =	veq.s32 v8, v12  }
0x2f6: {  	vm7 =	veq.s32 v8, v13;
	v12 =	vperm.xlane v8, v5;
	v11 =	vld [tilespmem:s12+$0x1010];
	vm5 =	vmand vm5, vm0  }
0x2f7: {  	v10 =	vsel vm5, v10, v7;
	vm5 =	vne.s32 v8, v9  }
0x2f8: {  	vm8 =	veq.s32 v8, v12;
	v9 =	vperm.xlane v10, v1;
	_ =	sdelay $0x1  }
0x2f9: {  	vm6 =	vmand vm6, vm1;
	v9 =	vmax.f32 v10, v9  }
0x2fa: {  	v11 =	vmul.f32 v11, v7;
	v9 =	vsel vm6, v9, v10  }
0x2fb: {  	v10 =	vperm.xlane v9, v3  }
0x2fc: {  	[tilespmem:s12+$0x4010] =	vst v11;
	v7 =	vpop (erf)  }
0x2fd: {  	vm6 =	vmand vm7, vm2;
	[tilespmem:s12+$0x3010] =	vst v7;
	v7 =	vmax.f32 v9, v10  }
0x2fe: {  	vm5 =	vmor vm5, vm4;
	v7 =	vsel vm6, v7, v9;
	v9 =	vld.idx.msk [tilespmem:v8+s6+$0x0], $0xffff  }
0x2ff: {  	v10 =	vperm.xlane v7, v5;
	_ =	sdelay $0x1  }
0x300: {  	vm6 =	vmand vm8, vm3;
	v10 =	vmax.f32 v7, v10  }
0x301: {  	v7 =	vsel vm6, v10, v7;
	_ =	sdelay $0x1  }
0x302: {  	v7 =	vmax.f32 v9, v7  }
0x303: {  	[tilespmem:v8+s6+$0x0] =	vst.idx.msk vm5, v7  }
0x304: {  	v7 =	vld [tilespmem:s12+$0x20]  }
0x305: {  	v8 =	vld [tilespmem:s12+$0x2020];
	_ =	sdelay $0x3  }
0x306: {  	v9 =	vmul.f32 $1.442695020e+00, v7;
	v10 =	vperm.xlane v7, v0  }
0x307: {  	v11 =	vperm.xlane v8, v0;
	v12 =	vperm.xlane v8, v1  }
0x308: {  	v13 =	vperm.xlane v8, v3;
	v10 =	vmax.f32 v7, v10;
	(erf) = vpow2.f32 v9  }
0x309: {  	v9 =	vperm.xlane v8, v6;
	vm5 =	veq.s32 v8, v11;
	vm6 =	veq.s32 v8, v12  }
0x30a: {  	vm7 =	veq.s32 v8, v13;
	v12 =	vperm.xlane v8, v5;
	v11 =	vld [tilespmem:s12+$0x1020];
	vm5 =	vmand vm5, vm0  }
0x30b: {  	v10 =	vsel vm5, v10, v7;
	vm5 =	vne.s32 v8, v9  }
0x30c: {  	vm8 =	veq.s32 v8, v12;
	v9 =	vperm.xlane v10, v1;
	_ =	sdelay $0x1  }
0x30d: {  	vm6 =	vmand vm6, vm1;
	v9 =	vmax.f32 v10, v9  }
0x30e: {  	v11 =	vmul.f32 v11, v7;
	v9 =	vsel vm6, v9, v10  }
0x30f: {  	v10 =	vperm.xlane v9, v3  }
0x310: {  	[tilespmem:s12+$0x4020] =	vst v11;
	v7 =	vpop (erf)  }
0x311: {  	vm6 =	vmand vm7, vm2;
	[tilespmem:s12+$0x3020] =	vst v7;
	v7 =	vmax.f32 v9, v10  }
0x312: {  	vm5 =	vmor vm5, vm4;
	v7 =	vsel vm6, v7, v9;
	v9 =	vld.idx.msk [tilespmem:v8+s6+$0x0], $0xffff  }
0x313: {  	v10 =	vperm.xlane v7, v5;
	_ =	sdelay $0x1  }
0x314: {  	vm6 =	vmand vm8, vm3;
	v10 =	vmax.f32 v7, v10  }
0x315: {  	v7 =	vsel vm6, v10, v7;
	_ =	sdelay $0x1  }
0x316: {  	v7 =	vmax.f32 v9, v7  }
0x317: {  	[tilespmem:v8+s6+$0x0] =	vst.idx.msk vm5, v7  }
0x318: {  	v7 =	vld [tilespmem:s12+$0x30]  }
0x319: {  	v8 =	vld [tilespmem:s12+$0x2030];
	_ =	sdelay $0x3  }
0x31a: {  	v9 =	vmul.f32 $1.442695020e+00, v7;
	v10 =	vperm.xlane v7, v0  }
0x31b: {  	v11 =	vperm.xlane v8, v0;
	v12 =	vperm.xlane v8, v1  }
0x31c: {  	v13 =	vperm.xlane v8, v3;
	v10 =	vmax.f32 v7, v10;
	(erf) = vpow2.f32 v9  }
0x31d: {  	v9 =	vperm.xlane v8, v6;
	vm5 =	veq.s32 v8, v11;
	vm6 =	veq.s32 v8, v12  }
0x31e: {  	vm7 =	veq.s32 v8, v13;
	v12 =	vperm.xlane v8, v5;
	v11 =	vld [tilespmem:s12+$0x1030];
	vm5 =	vmand vm5, vm0  }
0x31f: {  	v10 =	vsel vm5, v10, v7;
	vm5 =	vne.s32 v8, v9  }
0x320: {  	vm8 =	veq.s32 v8, v12;
	v9 =	vperm.xlane v10, v1;
	_ =	sdelay $0x1  }
0x321: {  	vm6 =	vmand vm6, vm1;
	v9 =	vmax.f32 v10, v9  }
0x322: {  	v11 =	vmul.f32 v11, v7;
	v9 =	vsel vm6, v9, v10  }
0x323: {  	v10 =	vperm.xlane v9, v3  }
0x324: {  	[tilespmem:s12+$0x4030] =	vst v11;
	v7 =	vpop (erf)  }
0x325: {  	vm6 =	vmand vm7, vm2;
	[tilespmem:s12+$0x3030] =	vst v7;
	v7 =	vmax.f32 v9, v10  }
0x326: {  	vm5 =	vmor vm5, vm4;
	v7 =	vsel vm6, v7, v9;
	v9 =	vld.idx.msk [tilespmem:v8+s6+$0x0], $0xffff  }
0x327: {  	v10 =	vperm.xlane v7, v5;
	_ =	sdelay $0x1  }
0x328: {  	vm6 =	vmand vm8, vm3;
	v10 =	vmax.f32 v7, v10  }
0x329: {  	v7 =	vsel vm6, v10, v7;
	_ =	sdelay $0x1  }
0x32a: {  	v7 =	vmax.f32 v9, v7  }
0x32b: {  	[tilespmem:v8+s6+$0x0] =	vst.idx.msk vm5, v7  }
0x32c: {  	v7 =	vld [tilespmem:s12+$0x40]  }
0x32d: {  	v8 =	vld [tilespmem:s12+$0x2040];
	_ =	sdelay $0x3  }
0x32e: {  	v9 =	vmul.f32 $1.442695020e+00, v7;
	v10 =	vperm.xlane v7, v0  }
0x32f: {  	v11 =	vperm.xlane v8, v0;
	v12 =	vperm.xlane v8, v1  }
0x330: {  	v13 =	vperm.xlane v8, v3;
	v10 =	vmax.f32 v7, v10;
	(erf) = vpow2.f32 v9  }
0x331: {  	v9 =	vperm.xlane v8, v6;
	vm5 =	veq.s32 v8, v11;
	vm6 =	veq.s32 v8, v12  }
0x332: {  	vm7 =	veq.s32 v8, v13;
	v12 =	vperm.xlane v8, v5;
	v11 =	vld [tilespmem:s12+$0x1040];
	vm5 =	vmand vm5, vm0  }
0x333: {  	v10 =	vsel vm5, v10, v7;
	vm5 =	vne.s32 v8, v9  }
0x334: {  	vm8 =	veq.s32 v8, v12;
	v9 =	vperm.xlane v10, v1;
	_ =	sdelay $0x1  }
0x335: {  	vm6 =	vmand vm6, vm1;
	v9 =	vmax.f32 v10, v9  }
0x336: {  	v11 =	vmul.f32 v11, v7;
	v9 =	vsel vm6, v9, v10  }
0x337: {  	v10 =	vperm.xlane v9, v3  }
0x338: {  	[tilespmem:s12+$0x4040] =	vst v11;
	v7 =	vpop (erf)  }
0x339: {  	vm6 =	vmand vm7, vm2;
	[tilespmem:s12+$0x3040] =	vst v7;
	v7 =	vmax.f32 v9, v10  }
0x33a: {  	vm5 =	vmor vm5, vm4;
	v7 =	vsel vm6, v7, v9;
	v9 =	vld.idx.msk [tilespmem:v8+s6+$0x0], $0xffff  }
0x33b: {  	v10 =	vperm.xlane v7, v5;
	_ =	sdelay $0x1  }
0x33c: {  	vm6 =	vmand vm8, vm3;
	v10 =	vmax.f32 v7, v10  }
0x33d: {  	v7 =	vsel vm6, v10, v7;
	_ =	sdelay $0x1  }
0x33e: {  	v7 =	vmax.f32 v9, v7  }
0x33f: {  	[tilespmem:v8+s6+$0x0] =	vst.idx.msk vm5, v7  }
0x340: {  	v7 =	vld [tilespmem:s12+$0x50]  }
0x341: {  	v8 =	vld [tilespmem:s12+$0x2050]  }
0x342: {  	v9 =	vld [tilespmem:s12+$0x1050];
	_ =	sdelay $0x2  }
0x343: {  	v10 =	vmul.f32 $1.442695020e+00, v7;
	v11 =	vperm.xlane v7, v0  }
0x344: {  	v12 =	vperm.xlane v8, v0;
	v13 =	vperm.xlane v8, v1  }
0x345: {  	v14 =	vperm.xlane v8, v3;
	v11 =	vmax.f32 v7, v11;
	(erf) = vpow2.f32 v10  }
0x346: {  	v10 =	vperm.xlane v8, v6;
	vm5 =	veq.s32 v8, v12;
	vm6 =	veq.s32 v8, v13  }
0x347: {  	v9 =	vmul.f32 v9, v7;
	vm7 =	veq.s32 v8, v14;
	vm5 =	vmand vm5, vm0  }
0x348: {  	v7 =	vsel vm5, v11, v7;
	v11 =	vperm.xlane v8, v5;
	vm5 =	vne.s32 v8, v10  }
0x349: {  	[tilespmem:s12+$0x4050] =	vst v9;
	v9 =	vperm.xlane v7, v1  }
0x34a: {  	vm8 =	veq.s32 v8, v11  }
0x34b: {  	vm6 =	vmand vm6, vm1;
	v9 =	vmax.f32 v7, v9  }
0x34c: {  	v7 =	vsel vm6, v9, v7  }
0x34d: {  	v9 =	vperm.xlane v7, v3  }
0x34e: {  	v10 =	vpop (erf)  }
0x34f: {  	vm6 =	vmand vm7, vm2;
	[tilespmem:s12+$0x3050] =	vst v10;
	v9 =	vmax.f32 v7, v9  }
0x350: {  	vm5 =	vmor vm5, vm4;
	v7 =	vsel vm6, v9, v7;
	v9 =	vld.idx.msk [tilespmem:v8+s6+$0x0], $0xffff  }
0x351: {  	v10 =	vperm.xlane v7, v5;
	_ =	sdelay $0x1  }
0x352: {  	vm6 =	vmand vm8, vm3;
	v10 =	vmax.f32 v7, v10  }
0x353: {  	v7 =	vsel vm6, v10, v7;
	_ =	sdelay $0x1  }
0x354: {  	v7 =	vmax.f32 v9, v7  }
0x355: {  	[tilespmem:v8+s6+$0x0] =	vst.idx.msk vm5, v7  }
0x356: {  	v7 =	vld [tilespmem:s12+$0x60]  }
0x357: {  	v8 =	vld [tilespmem:s12+$0x2060]  }
0x358: {  	v9 =	vld [tilespmem:s12+$0x1060];
	_ =	sdelay $0x2  }
0x359: {  	v10 =	vmul.f32 $1.442695020e+00, v7;
	v11 =	vperm.xlane v7, v0  }
0x35a: {  	v12 =	vperm.xlane v8, v0;
	v13 =	vperm.xlane v8, v1  }
0x35b: {  	v14 =	vperm.xlane v8, v3;
	v11 =	vmax.f32 v7, v11;
	(erf) = vpow2.f32 v10  }
0x35c: {  	v10 =	vperm.xlane v8, v6;
	vm5 =	veq.s32 v8, v12;
	vm6 =	veq.s32 v8, v13  }
0x35d: {  	v9 =	vmul.f32 v9, v7;
	vm7 =	veq.s32 v8, v14;
	vm5 =	vmand vm5, vm0  }
0x35e: {  	v7 =	vsel vm5, v11, v7;
	v11 =	vperm.xlane v8, v5;
	vm5 =	vne.s32 v8, v10  }
0x35f: {  	[tilespmem:s12+$0x4060] =	vst v9;
	v9 =	vperm.xlane v7, v1  }
0x360: {  	vm8 =	veq.s32 v8, v11  }
0x361: {  	vm6 =	vmand vm6, vm1;
	v9 =	vmax.f32 v7, v9  }
0x362: {  	v7 =	vsel vm6, v9, v7  }
0x363: {  	v9 =	vperm.xlane v7, v3  }
0x364: {  	v10 =	vpop (erf)  }
0x365: {  	vm6 =	vmand vm7, vm2;
	[tilespmem:s12+$0x3060] =	vst v10;
	v9 =	vmax.f32 v7, v9  }
0x366: {  	vm5 =	vmor vm5, vm4;
	v7 =	vsel vm6, v9, v7;
	v9 =	vld.idx.msk [tilespmem:v8+s6+$0x0], $0xffff  }
0x367: {  	v10 =	vperm.xlane v7, v5;
	_ =	sdelay $0x1  }
0x368: {  	vm6 =	vmand vm8, vm3;
	v10 =	vmax.f32 v7, v10  }
0x369: {  	v7 =	vsel vm6, v10, v7;
	_ =	sdelay $0x1  }
0x36a: {  	v7 =	vmax.f32 v9, v7  }
0x36b: {  	[tilespmem:v8+s6+$0x0] =	vst.idx.msk vm5, v7  }
0x36c: {  	v7 =	vld [tilespmem:s12+$0x70]  }
0x36d: {  	v8 =	vld [tilespmem:s12+$0x2070]  }
0x36e: {  	v9 =	vld [tilespmem:s12+$0x1070];
	_ =	sdelay $0x2  }
0x36f: {  	v10 =	vmul.f32 $1.442695020e+00, v7;
	v11 =	vperm.xlane v7, v0  }
0x370: {  	v12 =	vperm.xlane v8, v0;
	v13 =	vperm.xlane v8, v1  }
0x371: {  	v14 =	vperm.xlane v8, v3;
	v11 =	vmax.f32 v7, v11;
	(erf) = vpow2.f32 v10  }
0x372: {  	v9 =	vmul.f32 v9, v7;
	vm5 =	veq.s32 v8, v12;
	vm6 =	veq.s32 v8, v13  }
0x373: {  	v10 =	vperm.xlane v8, v6;
	vm7 =	veq.s32 v8, v14;
	vm5 =	vmand vm5, vm0  }
0x374: {  	[tilespmem:s12+$0x4070] =	vst v9;
	v7 =	vsel vm5, v11, v7;
	v9 =	vperm.xlane v8, v5  }
0x375: {  	vm5 =	vne.s32 v8, v10;
	v11 =	vperm.xlane v7, v1  }
0x376: {  	vm8 =	veq.s32 v8, v9  }
0x377: {  	vm6 =	vmand vm6, vm1;
	v9 =	vmax.f32 v7, v11  }
0x378: {  	v7 =	vsel vm6, v9, v7  }
0x379: {  	v9 =	vperm.xlane v7, v3  }
0x37a: {  	v10 =	vpop (erf)  }
0x37b: {  	vm6 =	vmand vm7, vm2;
	[tilespmem:s12+$0x3070] =	vst v10;
	v9 =	vmax.f32 v7, v9  }
0x37c: {  	v7 =	vsel vm6, v9, v7;
	v9 =	vld.idx.msk [tilespmem:v8+s6+$0x0], $0xffff  }
0x37d: {  	vm5 =	vmor vm5, vm4;
	v10 =	vperm.xlane v7, v5;
	_ =	sdelay $0x1  }
0x37e: {  	vm6 =	vmand vm8, vm3;
	v10 =	vmax.f32 v7, v10  }
0x37f: {  	v7 =	vsel vm6, v10, v7;
	_ =	sdelay $0x1  }
0x380: {  	v7 =	vmax.f32 v9, v7  }
0x381: {  	s13 =	sadd.s32 $0x3000, s12;
	s14 =	sadd.s32 $0x2000, s12;
	[tilespmem:v8+s6+$0x0] =	vst.idx.msk vm5, v7  }
0x382: {  	[spmem:s4] =	stream.indirect.scatter.add.f32 [tilespmem:s13], [sflag:$0x1], $0x1, s14, s3, $0xb8;
	[tilespmem:$0x14028] =	vst v63  }
0x383: {  	_ =	swait.ge [sflag:s29], $0x80  }
0x384: {  	[sflag:s29] =	ssyncset.done $0x0  }
0x385: {  	s13 =	sadd.s32 $0x4000, s12;
	[sflag:s29] =	ssyncadd.s32 $0xFFFFFF80  }
0x386: {  	[spmem:s5] =	stream.indirect.scatter.add.f32 [tilespmem:s13], [sflag:$0x1], $0x1, s14, s3, $0xb8;
	[tilespmem:$0x14028] =	vst v63  }
.Ltmp12:
0x387: {  	_ =	swait.ge [sflag:s29], $0x80;
	(pc) =	sbr.rel @p3 .LBB2_17-.Ltmp12, $4  }
0x388: {  	[sflag:s29] =	ssyncset.done $0x0  }
0x389: {  	s12 =	sadd.s32 $0x1000, s12;
	[sflag:s29] =	ssyncadd.s32 $0xFFFFFF80  }
0x38a: {  	[spmem:s7] =	stream.indirect.scatter.add.f32 [tilespmem:s12], [sflag:$0x1], $0x1, s14, s3, $0xb8;
	[tilespmem:$0x14028] =	vst v63  }
0x38b: {  	_ =	swait.ge [sflag:s29], $0x80  }
.Ltmp13:
0x38c: {  	(pc) =	sbr.rel .LBB2_19-.Ltmp13, $3  }
0x38d: {  	_ =	sdelay $0x1  }
0x38e: {  	[sflag:s29] =	ssyncset.done $0x0  }
0x38f: {  	[sflag:s29] =	ssyncadd.s32 $0xFFFFFF80  }
.LBB2_20:
0x390: {  	_ =	sfence.sel $0x180000  }
0x391: {  	[bflag:$0x0] =	sbarrier.arrive $0xFFFF  }
0x392: {  	_ =	strace $0x90000047  }
0x393: {  	s0 =	stileid.u32;
	[bflag:$0x2] =	sbarrier.arrive $0xFFFF  }
0x394: {  	p0 =	sne.s32 s0, $0x0;
	s0 =	rddreg [dreg:$0x7]  }
0x395: {  	s0 =	sadd.s32 @!p0 $0x100000, s0  }
0x396: {  	[sflag:s0] =	ssyncadd.tile.s32 @!p0 $0x1;
	_ =	shalt  }
.Lfunc_end2:
_tile_overlayer_lowered:
.L_overlay_start_2:
0x397: {  	(tag) =	ssettag $0x2  }
0x398: {  	s0 =	rddreg [dreg:$0x0];
	s2 =	stileid.u32  }
0x399: {  	s1 =	rddreg [dreg:$0x1];
	p0 =	sne.s32 s2, $0x0  }
0x39a: {  	s3 =	rddreg [dreg:$0x2];
	[bflag:$0x3] =	sbarrier.arrive $0xFFFF;
	s2 =	simm.s32 @!p0 $0x1C01  }
0x39b: {  	[timem:s3], [sflag:s2] =	dma.local @!p0 [hbm:s0], s1  }
0x39c: {  	s0 =	simm.s32 @!p0 $0x1  }
0x39d: {  	_ =	swait.ge @!p0 [sflag:s0], s1  }
0x39e: {  	s1 =	ssub.s32 @!p0 $0x0, s1;
	[sflag:s0] =	ssyncset.done @!p0 $0x0  }
0x39f: {  	[sflag:s0] =	ssyncadd.s32 @!p0 s1  }
0x3a0: {  	[bflag:$0x3] =	sbarrier.arrive $0xFFFF  }
0x3a1: {  	_ =	shalt  }

</sc_bundles>
